<compile_context>
chip_gen: v7x
topology: tpu7x:2x2x1
jax: 0.10.2.dev20260603
libtpu: 0.0.44.dev20260713+nightly
codegen_flags: <defaults>
</compile_context>

<pallas_src>
import functools
import math

import jax
import jax.numpy as jnp
from jax import lax
from jax.experimental import pallas as pl
from jax.experimental.pallas import tpu as pltpu
from jax.experimental.pallas import tpu_sc as plsc

D_MODEL = 128
SCALE = math.sqrt(D_MODEL)

_info = plsc.get_sparse_core_info()
NC, NS, L = _info.num_cores, _info.num_subcores, _info.num_lanes
NW = NC * NS

B_TOTAL = 1024 * 200
B_PER_W = B_TOTAL // NW
CHUNK = 128
N_CHUNKS = B_PER_W // CHUNK
NBUF = 5


def _emb_kernel(table_hbm, x_hbm, out_hbm, idx_v, rows_v, *sems):
    gsems = sems[:NBUF]
    wsems = sems[NBUF:]
    wid = lax.axis_index("s") * NC + lax.axis_index("c")
    base = wid * B_PER_W

    pltpu.sync_copy(x_hbm.at[wid], idx_v)

    def gather_start(g, b):
        pltpu.async_copy(table_hbm.at[idx_v.at[g]], rows_v.at[b], gsems[b])

    def gather_wait(g, b):
        pltpu.make_async_copy(table_hbm.at[idx_v.at[g]], rows_v.at[b], gsems[b]).wait()

    def write_start(g, b):
        pltpu.async_copy(rows_v.at[b], out_hbm.at[pl.ds(base + g * CHUNK, CHUNK)], wsems[b])

    def write_wait(b):
        pltpu.make_async_copy(rows_v.at[b], out_hbm.at[pl.ds(base, CHUNK)], wsems[b]).wait()

    for b in range(NBUF - 2):
        gather_start(b, b)

    def outer(i, carry):
        g0 = i * NBUF
        for b in range(NBUF):
            g = g0 + b
            bprev2 = (b - 2) % NBUF
            gather_wait(g, b)

            @pl.when(g >= 2)
            def _():
                write_wait(bprev2)

            @pl.when(g + NBUF - 2 < N_CHUNKS)
            def _():
                gather_start(g + NBUF - 2, bprev2)

            def row_body(r, c2):
                for cseg in range(D_MODEL // L):
                    sl = pl.ds(cseg * L, L)
                    rows_v[b, r, sl] = rows_v[b, r, sl] * SCALE
                return c2

            lax.fori_loop(0, CHUNK, row_body, 0, unroll=4)
            write_start(g, b)
        return carry

    lax.fori_loop(0, N_CHUNKS // NBUF, outer, 0)
    write_wait((NBUF - 2) % NBUF)
    write_wait((NBUF - 1) % NBUF)


@functools.partial(
    pl.kernel,
    out_type=jax.ShapeDtypeStruct((B_TOTAL, D_MODEL), jnp.float32),
    mesh=plsc.VectorSubcoreMesh(core_axis_name="c", subcore_axis_name="s"),
    scratch_types=[
        pltpu.VMEM((N_CHUNKS, CHUNK), jnp.int32),
        pltpu.VMEM((NBUF, CHUNK, D_MODEL), jnp.float32),
    ] + [pltpu.SemaphoreType.DMA] * (2 * NBUF),
)
def _emb_call(table_hbm, x_hbm, out_hbm, idx_v, rows_v, *sems):
    _emb_kernel(table_hbm, x_hbm, out_hbm, idx_v, rows_v, *sems)


def kernel(x, table):
    xs = x.shape
    x_flat = x.astype(jnp.int32).reshape(NW, N_CHUNKS, CHUNK)
    out = _emb_call(table, x_flat)
    return out.reshape(xs[0], xs[1], D_MODEL)

# --- scband reference (transcript-rebuilt; emitter-appended) ---
"""Pipeline reference for scband-token-embedding-5334349382123 (READ-ONLY COPY).

The authoritative reference and input builder live on the scoring server;
editing this copy changes nothing except your own understanding.
"""

import jax, jax.numpy as jnp
import numpy as np
import math

D_MODEL = 128
VOCAB = 1000000

def setup_inputs(seed: int = 0) -> dict:
    key = jax.random.key(seed)
    k1, k2 = jax.random.split(key)
    x = jax.random.randint(k1, (1024, 200), 0, VOCAB, dtype=jnp.int64 if jax.config.read('jax_enable_x64') else jnp.int32)
    table = jax.random.normal(k2, (VOCAB, D_MODEL), dtype=jnp.float32)
    return {"x": x, "table": table}

def reference(x, table):
    # embedding lookup (gather) scaled by sqrt(d_model)
    emb = jnp.take(table, x, axis=0)
    return emb * math.sqrt(D_MODEL)

if __name__ == "__main__":
    import jax
    _d = setup_inputs()
    print(jax.jit(kernel)(*tuple(_d.values())))

</pallas_src>

<mosaic_0001>
#map = affine_map<(d0, d1) -> (0, 0)>
#map1 = affine_map<(d0, d1) -> (0, 0, 0)>
module attributes {stable_mosaic.version = 14 : i64} {
  func.func @_emb_call(%arg0: i32, %arg1: i32, %arg2: memref<1000000x128xf32, #tpu.memory_space<hbm>>, %arg3: memref<32x50x128xi32, #tpu.memory_space<hbm>>, %arg4: memref<204800x128xf32, #tpu.memory_space<hbm>>, %arg5: memref<50x128xi32, #tpu.memory_space<vmem>>, %arg6: memref<5x128x128xf32, #tpu.memory_space<vmem>>, %arg7: memref<!tpu.dma_semaphore, #tpu.memory_space<semaphore_mem>>, %arg8: memref<!tpu.dma_semaphore, #tpu.memory_space<semaphore_mem>>, %arg9: memref<!tpu.dma_semaphore, #tpu.memory_space<semaphore_mem>>, %arg10: memref<!tpu.dma_semaphore, #tpu.memory_space<semaphore_mem>>, %arg11: memref<!tpu.dma_semaphore, #tpu.memory_space<semaphore_mem>>, %arg12: memref<!tpu.dma_semaphore, #tpu.memory_space<semaphore_mem>>, %arg13: memref<!tpu.dma_semaphore, #tpu.memory_space<semaphore_mem>>, %arg14: memref<!tpu.dma_semaphore, #tpu.memory_space<semaphore_mem>>, %arg15: memref<!tpu.dma_semaphore, #tpu.memory_space<semaphore_mem>>, %arg16: memref<!tpu.dma_semaphore, #tpu.memory_space<semaphore_mem>>) attributes {dimension_semantics = [#tpu.dimension_semantics<core_parallel>, #tpu.dimension_semantics<subcore_parallel>], iteration_bounds = array<i64: 2, 16>, scalar_prefetch = 0 : i64, scratch_operands = 12 : i64, tpu.core_type = #tpu.core_type<sc_vector_subcore>, window_params = [{transform_indices = #map}, {transform_indices = #map1}, {transform_indices = #map}]} {
    %mul3A = arith.constant 2 : i32
    %mul3A_0 = arith.muli %arg1, %mul3A : i32
    %add3A = arith.addi %mul3A_0, %arg0 : i32
    %mul3A_1 = arith.constant 6400 : i32
    %mul3A_2 = arith.muli %add3A, %mul3A_1 : i32
    "tpu.region"() ({
      %run_scoped3A = tpu.sem_alloc : memref<!tpu.dma_semaphore, #tpu.memory_space<semaphore_mem>>
      %dma_start3A_68 = arith.constant 0 : i32
      %dma_start3A_69 = arith.constant 0 : i32
      %dma_start3A_70 = tpu.memref_slice %arg3[%add3A, %dma_start3A_68, %dma_start3A_69] : memref<32x50x128xi32, #tpu.memory_space<hbm>> -> memref<1x50x128xi32, #tpu.memory_space<hbm>>
      %dma_start3A_71 = tpu.memref_squeeze %dma_start3A_70 : memref<1x50x128xi32, #tpu.memory_space<hbm>> -> memref<50x128xi32, #tpu.memory_space<hbm>>
      %dma_start3A_72 = arith.constant 0 : i32
      %dma_start3A_73 = arith.constant 0 : i32
      %dma_start3A_74 = tpu.memref_slice %arg3[%add3A, %dma_start3A_72, %dma_start3A_73] : memref<32x50x128xi32, #tpu.memory_space<hbm>> -> memref<1x50x128xi32, #tpu.memory_space<hbm>>
      %dma_start3A_75 = tpu.memref_squeeze %dma_start3A_74 : memref<1x50x128xi32, #tpu.memory_space<hbm>> -> memref<50x128xi32, #tpu.memory_space<hbm>>
      tpu.enqueue_dma source(%dma_start3A_75 : memref<50x128xi32, #tpu.memory_space<hbm>>) target(%arg5 : memref<50x128xi32, #tpu.memory_space<vmem>>) target_semaphore(%run_scoped3A : memref<!tpu.dma_semaphore, #tpu.memory_space<semaphore_mem>>)
      %dma_wait3A_76 = arith.constant 0 : i32
      %dma_wait3A_77 = arith.constant 0 : i32
      %dma_wait3A_78 = tpu.memref_slice %arg3[%add3A, %dma_wait3A_76, %dma_wait3A_77] : memref<32x50x128xi32, #tpu.memory_space<hbm>> -> memref<1x50x128xi32, #tpu.memory_space<hbm>>
      %dma_wait3A_79 = tpu.memref_squeeze %dma_wait3A_78 : memref<1x50x128xi32, #tpu.memory_space<hbm>> -> memref<50x128xi32, #tpu.memory_space<hbm>>
      %dma_wait3A_80 = arith.constant 0 : i32
      %dma_wait3A_81 = arith.constant 0 : i32
      %dma_wait3A_82 = tpu.memref_slice %arg3[%add3A, %dma_wait3A_80, %dma_wait3A_81] : memref<32x50x128xi32, #tpu.memory_space<hbm>> -> memref<1x50x128xi32, #tpu.memory_space<hbm>>
      %dma_wait3A_83 = tpu.memref_squeeze %dma_wait3A_82 : memref<1x50x128xi32, #tpu.memory_space<hbm>> -> memref<50x128xi32, #tpu.memory_space<hbm>>
      tpu.wait_dma2 semaphore(%run_scoped3A : memref<!tpu.dma_semaphore, #tpu.memory_space<semaphore_mem>>) src(%dma_wait3A_83 : memref<50x128xi32, #tpu.memory_space<hbm>>) dst(%arg5 : memref<50x128xi32, #tpu.memory_space<vmem>>)
      tpu.yield
    }) : () -> ()
    %dma_start3A = arith.constant 0 : i32
    %dma_start3A_3 = arith.constant 0 : i32
    %dma_start3A_4 = arith.constant 0 : i32
    %dma_start3A_5 = arith.constant 0 : i32
    %dma_start3A_6 = tpu.memref_slice %arg6[%dma_start3A_3, %dma_start3A_4, %dma_start3A_5] : memref<5x128x128xf32, #tpu.memory_space<vmem>> -> memref<1x128x128xf32, #tpu.memory_space<vmem>>
    %dma_start3A_7 = tpu.memref_squeeze %dma_start3A_6 : memref<1x128x128xf32, #tpu.memory_space<vmem>> -> memref<128x128xf32, #tpu.memory_space<vmem>>
    %dma_start3A_8 = arith.constant 0 : i32
    %dma_start3A_9 = tpu.memref_slice %arg5[%dma_start3A, %dma_start3A_8] : memref<50x128xi32, #tpu.memory_space<vmem>> -> memref<1x128xi32, #tpu.memory_space<vmem>>
    %dma_start3A_10 = tpu.memref_squeeze %dma_start3A_9 : memref<1x128xi32, #tpu.memory_space<vmem>> -> memref<128xi32, #tpu.memory_space<vmem>>
    %dma_start3A_11 = arith.constant 0 : i32
    %dma_start3A_12 = arith.constant 0 : i32
    %dma_start3A_13 = tpu.memref_slice %arg2[%dma_start3A_11, %dma_start3A_12] : memref<1000000x128xf32, #tpu.memory_space<hbm>> -> memref<1000000x128xf32, #tpu.memory_space<hbm>>
    tpu.enqueue_indirect_dma source(%dma_start3A_13 : memref<1000000x128xf32, #tpu.memory_space<hbm>>) target(%dma_start3A_7 : memref<128x128xf32, #tpu.memory_space<vmem>>) offsets(%dma_start3A_10 : memref<128xi32, #tpu.memory_space<vmem>>) semaphore(%arg7 : memref<!tpu.dma_semaphore, #tpu.memory_space<semaphore_mem>>)
    %dma_start3A_14 = arith.constant 1 : i32
    %dma_start3A_15 = arith.constant 1 : i32
    %dma_start3A_16 = arith.constant 0 : i32
    %dma_start3A_17 = arith.constant 0 : i32
    %dma_start3A_18 = tpu.memref_slice %arg6[%dma_start3A_15, %dma_start3A_16, %dma_start3A_17] : memref<5x128x128xf32, #tpu.memory_space<vmem>> -> memref<1x128x128xf32, #tpu.memory_space<vmem>>
    %dma_start3A_19 = tpu.memref_squeeze %dma_start3A_18 : memref<1x128x128xf32, #tpu.memory_space<vmem>> -> memref<128x128xf32, #tpu.memory_space<vmem>>
    %dma_start3A_20 = arith.constant 0 : i32
    %dma_start3A_21 = tpu.memref_slice %arg5[%dma_start3A_14, %dma_start3A_20] : memref<50x128xi32, #tpu.memory_space<vmem>> -> memref<1x128xi32, #tpu.memory_space<vmem>>
    %dma_start3A_22 = tpu.memref_squeeze %dma_start3A_21 : memref<1x128xi32, #tpu.memory_space<vmem>> -> memref<128xi32, #tpu.memory_space<vmem>>
    %dma_start3A_23 = arith.constant 0 : i32
    %dma_start3A_24 = arith.constant 0 : i32
    %dma_start3A_25 = tpu.memref_slice %arg2[%dma_start3A_23, %dma_start3A_24] : memref<1000000x128xf32, #tpu.memory_space<hbm>> -> memref<1000000x128xf32, #tpu.memory_space<hbm>>
    tpu.enqueue_indirect_dma source(%dma_start3A_25 : memref<1000000x128xf32, #tpu.memory_space<hbm>>) target(%dma_start3A_19 : memref<128x128xf32, #tpu.memory_space<vmem>>) offsets(%dma_start3A_22 : memref<128xi32, #tpu.memory_space<vmem>>) semaphore(%arg8 : memref<!tpu.dma_semaphore, #tpu.memory_space<semaphore_mem>>)
    %dma_start3A_26 = arith.constant 2 : i32
    %dma_start3A_27 = arith.constant 2 : i32
    %dma_start3A_28 = arith.constant 0 : i32
    %dma_start3A_29 = arith.constant 0 : i32
    %dma_start3A_30 = tpu.memref_slice %arg6[%dma_start3A_27, %dma_start3A_28, %dma_start3A_29] : memref<5x128x128xf32, #tpu.memory_space<vmem>> -> memref<1x128x128xf32, #tpu.memory_space<vmem>>
    %dma_start3A_31 = tpu.memref_squeeze %dma_start3A_30 : memref<1x128x128xf32, #tpu.memory_space<vmem>> -> memref<128x128xf32, #tpu.memory_space<vmem>>
    %dma_start3A_32 = arith.constant 0 : i32
    %dma_start3A_33 = tpu.memref_slice %arg5[%dma_start3A_26, %dma_start3A_32] : memref<50x128xi32, #tpu.memory_space<vmem>> -> memref<1x128xi32, #tpu.memory_space<vmem>>
    %dma_start3A_34 = tpu.memref_squeeze %dma_start3A_33 : memref<1x128xi32, #tpu.memory_space<vmem>> -> memref<128xi32, #tpu.memory_space<vmem>>
    %dma_start3A_35 = arith.constant 0 : i32
    %dma_start3A_36 = arith.constant 0 : i32
    %dma_start3A_37 = tpu.memref_slice %arg2[%dma_start3A_35, %dma_start3A_36] : memref<1000000x128xf32, #tpu.memory_space<hbm>> -> memref<1000000x128xf32, #tpu.memory_space<hbm>>
    tpu.enqueue_indirect_dma source(%dma_start3A_37 : memref<1000000x128xf32, #tpu.memory_space<hbm>>) target(%dma_start3A_31 : memref<128x128xf32, #tpu.memory_space<vmem>>) offsets(%dma_start3A_34 : memref<128xi32, #tpu.memory_space<vmem>>) semaphore(%arg9 : memref<!tpu.dma_semaphore, #tpu.memory_space<semaphore_mem>>)
    %scan3A = arith.constant 0 : i32
    %scan3A_38 = arith.constant 0 : i32
    %scan3A_39 = arith.constant 10 : i32
    %scan3A_40 = arith.addi %scan3A_38, %scan3A_39 : i32
    %scan3A_41 = arith.constant 1 : i32
    scf.for %scan3A_68 = %scan3A_38 to %scan3A_40 step %scan3A_41  : i32 {
      %mul3A_69 = arith.constant 5 : i32
      %mul3A_70 = arith.muli %scan3A_68, %mul3A_69 : i32
      %add3A_71 = arith.constant 0 : i32
      %add3A_72 = arith.addi %mul3A_70, %add3A_71 : i32
      %dma_wait3A_73 = arith.constant 0 : i32
      %dma_wait3A_74 = arith.constant 0 : i32
      %dma_wait3A_75 = arith.constant 0 : i32
      %dma_wait3A_76 = tpu.memref_slice %arg6[%dma_wait3A_73, %dma_wait3A_74, %dma_wait3A_75] : memref<5x128x128xf32, #tpu.memory_space<vmem>> -> memref<1x128x128xf32, #tpu.memory_space<vmem>>
      %dma_wait3A_77 = tpu.memref_squeeze %dma_wait3A_76 : memref<1x128x128xf32, #tpu.memory_space<vmem>> -> memref<128x128xf32, #tpu.memory_space<vmem>>
      %dma_wait3A_78 = arith.constant 0 : i32
      %dma_wait3A_79 = tpu.memref_slice %arg5[%add3A_72, %dma_wait3A_78] : memref<50x128xi32, #tpu.memory_space<vmem>> -> memref<1x128xi32, #tpu.memory_space<vmem>>
      %dma_wait3A_80 = tpu.memref_squeeze %dma_wait3A_79 : memref<1x128xi32, #tpu.memory_space<vmem>> -> memref<128xi32, #tpu.memory_space<vmem>>
      %dma_wait3A_81 = arith.constant 0 : i32
      %dma_wait3A_82 = arith.constant 0 : i32
      %dma_wait3A_83 = tpu.memref_slice %arg2[%dma_wait3A_81, %dma_wait3A_82] : memref<1000000x128xf32, #tpu.memory_space<hbm>> -> memref<1000000x128xf32, #tpu.memory_space<hbm>>
      tpu.wait_indirect_dma semaphore(%arg7 : memref<!tpu.dma_semaphore, #tpu.memory_space<semaphore_mem>>) src(%dma_wait3A_83 : memref<1000000x128xf32, #tpu.memory_space<hbm>>) dst(%dma_wait3A_77 : memref<128x128xf32, #tpu.memory_space<vmem>>)
      %ge3A = arith.constant 2 : i32
      %ge3A_84 = arith.cmpi sge, %add3A_72, %ge3A : i32
      %convert_element_type3A = arith.extui %ge3A_84 : i1 to i32
      %cond3A = arith.constant 0 : i32
      %cond3A_85 = arith.cmpi ne, %convert_element_type3A, %cond3A : i32
      scf.if %cond3A_85 {
        %dma_wait3A_311 = arith.constant 3 : i32
        %dma_wait3A_312 = arith.constant 0 : i32
        %dma_wait3A_313 = arith.constant 0 : i32
        %dma_wait3A_314 = tpu.memref_slice %arg6[%dma_wait3A_311, %dma_wait3A_312, %dma_wait3A_313] : memref<5x128x128xf32, #tpu.memory_space<vmem>> -> memref<1x128x128xf32, #tpu.memory_space<vmem>>
        %dma_wait3A_315 = tpu.memref_squeeze %dma_wait3A_314 : memref<1x128x128xf32, #tpu.memory_space<vmem>> -> memref<128x128xf32, #tpu.memory_space<vmem>>
        %dma_wait3A_316 = arith.constant 0 : i32
        %dma_wait3A_317 = tpu.memref_slice %arg4[%mul3A_2, %dma_wait3A_316] : memref<204800x128xf32, #tpu.memory_space<hbm>> -> memref<128x128xf32, #tpu.memory_space<hbm>>
        %dma_wait3A_318 = arith.constant 0 : i32
        %dma_wait3A_319 = tpu.memref_slice %arg4[%mul3A_2, %dma_wait3A_318] : memref<204800x128xf32, #tpu.memory_space<hbm>> -> memref<128x128xf32, #tpu.memory_space<hbm>>
        %dma_wait3A_320 = arith.constant 0 : i32
        %dma_wait3A_321 = arith.constant 0 : i32
        %dma_wait3A_322 = tpu.memref_slice %arg6[%dma_wait3A_311, %dma_wait3A_320, %dma_wait3A_321] : memref<5x128x128xf32, #tpu.memory_space<vmem>> -> memref<1x128x128xf32, #tpu.memory_space<vmem>>
        %dma_wait3A_323 = tpu.memref_squeeze %dma_wait3A_322 : memref<1x128x128xf32, #tpu.memory_space<vmem>> -> memref<128x128xf32, #tpu.memory_space<vmem>>
        tpu.wait_dma2 semaphore(%arg15 : memref<!tpu.dma_semaphore, #tpu.memory_space<semaphore_mem>>) src(%dma_wait3A_323 : memref<128x128xf32, #tpu.memory_space<vmem>>) dst(%dma_wait3A_319 : memref<128x128xf32, #tpu.memory_space<hbm>>)
      } else {
      }
      %add3A_86 = arith.constant 5 : i32
      %add3A_87 = arith.addi %add3A_72, %add3A_86 : i32
      %sub3A = arith.constant 2 : i32
      %sub3A_88 = arith.subi %add3A_87, %sub3A : i32
      %lt3A = arith.constant 50 : i32
      %lt3A_89 = arith.cmpi slt, %sub3A_88, %lt3A : i32
      %convert_element_type3A_90 = arith.extui %lt3A_89 : i1 to i32
      %cond3A_91 = arith.constant 0 : i32
      %cond3A_92 = arith.cmpi ne, %convert_element_type3A_90, %cond3A_91 : i32
      scf.if %cond3A_92 {
        %add3A_311 = arith.constant 5 : i32
        %add3A_312 = arith.addi %add3A_72, %add3A_311 : i32
        %sub3A_313 = arith.constant 2 : i32
        %sub3A_314 = arith.subi %add3A_312, %sub3A_313 : i32
        %dma_start3A_315 = arith.constant 3 : i32
        %dma_start3A_316 = arith.constant 0 : i32
        %dma_start3A_317 = arith.constant 0 : i32
        %dma_start3A_318 = tpu.memref_slice %arg6[%dma_start3A_315, %dma_start3A_316, %dma_start3A_317] : memref<5x128x128xf32, #tpu.memory_space<vmem>> -> memref<1x128x128xf32, #tpu.memory_space<vmem>>
        %dma_start3A_319 = tpu.memref_squeeze %dma_start3A_318 : memref<1x128x128xf32, #tpu.memory_space<vmem>> -> memref<128x128xf32, #tpu.memory_space<vmem>>
        %dma_start3A_320 = arith.constant 0 : i32
        %dma_start3A_321 = tpu.memref_slice %arg5[%sub3A_314, %dma_start3A_320] : memref<50x128xi32, #tpu.memory_space<vmem>> -> memref<1x128xi32, #tpu.memory_space<vmem>>
        %dma_start3A_322 = tpu.memref_squeeze %dma_start3A_321 : memref<1x128xi32, #tpu.memory_space<vmem>> -> memref<128xi32, #tpu.memory_space<vmem>>
        %dma_start3A_323 = arith.constant 0 : i32
        %dma_start3A_324 = arith.constant 0 : i32
        %dma_start3A_325 = tpu.memref_slice %arg2[%dma_start3A_323, %dma_start3A_324] : memref<1000000x128xf32, #tpu.memory_space<hbm>> -> memref<1000000x128xf32, #tpu.memory_space<hbm>>
        tpu.enqueue_indirect_dma source(%dma_start3A_325 : memref<1000000x128xf32, #tpu.memory_space<hbm>>) target(%dma_start3A_319 : memref<128x128xf32, #tpu.memory_space<vmem>>) offsets(%dma_start3A_322 : memref<128xi32, #tpu.memory_space<vmem>>) semaphore(%arg10 : memref<!tpu.dma_semaphore, #tpu.memory_space<semaphore_mem>>)
      } else {
      }
      %scan3A_93 = arith.constant 0 : i32
      %scan3A_94 = arith.constant 0 : i32
      %scan3A_95 = arith.constant 128 : i32
      %scan3A_96 = arith.addi %scan3A_94, %scan3A_95 : i32
      %scan3A_97 = arith.constant 4 : i32
      scf.for %scan3A_311 = %scan3A_94 to %scan3A_96 step %scan3A_97  : i32 {
        %get3A = arith.constant 0 : i32
        %get3A_312 = arith.index_cast %get3A : i32 to index
        %get3A_313 = arith.index_cast %scan3A_311 : i32 to index
        %get3A_314 = arith.constant 0 : index
        %get3A_315 = tpu.vector_load %arg6[%get3A_312, %get3A_313, %get3A_314] {strides = array<i32>} : memref<5x128x128xf32, #tpu.memory_space<vmem>>, vector<1x1x16xf32>,
        %get3A_316 = vector.shape_cast %get3A_315 : vector<1x1x16xf32> to vector<16xf32>
        %mul3A_317 = arith.constant 11.3137083 : f32
        %mul3A_318 = vector.broadcast %mul3A_317 : f32 to vector<16xf32>
        %mul3A_319 = arith.mulf %get3A_316, %mul3A_318 : vector<16xf32>
        %swap3A = arith.constant 0 : i32
        %swap3A_320 = arith.index_cast %swap3A : i32 to index
        %swap3A_321 = arith.index_cast %scan3A_311 : i32 to index
        %swap3A_322 = arith.constant 0 : index
        %swap3A_323 = tpu.vector_load %arg6[%swap3A_320, %swap3A_321, %swap3A_322] {strides = array<i32>} : memref<5x128x128xf32, #tpu.memory_space<vmem>>, vector<1x1x16xf32>,
        %swap3A_324 = vector.shape_cast %swap3A_323 : vector<1x1x16xf32> to vector<16xf32>
        %swap3A_325 = vector.shape_cast %mul3A_319 : vector<16xf32> to vector<1x1x16xf32>
        tpu.vector_store %arg6[%swap3A_320, %swap3A_321, %swap3A_322], %swap3A_325 {strides = array<i32>} : memref<5x128x128xf32, #tpu.memory_space<vmem>>, vector<1x1x16xf32>,
        %get3A_326 = arith.constant 0 : i32
        %get3A_327 = arith.index_cast %get3A_326 : i32 to index
        %get3A_328 = arith.index_cast %scan3A_311 : i32 to index
        %get3A_329 = arith.constant 16 : index
        %get3A_330 = tpu.vector_load %arg6[%get3A_327, %get3A_328, %get3A_329] {strides = array<i32>} : memref<5x128x128xf32, #tpu.memory_space<vmem>>, vector<1x1x16xf32>,
        %get3A_331 = vector.shape_cast %get3A_330 : vector<1x1x16xf32> to vector<16xf32>
        %mul3A_332 = arith.constant 11.3137083 : f32
        %mul3A_333 = vector.broadcast %mul3A_332 : f32 to vector<16xf32>
        %mul3A_334 = arith.mulf %get3A_331, %mul3A_333 : vector<16xf32>
        %swap3A_335 = arith.constant 0 : i32
        %swap3A_336 = arith.index_cast %swap3A_335 : i32 to index
        %swap3A_337 = arith.index_cast %scan3A_311 : i32 to index
        %swap3A_338 = arith.constant 16 : index
        %swap3A_339 = tpu.vector_load %arg6[%swap3A_336, %swap3A_337, %swap3A_338] {strides = array<i32>} : memref<5x128x128xf32, #tpu.memory_space<vmem>>, vector<1x1x16xf32>,
        %swap3A_340 = vector.shape_cast %swap3A_339 : vector<1x1x16xf32> to vector<16xf32>
        %swap3A_341 = vector.shape_cast %mul3A_334 : vector<16xf32> to vector<1x1x16xf32>
        tpu.vector_store %arg6[%swap3A_336, %swap3A_337, %swap3A_338], %swap3A_341 {strides = array<i32>} : memref<5x128x128xf32, #tpu.memory_space<vmem>>, vector<1x1x16xf32>,
        %get3A_342 = arith.constant 0 : i32
        %get3A_343 = arith.index_cast %get3A_342 : i32 to index
        %get3A_344 = arith.index_cast %scan3A_311 : i32 to index
        %get3A_345 = arith.constant 32 : index
        %get3A_346 = tpu.vector_load %arg6[%get3A_343, %get3A_344, %get3A_345] {strides = array<i32>} : memref<5x128x128xf32, #tpu.memory_space<vmem>>, vector<1x1x16xf32>,
        %get3A_347 = vector.shape_cast %get3A_346 : vector<1x1x16xf32> to vector<16xf32>
        %mul3A_348 = arith.constant 11.3137083 : f32
        %mul3A_349 = vector.broadcast %mul3A_348 : f32 to vector<16xf32>
        %mul3A_350 = arith.mulf %get3A_347, %mul3A_349 : vector<16xf32>
        %swap3A_351 = arith.constant 0 : i32
        %swap3A_352 = arith.index_cast %swap3A_351 : i32 to index
        %swap3A_353 = arith.index_cast %scan3A_311 : i32 to index
        %swap3A_354 = arith.constant 32 : index
        %swap3A_355 = tpu.vector_load %arg6[%swap3A_352, %swap3A_353, %swap3A_354] {strides = array<i32>} : memref<5x128x128xf32, #tpu.memory_space<vmem>>, vector<1x1x16xf32>,
        %swap3A_356 = vector.shape_cast %swap3A_355 : vector<1x1x16xf32> to vector<16xf32>
        %swap3A_357 = vector.shape_cast %mul3A_350 : vector<16xf32> to vector<1x1x16xf32>
        tpu.vector_store %arg6[%swap3A_352, %swap3A_353, %swap3A_354], %swap3A_357 {strides = array<i32>} : memref<5x128x128xf32, #tpu.memory_space<vmem>>, vector<1x1x16xf32>,
        %get3A_358 = arith.constant 0 : i32
        %get3A_359 = arith.index_cast %get3A_358 : i32 to index
        %get3A_360 = arith.index_cast %scan3A_311 : i32 to index
        %get3A_361 = arith.constant 48 : index
        %get3A_362 = tpu.vector_load %arg6[%get3A_359, %get3A_360, %get3A_361] {strides = array<i32>} : memref<5x128x128xf32, #tpu.memory_space<vmem>>, vector<1x1x16xf32>,
        %get3A_363 = vector.shape_cast %get3A_362 : vector<1x1x16xf32> to vector<16xf32>
        %mul3A_364 = arith.constant 11.3137083 : f32
        %mul3A_365 = vector.broadcast %mul3A_364 : f32 to vector<16xf32>
        %mul3A_366 = arith.mulf %get3A_363, %mul3A_365 : vector<16xf32>
        %swap3A_367 = arith.constant 0 : i32
        %swap3A_368 = arith.index_cast %swap3A_367 : i32 to index
        %swap3A_369 = arith.index_cast %scan3A_311 : i32 to index
        %swap3A_370 = arith.constant 48 : index
        %swap3A_371 = tpu.vector_load %arg6[%swap3A_368, %swap3A_369, %swap3A_370] {strides = array<i32>} : memref<5x128x128xf32, #tpu.memory_space<vmem>>, vector<1x1x16xf32>,
        %swap3A_372 = vector.shape_cast %swap3A_371 : vector<1x1x16xf32> to vector<16xf32>
        %swap3A_373 = vector.shape_cast %mul3A_366 : vector<16xf32> to vector<1x1x16xf32>
        tpu.vector_store %arg6[%swap3A_368, %swap3A_369, %swap3A_370], %swap3A_373 {strides = array<i32>} : memref<5x128x128xf32, #tpu.memory_space<vmem>>, vector<1x1x16xf32>,
        %get3A_374 = arith.constant 0 : i32
        %get3A_375 = arith.index_cast %get3A_374 : i32 to index
        %get3A_376 = arith.index_cast %scan3A_311 : i32 to index
        %get3A_377 = arith.constant 64 : index
        %get3A_378 = tpu.vector_load %arg6[%get3A_375, %get3A_376, %get3A_377] {strides = array<i32>} : memref<5x128x128xf32, #tpu.memory_space<vmem>>, vector<1x1x16xf32>,
        %get3A_379 = vector.shape_cast %get3A_378 : vector<1x1x16xf32> to vector<16xf32>
        %mul3A_380 = arith.constant 11.3137083 : f32
        %mul3A_381 = vector.broadcast %mul3A_380 : f32 to vector<16xf32>
        %mul3A_382 = arith.mulf %get3A_379, %mul3A_381 : vector<16xf32>
        %swap3A_383 = arith.constant 0 : i32
        %swap3A_384 = arith.index_cast %swap3A_383 : i32 to index
        %swap3A_385 = arith.index_cast %scan3A_311 : i32 to index
        %swap3A_386 = arith.constant 64 : index
        %swap3A_387 = tpu.vector_load %arg6[%swap3A_384, %swap3A_385, %swap3A_386] {strides = array<i32>} : memref<5x128x128xf32, #tpu.memory_space<vmem>>, vector<1x1x16xf32>,
        %swap3A_388 = vector.shape_cast %swap3A_387 : vector<1x1x16xf32> to vector<16xf32>
        %swap3A_389 = vector.shape_cast %mul3A_382 : vector<16xf32> to vector<1x1x16xf32>
        tpu.vector_store %arg6[%swap3A_384, %swap3A_385, %swap3A_386], %swap3A_389 {strides = array<i32>} : memref<5x128x128xf32, #tpu.memory_space<vmem>>, vector<1x1x16xf32>,
        %get3A_390 = arith.constant 0 : i32
        %get3A_391 = arith.index_cast %get3A_390 : i32 to index
        %get3A_392 = arith.index_cast %scan3A_311 : i32 to index
        %get3A_393 = arith.constant 80 : index
        %get3A_394 = tpu.vector_load %arg6[%get3A_391, %get3A_392, %get3A_393] {strides = array<i32>} : memref<5x128x128xf32, #tpu.memory_space<vmem>>, vector<1x1x16xf32>,
        %get3A_395 = vector.shape_cast %get3A_394 : vector<1x1x16xf32> to vector<16xf32>
        %mul3A_396 = arith.constant 11.3137083 : f32
        %mul3A_397 = vector.broadcast %mul3A_396 : f32 to vector<16xf32>
        %mul3A_398 = arith.mulf %get3A_395, %mul3A_397 : vector<16xf32>
        %swap3A_399 = arith.constant 0 : i32
        %swap3A_400 = arith.index_cast %swap3A_399 : i32 to index
        %swap3A_401 = arith.index_cast %scan3A_311 : i32 to index
        %swap3A_402 = arith.constant 80 : index
        %swap3A_403 = tpu.vector_load %arg6[%swap3A_400, %swap3A_401, %swap3A_402] {strides = array<i32>} : memref<5x128x128xf32, #tpu.memory_space<vmem>>, vector<1x1x16xf32>,
        %swap3A_404 = vector.shape_cast %swap3A_403 : vector<1x1x16xf32> to vector<16xf32>
        %swap3A_405 = vector.shape_cast %mul3A_398 : vector<16xf32> to vector<1x1x16xf32>
        tpu.vector_store %arg6[%swap3A_400, %swap3A_401, %swap3A_402], %swap3A_405 {strides = array<i32>} : memref<5x128x128xf32, #tpu.memory_space<vmem>>, vector<1x1x16xf32>,
        %get3A_406 = arith.constant 0 : i32
        %get3A_407 = arith.index_cast %get3A_406 : i32 to index
        %get3A_408 = arith.index_cast %scan3A_311 : i32 to index
        %get3A_409 = arith.constant 96 : index
        %get3A_410 = tpu.vector_load %arg6[%get3A_407, %get3A_408, %get3A_409] {strides = array<i32>} : memref<5x128x128xf32, #tpu.memory_space<vmem>>, vector<1x1x16xf32>,
        %get3A_411 = vector.shape_cast %get3A_410 : vector<1x1x16xf32> to vector<16xf32>
        %mul3A_412 = arith.constant 11.3137083 : f32
        %mul3A_413 = vector.broadcast %mul3A_412 : f32 to vector<16xf32>
        %mul3A_414 = arith.mulf %get3A_411, %mul3A_413 : vector<16xf32>
        %swap3A_415 = arith.constant 0 : i32
        %swap3A_416 = arith.index_cast %swap3A_415 : i32 to index
        %swap3A_417 = arith.index_cast %scan3A_311 : i32 to index
        %swap3A_418 = arith.constant 96 : index
        %swap3A_419 = tpu.vector_load %arg6[%swap3A_416, %swap3A_417, %swap3A_418] {strides = array<i32>} : memref<5x128x128xf32, #tpu.memory_space<vmem>>, vector<1x1x16xf32>,
        %swap3A_420 = vector.shape_cast %swap3A_419 : vector<1x1x16xf32> to vector<16xf32>
        %swap3A_421 = vector.shape_cast %mul3A_414 : vector<16xf32> to vector<1x1x16xf32>
        tpu.vector_store %arg6[%swap3A_416, %swap3A_417, %swap3A_418], %swap3A_421 {strides = array<i32>} : memref<5x128x128xf32, #tpu.memory_space<vmem>>, vector<1x1x16xf32>,
        %get3A_422 = arith.constant 0 : i32
        %get3A_423 = arith.index_cast %get3A_422 : i32 to index
        %get3A_424 = arith.index_cast %scan3A_311 : i32 to index
        %get3A_425 = arith.constant 112 : index
        %get3A_426 = tpu.vector_load %arg6[%get3A_423, %get3A_424, %get3A_425] {strides = array<i32>} : memref<5x128x128xf32, #tpu.memory_space<vmem>>, vector<1x1x16xf32>,
        %get3A_427 = vector.shape_cast %get3A_426 : vector<1x1x16xf32> to vector<16xf32>
        %mul3A_428 = arith.constant 11.3137083 : f32
        %mul3A_429 = vector.broadcast %mul3A_428 : f32 to vector<16xf32>
        %mul3A_430 = arith.mulf %get3A_427, %mul3A_429 : vector<16xf32>
        %swap3A_431 = arith.constant 0 : i32
        %swap3A_432 = arith.index_cast %swap3A_431 : i32 to index
        %swap3A_433 = arith.index_cast %scan3A_311 : i32 to index
        %swap3A_434 = arith.constant 112 : index
        %swap3A_435 = tpu.vector_load %arg6[%swap3A_432, %swap3A_433, %swap3A_434] {strides = array<i32>} : memref<5x128x128xf32, #tpu.memory_space<vmem>>, vector<1x1x16xf32>,
        %swap3A_436 = vector.shape_cast %swap3A_435 : vector<1x1x16xf32> to vector<16xf32>
        %swap3A_437 = vector.shape_cast %mul3A_430 : vector<16xf32> to vector<1x1x16xf32>
        tpu.vector_store %arg6[%swap3A_432, %swap3A_433, %swap3A_434], %swap3A_437 {strides = array<i32>} : memref<5x128x128xf32, #tpu.memory_space<vmem>>, vector<1x1x16xf32>,
        %scan3A_438 = arith.constant 1 : i32
        %scan3A_439 = arith.addi %scan3A_311, %scan3A_438 : i32
        %get3A_440 = arith.constant 0 : i32
        %get3A_441 = arith.index_cast %get3A_440 : i32 to index
        %get3A_442 = arith.index_cast %scan3A_439 : i32 to index
        %get3A_443 = arith.constant 0 : index
        %get3A_444 = tpu.vector_load %arg6[%get3A_441, %get3A_442, %get3A_443] {strides = array<i32>} : memref<5x128x128xf32, #tpu.memory_space<vmem>>, vector<1x1x16xf32>,
        %get3A_445 = vector.shape_cast %get3A_444 : vector<1x1x16xf32> to vector<16xf32>
        %mul3A_446 = arith.constant 11.3137083 : f32
        %mul3A_447 = vector.broadcast %mul3A_446 : f32 to vector<16xf32>
        %mul3A_448 = arith.mulf %get3A_445, %mul3A_447 : vector<16xf32>
        %swap3A_449 = arith.constant 0 : i32
        %swap3A_450 = arith.index_cast %swap3A_449 : i32 to index
        %swap3A_451 = arith.index_cast %scan3A_439 : i32 to index
        %swap3A_452 = arith.constant 0 : index
        %swap3A_453 = tpu.vector_load %arg6[%swap3A_450, %swap3A_451, %swap3A_452] {strides = array<i32>} : memref<5x128x128xf32, #tpu.memory_space<vmem>>, vector<1x1x16xf32>,
        %swap3A_454 = vector.shape_cast %swap3A_453 : vector<1x1x16xf32> to vector<16xf32>
        %swap3A_455 = vector.shape_cast %mul3A_448 : vector<16xf32> to vector<1x1x16xf32>
        tpu.vector_store %arg6[%swap3A_450, %swap3A_451, %swap3A_452], %swap3A_455 {strides = array<i32>} : memref<5x128x128xf32, #tpu.memory_space<vmem>>, vector<1x1x16xf32>,
        %get3A_456 = arith.constant 0 : i32
        %get3A_457 = arith.index_cast %get3A_456 : i32 to index
        %get3A_458 = arith.index_cast %scan3A_439 : i32 to index
        %get3A_459 = arith.constant 16 : index
        %get3A_460 = tpu.vector_load %arg6[%get3A_457, %get3A_458, %get3A_459] {strides = array<i32>} : memref<5x128x128xf32, #tpu.memory_space<vmem>>, vector<1x1x16xf32>,
        %get3A_461 = vector.shape_cast %get3A_460 : vector<1x1x16xf32> to vector<16xf32>
        %mul3A_462 = arith.constant 11.3137083 : f32
        %mul3A_463 = vector.broadcast %mul3A_462 : f32 to vector<16xf32>
        %mul3A_464 = arith.mulf %get3A_461, %mul3A_463 : vector<16xf32>
        %swap3A_465 = arith.constant 0 : i32
        %swap3A_466 = arith.index_cast %swap3A_465 : i32 to index
        %swap3A_467 = arith.index_cast %scan3A_439 : i32 to index
        %swap3A_468 = arith.constant 16 : index
        %swap3A_469 = tpu.vector_load %arg6[%swap3A_466, %swap3A_467, %swap3A_468] {strides = array<i32>} : memref<5x128x128xf32, #tpu.memory_space<vmem>>, vector<1x1x16xf32>,
        %swap3A_470 = vector.shape_cast %swap3A_469 : vector<1x1x16xf32> to vector<16xf32>
        %swap3A_471 = vector.shape_cast %mul3A_464 : vector<16xf32> to vector<1x1x16xf32>
        tpu.vector_store %arg6[%swap3A_466, %swap3A_467, %swap3A_468], %swap3A_471 {strides = array<i32>} : memref<5x128x128xf32, #tpu.memory_space<vmem>>, vector<1x1x16xf32>,
        %get3A_472 = arith.constant 0 : i32
        %get3A_473 = arith.index_cast %get3A_472 : i32 to index
        %get3A_474 = arith.index_cast %scan3A_439 : i32 to index
        %get3A_475 = arith.constant 32 : index
        %get3A_476 = tpu.vector_load %arg6[%get3A_473, %get3A_474, %get3A_475] {strides = array<i32>} : memref<5x128x128xf32, #tpu.memory_space<vmem>>, vector<1x1x16xf32>,
        %get3A_477 = vector.shape_cast %get3A_476 : vector<1x1x16xf32> to vector<16xf32>
        %mul3A_478 = arith.constant 11.3137083 : f32
        %mul3A_479 = vector.broadcast %mul3A_478 : f32 to vector<16xf32>
        %mul3A_480 = arith.mulf %get3A_477, %mul3A_479 : vector<16xf32>
        %swap3A_481 = arith.constant 0 : i32
        %swap3A_482 = arith.index_cast %swap3A_481 : i32 to index
        %swap3A_483 = arith.index_cast %scan3A_439 : i32 to index
        %swap3A_484 = arith.constant 32 : index
        %swap3A_485 = tpu.vector_load %arg6[%swap3A_482, %swap3A_483, %swap3A_484] {strides = array<i32>} : memref<5x128x128xf32, #tpu.memory_space<vmem>>, vector<1x1x16xf32>,
        %swap3A_486 = vector.shape_cast %swap3A_485 : vector<1x1x16xf32> to vector<16xf32>
        %swap3A_487 = vector.shape_cast %mul3A_480 : vector<16xf32> to vector<1x1x16xf32>
        tpu.vector_store %arg6[%swap3A_482, %swap3A_483, %swap3A_484], %swap3A_487 {strides = array<i32>} : memref<5x128x128xf32, #tpu.memory_space<vmem>>, vector<1x1x16xf32>,
        %get3A_488 = arith.constant 0 : i32
        %get3A_489 = arith.index_cast %get3A_488 : i32 to index
        %get3A_490 = arith.index_cast %scan3A_439 : i32 to index
        %get3A_491 = arith.constant 48 : index
        %get3A_492 = tpu.vector_load %arg6[%get3A_489, %get3A_490, %get3A_491] {strides = array<i32>} : memref<5x128x128xf32, #tpu.memory_space<vmem>>, vector<1x1x16xf32>,
        %get3A_493 = vector.shape_cast %get3A_492 : vector<1x1x16xf32> to vector<16xf32>
        %mul3A_494 = arith.constant 11.3137083 : f32
        %mul3A_495 = vector.broadcast %mul3A_494 : f32 to vector<16xf32>
        %mul3A_496 = arith.mulf %get3A_493, %mul3A_495 : vector<16xf32>
        %swap3A_497 = arith.constant 0 : i32
        %swap3A_498 = arith.index_cast %swap3A_497 : i32 to index
        %swap3A_499 = arith.index_cast %scan3A_439 : i32 to index
        %swap3A_500 = arith.constant 48 : index
        %swap3A_501 = tpu.vector_load %arg6[%swap3A_498, %swap3A_499, %swap3A_500] {strides = array<i32>} : memref<5x128x128xf32, #tpu.memory_space<vmem>>, vector<1x1x16xf32>,
        %swap3A_502 = vector.shape_cast %swap3A_501 : vector<1x1x16xf32> to vector<16xf32>
        %swap3A_503 = vector.shape_cast %mul3A_496 : vector<16xf32> to vector<1x1x16xf32>
        tpu.vector_store %arg6[%swap3A_498, %swap3A_499, %swap3A_500], %swap3A_503 {strides = array<i32>} : memref<5x128x128xf32, #tpu.memory_space<vmem>>, vector<1x1x16xf32>,
        %get3A_504 = arith.constant 0 : i32
        %get3A_505 = arith.index_cast %get3A_504 : i32 to index
        %get3A_506 = arith.index_cast %scan3A_439 : i32 to index
        %get3A_507 = arith.constant 64 : index
        %get3A_508 = tpu.vector_load %arg6[%get3A_505, %get3A_506, %get3A_507] {strides = array<i32>} : memref<5x128x128xf32, #tpu.memory_space<vmem>>, vector<1x1x16xf32>,
        %get3A_509 = vector.shape_cast %get3A_508 : vector<1x1x16xf32> to vector<16xf32>
        %mul3A_510 = arith.constant 11.3137083 : f32
        %mul3A_511 = vector.broadcast %mul3A_510 : f32 to vector<16xf32>
        %mul3A_512 = arith.mulf %get3A_509, %mul3A_511 : vector<16xf32>
        %swap3A_513 = arith.constant 0 : i32
        %swap3A_514 = arith.index_cast %swap3A_513 : i32 to index
        %swap3A_515 = arith.index_cast %scan3A_439 : i32 to index
        %swap3A_516 = arith.constant 64 : index
        %swap3A_517 = tpu.vector_load %arg6[%swap3A_514, %swap3A_515, %swap3A_516] {strides = array<i32>} : memref<5x128x128xf32, #tpu.memory_space<vmem>>, vector<1x1x16xf32>,
        %swap3A_518 = vector.shape_cast %swap3A_517 : vector<1x1x16xf32> to vector<16xf32>
        %swap3A_519 = vector.shape_cast %mul3A_512 : vector<16xf32> to vector<1x1x16xf32>
        tpu.vector_store %arg6[%swap3A_514, %swap3A_515, %swap3A_516], %swap3A_519 {strides = array<i32>} : memref<5x128x128xf32, #tpu.memory_space<vmem>>, vector<1x1x16xf32>,
        %get3A_520 = arith.constant 0 : i32
        %get3A_521 = arith.index_cast %get3A_520 : i32 to index
        %get3A_522 = arith.index_cast %scan3A_439 : i32 to index
        %get3A_523 = arith.constant 80 : index
        %get3A_524 = tpu.vector_load %arg6[%get3A_521, %get3A_522, %get3A_523] {strides = array<i32>} : memref<5x128x128xf32, #tpu.memory_space<vmem>>, vector<1x1x16xf32>,
        %get3A_525 = vector.shape_cast %get3A_524 : vector<1x1x16xf32> to vector<16xf32>
        %mul3A_526 = arith.constant 11.3137083 : f32
        %mul3A_527 = vector.broadcast %mul3A_526 : f32 to vector<16xf32>
        %mul3A_528 = arith.mulf %get3A_525, %mul3A_527 : vector<16xf32>
        %swap3A_529 = arith.constant 0 : i32
        %swap3A_530 = arith.index_cast %swap3A_529 : i32 to index
        %swap3A_531 = arith.index_cast %scan3A_439 : i32 to index
        %swap3A_532 = arith.constant 80 : index
        %swap3A_533 = tpu.vector_load %arg6[%swap3A_530, %swap3A_531, %swap3A_532] {strides = array<i32>} : memref<5x128x128xf32, #tpu.memory_space<vmem>>, vector<1x1x16xf32>,
        %swap3A_534 = vector.shape_cast %swap3A_533 : vector<1x1x16xf32> to vector<16xf32>
        %swap3A_535 = vector.shape_cast %mul3A_528 : vector<16xf32> to vector<1x1x16xf32>
        tpu.vector_store %arg6[%swap3A_530, %swap3A_531, %swap3A_532], %swap3A_535 {strides = array<i32>} : memref<5x128x128xf32, #tpu.memory_space<vmem>>, vector<1x1x16xf32>,
        %get3A_536 = arith.constant 0 : i32
        %get3A_537 = arith.index_cast %get3A_536 : i32 to index
        %get3A_538 = arith.index_cast %scan3A_439 : i32 to index
        %get3A_539 = arith.constant 96 : index
        %get3A_540 = tpu.vector_load %arg6[%get3A_537, %get3A_538, %get3A_539] {strides = array<i32>} : memref<5x128x128xf32, #tpu.memory_space<vmem>>, vector<1x1x16xf32>,
        %get3A_541 = vector.shape_cast %get3A_540 : vector<1x1x16xf32> to vector<16xf32>
        %mul3A_542 = arith.constant 11.3137083 : f32
        %mul3A_543 = vector.broadcast %mul3A_542 : f32 to vector<16xf32>
        %mul3A_544 = arith.mulf %get3A_541, %mul3A_543 : vector<16xf32>
        %swap3A_545 = arith.constant 0 : i32
        %swap3A_546 = arith.index_cast %swap3A_545 : i32 to index
        %swap3A_547 = arith.index_cast %scan3A_439 : i32 to index
        %swap3A_548 = arith.constant 96 : index
        %swap3A_549 = tpu.vector_load %arg6[%swap3A_546, %swap3A_547, %swap3A_548] {strides = array<i32>} : memref<5x128x128xf32, #tpu.memory_space<vmem>>, vector<1x1x16xf32>,
        %swap3A_550 = vector.shape_cast %swap3A_549 : vector<1x1x16xf32> to vector<16xf32>
        %swap3A_551 = vector.shape_cast %mul3A_544 : vector<16xf32> to vector<1x1x16xf32>
        tpu.vector_store %arg6[%swap3A_546, %swap3A_547, %swap3A_548], %swap3A_551 {strides = array<i32>} : memref<5x128x128xf32, #tpu.memory_space<vmem>>, vector<1x1x16xf32>,
        %get3A_552 = arith.constant 0 : i32
        %get3A_553 = arith.index_cast %get3A_552 : i32 to index
        %get3A_554 = arith.index_cast %scan3A_439 : i32 to index
        %get3A_555 = arith.constant 112 : index
        %get3A_556 = tpu.vector_load %arg6[%get3A_553, %get3A_554, %get3A_555] {strides = array<i32>} : memref<5x128x128xf32, #tpu.memory_space<vmem>>, vector<1x1x16xf32>,
        %get3A_557 = vector.shape_cast %get3A_556 : vector<1x1x16xf32> to vector<16xf32>
        %mul3A_558 = arith.constant 11.3137083 : f32
        %mul3A_559 = vector.broadcast %mul3A_558 : f32 to vector<16xf32>
        %mul3A_560 = arith.mulf %get3A_557, %mul3A_559 : vector<16xf32>
        %swap3A_561 = arith.constant 0 : i32
        %swap3A_562 = arith.index_cast %swap3A_561 : i32 to index
        %swap3A_563 = arith.index_cast %scan3A_439 : i32 to index
        %swap3A_564 = arith.constant 112 : index
        %swap3A_565 = tpu.vector_load %arg6[%swap3A_562, %swap3A_563, %swap3A_564] {strides = array<i32>} : memref<5x128x128xf32, #tpu.memory_space<vmem>>, vector<1x1x16xf32>,
        %swap3A_566 = vector.shape_cast %swap3A_565 : vector<1x1x16xf32> to vector<16xf32>
        %swap3A_567 = vector.shape_cast %mul3A_560 : vector<16xf32> to vector<1x1x16xf32>
        tpu.vector_store %arg6[%swap3A_562, %swap3A_563, %swap3A_564], %swap3A_567 {strides = array<i32>} : memref<5x128x128xf32, #tpu.memory_space<vmem>>, vector<1x1x16xf32>,
        %scan3A_568 = arith.constant 2 : i32
        %scan3A_569 = arith.addi %scan3A_311, %scan3A_568 : i32
        %get3A_570 = arith.constant 0 : i32
        %get3A_571 = arith.index_cast %get3A_570 : i32 to index
        %get3A_572 = arith.index_cast %scan3A_569 : i32 to index
        %get3A_573 = arith.constant 0 : index
        %get3A_574 = tpu.vector_load %arg6[%get3A_571, %get3A_572, %get3A_573] {strides = array<i32>} : memref<5x128x128xf32, #tpu.memory_space<vmem>>, vector<1x1x16xf32>,
        %get3A_575 = vector.shape_cast %get3A_574 : vector<1x1x16xf32> to vector<16xf32>
        %mul3A_576 = arith.constant 11.3137083 : f32
        %mul3A_577 = vector.broadcast %mul3A_576 : f32 to vector<16xf32>
        %mul3A_578 = arith.mulf %get3A_575, %mul3A_577 : vector<16xf32>
        %swap3A_579 = arith.constant 0 : i32
        %swap3A_580 = arith.index_cast %swap3A_579 : i32 to index
        %swap3A_581 = arith.index_cast %scan3A_569 : i32 to index
        %swap3A_582 = arith.constant 0 : index
        %swap3A_583 = tpu.vector_load %arg6[%swap3A_580, %swap3A_581, %swap3A_582] {strides = array<i32>} : memref<5x128x128xf32, #tpu.memory_space<vmem>>, vector<1x1x16xf32>,
        %swap3A_584 = vector.shape_cast %swap3A_583 : vector<1x1x16xf32> to vector<16xf32>
        %swap3A_585 = vector.shape_cast %mul3A_578 : vector<16xf32> to vector<1x1x16xf32>
        tpu.vector_store %arg6[%swap3A_580, %swap3A_581, %swap3A_582], %swap3A_585 {strides = array<i32>} : memref<5x128x128xf32, #tpu.memory_space<vmem>>, vector<1x1x16xf32>,
        %get3A_586 = arith.constant 0 : i32
        %get3A_587 = arith.index_cast %get3A_586 : i32 to index
        %get3A_588 = arith.index_cast %scan3A_569 : i32 to index
        %get3A_589 = arith.constant 16 : index
        %get3A_590 = tpu.vector_load %arg6[%get3A_587, %get3A_588, %get3A_589] {strides = array<i32>} : memref<5x128x128xf32, #tpu.memory_space<vmem>>, vector<1x1x16xf32>,
        %get3A_591 = vector.shape_cast %get3A_590 : vector<1x1x16xf32> to vector<16xf32>
        %mul3A_592 = arith.constant 11.3137083 : f32
        %mul3A_593 = vector.broadcast %mul3A_592 : f32 to vector<16xf32>
        %mul3A_594 = arith.mulf %get3A_591, %mul3A_593 : vector<16xf32>
        %swap3A_595 = arith.constant 0 : i32
        %swap3A_596 = arith.index_cast %swap3A_595 : i32 to index
        %swap3A_597 = arith.index_cast %scan3A_569 : i32 to index
        %swap3A_598 = arith.constant 16 : index
        %swap3A_599 = tpu.vector_load %arg6[%swap3A_596, %swap3A_597, %swap3A_598] {strides = array<i32>} : memref<5x128x128xf32, #tpu.memory_space<vmem>>, vector<1x1x16xf32>,
        %swap3A_600 = vector.shape_cast %swap3A_599 : vector<1x1x16xf32> to vector<16xf32>
        %swap3A_601 = vector.shape_cast %mul3A_594 : vector<16xf32> to vector<1x1x16xf32>
        tpu.vector_store %arg6[%swap3A_596, %swap3A_597, %swap3A_598], %swap3A_601 {strides = array<i32>} : memref<5x128x128xf32, #tpu.memory_space<vmem>>, vector<1x1x16xf32>,
        %get3A_602 = arith.constant 0 : i32
        %get3A_603 = arith.index_cast %get3A_602 : i32 to index
        %get3A_604 = arith.index_cast %scan3A_569 : i32 to index
        %get3A_605 = arith.constant 32 : index
        %get3A_606 = tpu.vector_load %arg6[%get3A_603, %get3A_604, %get3A_605] {strides = array<i32>} : memref<5x128x128xf32, #tpu.memory_space<vmem>>, vector<1x1x16xf32>,
        %get3A_607 = vector.shape_cast %get3A_606 : vector<1x1x16xf32> to vector<16xf32>
        %mul3A_608 = arith.constant 11.3137083 : f32
        %mul3A_609 = vector.broadcast %mul3A_608 : f32 to vector<16xf32>
        %mul3A_610 = arith.mulf %get3A_607, %mul3A_609 : vector<16xf32>
        %swap3A_611 = arith.constant 0 : i32
        %swap3A_612 = arith.index_cast %swap3A_611 : i32 to index
        %swap3A_613 = arith.index_cast %scan3A_569 : i32 to index
        %swap3A_614 = arith.constant 32 : index
        %swap3A_615 = tpu.vector_load %arg6[%swap3A_612, %swap3A_613, %swap3A_614] {strides = array<i32>} : memref<5x128x128xf32, #tpu.memory_space<vmem>>, vector<1x1x16xf32>,
        %swap3A_616 = vector.shape_cast %swap3A_615 : vector<1x1x16xf32> to vector<16xf32>
        %swap3A_617 = vector.shape_cast %mul3A_610 : vector<16xf32> to vector<1x1x16xf32>
        tpu.vector_store %arg6[%swap3A_612, %swap3A_613, %swap3A_614], %swap3A_617 {strides = array<i32>} : memref<5x128x128xf32, #tpu.memory_space<vmem>>, vector<1x1x16xf32>,
        %get3A_618 = arith.constant 0 : i32
        %get3A_619 = arith.index_cast %get3A_618 : i32 to index
        %get3A_620 = arith.index_cast %scan3A_569 : i32 to index
        %get3A_621 = arith.constant 48 : index
        %get3A_622 = tpu.vector_load %arg6[%get3A_619, %get3A_620, %get3A_621] {strides = array<i32>} : memref<5x128x128xf32, #tpu.memory_space<vmem>>, vector<1x1x16xf32>,
        %get3A_623 = vector.shape_cast %get3A_622 : vector<1x1x16xf32> to vector<16xf32>
        %mul3A_624 = arith.constant 11.3137083 : f32
        %mul3A_625 = vector.broadcast %mul3A_624 : f32 to vector<16xf32>
        %mul3A_626 = arith.mulf %get3A_623, %mul3A_625 : vector<16xf32>
        %swap3A_627 = arith.constant 0 : i32
        %swap3A_628 = arith.index_cast %swap3A_627 : i32 to index
        %swap3A_629 = arith.index_cast %scan3A_569 : i32 to index
        %swap3A_630 = arith.constant 48 : index
        %swap3A_631 = tpu.vector_load %arg6[%swap3A_628, %swap3A_629, %swap3A_630] {strides = array<i32>} : memref<5x128x128xf32, #tpu.memory_space<vmem>>, vector<1x1x16xf32>,
        %swap3A_632 = vector.shape_cast %swap3A_631 : vector<1x1x16xf32> to vector<16xf32>
        %swap3A_633 = vector.shape_cast %mul3A_626 : vector<16xf32> to vector<1x1x16xf32>
        tpu.vector_store %arg6[%swap3A_628, %swap3A_629, %swap3A_630], %swap3A_633 {strides = array<i32>} : memref<5x128x128xf32, #tpu.memory_space<vmem>>, vector<1x1x16xf32>,
        %get3A_634 = arith.constant 0 : i32
        %get3A_635 = arith.index_cast %get3A_634 : i32 to index
        %get3A_636 = arith.index_cast %scan3A_569 : i32 to index
        %get3A_637 = arith.constant 64 : index
        %get3A_638 = tpu.vector_load %arg6[%get3A_635, %get3A_636, %get3A_637] {strides = array<i32>} : memref<5x128x128xf32, #tpu.memory_space<vmem>>, vector<1x1x16xf32>,
        %get3A_639 = vector.shape_cast %get3A_638 : vector<1x1x16xf32> to vector<16xf32>
        %mul3A_640 = arith.constant 11.3137083 : f32
        %mul3A_641 = vector.broadcast %mul3A_640 : f32 to vector<16xf32>
        %mul3A_642 = arith.mulf %get3A_639, %mul3A_641 : vector<16xf32>
        %swap3A_643 = arith.constant 0 : i32
        %swap3A_644 = arith.index_cast %swap3A_643 : i32 to index
        %swap3A_645 = arith.index_cast %scan3A_569 : i32 to index
        %swap3A_646 = arith.constant 64 : index
        %swap3A_647 = tpu.vector_load %arg6[%swap3A_644, %swap3A_645, %swap3A_646] {strides = array<i32>} : memref<5x128x128xf32, #tpu.memory_space<vmem>>, vector<1x1x16xf32>,
        %swap3A_648 = vector.shape_cast %swap3A_647 : vector<1x1x16xf32> to vector<16xf32>
        %swap3A_649 = vector.shape_cast %mul3A_642 : vector<16xf32> to vector<1x1x16xf32>
        tpu.vector_store %arg6[%swap3A_644, %swap3A_645, %swap3A_646], %swap3A_649 {strides = array<i32>} : memref<5x128x128xf32, #tpu.memory_space<vmem>>, vector<1x1x16xf32>,
        %get3A_650 = arith.constant 0 : i32
        %get3A_651 = arith.index_cast %get3A_650 : i32 to index
        %get3A_652 = arith.index_cast %scan3A_569 : i32 to index
        %get3A_653 = arith.constant 80 : index
        %get3A_654 = tpu.vector_load %arg6[%get3A_651, %get3A_652, %get3A_653] {strides = array<i32>} : memref<5x128x128xf32, #tpu.memory_space<vmem>>, vector<1x1x16xf32>,
        %get3A_655 = vector.shape_cast %get3A_654 : vector<1x1x16xf32> to vector<16xf32>
        %mul3A_656 = arith.constant 11.3137083 : f32
        %mul3A_657 = vector.broadcast %mul3A_656 : f32 to vector<16xf32>
        %mul3A_658 = arith.mulf %get3A_655, %mul3A_657 : vector<16xf32>
        %swap3A_659 = arith.constant 0 : i32
        %swap3A_660 = arith.index_cast %swap3A_659 : i32 to index
        %swap3A_661 = arith.index_cast %scan3A_569 : i32 to index
        %swap3A_662 = arith.constant 80 : index
        %swap3A_663 = tpu.vector_load %arg6[%swap3A_660, %swap3A_661, %swap3A_662] {strides = array<i32>} : memref<5x128x128xf32, #tpu.memory_space<vmem>>, vector<1x1x16xf32>,
        %swap3A_664 = vector.shape_cast %swap3A_663 : vector<1x1x16xf32> to vector<16xf32>
        %swap3A_665 = vector.shape_cast %mul3A_658 : vector<16xf32> to vector<1x1x16xf32>
        tpu.vector_store %arg6[%swap3A_660, %swap3A_661, %swap3A_662], %swap3A_665 {strides = array<i32>} : memref<5x128x128xf32, #tpu.memory_space<vmem>>, vector<1x1x16xf32>,
        %get3A_666 = arith.constant 0 : i32
        %get3A_667 = arith.index_cast %get3A_666 : i32 to index
        %get3A_668 = arith.index_cast %scan3A_569 : i32 to index
        %get3A_669 = arith.constant 96 : index
        %get3A_670 = tpu.vector_load %arg6[%get3A_667, %get3A_668, %get3A_669] {strides = array<i32>} : memref<5x128x128xf32, #tpu.memory_space<vmem>>, vector<1x1x16xf32>,
        %get3A_671 = vector.shape_cast %get3A_670 : vector<1x1x16xf32> to vector<16xf32>
        %mul3A_672 = arith.constant 11.3137083 : f32
        %mul3A_673 = vector.broadcast %mul3A_672 : f32 to vector<16xf32>
        %mul3A_674 = arith.mulf %get3A_671, %mul3A_673 : vector<16xf32>
        %swap3A_675 = arith.constant 0 : i32
        %swap3A_676 = arith.index_cast %swap3A_675 : i32 to index
        %swap3A_677 = arith.index_cast %scan3A_569 : i32 to index
        %swap3A_678 = arith.constant 96 : index
        %swap3A_679 = tpu.vector_load %arg6[%swap3A_676, %swap3A_677, %swap3A_678] {strides = array<i32>} : memref<5x128x128xf32, #tpu.memory_space<vmem>>, vector<1x1x16xf32>,
        %swap3A_680 = vector.shape_cast %swap3A_679 : vector<1x1x16xf32> to vector<16xf32>
        %swap3A_681 = vector.shape_cast %mul3A_674 : vector<16xf32> to vector<1x1x16xf32>
        tpu.vector_store %arg6[%swap3A_676, %swap3A_677, %swap3A_678], %swap3A_681 {strides = array<i32>} : memref<5x128x128xf32, #tpu.memory_space<vmem>>, vector<1x1x16xf32>,
        %get3A_682 = arith.constant 0 : i32
        %get3A_683 = arith.index_cast %get3A_682 : i32 to index
        %get3A_684 = arith.index_cast %scan3A_569 : i32 to index
        %get3A_685 = arith.constant 112 : index
        %get3A_686 = tpu.vector_load %arg6[%get3A_683, %get3A_684, %get3A_685] {strides = array<i32>} : memref<5x128x128xf32, #tpu.memory_space<vmem>>, vector<1x1x16xf32>,
        %get3A_687 = vector.shape_cast %get3A_686 : vector<1x1x16xf32> to vector<16xf32>
        %mul3A_688 = arith.constant 11.3137083 : f32
        %mul3A_689 = vector.broadcast %mul3A_688 : f32 to vector<16xf32>
        %mul3A_690 = arith.mulf %get3A_687, %mul3A_689 : vector<16xf32>
        %swap3A_691 = arith.constant 0 : i32
        %swap3A_692 = arith.index_cast %swap3A_691 : i32 to index
        %swap3A_693 = arith.index_cast %scan3A_569 : i32 to index
        %swap3A_694 = arith.constant 112 : index
        %swap3A_695 = tpu.vector_load %arg6[%swap3A_692, %swap3A_693, %swap3A_694] {strides = array<i32>} : memref<5x128x128xf32, #tpu.memory_space<vmem>>, vector<1x1x16xf32>,
        %swap3A_696 = vector.shape_cast %swap3A_695 : vector<1x1x16xf32> to vector<16xf32>
        %swap3A_697 = vector.shape_cast %mul3A_690 : vector<16xf32> to vector<1x1x16xf32>
        tpu.vector_store %arg6[%swap3A_692, %swap3A_693, %swap3A_694], %swap3A_697 {strides = array<i32>} : memref<5x128x128xf32, #tpu.memory_space<vmem>>, vector<1x1x16xf32>,
        %scan3A_698 = arith.constant 3 : i32
        %scan3A_699 = arith.addi %scan3A_311, %scan3A_698 : i32
        %get3A_700 = arith.constant 0 : i32
        %get3A_701 = arith.index_cast %get3A_700 : i32 to index
        %get3A_702 = arith.index_cast %scan3A_699 : i32 to index
        %get3A_703 = arith.constant 0 : index
        %get3A_704 = tpu.vector_load %arg6[%get3A_701, %get3A_702, %get3A_703] {strides = array<i32>} : memref<5x128x128xf32, #tpu.memory_space<vmem>>, vector<1x1x16xf32>,
        %get3A_705 = vector.shape_cast %get3A_704 : vector<1x1x16xf32> to vector<16xf32>
        %mul3A_706 = arith.constant 11.3137083 : f32
        %mul3A_707 = vector.broadcast %mul3A_706 : f32 to vector<16xf32>
        %mul3A_708 = arith.mulf %get3A_705, %mul3A_707 : vector<16xf32>
        %swap3A_709 = arith.constant 0 : i32
        %swap3A_710 = arith.index_cast %swap3A_709 : i32 to index
        %swap3A_711 = arith.index_cast %scan3A_699 : i32 to index
        %swap3A_712 = arith.constant 0 : index
        %swap3A_713 = tpu.vector_load %arg6[%swap3A_710, %swap3A_711, %swap3A_712] {strides = array<i32>} : memref<5x128x128xf32, #tpu.memory_space<vmem>>, vector<1x1x16xf32>,
        %swap3A_714 = vector.shape_cast %swap3A_713 : vector<1x1x16xf32> to vector<16xf32>
        %swap3A_715 = vector.shape_cast %mul3A_708 : vector<16xf32> to vector<1x1x16xf32>
        tpu.vector_store %arg6[%swap3A_710, %swap3A_711, %swap3A_712], %swap3A_715 {strides = array<i32>} : memref<5x128x128xf32, #tpu.memory_space<vmem>>, vector<1x1x16xf32>,
        %get3A_716 = arith.constant 0 : i32
        %get3A_717 = arith.index_cast %get3A_716 : i32 to index
        %get3A_718 = arith.index_cast %scan3A_699 : i32 to index
        %get3A_719 = arith.constant 16 : index
        %get3A_720 = tpu.vector_load %arg6[%get3A_717, %get3A_718, %get3A_719] {strides = array<i32>} : memref<5x128x128xf32, #tpu.memory_space<vmem>>, vector<1x1x16xf32>,
        %get3A_721 = vector.shape_cast %get3A_720 : vector<1x1x16xf32> to vector<16xf32>
        %mul3A_722 = arith.constant 11.3137083 : f32
        %mul3A_723 = vector.broadcast %mul3A_722 : f32 to vector<16xf32>
        %mul3A_724 = arith.mulf %get3A_721, %mul3A_723 : vector<16xf32>
        %swap3A_725 = arith.constant 0 : i32
        %swap3A_726 = arith.index_cast %swap3A_725 : i32 to index
        %swap3A_727 = arith.index_cast %scan3A_699 : i32 to index
        %swap3A_728 = arith.constant 16 : index
        %swap3A_729 = tpu.vector_load %arg6[%swap3A_726, %swap3A_727, %swap3A_728] {strides = array<i32>} : memref<5x128x128xf32, #tpu.memory_space<vmem>>, vector<1x1x16xf32>,
        %swap3A_730 = vector.shape_cast %swap3A_729 : vector<1x1x16xf32> to vector<16xf32>
        %swap3A_731 = vector.shape_cast %mul3A_724 : vector<16xf32> to vector<1x1x16xf32>
        tpu.vector_store %arg6[%swap3A_726, %swap3A_727, %swap3A_728], %swap3A_731 {strides = array<i32>} : memref<5x128x128xf32, #tpu.memory_space<vmem>>, vector<1x1x16xf32>,
        %get3A_732 = arith.constant 0 : i32
        %get3A_733 = arith.index_cast %get3A_732 : i32 to index
        %get3A_734 = arith.index_cast %scan3A_699 : i32 to index
        %get3A_735 = arith.constant 32 : index
        %get3A_736 = tpu.vector_load %arg6[%get3A_733, %get3A_734, %get3A_735] {strides = array<i32>} : memref<5x128x128xf32, #tpu.memory_space<vmem>>, vector<1x1x16xf32>,
        %get3A_737 = vector.shape_cast %get3A_736 : vector<1x1x16xf32> to vector<16xf32>
        %mul3A_738 = arith.constant 11.3137083 : f32
        %mul3A_739 = vector.broadcast %mul3A_738 : f32 to vector<16xf32>
        %mul3A_740 = arith.mulf %get3A_737, %mul3A_739 : vector<16xf32>
        %swap3A_741 = arith.constant 0 : i32
        %swap3A_742 = arith.index_cast %swap3A_741 : i32 to index
        %swap3A_743 = arith.index_cast %scan3A_699 : i32 to index
        %swap3A_744 = arith.constant 32 : index
        %swap3A_745 = tpu.vector_load %arg6[%swap3A_742, %swap3A_743, %swap3A_744] {strides = array<i32>} : memref<5x128x128xf32, #tpu.memory_space<vmem>>, vector<1x1x16xf32>,
        %swap3A_746 = vector.shape_cast %swap3A_745 : vector<1x1x16xf32> to vector<16xf32>
        %swap3A_747 = vector.shape_cast %mul3A_740 : vector<16xf32> to vector<1x1x16xf32>
        tpu.vector_store %arg6[%swap3A_742, %swap3A_743, %swap3A_744], %swap3A_747 {strides = array<i32>} : memref<5x128x128xf32, #tpu.memory_space<vmem>>, vector<1x1x16xf32>,
        %get3A_748 = arith.constant 0 : i32
        %get3A_749 = arith.index_cast %get3A_748 : i32 to index
        %get3A_750 = arith.index_cast %scan3A_699 : i32 to index
        %get3A_751 = arith.constant 48 : index
        %get3A_752 = tpu.vector_load %arg6[%get3A_749, %get3A_750, %get3A_751] {strides = array<i32>} : memref<5x128x128xf32, #tpu.memory_space<vmem>>, vector<1x1x16xf32>,
        %get3A_753 = vector.shape_cast %get3A_752 : vector<1x1x16xf32> to vector<16xf32>
        %mul3A_754 = arith.constant 11.3137083 : f32
        %mul3A_755 = vector.broadcast %mul3A_754 : f32 to vector<16xf32>
        %mul3A_756 = arith.mulf %get3A_753, %mul3A_755 : vector<16xf32>
        %swap3A_757 = arith.constant 0 : i32
        %swap3A_758 = arith.index_cast %swap3A_757 : i32 to index
        %swap3A_759 = arith.index_cast %scan3A_699 : i32 to index
        %swap3A_760 = arith.constant 48 : index
        %swap3A_761 = tpu.vector_load %arg6[%swap3A_758, %swap3A_759, %swap3A_760] {strides = array<i32>} : memref<5x128x128xf32, #tpu.memory_space<vmem>>, vector<1x1x16xf32>,
        %swap3A_762 = vector.shape_cast %swap3A_761 : vector<1x1x16xf32> to vector<16xf32>
        %swap3A_763 = vector.shape_cast %mul3A_756 : vector<16xf32> to vector<1x1x16xf32>
        tpu.vector_store %arg6[%swap3A_758, %swap3A_759, %swap3A_760], %swap3A_763 {strides = array<i32>} : memref<5x128x128xf32, #tpu.memory_space<vmem>>, vector<1x1x16xf32>,
        %get3A_764 = arith.constant 0 : i32
        %get3A_765 = arith.index_cast %get3A_764 : i32 to index
        %get3A_766 = arith.index_cast %scan3A_699 : i32 to index
        %get3A_767 = arith.constant 64 : index
        %get3A_768 = tpu.vector_load %arg6[%get3A_765, %get3A_766, %get3A_767] {strides = array<i32>} : memref<5x128x128xf32, #tpu.memory_space<vmem>>, vector<1x1x16xf32>,
        %get3A_769 = vector.shape_cast %get3A_768 : vector<1x1x16xf32> to vector<16xf32>
        %mul3A_770 = arith.constant 11.3137083 : f32
        %mul3A_771 = vector.broadcast %mul3A_770 : f32 to vector<16xf32>
        %mul3A_772 = arith.mulf %get3A_769, %mul3A_771 : vector<16xf32>
        %swap3A_773 = arith.constant 0 : i32
        %swap3A_774 = arith.index_cast %swap3A_773 : i32 to index
        %swap3A_775 = arith.index_cast %scan3A_699 : i32 to index
        %swap3A_776 = arith.constant 64 : index
        %swap3A_777 = tpu.vector_load %arg6[%swap3A_774, %swap3A_775, %swap3A_776] {strides = array<i32>} : memref<5x128x128xf32, #tpu.memory_space<vmem>>, vector<1x1x16xf32>,
        %swap3A_778 = vector.shape_cast %swap3A_777 : vector<1x1x16xf32> to vector<16xf32>
        %swap3A_779 = vector.shape_cast %mul3A_772 : vector<16xf32> to vector<1x1x16xf32>
        tpu.vector_store %arg6[%swap3A_774, %swap3A_775, %swap3A_776], %swap3A_779 {strides = array<i32>} : memref<5x128x128xf32, #tpu.memory_space<vmem>>, vector<1x1x16xf32>,
        %get3A_780 = arith.constant 0 : i32
        %get3A_781 = arith.index_cast %get3A_780 : i32 to index
        %get3A_782 = arith.index_cast %scan3A_699 : i32 to index
        %get3A_783 = arith.constant 80 : index
        %get3A_784 = tpu.vector_load %arg6[%get3A_781, %get3A_782, %get3A_783] {strides = array<i32>} : memref<5x128x128xf32, #tpu.memory_space<vmem>>, vector<1x1x16xf32>,
        %get3A_785 = vector.shape_cast %get3A_784 : vector<1x1x16xf32> to vector<16xf32>
        %mul3A_786 = arith.constant 11.3137083 : f32
        %mul3A_787 = vector.broadcast %mul3A_786 : f32 to vector<16xf32>
        %mul3A_788 = arith.mulf %get3A_785, %mul3A_787 : vector<16xf32>
        %swap3A_789 = arith.constant 0 : i32
        %swap3A_790 = arith.index_cast %swap3A_789 : i32 to index
        %swap3A_791 = arith.index_cast %scan3A_699 : i32 to index
        %swap3A_792 = arith.constant 80 : index
        %swap3A_793 = tpu.vector_load %arg6[%swap3A_790, %swap3A_791, %swap3A_792] {strides = array<i32>} : memref<5x128x128xf32, #tpu.memory_space<vmem>>, vector<1x1x16xf32>,
        %swap3A_794 = vector.shape_cast %swap3A_793 : vector<1x1x16xf32> to vector<16xf32>
        %swap3A_795 = vector.shape_cast %mul3A_788 : vector<16xf32> to vector<1x1x16xf32>
        tpu.vector_store %arg6[%swap3A_790, %swap3A_791, %swap3A_792], %swap3A_795 {strides = array<i32>} : memref<5x128x128xf32, #tpu.memory_space<vmem>>, vector<1x1x16xf32>,
        %get3A_796 = arith.constant 0 : i32
        %get3A_797 = arith.index_cast %get3A_796 : i32 to index
        %get3A_798 = arith.index_cast %scan3A_699 : i32 to index
        %get3A_799 = arith.constant 96 : index
        %get3A_800 = tpu.vector_load %arg6[%get3A_797, %get3A_798, %get3A_799] {strides = array<i32>} : memref<5x128x128xf32, #tpu.memory_space<vmem>>, vector<1x1x16xf32>,
        %get3A_801 = vector.shape_cast %get3A_800 : vector<1x1x16xf32> to vector<16xf32>
        %mul3A_802 = arith.constant 11.3137083 : f32
        %mul3A_803 = vector.broadcast %mul3A_802 : f32 to vector<16xf32>
        %mul3A_804 = arith.mulf %get3A_801, %mul3A_803 : vector<16xf32>
        %swap3A_805 = arith.constant 0 : i32
        %swap3A_806 = arith.index_cast %swap3A_805 : i32 to index
        %swap3A_807 = arith.index_cast %scan3A_699 : i32 to index
        %swap3A_808 = arith.constant 96 : index
        %swap3A_809 = tpu.vector_load %arg6[%swap3A_806, %swap3A_807, %swap3A_808] {strides = array<i32>} : memref<5x128x128xf32, #tpu.memory_space<vmem>>, vector<1x1x16xf32>,
        %swap3A_810 = vector.shape_cast %swap3A_809 : vector<1x1x16xf32> to vector<16xf32>
        %swap3A_811 = vector.shape_cast %mul3A_804 : vector<16xf32> to vector<1x1x16xf32>
        tpu.vector_store %arg6[%swap3A_806, %swap3A_807, %swap3A_808], %swap3A_811 {strides = array<i32>} : memref<5x128x128xf32, #tpu.memory_space<vmem>>, vector<1x1x16xf32>,
        %get3A_812 = arith.constant 0 : i32
        %get3A_813 = arith.index_cast %get3A_812 : i32 to index
        %get3A_814 = arith.index_cast %scan3A_699 : i32 to index
        %get3A_815 = arith.constant 112 : index
        %get3A_816 = tpu.vector_load %arg6[%get3A_813, %get3A_814, %get3A_815] {strides = array<i32>} : memref<5x128x128xf32, #tpu.memory_space<vmem>>, vector<1x1x16xf32>,
        %get3A_817 = vector.shape_cast %get3A_816 : vector<1x1x16xf32> to vector<16xf32>
        %mul3A_818 = arith.constant 11.3137083 : f32
        %mul3A_819 = vector.broadcast %mul3A_818 : f32 to vector<16xf32>
        %mul3A_820 = arith.mulf %get3A_817, %mul3A_819 : vector<16xf32>
        %swap3A_821 = arith.constant 0 : i32
        %swap3A_822 = arith.index_cast %swap3A_821 : i32 to index
        %swap3A_823 = arith.index_cast %scan3A_699 : i32 to index
        %swap3A_824 = arith.constant 112 : index
        %swap3A_825 = tpu.vector_load %arg6[%swap3A_822, %swap3A_823, %swap3A_824] {strides = array<i32>} : memref<5x128x128xf32, #tpu.memory_space<vmem>>, vector<1x1x16xf32>,
        %swap3A_826 = vector.shape_cast %swap3A_825 : vector<1x1x16xf32> to vector<16xf32>
        %swap3A_827 = vector.shape_cast %mul3A_820 : vector<16xf32> to vector<1x1x16xf32>
        tpu.vector_store %arg6[%swap3A_822, %swap3A_823, %swap3A_824], %swap3A_827 {strides = array<i32>} : memref<5x128x128xf32, #tpu.memory_space<vmem>>, vector<1x1x16xf32>,
      }
      %scan3A_98 = arith.constant 128 : i32
      %mul3A_99 = arith.constant 128 : i32
      %mul3A_100 = arith.muli %add3A_72, %mul3A_99 : i32
      %add3A_101 = arith.addi %mul3A_2, %mul3A_100 : i32
      %dma_start3A_102 = arith.constant 0 : i32
      %dma_start3A_103 = arith.constant 0 : i32
      %dma_start3A_104 = arith.constant 0 : i32
      %dma_start3A_105 = tpu.memref_slice %arg6[%dma_start3A_102, %dma_start3A_103, %dma_start3A_104] : memref<5x128x128xf32, #tpu.memory_space<vmem>> -> memref<1x128x128xf32, #tpu.memory_space<vmem>>
      %dma_start3A_106 = tpu.memref_squeeze %dma_start3A_105 : memref<1x128x128xf32, #tpu.memory_space<vmem>> -> memref<128x128xf32, #tpu.memory_space<vmem>>
      %dma_start3A_107 = arith.constant 0 : i32
      %dma_start3A_108 = tpu.memref_slice %arg4[%add3A_101, %dma_start3A_107] : memref<204800x128xf32, #tpu.memory_space<hbm>> -> memref<128x128xf32, #tpu.memory_space<hbm>>
      %dma_start3A_109 = arith.constant 0 : i32
      %dma_start3A_110 = tpu.memref_slice %arg4[%add3A_101, %dma_start3A_109] : memref<204800x128xf32, #tpu.memory_space<hbm>> -> memref<128x128xf32, #tpu.memory_space<hbm>>
      %dma_start3A_111 = arith.constant 0 : i32
      %dma_start3A_112 = arith.constant 0 : i32
      %dma_start3A_113 = tpu.memref_slice %arg6[%dma_start3A_102, %dma_start3A_111, %dma_start3A_112] : memref<5x128x128xf32, #tpu.memory_space<vmem>> -> memref<1x128x128xf32, #tpu.memory_space<vmem>>
      %dma_start3A_114 = tpu.memref_squeeze %dma_start3A_113 : memref<1x128x128xf32, #tpu.memory_space<vmem>> -> memref<128x128xf32, #tpu.memory_space<vmem>>
      tpu.enqueue_dma source(%dma_start3A_114 : memref<128x128xf32, #tpu.memory_space<vmem>>) target(%dma_start3A_110 : memref<128x128xf32, #tpu.memory_space<hbm>>) target_semaphore(%arg12 : memref<!tpu.dma_semaphore, #tpu.memory_space<semaphore_mem>>)
      %add3A_115 = arith.constant 1 : i32
      %add3A_116 = arith.addi %mul3A_70, %add3A_115 : i32
      %dma_wait3A_117 = arith.constant 1 : i32
      %dma_wait3A_118 = arith.constant 0 : i32
      %dma_wait3A_119 = arith.constant 0 : i32
      %dma_wait3A_120 = tpu.memref_slice %arg6[%dma_wait3A_117, %dma_wait3A_118, %dma_wait3A_119] : memref<5x128x128xf32, #tpu.memory_space<vmem>> -> memref<1x128x128xf32, #tpu.memory_space<vmem>>
      %dma_wait3A_121 = tpu.memref_squeeze %dma_wait3A_120 : memref<1x128x128xf32, #tpu.memory_space<vmem>> -> memref<128x128xf32, #tpu.memory_space<vmem>>
      %dma_wait3A_122 = arith.constant 0 : i32
      %dma_wait3A_123 = tpu.memref_slice %arg5[%add3A_116, %dma_wait3A_122] : memref<50x128xi32, #tpu.memory_space<vmem>> -> memref<1x128xi32, #tpu.memory_space<vmem>>
      %dma_wait3A_124 = tpu.memref_squeeze %dma_wait3A_123 : memref<1x128xi32, #tpu.memory_space<vmem>> -> memref<128xi32, #tpu.memory_space<vmem>>
      %dma_wait3A_125 = arith.constant 0 : i32
      %dma_wait3A_126 = arith.constant 0 : i32
      %dma_wait3A_127 = tpu.memref_slice %arg2[%dma_wait3A_125, %dma_wait3A_126] : memref<1000000x128xf32, #tpu.memory_space<hbm>> -> memref<1000000x128xf32, #tpu.memory_space<hbm>>
      tpu.wait_indirect_dma semaphore(%arg8 : memref<!tpu.dma_semaphore, #tpu.memory_space<semaphore_mem>>) src(%dma_wait3A_127 : memref<1000000x128xf32, #tpu.memory_space<hbm>>) dst(%dma_wait3A_121 : memref<128x128xf32, #tpu.memory_space<vmem>>)
      %ge3A_128 = arith.constant 2 : i32
      %ge3A_129 = arith.cmpi sge, %add3A_116, %ge3A_128 : i32
      %convert_element_type3A_130 = arith.extui %ge3A_129 : i1 to i32
      %cond3A_131 = arith.constant 0 : i32
      %cond3A_132 = arith.cmpi ne, %convert_element_type3A_130, %cond3A_131 : i32
      scf.if %cond3A_132 {
        %dma_wait3A_311 = arith.constant 4 : i32
        %dma_wait3A_312 = arith.constant 0 : i32
        %dma_wait3A_313 = arith.constant 0 : i32
        %dma_wait3A_314 = tpu.memref_slice %arg6[%dma_wait3A_311, %dma_wait3A_312, %dma_wait3A_313] : memref<5x128x128xf32, #tpu.memory_space<vmem>> -> memref<1x128x128xf32, #tpu.memory_space<vmem>>
        %dma_wait3A_315 = tpu.memref_squeeze %dma_wait3A_314 : memref<1x128x128xf32, #tpu.memory_space<vmem>> -> memref<128x128xf32, #tpu.memory_space<vmem>>
        %dma_wait3A_316 = arith.constant 0 : i32
        %dma_wait3A_317 = tpu.memref_slice %arg4[%mul3A_2, %dma_wait3A_316] : memref<204800x128xf32, #tpu.memory_space<hbm>> -> memref<128x128xf32, #tpu.memory_space<hbm>>
        %dma_wait3A_318 = arith.constant 0 : i32
        %dma_wait3A_319 = tpu.memref_slice %arg4[%mul3A_2, %dma_wait3A_318] : memref<204800x128xf32, #tpu.memory_space<hbm>> -> memref<128x128xf32, #tpu.memory_space<hbm>>
        %dma_wait3A_320 = arith.constant 0 : i32
        %dma_wait3A_321 = arith.constant 0 : i32
        %dma_wait3A_322 = tpu.memref_slice %arg6[%dma_wait3A_311, %dma_wait3A_320, %dma_wait3A_321] : memref<5x128x128xf32, #tpu.memory_space<vmem>> -> memref<1x128x128xf32, #tpu.memory_space<vmem>>
        %dma_wait3A_323 = tpu.memref_squeeze %dma_wait3A_322 : memref<1x128x128xf32, #tpu.memory_space<vmem>> -> memref<128x128xf32, #tpu.memory_space<vmem>>
        tpu.wait_dma2 semaphore(%arg16 : memref<!tpu.dma_semaphore, #tpu.memory_space<semaphore_mem>>) src(%dma_wait3A_323 : memref<128x128xf32, #tpu.memory_space<vmem>>) dst(%dma_wait3A_319 : memref<128x128xf32, #tpu.memory_space<hbm>>)
      } else {
      }
      %add3A_133 = arith.constant 5 : i32
      %add3A_134 = arith.addi %add3A_116, %add3A_133 : i32
      %sub3A_135 = arith.constant 2 : i32
      %sub3A_136 = arith.subi %add3A_134, %sub3A_135 : i32
      %lt3A_137 = arith.constant 50 : i32
      %lt3A_138 = arith.cmpi slt, %sub3A_136, %lt3A_137 : i32
      %convert_element_type3A_139 = arith.extui %lt3A_138 : i1 to i32
      %cond3A_140 = arith.constant 0 : i32
      %cond3A_141 = arith.cmpi ne, %convert_element_type3A_139, %cond3A_140 : i32
      scf.if %cond3A_141 {
        %add3A_311 = arith.constant 5 : i32
        %add3A_312 = arith.addi %add3A_116, %add3A_311 : i32
        %sub3A_313 = arith.constant 2 : i32
        %sub3A_314 = arith.subi %add3A_312, %sub3A_313 : i32
        %dma_start3A_315 = arith.constant 4 : i32
        %dma_start3A_316 = arith.constant 0 : i32
        %dma_start3A_317 = arith.constant 0 : i32
        %dma_start3A_318 = tpu.memref_slice %arg6[%dma_start3A_315, %dma_start3A_316, %dma_start3A_317] : memref<5x128x128xf32, #tpu.memory_space<vmem>> -> memref<1x128x128xf32, #tpu.memory_space<vmem>>
        %dma_start3A_319 = tpu.memref_squeeze %dma_start3A_318 : memref<1x128x128xf32, #tpu.memory_space<vmem>> -> memref<128x128xf32, #tpu.memory_space<vmem>>
        %dma_start3A_320 = arith.constant 0 : i32
        %dma_start3A_321 = tpu.memref_slice %arg5[%sub3A_314, %dma_start3A_320] : memref<50x128xi32, #tpu.memory_space<vmem>> -> memref<1x128xi32, #tpu.memory_space<vmem>>
        %dma_start3A_322 = tpu.memref_squeeze %dma_start3A_321 : memref<1x128xi32, #tpu.memory_space<vmem>> -> memref<128xi32, #tpu.memory_space<vmem>>
        %dma_start3A_323 = arith.constant 0 : i32
        %dma_start3A_324 = arith.constant 0 : i32
        %dma_start3A_325 = tpu.memref_slice %arg2[%dma_start3A_323, %dma_start3A_324] : memref<1000000x128xf32, #tpu.memory_space<hbm>> -> memref<1000000x128xf32, #tpu.memory_space<hbm>>
        tpu.enqueue_indirect_dma source(%dma_start3A_325 : memref<1000000x128xf32, #tpu.memory_space<hbm>>) target(%dma_start3A_319 : memref<128x128xf32, #tpu.memory_space<vmem>>) offsets(%dma_start3A_322 : memref<128xi32, #tpu.memory_space<vmem>>) semaphore(%arg11 : memref<!tpu.dma_semaphore, #tpu.memory_space<semaphore_mem>>)
      } else {
      }
      %scan3A_142 = arith.constant 0 : i32
      %scan3A_143 = arith.constant 0 : i32
      %scan3A_144 = arith.constant 128 : i32
      %scan3A_145 = arith.addi %scan3A_143, %scan3A_144 : i32
      %scan3A_146 = arith.constant 4 : i32
      scf.for %scan3A_311 = %scan3A_143 to %scan3A_145 step %scan3A_146  : i32 {
        %get3A = arith.constant 1 : i32
        %get3A_312 = arith.index_cast %get3A : i32 to index
        %get3A_313 = arith.index_cast %scan3A_311 : i32 to index
        %get3A_314 = arith.constant 0 : index
        %get3A_315 = tpu.vector_load %arg6[%get3A_312, %get3A_313, %get3A_314] {strides = array<i32>} : memref<5x128x128xf32, #tpu.memory_space<vmem>>, vector<1x1x16xf32>,
        %get3A_316 = vector.shape_cast %get3A_315 : vector<1x1x16xf32> to vector<16xf32>
        %mul3A_317 = arith.constant 11.3137083 : f32
        %mul3A_318 = vector.broadcast %mul3A_317 : f32 to vector<16xf32>
        %mul3A_319 = arith.mulf %get3A_316, %mul3A_318 : vector<16xf32>
        %swap3A = arith.constant 1 : i32
        %swap3A_320 = arith.index_cast %swap3A : i32 to index
        %swap3A_321 = arith.index_cast %scan3A_311 : i32 to index
        %swap3A_322 = arith.constant 0 : index
        %swap3A_323 = tpu.vector_load %arg6[%swap3A_320, %swap3A_321, %swap3A_322] {strides = array<i32>} : memref<5x128x128xf32, #tpu.memory_space<vmem>>, vector<1x1x16xf32>,
        %swap3A_324 = vector.shape_cast %swap3A_323 : vector<1x1x16xf32> to vector<16xf32>
        %swap3A_325 = vector.shape_cast %mul3A_319 : vector<16xf32> to vector<1x1x16xf32>
        tpu.vector_store %arg6[%swap3A_320, %swap3A_321, %swap3A_322], %swap3A_325 {strides = array<i32>} : memref<5x128x128xf32, #tpu.memory_space<vmem>>, vector<1x1x16xf32>,
        %get3A_326 = arith.constant 1 : i32
        %get3A_327 = arith.index_cast %get3A_326 : i32 to index
        %get3A_328 = arith.index_cast %scan3A_311 : i32 to index
        %get3A_329 = arith.constant 16 : index
        %get3A_330 = tpu.vector_load %arg6[%get3A_327, %get3A_328, %get3A_329] {strides = array<i32>} : memref<5x128x128xf32, #tpu.memory_space<vmem>>, vector<1x1x16xf32>,
        %get3A_331 = vector.shape_cast %get3A_330 : vector<1x1x16xf32> to vector<16xf32>
        %mul3A_332 = arith.constant 11.3137083 : f32
        %mul3A_333 = vector.broadcast %mul3A_332 : f32 to vector<16xf32>
        %mul3A_334 = arith.mulf %get3A_331, %mul3A_333 : vector<16xf32>
        %swap3A_335 = arith.constant 1 : i32
        %swap3A_336 = arith.index_cast %swap3A_335 : i32 to index
        %swap3A_337 = arith.index_cast %scan3A_311 : i32 to index
        %swap3A_338 = arith.constant 16 : index
        %swap3A_339 = tpu.vector_load %arg6[%swap3A_336, %swap3A_337, %swap3A_338] {strides = array<i32>} : memref<5x128x128xf32, #tpu.memory_space<vmem>>, vector<1x1x16xf32>,
        %swap3A_340 = vector.shape_cast %swap3A_339 : vector<1x1x16xf32> to vector<16xf32>
        %swap3A_341 = vector.shape_cast %mul3A_334 : vector<16xf32> to vector<1x1x16xf32>
        tpu.vector_store %arg6[%swap3A_336, %swap3A_337, %swap3A_338], %swap3A_341 {strides = array<i32>} : memref<5x128x128xf32, #tpu.memory_space<vmem>>, vector<1x1x16xf32>,
        %get3A_342 = arith.constant 1 : i32
        %get3A_343 = arith.index_cast %get3A_342 : i32 to index
        %get3A_344 = arith.index_cast %scan3A_311 : i32 to index
        %get3A_345 = arith.constant 32 : index
        %get3A_346 = tpu.vector_load %arg6[%get3A_343, %get3A_344, %get3A_345] {strides = array<i32>} : memref<5x128x128xf32, #tpu.memory_space<vmem>>, vector<1x1x16xf32>,
        %get3A_347 = vector.shape_cast %get3A_346 : vector<1x1x16xf32> to vector<16xf32>
        %mul3A_348 = arith.constant 11.3137083 : f32
        %mul3A_349 = vector.broadcast %mul3A_348 : f32 to vector<16xf32>
        %mul3A_350 = arith.mulf %get3A_347, %mul3A_349 : vector<16xf32>
        %swap3A_351 = arith.constant 1 : i32
        %swap3A_352 = arith.index_cast %swap3A_351 : i32 to index
        %swap3A_353 = arith.index_cast %scan3A_311 : i32 to index
        %swap3A_354 = arith.constant 32 : index
        %swap3A_355 = tpu.vector_load %arg6[%swap3A_352, %swap3A_353, %swap3A_354] {strides = array<i32>} : memref<5x128x128xf32, #tpu.memory_space<vmem>>, vector<1x1x16xf32>,
        %swap3A_356 = vector.shape_cast %swap3A_355 : vector<1x1x16xf32> to vector<16xf32>
        %swap3A_357 = vector.shape_cast %mul3A_350 : vector<16xf32> to vector<1x1x16xf32>
        tpu.vector_store %arg6[%swap3A_352, %swap3A_353, %swap3A_354], %swap3A_357 {strides = array<i32>} : memref<5x128x128xf32, #tpu.memory_space<vmem>>, vector<1x1x16xf32>,
        %get3A_358 = arith.constant 1 : i32
        %get3A_359 = arith.index_cast %get3A_358 : i32 to index
        %get3A_360 = arith.index_cast %scan3A_311 : i32 to index
        %get3A_361 = arith.constant 48 : index
        %get3A_362 = tpu.vector_load %arg6[%get3A_359, %get3A_360, %get3A_361] {strides = array<i32>} : memref<5x128x128xf32, #tpu.memory_space<vmem>>, vector<1x1x16xf32>,
        %get3A_363 = vector.shape_cast %get3A_362 : vector<1x1x16xf32> to vector<16xf32>
        %mul3A_364 = arith.constant 11.3137083 : f32
        %mul3A_365 = vector.broadcast %mul3A_364 : f32 to vector<16xf32>
        %mul3A_366 = arith.mulf %get3A_363, %mul3A_365 : vector<16xf32>
        %swap3A_367 = arith.constant 1 : i32
        %swap3A_368 = arith.index_cast %swap3A_367 : i32 to index
        %swap3A_369 = arith.index_cast %scan3A_311 : i32 to index
        %swap3A_370 = arith.constant 48 : index
        %swap3A_371 = tpu.vector_load %arg6[%swap3A_368, %swap3A_369, %swap3A_370] {strides = array<i32>} : memref<5x128x128xf32, #tpu.memory_space<vmem>>, vector<1x1x16xf32>,
        %swap3A_372 = vector.shape_cast %swap3A_371 : vector<1x1x16xf32> to vector<16xf32>
        %swap3A_373 = vector.shape_cast %mul3A_366 : vector<16xf32> to vector<1x1x16xf32>
        tpu.vector_store %arg6[%swap3A_368, %swap3A_369, %swap3A_370], %swap3A_373 {strides = array<i32>} : memref<5x128x128xf32, #tpu.memory_space<vmem>>, vector<1x1x16xf32>,
        %get3A_374 = arith.constant 1 : i32
        %get3A_375 = arith.index_cast %get3A_374 : i32 to index
        %get3A_376 = arith.index_cast %scan3A_311 : i32 to index
        %get3A_377 = arith.constant 64 : index
        %get3A_378 = tpu.vector_load %arg6[%get3A_375, %get3A_376, %get3A_377] {strides = array<i32>} : memref<5x128x128xf32, #tpu.memory_space<vmem>>, vector<1x1x16xf32>,
        %get3A_379 = vector.shape_cast %get3A_378 : vector<1x1x16xf32> to vector<16xf32>
        %mul3A_380 = arith.constant 11.3137083 : f32
        %mul3A_381 = vector.broadcast %mul3A_380 : f32 to vector<16xf32>
        %mul3A_382 = arith.mulf %get3A_379, %mul3A_381 : vector<16xf32>
        %swap3A_383 = arith.constant 1 : i32
        %swap3A_384 = arith.index_cast %swap3A_383 : i32 to index
        %swap3A_385 = arith.index_cast %scan3A_311 : i32 to index
        %swap3A_386 = arith.constant 64 : index
        %swap3A_387 = tpu.vector_load %arg6[%swap3A_384, %swap3A_385, %swap3A_386] {strides = array<i32>} : memref<5x128x128xf32, #tpu.memory_space<vmem>>, vector<1x1x16xf32>,
        %swap3A_388 = vector.shape_cast %swap3A_387 : vector<1x1x16xf32> to vector<16xf32>
        %swap3A_389 = vector.shape_cast %mul3A_382 : vector<16xf32> to vector<1x1x16xf32>
        tpu.vector_store %arg6[%swap3A_384, %swap3A_385, %swap3A_386], %swap3A_389 {strides = array<i32>} : memref<5x128x128xf32, #tpu.memory_space<vmem>>, vector<1x1x16xf32>,
        %get3A_390 = arith.constant 1 : i32
        %get3A_391 = arith.index_cast %get3A_390 : i32 to index
        %get3A_392 = arith.index_cast %scan3A_311 : i32 to index
        %get3A_393 = arith.constant 80 : index
        %get3A_394 = tpu.vector_load %arg6[%get3A_391, %get3A_392, %get3A_393] {strides = array<i32>} : memref<5x128x128xf32, #tpu.memory_space<vmem>>, vector<1x1x16xf32>,
        %get3A_395 = vector.shape_cast %get3A_394 : vector<1x1x16xf32> to vector<16xf32>
        %mul3A_396 = arith.constant 11.3137083 : f32
        %mul3A_397 = vector.broadcast %mul3A_396 : f32 to vector<16xf32>
        %mul3A_398 = arith.mulf %get3A_395, %mul3A_397 : vector<16xf32>
        %swap3A_399 = arith.constant 1 : i32
        %swap3A_400 = arith.index_cast %swap3A_399 : i32 to index
        %swap3A_401 = arith.index_cast %scan3A_311 : i32 to index
        %swap3A_402 = arith.constant 80 : index
        %swap3A_403 = tpu.vector_load %arg6[%swap3A_400, %swap3A_401, %swap3A_402] {strides = array<i32>} : memref<5x128x128xf32, #tpu.memory_space<vmem>>, vector<1x1x16xf32>,
        %swap3A_404 = vector.shape_cast %swap3A_403 : vector<1x1x16xf32> to vector<16xf32>
        %swap3A_405 = vector.shape_cast %mul3A_398 : vector<16xf32> to vector<1x1x16xf32>
        tpu.vector_store %arg6[%swap3A_400, %swap3A_401, %swap3A_402], %swap3A_405 {strides = array<i32>} : memref<5x128x128xf32, #tpu.memory_space<vmem>>, vector<1x1x16xf32>,
        %get3A_406 = arith.constant 1 : i32
        %get3A_407 = arith.index_cast %get3A_406 : i32 to index
        %get3A_408 = arith.index_cast %scan3A_311 : i32 to index
        %get3A_409 = arith.constant 96 : index
        %get3A_410 = tpu.vector_load %arg6[%get3A_407, %get3A_408, %get3A_409] {strides = array<i32>} : memref<5x128x128xf32, #tpu.memory_space<vmem>>, vector<1x1x16xf32>,
        %get3A_411 = vector.shape_cast %get3A_410 : vector<1x1x16xf32> to vector<16xf32>
        %mul3A_412 = arith.constant 11.3137083 : f32
        %mul3A_413 = vector.broadcast %mul3A_412 : f32 to vector<16xf32>
        %mul3A_414 = arith.mulf %get3A_411, %mul3A_413 : vector<16xf32>
        %swap3A_415 = arith.constant 1 : i32
        %swap3A_416 = arith.index_cast %swap3A_415 : i32 to index
        %swap3A_417 = arith.index_cast %scan3A_311 : i32 to index
        %swap3A_418 = arith.constant 96 : index
        %swap3A_419 = tpu.vector_load %arg6[%swap3A_416, %swap3A_417, %swap3A_418] {strides = array<i32>} : memref<5x128x128xf32, #tpu.memory_space<vmem>>, vector<1x1x16xf32>,
        %swap3A_420 = vector.shape_cast %swap3A_419 : vector<1x1x16xf32> to vector<16xf32>
        %swap3A_421 = vector.shape_cast %mul3A_414 : vector<16xf32> to vector<1x1x16xf32>
        tpu.vector_store %arg6[%swap3A_416, %swap3A_417, %swap3A_418], %swap3A_421 {strides = array<i32>} : memref<5x128x128xf32, #tpu.memory_space<vmem>>, vector<1x1x16xf32>,
        %get3A_422 = arith.constant 1 : i32
        %get3A_423 = arith.index_cast %get3A_422 : i32 to index
        %get3A_424 = arith.index_cast %scan3A_311 : i32 to index
        %get3A_425 = arith.constant 112 : index
        %get3A_426 = tpu.vector_load %arg6[%get3A_423, %get3A_424, %get3A_425] {strides = array<i32>} : memref<5x128x128xf32, #tpu.memory_space<vmem>>, vector<1x1x16xf32>,
        %get3A_427 = vector.shape_cast %get3A_426 : vector<1x1x16xf32> to vector<16xf32>
        %mul3A_428 = arith.constant 11.3137083 : f32
        %mul3A_429 = vector.broadcast %mul3A_428 : f32 to vector<16xf32>
        %mul3A_430 = arith.mulf %get3A_427, %mul3A_429 : vector<16xf32>
        %swap3A_431 = arith.constant 1 : i32
        %swap3A_432 = arith.index_cast %swap3A_431 : i32 to index
        %swap3A_433 = arith.index_cast %scan3A_311 : i32 to index
        %swap3A_434 = arith.constant 112 : index
        %swap3A_435 = tpu.vector_load %arg6[%swap3A_432, %swap3A_433, %swap3A_434] {strides = array<i32>} : memref<5x128x128xf32, #tpu.memory_space<vmem>>, vector<1x1x16xf32>,
        %swap3A_436 = vector.shape_cast %swap3A_435 : vector<1x1x16xf32> to vector<16xf32>
        %swap3A_437 = vector.shape_cast %mul3A_430 : vector<16xf32> to vector<1x1x16xf32>
        tpu.vector_store %arg6[%swap3A_432, %swap3A_433, %swap3A_434], %swap3A_437 {strides = array<i32>} : memref<5x128x128xf32, #tpu.memory_space<vmem>>, vector<1x1x16xf32>,
        %scan3A_438 = arith.constant 1 : i32
        %scan3A_439 = arith.addi %scan3A_311, %scan3A_438 : i32
        %get3A_440 = arith.constant 1 : i32
        %get3A_441 = arith.index_cast %get3A_440 : i32 to index
        %get3A_442 = arith.index_cast %scan3A_439 : i32 to index
        %get3A_443 = arith.constant 0 : index
        %get3A_444 = tpu.vector_load %arg6[%get3A_441, %get3A_442, %get3A_443] {strides = array<i32>} : memref<5x128x128xf32, #tpu.memory_space<vmem>>, vector<1x1x16xf32>,
        %get3A_445 = vector.shape_cast %get3A_444 : vector<1x1x16xf32> to vector<16xf32>
        %mul3A_446 = arith.constant 11.3137083 : f32
        %mul3A_447 = vector.broadcast %mul3A_446 : f32 to vector<16xf32>
        %mul3A_448 = arith.mulf %get3A_445, %mul3A_447 : vector<16xf32>
        %swap3A_449 = arith.constant 1 : i32
        %swap3A_450 = arith.index_cast %swap3A_449 : i32 to index
        %swap3A_451 = arith.index_cast %scan3A_439 : i32 to index
        %swap3A_452 = arith.constant 0 : index
        %swap3A_453 = tpu.vector_load %arg6[%swap3A_450, %swap3A_451, %swap3A_452] {strides = array<i32>} : memref<5x128x128xf32, #tpu.memory_space<vmem>>, vector<1x1x16xf32>,
        %swap3A_454 = vector.shape_cast %swap3A_453 : vector<1x1x16xf32> to vector<16xf32>
        %swap3A_455 = vector.shape_cast %mul3A_448 : vector<16xf32> to vector<1x1x16xf32>
        tpu.vector_store %arg6[%swap3A_450, %swap3A_451, %swap3A_452], %swap3A_455 {strides = array<i32>} : memref<5x128x128xf32, #tpu.memory_space<vmem>>, vector<1x1x16xf32>,
        %get3A_456 = arith.constant 1 : i32
        %get3A_457 = arith.index_cast %get3A_456 : i32 to index
        %get3A_458 = arith.index_cast %scan3A_439 : i32 to index
        %get3A_459 = arith.constant 16 : index
        %get3A_460 = tpu.vector_load %arg6[%get3A_457, %get3A_458, %get3A_459] {strides = array<i32>} : memref<5x128x128xf32, #tpu.memory_space<vmem>>, vector<1x1x16xf32>,
        %get3A_461 = vector.shape_cast %get3A_460 : vector<1x1x16xf32> to vector<16xf32>
        %mul3A_462 = arith.constant 11.3137083 : f32
        %mul3A_463 = vector.broadcast %mul3A_462 : f32 to vector<16xf32>
        %mul3A_464 = arith.mulf %get3A_461, %mul3A_463 : vector<16xf32>
        %swap3A_465 = arith.constant 1 : i32
        %swap3A_466 = arith.index_cast %swap3A_465 : i32 to index
        %swap3A_467 = arith.index_cast %scan3A_439 : i32 to index
        %swap3A_468 = arith.constant 16 : index
        %swap3A_469 = tpu.vector_load %arg6[%swap3A_466, %swap3A_467, %swap3A_468] {strides = array<i32>} : memref<5x128x128xf32, #tpu.memory_space<vmem>>, vector<1x1x16xf32>,
        %swap3A_470 = vector.shape_cast %swap3A_469 : vector<1x1x16xf32> to vector<16xf32>
        %swap3A_471 = vector.shape_cast %mul3A_464 : vector<16xf32> to vector<1x1x16xf32>
        tpu.vector_store %arg6[%swap3A_466, %swap3A_467, %swap3A_468], %swap3A_471 {strides = array<i32>} : memref<5x128x128xf32, #tpu.memory_space<vmem>>, vector<1x1x16xf32>,
        %get3A_472 = arith.constant 1 : i32
        %get3A_473 = arith.index_cast %get3A_472 : i32 to index
        %get3A_474 = arith.index_cast %scan3A_439 : i32 to index
        %get3A_475 = arith.constant 32 : index
        %get3A_476 = tpu.vector_load %arg6[%get3A_473, %get3A_474, %get3A_475] {strides = array<i32>} : memref<5x128x128xf32, #tpu.memory_space<vmem>>, vector<1x1x16xf32>,
        %get3A_477 = vector.shape_cast %get3A_476 : vector<1x1x16xf32> to vector<16xf32>
        %mul3A_478 = arith.constant 11.3137083 : f32
        %mul3A_479 = vector.broadcast %mul3A_478 : f32 to vector<16xf32>
        %mul3A_480 = arith.mulf %get3A_477, %mul3A_479 : vector<16xf32>
        %swap3A_481 = arith.constant 1 : i32
        %swap3A_482 = arith.index_cast %swap3A_481 : i32 to index
        %swap3A_483 = arith.index_cast %scan3A_439 : i32 to index
        %swap3A_484 = arith.constant 32 : index
        %swap3A_485 = tpu.vector_load %arg6[%swap3A_482, %swap3A_483, %swap3A_484] {strides = array<i32>} : memref<5x128x128xf32, #tpu.memory_space<vmem>>, vector<1x1x16xf32>,
        %swap3A_486 = vector.shape_cast %swap3A_485 : vector<1x1x16xf32> to vector<16xf32>
        %swap3A_487 = vector.shape_cast %mul3A_480 : vector<16xf32> to vector<1x1x16xf32>
        tpu.vector_store %arg6[%swap3A_482, %swap3A_483, %swap3A_484], %swap3A_487 {strides = array<i32>} : memref<5x128x128xf32, #tpu.memory_space<vmem>>, vector<1x1x16xf32>,
        %get3A_488 = arith.constant 1 : i32
        %get3A_489 = arith.index_cast %get3A_488 : i32 to index
        %get3A_490 = arith.index_cast %scan3A_439 : i32 to index
        %get3A_491 = arith.constant 48 : index
        %get3A_492 = tpu.vector_load %arg6[%get3A_489, %get3A_490, %get3A_491] {strides = array<i32>} : memref<5x128x128xf32, #tpu.memory_space<vmem>>, vector<1x1x16xf32>,
        %get3A_493 = vector.shape_cast %get3A_492 : vector<1x1x16xf32> to vector<16xf32>
        %mul3A_494 = arith.constant 11.3137083 : f32
        %mul3A_495 = vector.broadcast %mul3A_494 : f32 to vector<16xf32>
        %mul3A_496 = arith.mulf %get3A_493, %mul3A_495 : vector<16xf32>
        %swap3A_497 = arith.constant 1 : i32
        %swap3A_498 = arith.index_cast %swap3A_497 : i32 to index
        %swap3A_499 = arith.index_cast %scan3A_439 : i32 to index
        %swap3A_500 = arith.constant 48 : index
        %swap3A_501 = tpu.vector_load %arg6[%swap3A_498, %swap3A_499, %swap3A_500] {strides = array<i32>} : memref<5x128x128xf32, #tpu.memory_space<vmem>>, vector<1x1x16xf32>,
        %swap3A_502 = vector.shape_cast %swap3A_501 : vector<1x1x16xf32> to vector<16xf32>
        %swap3A_503 = vector.shape_cast %mul3A_496 : vector<16xf32> to vector<1x1x16xf32>
        tpu.vector_store %arg6[%swap3A_498, %swap3A_499, %swap3A_500], %swap3A_503 {strides = array<i32>} : memref<5x128x128xf32, #tpu.memory_space<vmem>>, vector<1x1x16xf32>,
        %get3A_504 = arith.constant 1 : i32
        %get3A_505 = arith.index_cast %get3A_504 : i32 to index
        %get3A_506 = arith.index_cast %scan3A_439 : i32 to index
        %get3A_507 = arith.constant 64 : index
        %get3A_508 = tpu.vector_load %arg6[%get3A_505, %get3A_506, %get3A_507] {strides = array<i32>} : memref<5x128x128xf32, #tpu.memory_space<vmem>>, vector<1x1x16xf32>,
        %get3A_509 = vector.shape_cast %get3A_508 : vector<1x1x16xf32> to vector<16xf32>
        %mul3A_510 = arith.constant 11.3137083 : f32
        %mul3A_511 = vector.broadcast %mul3A_510 : f32 to vector<16xf32>
        %mul3A_512 = arith.mulf %get3A_509, %mul3A_511 : vector<16xf32>
        %swap3A_513 = arith.constant 1 : i32
        %swap3A_514 = arith.index_cast %swap3A_513 : i32 to index
        %swap3A_515 = arith.index_cast %scan3A_439 : i32 to index
        %swap3A_516 = arith.constant 64 : index
        %swap3A_517 = tpu.vector_load %arg6[%swap3A_514, %swap3A_515, %swap3A_516] {strides = array<i32>} : memref<5x128x128xf32, #tpu.memory_space<vmem>>, vector<1x1x16xf32>,
        %swap3A_518 = vector.shape_cast %swap3A_517 : vector<1x1x16xf32> to vector<16xf32>
        %swap3A_519 = vector.shape_cast %mul3A_512 : vector<16xf32> to vector<1x1x16xf32>
        tpu.vector_store %arg6[%swap3A_514, %swap3A_515, %swap3A_516], %swap3A_519 {strides = array<i32>} : memref<5x128x128xf32, #tpu.memory_space<vmem>>, vector<1x1x16xf32>,
        %get3A_520 = arith.constant 1 : i32
        %get3A_521 = arith.index_cast %get3A_520 : i32 to index
        %get3A_522 = arith.index_cast %scan3A_439 : i32 to index
        %get3A_523 = arith.constant 80 : index
        %get3A_524 = tpu.vector_load %arg6[%get3A_521, %get3A_522, %get3A_523] {strides = array<i32>} : memref<5x128x128xf32, #tpu.memory_space<vmem>>, vector<1x1x16xf32>,
        %get3A_525 = vector.shape_cast %get3A_524 : vector<1x1x16xf32> to vector<16xf32>
        %mul3A_526 = arith.constant 11.3137083 : f32
        %mul3A_527 = vector.broadcast %mul3A_526 : f32 to vector<16xf32>
        %mul3A_528 = arith.mulf %get3A_525, %mul3A_527 : vector<16xf32>
        %swap3A_529 = arith.constant 1 : i32
        %swap3A_530 = arith.index_cast %swap3A_529 : i32 to index
        %swap3A_531 = arith.index_cast %scan3A_439 : i32 to index
        %swap3A_532 = arith.constant 80 : index
        %swap3A_533 = tpu.vector_load %arg6[%swap3A_530, %swap3A_531, %swap3A_532] {strides = array<i32>} : memref<5x128x128xf32, #tpu.memory_space<vmem>>, vector<1x1x16xf32>,
        %swap3A_534 = vector.shape_cast %swap3A_533 : vector<1x1x16xf32> to vector<16xf32>
        %swap3A_535 = vector.shape_cast %mul3A_528 : vector<16xf32> to vector<1x1x16xf32>
        tpu.vector_store %arg6[%swap3A_530, %swap3A_531, %swap3A_532], %swap3A_535 {strides = array<i32>} : memref<5x128x128xf32, #tpu.memory_space<vmem>>, vector<1x1x16xf32>,
        %get3A_536 = arith.constant 1 : i32
        %get3A_537 = arith.index_cast %get3A_536 : i32 to index
        %get3A_538 = arith.index_cast %scan3A_439 : i32 to index
        %get3A_539 = arith.constant 96 : index
        %get3A_540 = tpu.vector_load %arg6[%get3A_537, %get3A_538, %get3A_539] {strides = array<i32>} : memref<5x128x128xf32, #tpu.memory_space<vmem>>, vector<1x1x16xf32>,
        %get3A_541 = vector.shape_cast %get3A_540 : vector<1x1x16xf32> to vector<16xf32>
        %mul3A_542 = arith.constant 11.3137083 : f32
        %mul3A_543 = vector.broadcast %mul3A_542 : f32 to vector<16xf32>
        %mul3A_544 = arith.mulf %get3A_541, %mul3A_543 : vector<16xf32>
        %swap3A_545 = arith.constant 1 : i32
        %swap3A_546 = arith.index_cast %swap3A_545 : i32 to index
        %swap3A_547 = arith.index_cast %scan3A_439 : i32 to index
        %swap3A_548 = arith.constant 96 : index
        %swap3A_549 = tpu.vector_load %arg6[%swap3A_546, %swap3A_547, %swap3A_548] {strides = array<i32>} : memref<5x128x128xf32, #tpu.memory_space<vmem>>, vector<1x1x16xf32>,
        %swap3A_550 = vector.shape_cast %swap3A_549 : vector<1x1x16xf32> to vector<16xf32>
        %swap3A_551 = vector.shape_cast %mul3A_544 : vector<16xf32> to vector<1x1x16xf32>
        tpu.vector_store %arg6[%swap3A_546, %swap3A_547, %swap3A_548], %swap3A_551 {strides = array<i32>} : memref<5x128x128xf32, #tpu.memory_space<vmem>>, vector<1x1x16xf32>,
        %get3A_552 = arith.constant 1 : i32
        %get3A_553 = arith.index_cast %get3A_552 : i32 to index
        %get3A_554 = arith.index_cast %scan3A_439 : i32 to index
        %get3A_555 = arith.constant 112 : index
        %get3A_556 = tpu.vector_load %arg6[%get3A_553, %get3A_554, %get3A_555] {strides = array<i32>} : memref<5x128x128xf32, #tpu.memory_space<vmem>>, vector<1x1x16xf32>,
        %get3A_557 = vector.shape_cast %get3A_556 : vector<1x1x16xf32> to vector<16xf32>
        %mul3A_558 = arith.constant 11.3137083 : f32
        %mul3A_559 = vector.broadcast %mul3A_558 : f32 to vector<16xf32>
        %mul3A_560 = arith.mulf %get3A_557, %mul3A_559 : vector<16xf32>
        %swap3A_561 = arith.constant 1 : i32
        %swap3A_562 = arith.index_cast %swap3A_561 : i32 to index
        %swap3A_563 = arith.index_cast %scan3A_439 : i32 to index
        %swap3A_564 = arith.constant 112 : index
        %swap3A_565 = tpu.vector_load %arg6[%swap3A_562, %swap3A_563, %swap3A_564] {strides = array<i32>} : memref<5x128x128xf32, #tpu.memory_space<vmem>>, vector<1x1x16xf32>,
        %swap3A_566 = vector.shape_cast %swap3A_565 : vector<1x1x16xf32> to vector<16xf32>
        %swap3A_567 = vector.shape_cast %mul3A_560 : vector<16xf32> to vector<1x1x16xf32>
        tpu.vector_store %arg6[%swap3A_562, %swap3A_563, %swap3A_564], %swap3A_567 {strides = array<i32>} : memref<5x128x128xf32, #tpu.memory_space<vmem>>, vector<1x1x16xf32>,
        %scan3A_568 = arith.constant 2 : i32
        %scan3A_569 = arith.addi %scan3A_311, %scan3A_568 : i32
        %get3A_570 = arith.constant 1 : i32
        %get3A_571 = arith.index_cast %get3A_570 : i32 to index
        %get3A_572 = arith.index_cast %scan3A_569 : i32 to index
        %get3A_573 = arith.constant 0 : index
        %get3A_574 = tpu.vector_load %arg6[%get3A_571, %get3A_572, %get3A_573] {strides = array<i32>} : memref<5x128x128xf32, #tpu.memory_space<vmem>>, vector<1x1x16xf32>,
        %get3A_575 = vector.shape_cast %get3A_574 : vector<1x1x16xf32> to vector<16xf32>
        %mul3A_576 = arith.constant 11.3137083 : f32
        %mul3A_577 = vector.broadcast %mul3A_576 : f32 to vector<16xf32>
        %mul3A_578 = arith.mulf %get3A_575, %mul3A_577 : vector<16xf32>
        %swap3A_579 = arith.constant 1 : i32
        %swap3A_580 = arith.index_cast %swap3A_579 : i32 to index
        %swap3A_581 = arith.index_cast %scan3A_569 : i32 to index
        %swap3A_582 = arith.constant 0 : index
        %swap3A_583 = tpu.vector_load %arg6[%swap3A_580, %swap3A_581, %swap3A_582] {strides = array<i32>} : memref<5x128x128xf32, #tpu.memory_space<vmem>>, vector<1x1x16xf32>,
        %swap3A_584 = vector.shape_cast %swap3A_583 : vector<1x1x16xf32> to vector<16xf32>
        %swap3A_585 = vector.shape_cast %mul3A_578 : vector<16xf32> to vector<1x1x16xf32>
        tpu.vector_store %arg6[%swap3A_580, %swap3A_581, %swap3A_582], %swap3A_585 {strides = array<i32>} : memref<5x128x128xf32, #tpu.memory_space<vmem>>, vector<1x1x16xf32>,
        %get3A_586 = arith.constant 1 : i32
        %get3A_587 = arith.index_cast %get3A_586 : i32 to index
        %get3A_588 = arith.index_cast %scan3A_569 : i32 to index
        %get3A_589 = arith.constant 16 : index
        %get3A_590 = tpu.vector_load %arg6[%get3A_587, %get3A_588, %get3A_589] {strides = array<i32>} : memref<5x128x128xf32, #tpu.memory_space<vmem>>, vector<1x1x16xf32>,
        %get3A_591 = vector.shape_cast %get3A_590 : vector<1x1x16xf32> to vector<16xf32>
        %mul3A_592 = arith.constant 11.3137083 : f32
        %mul3A_593 = vector.broadcast %mul3A_592 : f32 to vector<16xf32>
        %mul3A_594 = arith.mulf %get3A_591, %mul3A_593 : vector<16xf32>
        %swap3A_595 = arith.constant 1 : i32
        %swap3A_596 = arith.index_cast %swap3A_595 : i32 to index
        %swap3A_597 = arith.index_cast %scan3A_569 : i32 to index
        %swap3A_598 = arith.constant 16 : index
        %swap3A_599 = tpu.vector_load %arg6[%swap3A_596, %swap3A_597, %swap3A_598] {strides = array<i32>} : memref<5x128x128xf32, #tpu.memory_space<vmem>>, vector<1x1x16xf32>,
        %swap3A_600 = vector.shape_cast %swap3A_599 : vector<1x1x16xf32> to vector<16xf32>
        %swap3A_601 = vector.shape_cast %mul3A_594 : vector<16xf32> to vector<1x1x16xf32>
        tpu.vector_store %arg6[%swap3A_596, %swap3A_597, %swap3A_598], %swap3A_601 {strides = array<i32>} : memref<5x128x128xf32, #tpu.memory_space<vmem>>, vector<1x1x16xf32>,
        %get3A_602 = arith.constant 1 : i32
        %get3A_603 = arith.index_cast %get3A_602 : i32 to index
        %get3A_604 = arith.index_cast %scan3A_569 : i32 to index
        %get3A_605 = arith.constant 32 : index
        %get3A_606 = tpu.vector_load %arg6[%get3A_603, %get3A_604, %get3A_605] {strides = array<i32>} : memref<5x128x128xf32, #tpu.memory_space<vmem>>, vector<1x1x16xf32>,
        %get3A_607 = vector.shape_cast %get3A_606 : vector<1x1x16xf32> to vector<16xf32>
        %mul3A_608 = arith.constant 11.3137083 : f32
        %mul3A_609 = vector.broadcast %mul3A_608 : f32 to vector<16xf32>
        %mul3A_610 = arith.mulf %get3A_607, %mul3A_609 : vector<16xf32>
        %swap3A_611 = arith.constant 1 : i32
        %swap3A_612 = arith.index_cast %swap3A_611 : i32 to index
        %swap3A_613 = arith.index_cast %scan3A_569 : i32 to index
        %swap3A_614 = arith.constant 32 : index
        %swap3A_615 = tpu.vector_load %arg6[%swap3A_612, %swap3A_613, %swap3A_614] {strides = array<i32>} : memref<5x128x128xf32, #tpu.memory_space<vmem>>, vector<1x1x16xf32>,
        %swap3A_616 = vector.shape_cast %swap3A_615 : vector<1x1x16xf32> to vector<16xf32>
        %swap3A_617 = vector.shape_cast %mul3A_610 : vector<16xf32> to vector<1x1x16xf32>
        tpu.vector_store %arg6[%swap3A_612, %swap3A_613, %swap3A_614], %swap3A_617 {strides = array<i32>} : memref<5x128x128xf32, #tpu.memory_space<vmem>>, vector<1x1x16xf32>,
        %get3A_618 = arith.constant 1 : i32
        %get3A_619 = arith.index_cast %get3A_618 : i32 to index
        %get3A_620 = arith.index_cast %scan3A_569 : i32 to index
        %get3A_621 = arith.constant 48 : index
        %get3A_622 = tpu.vector_load %arg6[%get3A_619, %get3A_620, %get3A_621] {strides = array<i32>} : memref<5x128x128xf32, #tpu.memory_space<vmem>>, vector<1x1x16xf32>,
        %get3A_623 = vector.shape_cast %get3A_622 : vector<1x1x16xf32> to vector<16xf32>
        %mul3A_624 = arith.constant 11.3137083 : f32
        %mul3A_625 = vector.broadcast %mul3A_624 : f32 to vector<16xf32>
        %mul3A_626 = arith.mulf %get3A_623, %mul3A_625 : vector<16xf32>
        %swap3A_627 = arith.constant 1 : i32
        %swap3A_628 = arith.index_cast %swap3A_627 : i32 to index
        %swap3A_629 = arith.index_cast %scan3A_569 : i32 to index
        %swap3A_630 = arith.constant 48 : index
        %swap3A_631 = tpu.vector_load %arg6[%swap3A_628, %swap3A_629, %swap3A_630] {strides = array<i32>} : memref<5x128x128xf32, #tpu.memory_space<vmem>>, vector<1x1x16xf32>,
        %swap3A_632 = vector.shape_cast %swap3A_631 : vector<1x1x16xf32> to vector<16xf32>
        %swap3A_633 = vector.shape_cast %mul3A_626 : vector<16xf32> to vector<1x1x16xf32>
        tpu.vector_store %arg6[%swap3A_628, %swap3A_629, %swap3A_630], %swap3A_633 {strides = array<i32>} : memref<5x128x128xf32, #tpu.memory_space<vmem>>, vector<1x1x16xf32>,
        %get3A_634 = arith.constant 1 : i32
        %get3A_635 = arith.index_cast %get3A_634 : i32 to index
        %get3A_636 = arith.index_cast %scan3A_569 : i32 to index
        %get3A_637 = arith.constant 64 : index
        %get3A_638 = tpu.vector_load %arg6[%get3A_635, %get3A_636, %get3A_637] {strides = array<i32>} : memref<5x128x128xf32, #tpu.memory_space<vmem>>, vector<1x1x16xf32>,
        %get3A_639 = vector.shape_cast %get3A_638 : vector<1x1x16xf32> to vector<16xf32>
        %mul3A_640 = arith.constant 11.3137083 : f32
        %mul3A_641 = vector.broadcast %mul3A_640 : f32 to vector<16xf32>
        %mul3A_642 = arith.mulf %get3A_639, %mul3A_641 : vector<16xf32>
        %swap3A_643 = arith.constant 1 : i32
        %swap3A_644 = arith.index_cast %swap3A_643 : i32 to index
        %swap3A_645 = arith.index_cast %scan3A_569 : i32 to index
        %swap3A_646 = arith.constant 64 : index
        %swap3A_647 = tpu.vector_load %arg6[%swap3A_644, %swap3A_645, %swap3A_646] {strides = array<i32>} : memref<5x128x128xf32, #tpu.memory_space<vmem>>, vector<1x1x16xf32>,
        %swap3A_648 = vector.shape_cast %swap3A_647 : vector<1x1x16xf32> to vector<16xf32>
        %swap3A_649 = vector.shape_cast %mul3A_642 : vector<16xf32> to vector<1x1x16xf32>
        tpu.vector_store %arg6[%swap3A_644, %swap3A_645, %swap3A_646], %swap3A_649 {strides = array<i32>} : memref<5x128x128xf32, #tpu.memory_space<vmem>>, vector<1x1x16xf32>,
        %get3A_650 = arith.constant 1 : i32
        %get3A_651 = arith.index_cast %get3A_650 : i32 to index
        %get3A_652 = arith.index_cast %scan3A_569 : i32 to index
        %get3A_653 = arith.constant 80 : index
        %get3A_654 = tpu.vector_load %arg6[%get3A_651, %get3A_652, %get3A_653] {strides = array<i32>} : memref<5x128x128xf32, #tpu.memory_space<vmem>>, vector<1x1x16xf32>,
        %get3A_655 = vector.shape_cast %get3A_654 : vector<1x1x16xf32> to vector<16xf32>
        %mul3A_656 = arith.constant 11.3137083 : f32
        %mul3A_657 = vector.broadcast %mul3A_656 : f32 to vector<16xf32>
        %mul3A_658 = arith.mulf %get3A_655, %mul3A_657 : vector<16xf32>
        %swap3A_659 = arith.constant 1 : i32
        %swap3A_660 = arith.index_cast %swap3A_659 : i32 to index
        %swap3A_661 = arith.index_cast %scan3A_569 : i32 to index
        %swap3A_662 = arith.constant 80 : index
        %swap3A_663 = tpu.vector_load %arg6[%swap3A_660, %swap3A_661, %swap3A_662] {strides = array<i32>} : memref<5x128x128xf32, #tpu.memory_space<vmem>>, vector<1x1x16xf32>,
        %swap3A_664 = vector.shape_cast %swap3A_663 : vector<1x1x16xf32> to vector<16xf32>
        %swap3A_665 = vector.shape_cast %mul3A_658 : vector<16xf32> to vector<1x1x16xf32>
        tpu.vector_store %arg6[%swap3A_660, %swap3A_661, %swap3A_662], %swap3A_665 {strides = array<i32>} : memref<5x128x128xf32, #tpu.memory_space<vmem>>, vector<1x1x16xf32>,
        %get3A_666 = arith.constant 1 : i32
        %get3A_667 = arith.index_cast %get3A_666 : i32 to index
        %get3A_668 = arith.index_cast %scan3A_569 : i32 to index
        %get3A_669 = arith.constant 96 : index
        %get3A_670 = tpu.vector_load %arg6[%get3A_667, %get3A_668, %get3A_669] {strides = array<i32>} : memref<5x128x128xf32, #tpu.memory_space<vmem>>, vector<1x1x16xf32>,
        %get3A_671 = vector.shape_cast %get3A_670 : vector<1x1x16xf32> to vector<16xf32>
        %mul3A_672 = arith.constant 11.3137083 : f32
        %mul3A_673 = vector.broadcast %mul3A_672 : f32 to vector<16xf32>
        %mul3A_674 = arith.mulf %get3A_671, %mul3A_673 : vector<16xf32>
        %swap3A_675 = arith.constant 1 : i32
        %swap3A_676 = arith.index_cast %swap3A_675 : i32 to index
        %swap3A_677 = arith.index_cast %scan3A_569 : i32 to index
        %swap3A_678 = arith.constant 96 : index
        %swap3A_679 = tpu.vector_load %arg6[%swap3A_676, %swap3A_677, %swap3A_678] {strides = array<i32>} : memref<5x128x128xf32, #tpu.memory_space<vmem>>, vector<1x1x16xf32>,
        %swap3A_680 = vector.shape_cast %swap3A_679 : vector<1x1x16xf32> to vector<16xf32>
        %swap3A_681 = vector.shape_cast %mul3A_674 : vector<16xf32> to vector<1x1x16xf32>
        tpu.vector_store %arg6[%swap3A_676, %swap3A_677, %swap3A_678], %swap3A_681 {strides = array<i32>} : memref<5x128x128xf32, #tpu.memory_space<vmem>>, vector<1x1x16xf32>,
        %get3A_682 = arith.constant 1 : i32
        %get3A_683 = arith.index_cast %get3A_682 : i32 to index
        %get3A_684 = arith.index_cast %scan3A_569 : i32 to index
        %get3A_685 = arith.constant 112 : index
        %get3A_686 = tpu.vector_load %arg6[%get3A_683, %get3A_684, %get3A_685] {strides = array<i32>} : memref<5x128x128xf32, #tpu.memory_space<vmem>>, vector<1x1x16xf32>,
        %get3A_687 = vector.shape_cast %get3A_686 : vector<1x1x16xf32> to vector<16xf32>
        %mul3A_688 = arith.constant 11.3137083 : f32
        %mul3A_689 = vector.broadcast %mul3A_688 : f32 to vector<16xf32>
        %mul3A_690 = arith.mulf %get3A_687, %mul3A_689 : vector<16xf32>
        %swap3A_691 = arith.constant 1 : i32
        %swap3A_692 = arith.index_cast %swap3A_691 : i32 to index
        %swap3A_693 = arith.index_cast %scan3A_569 : i32 to index
        %swap3A_694 = arith.constant 112 : index
        %swap3A_695 = tpu.vector_load %arg6[%swap3A_692, %swap3A_693, %swap3A_694] {strides = array<i32>} : memref<5x128x128xf32, #tpu.memory_space<vmem>>, vector<1x1x16xf32>,
        %swap3A_696 = vector.shape_cast %swap3A_695 : vector<1x1x16xf32> to vector<16xf32>
        %swap3A_697 = vector.shape_cast %mul3A_690 : vector<16xf32> to vector<1x1x16xf32>
        tpu.vector_store %arg6[%swap3A_692, %swap3A_693, %swap3A_694], %swap3A_697 {strides = array<i32>} : memref<5x128x128xf32, #tpu.memory_space<vmem>>, vector<1x1x16xf32>,
        %scan3A_698 = arith.constant 3 : i32
        %scan3A_699 = arith.addi %scan3A_311, %scan3A_698 : i32
        %get3A_700 = arith.constant 1 : i32
        %get3A_701 = arith.index_cast %get3A_700 : i32 to index
        %get3A_702 = arith.index_cast %scan3A_699 : i32 to index
        %get3A_703 = arith.constant 0 : index
        %get3A_704 = tpu.vector_load %arg6[%get3A_701, %get3A_702, %get3A_703] {strides = array<i32>} : memref<5x128x128xf32, #tpu.memory_space<vmem>>, vector<1x1x16xf32>,
        %get3A_705 = vector.shape_cast %get3A_704 : vector<1x1x16xf32> to vector<16xf32>
        %mul3A_706 = arith.constant 11.3137083 : f32
        %mul3A_707 = vector.broadcast %mul3A_706 : f32 to vector<16xf32>
        %mul3A_708 = arith.mulf %get3A_705, %mul3A_707 : vector<16xf32>
        %swap3A_709 = arith.constant 1 : i32
        %swap3A_710 = arith.index_cast %swap3A_709 : i32 to index
        %swap3A_711 = arith.index_cast %scan3A_699 : i32 to index
        %swap3A_712 = arith.constant 0 : index
        %swap3A_713 = tpu.vector_load %arg6[%swap3A_710, %swap3A_711, %swap3A_712] {strides = array<i32>} : memref<5x128x128xf32, #tpu.memory_space<vmem>>, vector<1x1x16xf32>,
        %swap3A_714 = vector.shape_cast %swap3A_713 : vector<1x1x16xf32> to vector<16xf32>
        %swap3A_715 = vector.shape_cast %mul3A_708 : vector<16xf32> to vector<1x1x16xf32>
        tpu.vector_store %arg6[%swap3A_710, %swap3A_711, %swap3A_712], %swap3A_715 {strides = array<i32>} : memref<5x128x128xf32, #tpu.memory_space<vmem>>, vector<1x1x16xf32>,
        %get3A_716 = arith.constant 1 : i32
        %get3A_717 = arith.index_cast %get3A_716 : i32 to index
        %get3A_718 = arith.index_cast %scan3A_699 : i32 to index
        %get3A_719 = arith.constant 16 : index
        %get3A_720 = tpu.vector_load %arg6[%get3A_717, %get3A_718, %get3A_719] {strides = array<i32>} : memref<5x128x128xf32, #tpu.memory_space<vmem>>, vector<1x1x16xf32>,
        %get3A_721 = vector.shape_cast %get3A_720 : vector<1x1x16xf32> to vector<16xf32>
        %mul3A_722 = arith.constant 11.3137083 : f32
        %mul3A_723 = vector.broadcast %mul3A_722 : f32 to vector<16xf32>
        %mul3A_724 = arith.mulf %get3A_721, %mul3A_723 : vector<16xf32>
        %swap3A_725 = arith.constant 1 : i32
        %swap3A_726 = arith.index_cast %swap3A_725 : i32 to index
        %swap3A_727 = arith.index_cast %scan3A_699 : i32 to index
        %swap3A_728 = arith.constant 16 : index
        %swap3A_729 = tpu.vector_load %arg6[%swap3A_726, %swap3A_727, %swap3A_728] {strides = array<i32>} : memref<5x128x128xf32, #tpu.memory_space<vmem>>, vector<1x1x16xf32>,
        %swap3A_730 = vector.shape_cast %swap3A_729 : vector<1x1x16xf32> to vector<16xf32>
        %swap3A_731 = vector.shape_cast %mul3A_724 : vector<16xf32> to vector<1x1x16xf32>
        tpu.vector_store %arg6[%swap3A_726, %swap3A_727, %swap3A_728], %swap3A_731 {strides = array<i32>} : memref<5x128x128xf32, #tpu.memory_space<vmem>>, vector<1x1x16xf32>,
        %get3A_732 = arith.constant 1 : i32
        %get3A_733 = arith.index_cast %get3A_732 : i32 to index
        %get3A_734 = arith.index_cast %scan3A_699 : i32 to index
        %get3A_735 = arith.constant 32 : index
        %get3A_736 = tpu.vector_load %arg6[%get3A_733, %get3A_734, %get3A_735] {strides = array<i32>} : memref<5x128x128xf32, #tpu.memory_space<vmem>>, vector<1x1x16xf32>,
        %get3A_737 = vector.shape_cast %get3A_736 : vector<1x1x16xf32> to vector<16xf32>
        %mul3A_738 = arith.constant 11.3137083 : f32
        %mul3A_739 = vector.broadcast %mul3A_738 : f32 to vector<16xf32>
        %mul3A_740 = arith.mulf %get3A_737, %mul3A_739 : vector<16xf32>
        %swap3A_741 = arith.constant 1 : i32
        %swap3A_742 = arith.index_cast %swap3A_741 : i32 to index
        %swap3A_743 = arith.index_cast %scan3A_699 : i32 to index
        %swap3A_744 = arith.constant 32 : index
        %swap3A_745 = tpu.vector_load %arg6[%swap3A_742, %swap3A_743, %swap3A_744] {strides = array<i32>} : memref<5x128x128xf32, #tpu.memory_space<vmem>>, vector<1x1x16xf32>,
        %swap3A_746 = vector.shape_cast %swap3A_745 : vector<1x1x16xf32> to vector<16xf32>
        %swap3A_747 = vector.shape_cast %mul3A_740 : vector<16xf32> to vector<1x1x16xf32>
        tpu.vector_store %arg6[%swap3A_742, %swap3A_743, %swap3A_744], %swap3A_747 {strides = array<i32>} : memref<5x128x128xf32, #tpu.memory_space<vmem>>, vector<1x1x16xf32>,
        %get3A_748 = arith.constant 1 : i32
        %get3A_749 = arith.index_cast %get3A_748 : i32 to index
        %get3A_750 = arith.index_cast %scan3A_699 : i32 to index
        %get3A_751 = arith.constant 48 : index
        %get3A_752 = tpu.vector_load %arg6[%get3A_749, %get3A_750, %get3A_751] {strides = array<i32>} : memref<5x128x128xf32, #tpu.memory_space<vmem>>, vector<1x1x16xf32>,
        %get3A_753 = vector.shape_cast %get3A_752 : vector<1x1x16xf32> to vector<16xf32>
        %mul3A_754 = arith.constant 11.3137083 : f32
        %mul3A_755 = vector.broadcast %mul3A_754 : f32 to vector<16xf32>
        %mul3A_756 = arith.mulf %get3A_753, %mul3A_755 : vector<16xf32>
        %swap3A_757 = arith.constant 1 : i32
        %swap3A_758 = arith.index_cast %swap3A_757 : i32 to index
        %swap3A_759 = arith.index_cast %scan3A_699 : i32 to index
        %swap3A_760 = arith.constant 48 : index
        %swap3A_761 = tpu.vector_load %arg6[%swap3A_758, %swap3A_759, %swap3A_760] {strides = array<i32>} : memref<5x128x128xf32, #tpu.memory_space<vmem>>, vector<1x1x16xf32>,
        %swap3A_762 = vector.shape_cast %swap3A_761 : vector<1x1x16xf32> to vector<16xf32>
        %swap3A_763 = vector.shape_cast %mul3A_756 : vector<16xf32> to vector<1x1x16xf32>
        tpu.vector_store %arg6[%swap3A_758, %swap3A_759, %swap3A_760], %swap3A_763 {strides = array<i32>} : memref<5x128x128xf32, #tpu.memory_space<vmem>>, vector<1x1x16xf32>,
        %get3A_764 = arith.constant 1 : i32
        %get3A_765 = arith.index_cast %get3A_764 : i32 to index
        %get3A_766 = arith.index_cast %scan3A_699 : i32 to index
        %get3A_767 = arith.constant 64 : index
        %get3A_768 = tpu.vector_load %arg6[%get3A_765, %get3A_766, %get3A_767] {strides = array<i32>} : memref<5x128x128xf32, #tpu.memory_space<vmem>>, vector<1x1x16xf32>,
        %get3A_769 = vector.shape_cast %get3A_768 : vector<1x1x16xf32> to vector<16xf32>
        %mul3A_770 = arith.constant 11.3137083 : f32
        %mul3A_771 = vector.broadcast %mul3A_770 : f32 to vector<16xf32>
        %mul3A_772 = arith.mulf %get3A_769, %mul3A_771 : vector<16xf32>
        %swap3A_773 = arith.constant 1 : i32
        %swap3A_774 = arith.index_cast %swap3A_773 : i32 to index
        %swap3A_775 = arith.index_cast %scan3A_699 : i32 to index
        %swap3A_776 = arith.constant 64 : index
        %swap3A_777 = tpu.vector_load %arg6[%swap3A_774, %swap3A_775, %swap3A_776] {strides = array<i32>} : memref<5x128x128xf32, #tpu.memory_space<vmem>>, vector<1x1x16xf32>,
        %swap3A_778 = vector.shape_cast %swap3A_777 : vector<1x1x16xf32> to vector<16xf32>
        %swap3A_779 = vector.shape_cast %mul3A_772 : vector<16xf32> to vector<1x1x16xf32>
        tpu.vector_store %arg6[%swap3A_774, %swap3A_775, %swap3A_776], %swap3A_779 {strides = array<i32>} : memref<5x128x128xf32, #tpu.memory_space<vmem>>, vector<1x1x16xf32>,
        %get3A_780 = arith.constant 1 : i32
        %get3A_781 = arith.index_cast %get3A_780 : i32 to index
        %get3A_782 = arith.index_cast %scan3A_699 : i32 to index
        %get3A_783 = arith.constant 80 : index
        %get3A_784 = tpu.vector_load %arg6[%get3A_781, %get3A_782, %get3A_783] {strides = array<i32>} : memref<5x128x128xf32, #tpu.memory_space<vmem>>, vector<1x1x16xf32>,
        %get3A_785 = vector.shape_cast %get3A_784 : vector<1x1x16xf32> to vector<16xf32>
        %mul3A_786 = arith.constant 11.3137083 : f32
        %mul3A_787 = vector.broadcast %mul3A_786 : f32 to vector<16xf32>
        %mul3A_788 = arith.mulf %get3A_785, %mul3A_787 : vector<16xf32>
        %swap3A_789 = arith.constant 1 : i32
        %swap3A_790 = arith.index_cast %swap3A_789 : i32 to index
        %swap3A_791 = arith.index_cast %scan3A_699 : i32 to index
        %swap3A_792 = arith.constant 80 : index
        %swap3A_793 = tpu.vector_load %arg6[%swap3A_790, %swap3A_791, %swap3A_792] {strides = array<i32>} : memref<5x128x128xf32, #tpu.memory_space<vmem>>, vector<1x1x16xf32>,
        %swap3A_794 = vector.shape_cast %swap3A_793 : vector<1x1x16xf32> to vector<16xf32>
        %swap3A_795 = vector.shape_cast %mul3A_788 : vector<16xf32> to vector<1x1x16xf32>
        tpu.vector_store %arg6[%swap3A_790, %swap3A_791, %swap3A_792], %swap3A_795 {strides = array<i32>} : memref<5x128x128xf32, #tpu.memory_space<vmem>>, vector<1x1x16xf32>,
        %get3A_796 = arith.constant 1 : i32
        %get3A_797 = arith.index_cast %get3A_796 : i32 to index
        %get3A_798 = arith.index_cast %scan3A_699 : i32 to index
        %get3A_799 = arith.constant 96 : index
        %get3A_800 = tpu.vector_load %arg6[%get3A_797, %get3A_798, %get3A_799] {strides = array<i32>} : memref<5x128x128xf32, #tpu.memory_space<vmem>>, vector<1x1x16xf32>,
        %get3A_801 = vector.shape_cast %get3A_800 : vector<1x1x16xf32> to vector<16xf32>
        %mul3A_802 = arith.constant 11.3137083 : f32
        %mul3A_803 = vector.broadcast %mul3A_802 : f32 to vector<16xf32>
        %mul3A_804 = arith.mulf %get3A_801, %mul3A_803 : vector<16xf32>
        %swap3A_805 = arith.constant 1 : i32
        %swap3A_806 = arith.index_cast %swap3A_805 : i32 to index
        %swap3A_807 = arith.index_cast %scan3A_699 : i32 to index
        %swap3A_808 = arith.constant 96 : index
        %swap3A_809 = tpu.vector_load %arg6[%swap3A_806, %swap3A_807, %swap3A_808] {strides = array<i32>} : memref<5x128x128xf32, #tpu.memory_space<vmem>>, vector<1x1x16xf32>,
        %swap3A_810 = vector.shape_cast %swap3A_809 : vector<1x1x16xf32> to vector<16xf32>
        %swap3A_811 = vector.shape_cast %mul3A_804 : vector<16xf32> to vector<1x1x16xf32>
        tpu.vector_store %arg6[%swap3A_806, %swap3A_807, %swap3A_808], %swap3A_811 {strides = array<i32>} : memref<5x128x128xf32, #tpu.memory_space<vmem>>, vector<1x1x16xf32>,
        %get3A_812 = arith.constant 1 : i32
        %get3A_813 = arith.index_cast %get3A_812 : i32 to index
        %get3A_814 = arith.index_cast %scan3A_699 : i32 to index
        %get3A_815 = arith.constant 112 : index
        %get3A_816 = tpu.vector_load %arg6[%get3A_813, %get3A_814, %get3A_815] {strides = array<i32>} : memref<5x128x128xf32, #tpu.memory_space<vmem>>, vector<1x1x16xf32>,
        %get3A_817 = vector.shape_cast %get3A_816 : vector<1x1x16xf32> to vector<16xf32>
        %mul3A_818 = arith.constant 11.3137083 : f32
        %mul3A_819 = vector.broadcast %mul3A_818 : f32 to vector<16xf32>
        %mul3A_820 = arith.mulf %get3A_817, %mul3A_819 : vector<16xf32>
        %swap3A_821 = arith.constant 1 : i32
        %swap3A_822 = arith.index_cast %swap3A_821 : i32 to index
        %swap3A_823 = arith.index_cast %scan3A_699 : i32 to index
        %swap3A_824 = arith.constant 112 : index
        %swap3A_825 = tpu.vector_load %arg6[%swap3A_822, %swap3A_823, %swap3A_824] {strides = array<i32>} : memref<5x128x128xf32, #tpu.memory_space<vmem>>, vector<1x1x16xf32>,
        %swap3A_826 = vector.shape_cast %swap3A_825 : vector<1x1x16xf32> to vector<16xf32>
        %swap3A_827 = vector.shape_cast %mul3A_820 : vector<16xf32> to vector<1x1x16xf32>
        tpu.vector_store %arg6[%swap3A_822, %swap3A_823, %swap3A_824], %swap3A_827 {strides = array<i32>} : memref<5x128x128xf32, #tpu.memory_space<vmem>>, vector<1x1x16xf32>,
      }
      %scan3A_147 = arith.constant 128 : i32
      %mul3A_148 = arith.constant 128 : i32
      %mul3A_149 = arith.muli %add3A_116, %mul3A_148 : i32
      %add3A_150 = arith.addi %mul3A_2, %mul3A_149 : i32
      %dma_start3A_151 = arith.constant 1 : i32
      %dma_start3A_152 = arith.constant 0 : i32
      %dma_start3A_153 = arith.constant 0 : i32
      %dma_start3A_154 = tpu.memref_slice %arg6[%dma_start3A_151, %dma_start3A_152, %dma_start3A_153] : memref<5x128x128xf32, #tpu.memory_space<vmem>> -> memref<1x128x128xf32, #tpu.memory_space<vmem>>
      %dma_start3A_155 = tpu.memref_squeeze %dma_start3A_154 : memref<1x128x128xf32, #tpu.memory_space<vmem>> -> memref<128x128xf32, #tpu.memory_space<vmem>>
      %dma_start3A_156 = arith.constant 0 : i32
      %dma_start3A_157 = tpu.memref_slice %arg4[%add3A_150, %dma_start3A_156] : memref<204800x128xf32, #tpu.memory_space<hbm>> -> memref<128x128xf32, #tpu.memory_space<hbm>>
      %dma_start3A_158 = arith.constant 0 : i32
      %dma_start3A_159 = tpu.memref_slice %arg4[%add3A_150, %dma_start3A_158] : memref<204800x128xf32, #tpu.memory_space<hbm>> -> memref<128x128xf32, #tpu.memory_space<hbm>>
      %dma_start3A_160 = arith.constant 0 : i32
      %dma_start3A_161 = arith.constant 0 : i32
      %dma_start3A_162 = tpu.memref_slice %arg6[%dma_start3A_151, %dma_start3A_160, %dma_start3A_161] : memref<5x128x128xf32, #tpu.memory_space<vmem>> -> memref<1x128x128xf32, #tpu.memory_space<vmem>>
      %dma_start3A_163 = tpu.memref_squeeze %dma_start3A_162 : memref<1x128x128xf32, #tpu.memory_space<vmem>> -> memref<128x128xf32, #tpu.memory_space<vmem>>
      tpu.enqueue_dma source(%dma_start3A_163 : memref<128x128xf32, #tpu.memory_space<vmem>>) target(%dma_start3A_159 : memref<128x128xf32, #tpu.memory_space<hbm>>) target_semaphore(%arg13 : memref<!tpu.dma_semaphore, #tpu.memory_space<semaphore_mem>>)
      %add3A_164 = arith.constant 2 : i32
      %add3A_165 = arith.addi %mul3A_70, %add3A_164 : i32
      %dma_wait3A_166 = arith.constant 2 : i32
      %dma_wait3A_167 = arith.constant 0 : i32
      %dma_wait3A_168 = arith.constant 0 : i32
      %dma_wait3A_169 = tpu.memref_slice %arg6[%dma_wait3A_166, %dma_wait3A_167, %dma_wait3A_168] : memref<5x128x128xf32, #tpu.memory_space<vmem>> -> memref<1x128x128xf32, #tpu.memory_space<vmem>>
      %dma_wait3A_170 = tpu.memref_squeeze %dma_wait3A_169 : memref<1x128x128xf32, #tpu.memory_space<vmem>> -> memref<128x128xf32, #tpu.memory_space<vmem>>
      %dma_wait3A_171 = arith.constant 0 : i32
      %dma_wait3A_172 = tpu.memref_slice %arg5[%add3A_165, %dma_wait3A_171] : memref<50x128xi32, #tpu.memory_space<vmem>> -> memref<1x128xi32, #tpu.memory_space<vmem>>
      %dma_wait3A_173 = tpu.memref_squeeze %dma_wait3A_172 : memref<1x128xi32, #tpu.memory_space<vmem>> -> memref<128xi32, #tpu.memory_space<vmem>>
      %dma_wait3A_174 = arith.constant 0 : i32
      %dma_wait3A_175 = arith.constant 0 : i32
      %dma_wait3A_176 = tpu.memref_slice %arg2[%dma_wait3A_174, %dma_wait3A_175] : memref<1000000x128xf32, #tpu.memory_space<hbm>> -> memref<1000000x128xf32, #tpu.memory_space<hbm>>
      tpu.wait_indirect_dma semaphore(%arg9 : memref<!tpu.dma_semaphore, #tpu.memory_space<semaphore_mem>>) src(%dma_wait3A_176 : memref<1000000x128xf32, #tpu.memory_space<hbm>>) dst(%dma_wait3A_170 : memref<128x128xf32, #tpu.memory_space<vmem>>)
      %ge3A_177 = arith.constant 2 : i32
      %ge3A_178 = arith.cmpi sge, %add3A_165, %ge3A_177 : i32
      %convert_element_type3A_179 = arith.extui %ge3A_178 : i1 to i32
      %cond3A_180 = arith.constant 0 : i32
      %cond3A_181 = arith.cmpi ne, %convert_element_type3A_179, %cond3A_180 : i32
      scf.if %cond3A_181 {
        %dma_wait3A_311 = arith.constant 0 : i32
        %dma_wait3A_312 = arith.constant 0 : i32
        %dma_wait3A_313 = arith.constant 0 : i32
        %dma_wait3A_314 = tpu.memref_slice %arg6[%dma_wait3A_311, %dma_wait3A_312, %dma_wait3A_313] : memref<5x128x128xf32, #tpu.memory_space<vmem>> -> memref<1x128x128xf32, #tpu.memory_space<vmem>>
        %dma_wait3A_315 = tpu.memref_squeeze %dma_wait3A_314 : memref<1x128x128xf32, #tpu.memory_space<vmem>> -> memref<128x128xf32, #tpu.memory_space<vmem>>
        %dma_wait3A_316 = arith.constant 0 : i32
        %dma_wait3A_317 = tpu.memref_slice %arg4[%mul3A_2, %dma_wait3A_316] : memref<204800x128xf32, #tpu.memory_space<hbm>> -> memref<128x128xf32, #tpu.memory_space<hbm>>
        %dma_wait3A_318 = arith.constant 0 : i32
        %dma_wait3A_319 = tpu.memref_slice %arg4[%mul3A_2, %dma_wait3A_318] : memref<204800x128xf32, #tpu.memory_space<hbm>> -> memref<128x128xf32, #tpu.memory_space<hbm>>
        %dma_wait3A_320 = arith.constant 0 : i32
        %dma_wait3A_321 = arith.constant 0 : i32
        %dma_wait3A_322 = tpu.memref_slice %arg6[%dma_wait3A_311, %dma_wait3A_320, %dma_wait3A_321] : memref<5x128x128xf32, #tpu.memory_space<vmem>> -> memref<1x128x128xf32, #tpu.memory_space<vmem>>
        %dma_wait3A_323 = tpu.memref_squeeze %dma_wait3A_322 : memref<1x128x128xf32, #tpu.memory_space<vmem>> -> memref<128x128xf32, #tpu.memory_space<vmem>>
        tpu.wait_dma2 semaphore(%arg12 : memref<!tpu.dma_semaphore, #tpu.memory_space<semaphore_mem>>) src(%dma_wait3A_323 : memref<128x128xf32, #tpu.memory_space<vmem>>) dst(%dma_wait3A_319 : memref<128x128xf32, #tpu.memory_space<hbm>>)
      } else {
      }
      %add3A_182 = arith.constant 5 : i32
      %add3A_183 = arith.addi %add3A_165, %add3A_182 : i32
      %sub3A_184 = arith.constant 2 : i32
      %sub3A_185 = arith.subi %add3A_183, %sub3A_184 : i32
      %lt3A_186 = arith.constant 50 : i32
      %lt3A_187 = arith.cmpi slt, %sub3A_185, %lt3A_186 : i32
      %convert_element_type3A_188 = arith.extui %lt3A_187 : i1 to i32
      %cond3A_189 = arith.constant 0 : i32
      %cond3A_190 = arith.cmpi ne, %convert_element_type3A_188, %cond3A_189 : i32
      scf.if %cond3A_190 {
        %add3A_311 = arith.constant 5 : i32
        %add3A_312 = arith.addi %add3A_165, %add3A_311 : i32
        %sub3A_313 = arith.constant 2 : i32
        %sub3A_314 = arith.subi %add3A_312, %sub3A_313 : i32
        %dma_start3A_315 = arith.constant 0 : i32
        %dma_start3A_316 = arith.constant 0 : i32
        %dma_start3A_317 = arith.constant 0 : i32
        %dma_start3A_318 = tpu.memref_slice %arg6[%dma_start3A_315, %dma_start3A_316, %dma_start3A_317] : memref<5x128x128xf32, #tpu.memory_space<vmem>> -> memref<1x128x128xf32, #tpu.memory_space<vmem>>
        %dma_start3A_319 = tpu.memref_squeeze %dma_start3A_318 : memref<1x128x128xf32, #tpu.memory_space<vmem>> -> memref<128x128xf32, #tpu.memory_space<vmem>>
        %dma_start3A_320 = arith.constant 0 : i32
        %dma_start3A_321 = tpu.memref_slice %arg5[%sub3A_314, %dma_start3A_320] : memref<50x128xi32, #tpu.memory_space<vmem>> -> memref<1x128xi32, #tpu.memory_space<vmem>>
        %dma_start3A_322 = tpu.memref_squeeze %dma_start3A_321 : memref<1x128xi32, #tpu.memory_space<vmem>> -> memref<128xi32, #tpu.memory_space<vmem>>
        %dma_start3A_323 = arith.constant 0 : i32
        %dma_start3A_324 = arith.constant 0 : i32
        %dma_start3A_325 = tpu.memref_slice %arg2[%dma_start3A_323, %dma_start3A_324] : memref<1000000x128xf32, #tpu.memory_space<hbm>> -> memref<1000000x128xf32, #tpu.memory_space<hbm>>
        tpu.enqueue_indirect_dma source(%dma_start3A_325 : memref<1000000x128xf32, #tpu.memory_space<hbm>>) target(%dma_start3A_319 : memref<128x128xf32, #tpu.memory_space<vmem>>) offsets(%dma_start3A_322 : memref<128xi32, #tpu.memory_space<vmem>>) semaphore(%arg7 : memref<!tpu.dma_semaphore, #tpu.memory_space<semaphore_mem>>)
      } else {
      }
      %scan3A_191 = arith.constant 0 : i32
      %scan3A_192 = arith.constant 0 : i32
      %scan3A_193 = arith.constant 128 : i32
      %scan3A_194 = arith.addi %scan3A_192, %scan3A_193 : i32
      %scan3A_195 = arith.constant 4 : i32
      scf.for %scan3A_311 = %scan3A_192 to %scan3A_194 step %scan3A_195  : i32 {
        %get3A = arith.constant 2 : i32
        %get3A_312 = arith.index_cast %get3A : i32 to index
        %get3A_313 = arith.index_cast %scan3A_311 : i32 to index
        %get3A_314 = arith.constant 0 : index
        %get3A_315 = tpu.vector_load %arg6[%get3A_312, %get3A_313, %get3A_314] {strides = array<i32>} : memref<5x128x128xf32, #tpu.memory_space<vmem>>, vector<1x1x16xf32>,
        %get3A_316 = vector.shape_cast %get3A_315 : vector<1x1x16xf32> to vector<16xf32>
        %mul3A_317 = arith.constant 11.3137083 : f32
        %mul3A_318 = vector.broadcast %mul3A_317 : f32 to vector<16xf32>
        %mul3A_319 = arith.mulf %get3A_316, %mul3A_318 : vector<16xf32>
        %swap3A = arith.constant 2 : i32
        %swap3A_320 = arith.index_cast %swap3A : i32 to index
        %swap3A_321 = arith.index_cast %scan3A_311 : i32 to index
        %swap3A_322 = arith.constant 0 : index
        %swap3A_323 = tpu.vector_load %arg6[%swap3A_320, %swap3A_321, %swap3A_322] {strides = array<i32>} : memref<5x128x128xf32, #tpu.memory_space<vmem>>, vector<1x1x16xf32>,
        %swap3A_324 = vector.shape_cast %swap3A_323 : vector<1x1x16xf32> to vector<16xf32>
        %swap3A_325 = vector.shape_cast %mul3A_319 : vector<16xf32> to vector<1x1x16xf32>
        tpu.vector_store %arg6[%swap3A_320, %swap3A_321, %swap3A_322], %swap3A_325 {strides = array<i32>} : memref<5x128x128xf32, #tpu.memory_space<vmem>>, vector<1x1x16xf32>,
        %get3A_326 = arith.constant 2 : i32
        %get3A_327 = arith.index_cast %get3A_326 : i32 to index
        %get3A_328 = arith.index_cast %scan3A_311 : i32 to index
        %get3A_329 = arith.constant 16 : index
        %get3A_330 = tpu.vector_load %arg6[%get3A_327, %get3A_328, %get3A_329] {strides = array<i32>} : memref<5x128x128xf32, #tpu.memory_space<vmem>>, vector<1x1x16xf32>,
        %get3A_331 = vector.shape_cast %get3A_330 : vector<1x1x16xf32> to vector<16xf32>
        %mul3A_332 = arith.constant 11.3137083 : f32
        %mul3A_333 = vector.broadcast %mul3A_332 : f32 to vector<16xf32>
        %mul3A_334 = arith.mulf %get3A_331, %mul3A_333 : vector<16xf32>
        %swap3A_335 = arith.constant 2 : i32
        %swap3A_336 = arith.index_cast %swap3A_335 : i32 to index
        %swap3A_337 = arith.index_cast %scan3A_311 : i32 to index
        %swap3A_338 = arith.constant 16 : index
        %swap3A_339 = tpu.vector_load %arg6[%swap3A_336, %swap3A_337, %swap3A_338] {strides = array<i32>} : memref<5x128x128xf32, #tpu.memory_space<vmem>>, vector<1x1x16xf32>,
        %swap3A_340 = vector.shape_cast %swap3A_339 : vector<1x1x16xf32> to vector<16xf32>
        %swap3A_341 = vector.shape_cast %mul3A_334 : vector<16xf32> to vector<1x1x16xf32>
        tpu.vector_store %arg6[%swap3A_336, %swap3A_337, %swap3A_338], %swap3A_341 {strides = array<i32>} : memref<5x128x128xf32, #tpu.memory_space<vmem>>, vector<1x1x16xf32>,
        %get3A_342 = arith.constant 2 : i32
        %get3A_343 = arith.index_cast %get3A_342 : i32 to index
        %get3A_344 = arith.index_cast %scan3A_311 : i32 to index
        %get3A_345 = arith.constant 32 : index
        %get3A_346 = tpu.vector_load %arg6[%get3A_343, %get3A_344, %get3A_345] {strides = array<i32>} : memref<5x128x128xf32, #tpu.memory_space<vmem>>, vector<1x1x16xf32>,
        %get3A_347 = vector.shape_cast %get3A_346 : vector<1x1x16xf32> to vector<16xf32>
        %mul3A_348 = arith.constant 11.3137083 : f32
        %mul3A_349 = vector.broadcast %mul3A_348 : f32 to vector<16xf32>
        %mul3A_350 = arith.mulf %get3A_347, %mul3A_349 : vector<16xf32>
        %swap3A_351 = arith.constant 2 : i32
        %swap3A_352 = arith.index_cast %swap3A_351 : i32 to index
        %swap3A_353 = arith.index_cast %scan3A_311 : i32 to index
        %swap3A_354 = arith.constant 32 : index
        %swap3A_355 = tpu.vector_load %arg6[%swap3A_352, %swap3A_353, %swap3A_354] {strides = array<i32>} : memref<5x128x128xf32, #tpu.memory_space<vmem>>, vector<1x1x16xf32>,
        %swap3A_356 = vector.shape_cast %swap3A_355 : vector<1x1x16xf32> to vector<16xf32>
        %swap3A_357 = vector.shape_cast %mul3A_350 : vector<16xf32> to vector<1x1x16xf32>
        tpu.vector_store %arg6[%swap3A_352, %swap3A_353, %swap3A_354], %swap3A_357 {strides = array<i32>} : memref<5x128x128xf32, #tpu.memory_space<vmem>>, vector<1x1x16xf32>,
        %get3A_358 = arith.constant 2 : i32
        %get3A_359 = arith.index_cast %get3A_358 : i32 to index
        %get3A_360 = arith.index_cast %scan3A_311 : i32 to index
        %get3A_361 = arith.constant 48 : index
        %get3A_362 = tpu.vector_load %arg6[%get3A_359, %get3A_360, %get3A_361] {strides = array<i32>} : memref<5x128x128xf32, #tpu.memory_space<vmem>>, vector<1x1x16xf32>,
        %get3A_363 = vector.shape_cast %get3A_362 : vector<1x1x16xf32> to vector<16xf32>
        %mul3A_364 = arith.constant 11.3137083 : f32
        %mul3A_365 = vector.broadcast %mul3A_364 : f32 to vector<16xf32>
        %mul3A_366 = arith.mulf %get3A_363, %mul3A_365 : vector<16xf32>
        %swap3A_367 = arith.constant 2 : i32
        %swap3A_368 = arith.index_cast %swap3A_367 : i32 to index
        %swap3A_369 = arith.index_cast %scan3A_311 : i32 to index
        %swap3A_370 = arith.constant 48 : index
        %swap3A_371 = tpu.vector_load %arg6[%swap3A_368, %swap3A_369, %swap3A_370] {strides = array<i32>} : memref<5x128x128xf32, #tpu.memory_space<vmem>>, vector<1x1x16xf32>,
        %swap3A_372 = vector.shape_cast %swap3A_371 : vector<1x1x16xf32> to vector<16xf32>
        %swap3A_373 = vector.shape_cast %mul3A_366 : vector<16xf32> to vector<1x1x16xf32>
        tpu.vector_store %arg6[%swap3A_368, %swap3A_369, %swap3A_370], %swap3A_373 {strides = array<i32>} : memref<5x128x128xf32, #tpu.memory_space<vmem>>, vector<1x1x16xf32>,
        %get3A_374 = arith.constant 2 : i32
        %get3A_375 = arith.index_cast %get3A_374 : i32 to index
        %get3A_376 = arith.index_cast %scan3A_311 : i32 to index
        %get3A_377 = arith.constant 64 : index
        %get3A_378 = tpu.vector_load %arg6[%get3A_375, %get3A_376, %get3A_377] {strides = array<i32>} : memref<5x128x128xf32, #tpu.memory_space<vmem>>, vector<1x1x16xf32>,
        %get3A_379 = vector.shape_cast %get3A_378 : vector<1x1x16xf32> to vector<16xf32>
        %mul3A_380 = arith.constant 11.3137083 : f32
        %mul3A_381 = vector.broadcast %mul3A_380 : f32 to vector<16xf32>
        %mul3A_382 = arith.mulf %get3A_379, %mul3A_381 : vector<16xf32>
        %swap3A_383 = arith.constant 2 : i32
        %swap3A_384 = arith.index_cast %swap3A_383 : i32 to index
        %swap3A_385 = arith.index_cast %scan3A_311 : i32 to index
        %swap3A_386 = arith.constant 64 : index
        %swap3A_387 = tpu.vector_load %arg6[%swap3A_384, %swap3A_385, %swap3A_386] {strides = array<i32>} : memref<5x128x128xf32, #tpu.memory_space<vmem>>, vector<1x1x16xf32>,
        %swap3A_388 = vector.shape_cast %swap3A_387 : vector<1x1x16xf32> to vector<16xf32>
        %swap3A_389 = vector.shape_cast %mul3A_382 : vector<16xf32> to vector<1x1x16xf32>
        tpu.vector_store %arg6[%swap3A_384, %swap3A_385, %swap3A_386], %swap3A_389 {strides = array<i32>} : memref<5x128x128xf32, #tpu.memory_space<vmem>>, vector<1x1x16xf32>,
        %get3A_390 = arith.constant 2 : i32
        %get3A_391 = arith.index_cast %get3A_390 : i32 to index
        %get3A_392 = arith.index_cast %scan3A_311 : i32 to index
        %get3A_393 = arith.constant 80 : index
        %get3A_394 = tpu.vector_load %arg6[%get3A_391, %get3A_392, %get3A_393] {strides = array<i32>} : memref<5x128x128xf32, #tpu.memory_space<vmem>>, vector<1x1x16xf32>,
        %get3A_395 = vector.shape_cast %get3A_394 : vector<1x1x16xf32> to vector<16xf32>
        %mul3A_396 = arith.constant 11.3137083 : f32
        %mul3A_397 = vector.broadcast %mul3A_396 : f32 to vector<16xf32>
        %mul3A_398 = arith.mulf %get3A_395, %mul3A_397 : vector<16xf32>
        %swap3A_399 = arith.constant 2 : i32
        %swap3A_400 = arith.index_cast %swap3A_399 : i32 to index
        %swap3A_401 = arith.index_cast %scan3A_311 : i32 to index
        %swap3A_402 = arith.constant 80 : index
        %swap3A_403 = tpu.vector_load %arg6[%swap3A_400, %swap3A_401, %swap3A_402] {strides = array<i32>} : memref<5x128x128xf32, #tpu.memory_space<vmem>>, vector<1x1x16xf32>,
        %swap3A_404 = vector.shape_cast %swap3A_403 : vector<1x1x16xf32> to vector<16xf32>
        %swap3A_405 = vector.shape_cast %mul3A_398 : vector<16xf32> to vector<1x1x16xf32>
        tpu.vector_store %arg6[%swap3A_400, %swap3A_401, %swap3A_402], %swap3A_405 {strides = array<i32>} : memref<5x128x128xf32, #tpu.memory_space<vmem>>, vector<1x1x16xf32>,
        %get3A_406 = arith.constant 2 : i32
        %get3A_407 = arith.index_cast %get3A_406 : i32 to index
        %get3A_408 = arith.index_cast %scan3A_311 : i32 to index
        %get3A_409 = arith.constant 96 : index
        %get3A_410 = tpu.vector_load %arg6[%get3A_407, %get3A_408, %get3A_409] {strides = array<i32>} : memref<5x128x128xf32, #tpu.memory_space<vmem>>, vector<1x1x16xf32>,
        %get3A_411 = vector.shape_cast %get3A_410 : vector<1x1x16xf32> to vector<16xf32>
        %mul3A_412 = arith.constant 11.3137083 : f32
        %mul3A_413 = vector.broadcast %mul3A_412 : f32 to vector<16xf32>
        %mul3A_414 = arith.mulf %get3A_411, %mul3A_413 : vector<16xf32>
        %swap3A_415 = arith.constant 2 : i32
        %swap3A_416 = arith.index_cast %swap3A_415 : i32 to index
        %swap3A_417 = arith.index_cast %scan3A_311 : i32 to index
        %swap3A_418 = arith.constant 96 : index
        %swap3A_419 = tpu.vector_load %arg6[%swap3A_416, %swap3A_417, %swap3A_418] {strides = array<i32>} : memref<5x128x128xf32, #tpu.memory_space<vmem>>, vector<1x1x16xf32>,
        %swap3A_420 = vector.shape_cast %swap3A_419 : vector<1x1x16xf32> to vector<16xf32>
        %swap3A_421 = vector.shape_cast %mul3A_414 : vector<16xf32> to vector<1x1x16xf32>
        tpu.vector_store %arg6[%swap3A_416, %swap3A_417, %swap3A_418], %swap3A_421 {strides = array<i32>} : memref<5x128x128xf32, #tpu.memory_space<vmem>>, vector<1x1x16xf32>,
        %get3A_422 = arith.constant 2 : i32
        %get3A_423 = arith.index_cast %get3A_422 : i32 to index
        %get3A_424 = arith.index_cast %scan3A_311 : i32 to index
        %get3A_425 = arith.constant 112 : index
        %get3A_426 = tpu.vector_load %arg6[%get3A_423, %get3A_424, %get3A_425] {strides = array<i32>} : memref<5x128x128xf32, #tpu.memory_space<vmem>>, vector<1x1x16xf32>,
        %get3A_427 = vector.shape_cast %get3A_426 : vector<1x1x16xf32> to vector<16xf32>
        %mul3A_428 = arith.constant 11.3137083 : f32
        %mul3A_429 = vector.broadcast %mul3A_428 : f32 to vector<16xf32>
        %mul3A_430 = arith.mulf %get3A_427, %mul3A_429 : vector<16xf32>
        %swap3A_431 = arith.constant 2 : i32
        %swap3A_432 = arith.index_cast %swap3A_431 : i32 to index
        %swap3A_433 = arith.index_cast %scan3A_311 : i32 to index
        %swap3A_434 = arith.constant 112 : index
        %swap3A_435 = tpu.vector_load %arg6[%swap3A_432, %swap3A_433, %swap3A_434] {strides = array<i32>} : memref<5x128x128xf32, #tpu.memory_space<vmem>>, vector<1x1x16xf32>,
        %swap3A_436 = vector.shape_cast %swap3A_435 : vector<1x1x16xf32> to vector<16xf32>
        %swap3A_437 = vector.shape_cast %mul3A_430 : vector<16xf32> to vector<1x1x16xf32>
        tpu.vector_store %arg6[%swap3A_432, %swap3A_433, %swap3A_434], %swap3A_437 {strides = array<i32>} : memref<5x128x128xf32, #tpu.memory_space<vmem>>, vector<1x1x16xf32>,
        %scan3A_438 = arith.constant 1 : i32
        %scan3A_439 = arith.addi %scan3A_311, %scan3A_438 : i32
        %get3A_440 = arith.constant 2 : i32
        %get3A_441 = arith.index_cast %get3A_440 : i32 to index
        %get3A_442 = arith.index_cast %scan3A_439 : i32 to index
        %get3A_443 = arith.constant 0 : index
        %get3A_444 = tpu.vector_load %arg6[%get3A_441, %get3A_442, %get3A_443] {strides = array<i32>} : memref<5x128x128xf32, #tpu.memory_space<vmem>>, vector<1x1x16xf32>,
        %get3A_445 = vector.shape_cast %get3A_444 : vector<1x1x16xf32> to vector<16xf32>
        %mul3A_446 = arith.constant 11.3137083 : f32
        %mul3A_447 = vector.broadcast %mul3A_446 : f32 to vector<16xf32>
        %mul3A_448 = arith.mulf %get3A_445, %mul3A_447 : vector<16xf32>
        %swap3A_449 = arith.constant 2 : i32
        %swap3A_450 = arith.index_cast %swap3A_449 : i32 to index
        %swap3A_451 = arith.index_cast %scan3A_439 : i32 to index
        %swap3A_452 = arith.constant 0 : index
        %swap3A_453 = tpu.vector_load %arg6[%swap3A_450, %swap3A_451, %swap3A_452] {strides = array<i32>} : memref<5x128x128xf32, #tpu.memory_space<vmem>>, vector<1x1x16xf32>,
        %swap3A_454 = vector.shape_cast %swap3A_453 : vector<1x1x16xf32> to vector<16xf32>
        %swap3A_455 = vector.shape_cast %mul3A_448 : vector<16xf32> to vector<1x1x16xf32>
        tpu.vector_store %arg6[%swap3A_450, %swap3A_451, %swap3A_452], %swap3A_455 {strides = array<i32>} : memref<5x128x128xf32, #tpu.memory_space<vmem>>, vector<1x1x16xf32>,
        %get3A_456 = arith.constant 2 : i32
        %get3A_457 = arith.index_cast %get3A_456 : i32 to index
        %get3A_458 = arith.index_cast %scan3A_439 : i32 to index
        %get3A_459 = arith.constant 16 : index
        %get3A_460 = tpu.vector_load %arg6[%get3A_457, %get3A_458, %get3A_459] {strides = array<i32>} : memref<5x128x128xf32, #tpu.memory_space<vmem>>, vector<1x1x16xf32>,
        %get3A_461 = vector.shape_cast %get3A_460 : vector<1x1x16xf32> to vector<16xf32>
        %mul3A_462 = arith.constant 11.3137083 : f32
        %mul3A_463 = vector.broadcast %mul3A_462 : f32 to vector<16xf32>
        %mul3A_464 = arith.mulf %get3A_461, %mul3A_463 : vector<16xf32>
        %swap3A_465 = arith.constant 2 : i32
        %swap3A_466 = arith.index_cast %swap3A_465 : i32 to index
        %swap3A_467 = arith.index_cast %scan3A_439 : i32 to index
        %swap3A_468 = arith.constant 16 : index
        %swap3A_469 = tpu.vector_load %arg6[%swap3A_466, %swap3A_467, %swap3A_468] {strides = array<i32>} : memref<5x128x128xf32, #tpu.memory_space<vmem>>, vector<1x1x16xf32>,
        %swap3A_470 = vector.shape_cast %swap3A_469 : vector<1x1x16xf32> to vector<16xf32>
        %swap3A_471 = vector.shape_cast %mul3A_464 : vector<16xf32> to vector<1x1x16xf32>
        tpu.vector_store %arg6[%swap3A_466, %swap3A_467, %swap3A_468], %swap3A_471 {strides = array<i32>} : memref<5x128x128xf32, #tpu.memory_space<vmem>>, vector<1x1x16xf32>,
        %get3A_472 = arith.constant 2 : i32
        %get3A_473 = arith.index_cast %get3A_472 : i32 to index
        %get3A_474 = arith.index_cast %scan3A_439 : i32 to index
        %get3A_475 = arith.constant 32 : index
        %get3A_476 = tpu.vector_load %arg6[%get3A_473, %get3A_474, %get3A_475] {strides = array<i32>} : memref<5x128x128xf32, #tpu.memory_space<vmem>>, vector<1x1x16xf32>,
        %get3A_477 = vector.shape_cast %get3A_476 : vector<1x1x16xf32> to vector<16xf32>
        %mul3A_478 = arith.constant 11.3137083 : f32
        %mul3A_479 = vector.broadcast %mul3A_478 : f32 to vector<16xf32>
        %mul3A_480 = arith.mulf %get3A_477, %mul3A_479 : vector<16xf32>
        %swap3A_481 = arith.constant 2 : i32
        %swap3A_482 = arith.index_cast %swap3A_481 : i32 to index
        %swap3A_483 = arith.index_cast %scan3A_439 : i32 to index
        %swap3A_484 = arith.constant 32 : index
        %swap3A_485 = tpu.vector_load %arg6[%swap3A_482, %swap3A_483, %swap3A_484] {strides = array<i32>} : memref<5x128x128xf32, #tpu.memory_space<vmem>>, vector<1x1x16xf32>,
        %swap3A_486 = vector.shape_cast %swap3A_485 : vector<1x1x16xf32> to vector<16xf32>
        %swap3A_487 = vector.shape_cast %mul3A_480 : vector<16xf32> to vector<1x1x16xf32>
        tpu.vector_store %arg6[%swap3A_482, %swap3A_483, %swap3A_484], %swap3A_487 {strides = array<i32>} : memref<5x128x128xf32, #tpu.memory_space<vmem>>, vector<1x1x16xf32>,
        %get3A_488 = arith.constant 2 : i32
        %get3A_489 = arith.index_cast %get3A_488 : i32 to index
        %get3A_490 = arith.index_cast %scan3A_439 : i32 to index
        %get3A_491 = arith.constant 48 : index
        %get3A_492 = tpu.vector_load %arg6[%get3A_489, %get3A_490, %get3A_491] {strides = array<i32>} : memref<5x128x128xf32, #tpu.memory_space<vmem>>, vector<1x1x16xf32>,
        %get3A_493 = vector.shape_cast %get3A_492 : vector<1x1x16xf32> to vector<16xf32>
        %mul3A_494 = arith.constant 11.3137083 : f32
        %mul3A_495 = vector.broadcast %mul3A_494 : f32 to vector<16xf32>
        %mul3A_496 = arith.mulf %get3A_493, %mul3A_495 : vector<16xf32>
        %swap3A_497 = arith.constant 2 : i32
        %swap3A_498 = arith.index_cast %swap3A_497 : i32 to index
        %swap3A_499 = arith.index_cast %scan3A_439 : i32 to index
        %swap3A_500 = arith.constant 48 : index
        %swap3A_501 = tpu.vector_load %arg6[%swap3A_498, %swap3A_499, %swap3A_500] {strides = array<i32>} : memref<5x128x128xf32, #tpu.memory_space<vmem>>, vector<1x1x16xf32>,
        %swap3A_502 = vector.shape_cast %swap3A_501 : vector<1x1x16xf32> to vector<16xf32>
        %swap3A_503 = vector.shape_cast %mul3A_496 : vector<16xf32> to vector<1x1x16xf32>
        tpu.vector_store %arg6[%swap3A_498, %swap3A_499, %swap3A_500], %swap3A_503 {strides = array<i32>} : memref<5x128x128xf32, #tpu.memory_space<vmem>>, vector<1x1x16xf32>,
        %get3A_504 = arith.constant 2 : i32
        %get3A_505 = arith.index_cast %get3A_504 : i32 to index
        %get3A_506 = arith.index_cast %scan3A_439 : i32 to index
        %get3A_507 = arith.constant 64 : index
        %get3A_508 = tpu.vector_load %arg6[%get3A_505, %get3A_506, %get3A_507] {strides = array<i32>} : memref<5x128x128xf32, #tpu.memory_space<vmem>>, vector<1x1x16xf32>,
        %get3A_509 = vector.shape_cast %get3A_508 : vector<1x1x16xf32> to vector<16xf32>
        %mul3A_510 = arith.constant 11.3137083 : f32
        %mul3A_511 = vector.broadcast %mul3A_510 : f32 to vector<16xf32>
        %mul3A_512 = arith.mulf %get3A_509, %mul3A_511 : vector<16xf32>
        %swap3A_513 = arith.constant 2 : i32
        %swap3A_514 = arith.index_cast %swap3A_513 : i32 to index
        %swap3A_515 = arith.index_cast %scan3A_439 : i32 to index
        %swap3A_516 = arith.constant 64 : index
        %swap3A_517 = tpu.vector_load %arg6[%swap3A_514, %swap3A_515, %swap3A_516] {strides = array<i32>} : memref<5x128x128xf32, #tpu.memory_space<vmem>>, vector<1x1x16xf32>,
        %swap3A_518 = vector.shape_cast %swap3A_517 : vector<1x1x16xf32> to vector<16xf32>
        %swap3A_519 = vector.shape_cast %mul3A_512 : vector<16xf32> to vector<1x1x16xf32>
        tpu.vector_store %arg6[%swap3A_514, %swap3A_515, %swap3A_516], %swap3A_519 {strides = array<i32>} : memref<5x128x128xf32, #tpu.memory_space<vmem>>, vector<1x1x16xf32>,
        %get3A_520 = arith.constant 2 : i32
        %get3A_521 = arith.index_cast %get3A_520 : i32 to index
        %get3A_522 = arith.index_cast %scan3A_439 : i32 to index
        %get3A_523 = arith.constant 80 : index
        %get3A_524 = tpu.vector_load %arg6[%get3A_521, %get3A_522, %get3A_523] {strides = array<i32>} : memref<5x128x128xf32, #tpu.memory_space<vmem>>, vector<1x1x16xf32>,
        %get3A_525 = vector.shape_cast %get3A_524 : vector<1x1x16xf32> to vector<16xf32>
        %mul3A_526 = arith.constant 11.3137083 : f32
        %mul3A_527 = vector.broadcast %mul3A_526 : f32 to vector<16xf32>
        %mul3A_528 = arith.mulf %get3A_525, %mul3A_527 : vector<16xf32>
        %swap3A_529 = arith.constant 2 : i32
        %swap3A_530 = arith.index_cast %swap3A_529 : i32 to index
        %swap3A_531 = arith.index_cast %scan3A_439 : i32 to index
        %swap3A_532 = arith.constant 80 : index
        %swap3A_533 = tpu.vector_load %arg6[%swap3A_530, %swap3A_531, %swap3A_532] {strides = array<i32>} : memref<5x128x128xf32, #tpu.memory_space<vmem>>, vector<1x1x16xf32>,
        %swap3A_534 = vector.shape_cast %swap3A_533 : vector<1x1x16xf32> to vector<16xf32>
        %swap3A_535 = vector.shape_cast %mul3A_528 : vector<16xf32> to vector<1x1x16xf32>
        tpu.vector_store %arg6[%swap3A_530, %swap3A_531, %swap3A_532], %swap3A_535 {strides = array<i32>} : memref<5x128x128xf32, #tpu.memory_space<vmem>>, vector<1x1x16xf32>,
        %get3A_536 = arith.constant 2 : i32
        %get3A_537 = arith.index_cast %get3A_536 : i32 to index
        %get3A_538 = arith.index_cast %scan3A_439 : i32 to index
        %get3A_539 = arith.constant 96 : index
        %get3A_540 = tpu.vector_load %arg6[%get3A_537, %get3A_538, %get3A_539] {strides = array<i32>} : memref<5x128x128xf32, #tpu.memory_space<vmem>>, vector<1x1x16xf32>,
        %get3A_541 = vector.shape_cast %get3A_540 : vector<1x1x16xf32> to vector<16xf32>
        %mul3A_542 = arith.constant 11.3137083 : f32
        %mul3A_543 = vector.broadcast %mul3A_542 : f32 to vector<16xf32>
        %mul3A_544 = arith.mulf %get3A_541, %mul3A_543 : vector<16xf32>
        %swap3A_545 = arith.constant 2 : i32
        %swap3A_546 = arith.index_cast %swap3A_545 : i32 to index
        %swap3A_547 = arith.index_cast %scan3A_439 : i32 to index
        %swap3A_548 = arith.constant 96 : index
        %swap3A_549 = tpu.vector_load %arg6[%swap3A_546, %swap3A_547, %swap3A_548] {strides = array<i32>} : memref<5x128x128xf32, #tpu.memory_space<vmem>>, vector<1x1x16xf32>,
        %swap3A_550 = vector.shape_cast %swap3A_549 : vector<1x1x16xf32> to vector<16xf32>
        %swap3A_551 = vector.shape_cast %mul3A_544 : vector<16xf32> to vector<1x1x16xf32>
        tpu.vector_store %arg6[%swap3A_546, %swap3A_547, %swap3A_548], %swap3A_551 {strides = array<i32>} : memref<5x128x128xf32, #tpu.memory_space<vmem>>, vector<1x1x16xf32>,
        %get3A_552 = arith.constant 2 : i32
        %get3A_553 = arith.index_cast %get3A_552 : i32 to index
        %get3A_554 = arith.index_cast %scan3A_439 : i32 to index
        %get3A_555 = arith.constant 112 : index
        %get3A_556 = tpu.vector_load %arg6[%get3A_553, %get3A_554, %get3A_555] {strides = array<i32>} : memref<5x128x128xf32, #tpu.memory_space<vmem>>, vector<1x1x16xf32>,
        %get3A_557 = vector.shape_cast %get3A_556 : vector<1x1x16xf32> to vector<16xf32>
        %mul3A_558 = arith.constant 11.3137083 : f32
        %mul3A_559 = vector.broadcast %mul3A_558 : f32 to vector<16xf32>
        %mul3A_560 = arith.mulf %get3A_557, %mul3A_559 : vector<16xf32>
        %swap3A_561 = arith.constant 2 : i32
        %swap3A_562 = arith.index_cast %swap3A_561 : i32 to index
        %swap3A_563 = arith.index_cast %scan3A_439 : i32 to index
        %swap3A_564 = arith.constant 112 : index
        %swap3A_565 = tpu.vector_load %arg6[%swap3A_562, %swap3A_563, %swap3A_564] {strides = array<i32>} : memref<5x128x128xf32, #tpu.memory_space<vmem>>, vector<1x1x16xf32>,
        %swap3A_566 = vector.shape_cast %swap3A_565 : vector<1x1x16xf32> to vector<16xf32>
        %swap3A_567 = vector.shape_cast %mul3A_560 : vector<16xf32> to vector<1x1x16xf32>
        tpu.vector_store %arg6[%swap3A_562, %swap3A_563, %swap3A_564], %swap3A_567 {strides = array<i32>} : memref<5x128x128xf32, #tpu.memory_space<vmem>>, vector<1x1x16xf32>,
        %scan3A_568 = arith.constant 2 : i32
        %scan3A_569 = arith.addi %scan3A_311, %scan3A_568 : i32
        %get3A_570 = arith.constant 2 : i32
        %get3A_571 = arith.index_cast %get3A_570 : i32 to index
        %get3A_572 = arith.index_cast %scan3A_569 : i32 to index
        %get3A_573 = arith.constant 0 : index
        %get3A_574 = tpu.vector_load %arg6[%get3A_571, %get3A_572, %get3A_573] {strides = array<i32>} : memref<5x128x128xf32, #tpu.memory_space<vmem>>, vector<1x1x16xf32>,
        %get3A_575 = vector.shape_cast %get3A_574 : vector<1x1x16xf32> to vector<16xf32>
        %mul3A_576 = arith.constant 11.3137083 : f32
        %mul3A_577 = vector.broadcast %mul3A_576 : f32 to vector<16xf32>
        %mul3A_578 = arith.mulf %get3A_575, %mul3A_577 : vector<16xf32>
        %swap3A_579 = arith.constant 2 : i32
        %swap3A_580 = arith.index_cast %swap3A_579 : i32 to index
        %swap3A_581 = arith.index_cast %scan3A_569 : i32 to index
        %swap3A_582 = arith.constant 0 : index
        %swap3A_583 = tpu.vector_load %arg6[%swap3A_580, %swap3A_581, %swap3A_582] {strides = array<i32>} : memref<5x128x128xf32, #tpu.memory_space<vmem>>, vector<1x1x16xf32>,
        %swap3A_584 = vector.shape_cast %swap3A_583 : vector<1x1x16xf32> to vector<16xf32>
        %swap3A_585 = vector.shape_cast %mul3A_578 : vector<16xf32> to vector<1x1x16xf32>
        tpu.vector_store %arg6[%swap3A_580, %swap3A_581, %swap3A_582], %swap3A_585 {strides = array<i32>} : memref<5x128x128xf32, #tpu.memory_space<vmem>>, vector<1x1x16xf32>,
        %get3A_586 = arith.constant 2 : i32
        %get3A_587 = arith.index_cast %get3A_586 : i32 to index
        %get3A_588 = arith.index_cast %scan3A_569 : i32 to index
        %get3A_589 = arith.constant 16 : index
        %get3A_590 = tpu.vector_load %arg6[%get3A_587, %get3A_588, %get3A_589] {strides = array<i32>} : memref<5x128x128xf32, #tpu.memory_space<vmem>>, vector<1x1x16xf32>,
        %get3A_591 = vector.shape_cast %get3A_590 : vector<1x1x16xf32> to vector<16xf32>
        %mul3A_592 = arith.constant 11.3137083 : f32
        %mul3A_593 = vector.broadcast %mul3A_592 : f32 to vector<16xf32>
        %mul3A_594 = arith.mulf %get3A_591, %mul3A_593 : vector<16xf32>
        %swap3A_595 = arith.constant 2 : i32
        %swap3A_596 = arith.index_cast %swap3A_595 : i32 to index
        %swap3A_597 = arith.index_cast %scan3A_569 : i32 to index
        %swap3A_598 = arith.constant 16 : index
        %swap3A_599 = tpu.vector_load %arg6[%swap3A_596, %swap3A_597, %swap3A_598] {strides = array<i32>} : memref<5x128x128xf32, #tpu.memory_space<vmem>>, vector<1x1x16xf32>,
        %swap3A_600 = vector.shape_cast %swap3A_599 : vector<1x1x16xf32> to vector<16xf32>
        %swap3A_601 = vector.shape_cast %mul3A_594 : vector<16xf32> to vector<1x1x16xf32>
        tpu.vector_store %arg6[%swap3A_596, %swap3A_597, %swap3A_598], %swap3A_601 {strides = array<i32>} : memref<5x128x128xf32, #tpu.memory_space<vmem>>, vector<1x1x16xf32>,
        %get3A_602 = arith.constant 2 : i32
        %get3A_603 = arith.index_cast %get3A_602 : i32 to index
        %get3A_604 = arith.index_cast %scan3A_569 : i32 to index
        %get3A_605 = arith.constant 32 : index
        %get3A_606 = tpu.vector_load %arg6[%get3A_603, %get3A_604, %get3A_605] {strides = array<i32>} : memref<5x128x128xf32, #tpu.memory_space<vmem>>, vector<1x1x16xf32>,
        %get3A_607 = vector.shape_cast %get3A_606 : vector<1x1x16xf32> to vector<16xf32>
        %mul3A_608 = arith.constant 11.3137083 : f32
        %mul3A_609 = vector.broadcast %mul3A_608 : f32 to vector<16xf32>
        %mul3A_610 = arith.mulf %get3A_607, %mul3A_609 : vector<16xf32>
        %swap3A_611 = arith.constant 2 : i32
        %swap3A_612 = arith.index_cast %swap3A_611 : i32 to index
        %swap3A_613 = arith.index_cast %scan3A_569 : i32 to index
        %swap3A_614 = arith.constant 32 : index
        %swap3A_615 = tpu.vector_load %arg6[%swap3A_612, %swap3A_613, %swap3A_614] {strides = array<i32>} : memref<5x128x128xf32, #tpu.memory_space<vmem>>, vector<1x1x16xf32>,
        %swap3A_616 = vector.shape_cast %swap3A_615 : vector<1x1x16xf32> to vector<16xf32>
        %swap3A_617 = vector.shape_cast %mul3A_610 : vector<16xf32> to vector<1x1x16xf32>
        tpu.vector_store %arg6[%swap3A_612, %swap3A_613, %swap3A_614], %swap3A_617 {strides = array<i32>} : memref<5x128x128xf32, #tpu.memory_space<vmem>>, vector<1x1x16xf32>,
        %get3A_618 = arith.constant 2 : i32
        %get3A_619 = arith.index_cast %get3A_618 : i32 to index
        %get3A_620 = arith.index_cast %scan3A_569 : i32 to index
        %get3A_621 = arith.constant 48 : index
        %get3A_622 = tpu.vector_load %arg6[%get3A_619, %get3A_620, %get3A_621] {strides = array<i32>} : memref<5x128x128xf32, #tpu.memory_space<vmem>>, vector<1x1x16xf32>,
        %get3A_623 = vector.shape_cast %get3A_622 : vector<1x1x16xf32> to vector<16xf32>
        %mul3A_624 = arith.constant 11.3137083 : f32
        %mul3A_625 = vector.broadcast %mul3A_624 : f32 to vector<16xf32>
        %mul3A_626 = arith.mulf %get3A_623, %mul3A_625 : vector<16xf32>
        %swap3A_627 = arith.constant 2 : i32
        %swap3A_628 = arith.index_cast %swap3A_627 : i32 to index
        %swap3A_629 = arith.index_cast %scan3A_569 : i32 to index
        %swap3A_630 = arith.constant 48 : index
        %swap3A_631 = tpu.vector_load %arg6[%swap3A_628, %swap3A_629, %swap3A_630] {strides = array<i32>} : memref<5x128x128xf32, #tpu.memory_space<vmem>>, vector<1x1x16xf32>,
        %swap3A_632 = vector.shape_cast %swap3A_631 : vector<1x1x16xf32> to vector<16xf32>
        %swap3A_633 = vector.shape_cast %mul3A_626 : vector<16xf32> to vector<1x1x16xf32>
        tpu.vector_store %arg6[%swap3A_628, %swap3A_629, %swap3A_630], %swap3A_633 {strides = array<i32>} : memref<5x128x128xf32, #tpu.memory_space<vmem>>, vector<1x1x16xf32>,
        %get3A_634 = arith.constant 2 : i32
        %get3A_635 = arith.index_cast %get3A_634 : i32 to index
        %get3A_636 = arith.index_cast %scan3A_569 : i32 to index
        %get3A_637 = arith.constant 64 : index
        %get3A_638 = tpu.vector_load %arg6[%get3A_635, %get3A_636, %get3A_637] {strides = array<i32>} : memref<5x128x128xf32, #tpu.memory_space<vmem>>, vector<1x1x16xf32>,
        %get3A_639 = vector.shape_cast %get3A_638 : vector<1x1x16xf32> to vector<16xf32>
        %mul3A_640 = arith.constant 11.3137083 : f32
        %mul3A_641 = vector.broadcast %mul3A_640 : f32 to vector<16xf32>
        %mul3A_642 = arith.mulf %get3A_639, %mul3A_641 : vector<16xf32>
        %swap3A_643 = arith.constant 2 : i32
        %swap3A_644 = arith.index_cast %swap3A_643 : i32 to index
        %swap3A_645 = arith.index_cast %scan3A_569 : i32 to index
        %swap3A_646 = arith.constant 64 : index
        %swap3A_647 = tpu.vector_load %arg6[%swap3A_644, %swap3A_645, %swap3A_646] {strides = array<i32>} : memref<5x128x128xf32, #tpu.memory_space<vmem>>, vector<1x1x16xf32>,
        %swap3A_648 = vector.shape_cast %swap3A_647 : vector<1x1x16xf32> to vector<16xf32>
        %swap3A_649 = vector.shape_cast %mul3A_642 : vector<16xf32> to vector<1x1x16xf32>
        tpu.vector_store %arg6[%swap3A_644, %swap3A_645, %swap3A_646], %swap3A_649 {strides = array<i32>} : memref<5x128x128xf32, #tpu.memory_space<vmem>>, vector<1x1x16xf32>,
        %get3A_650 = arith.constant 2 : i32
        %get3A_651 = arith.index_cast %get3A_650 : i32 to index
        %get3A_652 = arith.index_cast %scan3A_569 : i32 to index
        %get3A_653 = arith.constant 80 : index
        %get3A_654 = tpu.vector_load %arg6[%get3A_651, %get3A_652, %get3A_653] {strides = array<i32>} : memref<5x128x128xf32, #tpu.memory_space<vmem>>, vector<1x1x16xf32>,
        %get3A_655 = vector.shape_cast %get3A_654 : vector<1x1x16xf32> to vector<16xf32>
        %mul3A_656 = arith.constant 11.3137083 : f32
        %mul3A_657 = vector.broadcast %mul3A_656 : f32 to vector<16xf32>
        %mul3A_658 = arith.mulf %get3A_655, %mul3A_657 : vector<16xf32>
        %swap3A_659 = arith.constant 2 : i32
        %swap3A_660 = arith.index_cast %swap3A_659 : i32 to index
        %swap3A_661 = arith.index_cast %scan3A_569 : i32 to index
        %swap3A_662 = arith.constant 80 : index
        %swap3A_663 = tpu.vector_load %arg6[%swap3A_660, %swap3A_661, %swap3A_662] {strides = array<i32>} : memref<5x128x128xf32, #tpu.memory_space<vmem>>, vector<1x1x16xf32>,
        %swap3A_664 = vector.shape_cast %swap3A_663 : vector<1x1x16xf32> to vector<16xf32>
        %swap3A_665 = vector.shape_cast %mul3A_658 : vector<16xf32> to vector<1x1x16xf32>
        tpu.vector_store %arg6[%swap3A_660, %swap3A_661, %swap3A_662], %swap3A_665 {strides = array<i32>} : memref<5x128x128xf32, #tpu.memory_space<vmem>>, vector<1x1x16xf32>,
        %get3A_666 = arith.constant 2 : i32
        %get3A_667 = arith.index_cast %get3A_666 : i32 to index
        %get3A_668 = arith.index_cast %scan3A_569 : i32 to index
        %get3A_669 = arith.constant 96 : index
        %get3A_670 = tpu.vector_load %arg6[%get3A_667, %get3A_668, %get3A_669] {strides = array<i32>} : memref<5x128x128xf32, #tpu.memory_space<vmem>>, vector<1x1x16xf32>,
        %get3A_671 = vector.shape_cast %get3A_670 : vector<1x1x16xf32> to vector<16xf32>
        %mul3A_672 = arith.constant 11.3137083 : f32
        %mul3A_673 = vector.broadcast %mul3A_672 : f32 to vector<16xf32>
        %mul3A_674 = arith.mulf %get3A_671, %mul3A_673 : vector<16xf32>
        %swap3A_675 = arith.constant 2 : i32
        %swap3A_676 = arith.index_cast %swap3A_675 : i32 to index
        %swap3A_677 = arith.index_cast %scan3A_569 : i32 to index
        %swap3A_678 = arith.constant 96 : index
        %swap3A_679 = tpu.vector_load %arg6[%swap3A_676, %swap3A_677, %swap3A_678] {strides = array<i32>} : memref<5x128x128xf32, #tpu.memory_space<vmem>>, vector<1x1x16xf32>,
        %swap3A_680 = vector.shape_cast %swap3A_679 : vector<1x1x16xf32> to vector<16xf32>
        %swap3A_681 = vector.shape_cast %mul3A_674 : vector<16xf32> to vector<1x1x16xf32>
        tpu.vector_store %arg6[%swap3A_676, %swap3A_677, %swap3A_678], %swap3A_681 {strides = array<i32>} : memref<5x128x128xf32, #tpu.memory_space<vmem>>, vector<1x1x16xf32>,
        %get3A_682 = arith.constant 2 : i32
        %get3A_683 = arith.index_cast %get3A_682 : i32 to index
        %get3A_684 = arith.index_cast %scan3A_569 : i32 to index
        %get3A_685 = arith.constant 112 : index
        %get3A_686 = tpu.vector_load %arg6[%get3A_683, %get3A_684, %get3A_685] {strides = array<i32>} : memref<5x128x128xf32, #tpu.memory_space<vmem>>, vector<1x1x16xf32>,
        %get3A_687 = vector.shape_cast %get3A_686 : vector<1x1x16xf32> to vector<16xf32>
        %mul3A_688 = arith.constant 11.3137083 : f32
        %mul3A_689 = vector.broadcast %mul3A_688 : f32 to vector<16xf32>
        %mul3A_690 = arith.mulf %get3A_687, %mul3A_689 : vector<16xf32>
        %swap3A_691 = arith.constant 2 : i32
        %swap3A_692 = arith.index_cast %swap3A_691 : i32 to index
        %swap3A_693 = arith.index_cast %scan3A_569 : i32 to index
        %swap3A_694 = arith.constant 112 : index
        %swap3A_695 = tpu.vector_load %arg6[%swap3A_692, %swap3A_693, %swap3A_694] {strides = array<i32>} : memref<5x128x128xf32, #tpu.memory_space<vmem>>, vector<1x1x16xf32>,
        %swap3A_696 = vector.shape_cast %swap3A_695 : vector<1x1x16xf32> to vector<16xf32>
        %swap3A_697 = vector.shape_cast %mul3A_690 : vector<16xf32> to vector<1x1x16xf32>
        tpu.vector_store %arg6[%swap3A_692, %swap3A_693, %swap3A_694], %swap3A_697 {strides = array<i32>} : memref<5x128x128xf32, #tpu.memory_space<vmem>>, vector<1x1x16xf32>,
        %scan3A_698 = arith.constant 3 : i32
        %scan3A_699 = arith.addi %scan3A_311, %scan3A_698 : i32
        %get3A_700 = arith.constant 2 : i32
        %get3A_701 = arith.index_cast %get3A_700 : i32 to index
        %get3A_702 = arith.index_cast %scan3A_699 : i32 to index
        %get3A_703 = arith.constant 0 : index
        %get3A_704 = tpu.vector_load %arg6[%get3A_701, %get3A_702, %get3A_703] {strides = array<i32>} : memref<5x128x128xf32, #tpu.memory_space<vmem>>, vector<1x1x16xf32>,
        %get3A_705 = vector.shape_cast %get3A_704 : vector<1x1x16xf32> to vector<16xf32>
        %mul3A_706 = arith.constant 11.3137083 : f32
        %mul3A_707 = vector.broadcast %mul3A_706 : f32 to vector<16xf32>
        %mul3A_708 = arith.mulf %get3A_705, %mul3A_707 : vector<16xf32>
        %swap3A_709 = arith.constant 2 : i32
        %swap3A_710 = arith.index_cast %swap3A_709 : i32 to index
        %swap3A_711 = arith.index_cast %scan3A_699 : i32 to index
        %swap3A_712 = arith.constant 0 : index
        %swap3A_713 = tpu.vector_load %arg6[%swap3A_710, %swap3A_711, %swap3A_712] {strides = array<i32>} : memref<5x128x128xf32, #tpu.memory_space<vmem>>, vector<1x1x16xf32>,
        %swap3A_714 = vector.shape_cast %swap3A_713 : vector<1x1x16xf32> to vector<16xf32>
        %swap3A_715 = vector.shape_cast %mul3A_708 : vector<16xf32> to vector<1x1x16xf32>
        tpu.vector_store %arg6[%swap3A_710, %swap3A_711, %swap3A_712], %swap3A_715 {strides = array<i32>} : memref<5x128x128xf32, #tpu.memory_space<vmem>>, vector<1x1x16xf32>,
        %get3A_716 = arith.constant 2 : i32
        %get3A_717 = arith.index_cast %get3A_716 : i32 to index
        %get3A_718 = arith.index_cast %scan3A_699 : i32 to index
        %get3A_719 = arith.constant 16 : index
        %get3A_720 = tpu.vector_load %arg6[%get3A_717, %get3A_718, %get3A_719] {strides = array<i32>} : memref<5x128x128xf32, #tpu.memory_space<vmem>>, vector<1x1x16xf32>,
        %get3A_721 = vector.shape_cast %get3A_720 : vector<1x1x16xf32> to vector<16xf32>
        %mul3A_722 = arith.constant 11.3137083 : f32
        %mul3A_723 = vector.broadcast %mul3A_722 : f32 to vector<16xf32>
        %mul3A_724 = arith.mulf %get3A_721, %mul3A_723 : vector<16xf32>
        %swap3A_725 = arith.constant 2 : i32
        %swap3A_726 = arith.index_cast %swap3A_725 : i32 to index
        %swap3A_727 = arith.index_cast %scan3A_699 : i32 to index
        %swap3A_728 = arith.constant 16 : index
        %swap3A_729 = tpu.vector_load %arg6[%swap3A_726, %swap3A_727, %swap3A_728] {strides = array<i32>} : memref<5x128x128xf32, #tpu.memory_space<vmem>>, vector<1x1x16xf32>,
        %swap3A_730 = vector.shape_cast %swap3A_729 : vector<1x1x16xf32> to vector<16xf32>
        %swap3A_731 = vector.shape_cast %mul3A_724 : vector<16xf32> to vector<1x1x16xf32>
        tpu.vector_store %arg6[%swap3A_726, %swap3A_727, %swap3A_728], %swap3A_731 {strides = array<i32>} : memref<5x128x128xf32, #tpu.memory_space<vmem>>, vector<1x1x16xf32>,
        %get3A_732 = arith.constant 2 : i32
        %get3A_733 = arith.index_cast %get3A_732 : i32 to index
        %get3A_734 = arith.index_cast %scan3A_699 : i32 to index
        %get3A_735 = arith.constant 32 : index
        %get3A_736 = tpu.vector_load %arg6[%get3A_733, %get3A_734, %get3A_735] {strides = array<i32>} : memref<5x128x128xf32, #tpu.memory_space<vmem>>, vector<1x1x16xf32>,
        %get3A_737 = vector.shape_cast %get3A_736 : vector<1x1x16xf32> to vector<16xf32>
        %mul3A_738 = arith.constant 11.3137083 : f32
        %mul3A_739 = vector.broadcast %mul3A_738 : f32 to vector<16xf32>
        %mul3A_740 = arith.mulf %get3A_737, %mul3A_739 : vector<16xf32>
        %swap3A_741 = arith.constant 2 : i32
        %swap3A_742 = arith.index_cast %swap3A_741 : i32 to index
        %swap3A_743 = arith.index_cast %scan3A_699 : i32 to index
        %swap3A_744 = arith.constant 32 : index
        %swap3A_745 = tpu.vector_load %arg6[%swap3A_742, %swap3A_743, %swap3A_744] {strides = array<i32>} : memref<5x128x128xf32, #tpu.memory_space<vmem>>, vector<1x1x16xf32>,
        %swap3A_746 = vector.shape_cast %swap3A_745 : vector<1x1x16xf32> to vector<16xf32>
        %swap3A_747 = vector.shape_cast %mul3A_740 : vector<16xf32> to vector<1x1x16xf32>
        tpu.vector_store %arg6[%swap3A_742, %swap3A_743, %swap3A_744], %swap3A_747 {strides = array<i32>} : memref<5x128x128xf32, #tpu.memory_space<vmem>>, vector<1x1x16xf32>,
        %get3A_748 = arith.constant 2 : i32
        %get3A_749 = arith.index_cast %get3A_748 : i32 to index
        %get3A_750 = arith.index_cast %scan3A_699 : i32 to index
        %get3A_751 = arith.constant 48 : index
        %get3A_752 = tpu.vector_load %arg6[%get3A_749, %get3A_750, %get3A_751] {strides = array<i32>} : memref<5x128x128xf32, #tpu.memory_space<vmem>>, vector<1x1x16xf32>,
        %get3A_753 = vector.shape_cast %get3A_752 : vector<1x1x16xf32> to vector<16xf32>
        %mul3A_754 = arith.constant 11.3137083 : f32
        %mul3A_755 = vector.broadcast %mul3A_754 : f32 to vector<16xf32>
        %mul3A_756 = arith.mulf %get3A_753, %mul3A_755 : vector<16xf32>
        %swap3A_757 = arith.constant 2 : i32
        %swap3A_758 = arith.index_cast %swap3A_757 : i32 to index
        %swap3A_759 = arith.index_cast %scan3A_699 : i32 to index
        %swap3A_760 = arith.constant 48 : index
        %swap3A_761 = tpu.vector_load %arg6[%swap3A_758, %swap3A_759, %swap3A_760] {strides = array<i32>} : memref<5x128x128xf32, #tpu.memory_space<vmem>>, vector<1x1x16xf32>,
        %swap3A_762 = vector.shape_cast %swap3A_761 : vector<1x1x16xf32> to vector<16xf32>
        %swap3A_763 = vector.shape_cast %mul3A_756 : vector<16xf32> to vector<1x1x16xf32>
        tpu.vector_store %arg6[%swap3A_758, %swap3A_759, %swap3A_760], %swap3A_763 {strides = array<i32>} : memref<5x128x128xf32, #tpu.memory_space<vmem>>, vector<1x1x16xf32>,
        %get3A_764 = arith.constant 2 : i32
        %get3A_765 = arith.index_cast %get3A_764 : i32 to index
        %get3A_766 = arith.index_cast %scan3A_699 : i32 to index
        %get3A_767 = arith.constant 64 : index
        %get3A_768 = tpu.vector_load %arg6[%get3A_765, %get3A_766, %get3A_767] {strides = array<i32>} : memref<5x128x128xf32, #tpu.memory_space<vmem>>, vector<1x1x16xf32>,
        %get3A_769 = vector.shape_cast %get3A_768 : vector<1x1x16xf32> to vector<16xf32>
        %mul3A_770 = arith.constant 11.3137083 : f32
        %mul3A_771 = vector.broadcast %mul3A_770 : f32 to vector<16xf32>
        %mul3A_772 = arith.mulf %get3A_769, %mul3A_771 : vector<16xf32>
        %swap3A_773 = arith.constant 2 : i32
        %swap3A_774 = arith.index_cast %swap3A_773 : i32 to index
        %swap3A_775 = arith.index_cast %scan3A_699 : i32 to index
        %swap3A_776 = arith.constant 64 : index
        %swap3A_777 = tpu.vector_load %arg6[%swap3A_774, %swap3A_775, %swap3A_776] {strides = array<i32>} : memref<5x128x128xf32, #tpu.memory_space<vmem>>, vector<1x1x16xf32>,
        %swap3A_778 = vector.shape_cast %swap3A_777 : vector<1x1x16xf32> to vector<16xf32>
        %swap3A_779 = vector.shape_cast %mul3A_772 : vector<16xf32> to vector<1x1x16xf32>
        tpu.vector_store %arg6[%swap3A_774, %swap3A_775, %swap3A_776], %swap3A_779 {strides = array<i32>} : memref<5x128x128xf32, #tpu.memory_space<vmem>>, vector<1x1x16xf32>,
        %get3A_780 = arith.constant 2 : i32
        %get3A_781 = arith.index_cast %get3A_780 : i32 to index
        %get3A_782 = arith.index_cast %scan3A_699 : i32 to index
        %get3A_783 = arith.constant 80 : index
        %get3A_784 = tpu.vector_load %arg6[%get3A_781, %get3A_782, %get3A_783] {strides = array<i32>} : memref<5x128x128xf32, #tpu.memory_space<vmem>>, vector<1x1x16xf32>,
        %get3A_785 = vector.shape_cast %get3A_784 : vector<1x1x16xf32> to vector<16xf32>
        %mul3A_786 = arith.constant 11.3137083 : f32
        %mul3A_787 = vector.broadcast %mul3A_786 : f32 to vector<16xf32>
        %mul3A_788 = arith.mulf %get3A_785, %mul3A_787 : vector<16xf32>
        %swap3A_789 = arith.constant 2 : i32
        %swap3A_790 = arith.index_cast %swap3A_789 : i32 to index
        %swap3A_791 = arith.index_cast %scan3A_699 : i32 to index
        %swap3A_792 = arith.constant 80 : index
        %swap3A_793 = tpu.vector_load %arg6[%swap3A_790, %swap3A_791, %swap3A_792] {strides = array<i32>} : memref<5x128x128xf32, #tpu.memory_space<vmem>>, vector<1x1x16xf32>,
        %swap3A_794 = vector.shape_cast %swap3A_793 : vector<1x1x16xf32> to vector<16xf32>
        %swap3A_795 = vector.shape_cast %mul3A_788 : vector<16xf32> to vector<1x1x16xf32>
        tpu.vector_store %arg6[%swap3A_790, %swap3A_791, %swap3A_792], %swap3A_795 {strides = array<i32>} : memref<5x128x128xf32, #tpu.memory_space<vmem>>, vector<1x1x16xf32>,
        %get3A_796 = arith.constant 2 : i32
        %get3A_797 = arith.index_cast %get3A_796 : i32 to index
        %get3A_798 = arith.index_cast %scan3A_699 : i32 to index
        %get3A_799 = arith.constant 96 : index
        %get3A_800 = tpu.vector_load %arg6[%get3A_797, %get3A_798, %get3A_799] {strides = array<i32>} : memref<5x128x128xf32, #tpu.memory_space<vmem>>, vector<1x1x16xf32>,
        %get3A_801 = vector.shape_cast %get3A_800 : vector<1x1x16xf32> to vector<16xf32>
        %mul3A_802 = arith.constant 11.3137083 : f32
        %mul3A_803 = vector.broadcast %mul3A_802 : f32 to vector<16xf32>
        %mul3A_804 = arith.mulf %get3A_801, %mul3A_803 : vector<16xf32>
        %swap3A_805 = arith.constant 2 : i32
        %swap3A_806 = arith.index_cast %swap3A_805 : i32 to index
        %swap3A_807 = arith.index_cast %scan3A_699 : i32 to index
        %swap3A_808 = arith.constant 96 : index
        %swap3A_809 = tpu.vector_load %arg6[%swap3A_806, %swap3A_807, %swap3A_808] {strides = array<i32>} : memref<5x128x128xf32, #tpu.memory_space<vmem>>, vector<1x1x16xf32>,
        %swap3A_810 = vector.shape_cast %swap3A_809 : vector<1x1x16xf32> to vector<16xf32>
        %swap3A_811 = vector.shape_cast %mul3A_804 : vector<16xf32> to vector<1x1x16xf32>
        tpu.vector_store %arg6[%swap3A_806, %swap3A_807, %swap3A_808], %swap3A_811 {strides = array<i32>} : memref<5x128x128xf32, #tpu.memory_space<vmem>>, vector<1x1x16xf32>,
        %get3A_812 = arith.constant 2 : i32
        %get3A_813 = arith.index_cast %get3A_812 : i32 to index
        %get3A_814 = arith.index_cast %scan3A_699 : i32 to index
        %get3A_815 = arith.constant 112 : index
        %get3A_816 = tpu.vector_load %arg6[%get3A_813, %get3A_814, %get3A_815] {strides = array<i32>} : memref<5x128x128xf32, #tpu.memory_space<vmem>>, vector<1x1x16xf32>,
        %get3A_817 = vector.shape_cast %get3A_816 : vector<1x1x16xf32> to vector<16xf32>
        %mul3A_818 = arith.constant 11.3137083 : f32
        %mul3A_819 = vector.broadcast %mul3A_818 : f32 to vector<16xf32>
        %mul3A_820 = arith.mulf %get3A_817, %mul3A_819 : vector<16xf32>
        %swap3A_821 = arith.constant 2 : i32
        %swap3A_822 = arith.index_cast %swap3A_821 : i32 to index
        %swap3A_823 = arith.index_cast %scan3A_699 : i32 to index
        %swap3A_824 = arith.constant 112 : index
        %swap3A_825 = tpu.vector_load %arg6[%swap3A_822, %swap3A_823, %swap3A_824] {strides = array<i32>} : memref<5x128x128xf32, #tpu.memory_space<vmem>>, vector<1x1x16xf32>,
        %swap3A_826 = vector.shape_cast %swap3A_825 : vector<1x1x16xf32> to vector<16xf32>
        %swap3A_827 = vector.shape_cast %mul3A_820 : vector<16xf32> to vector<1x1x16xf32>
        tpu.vector_store %arg6[%swap3A_822, %swap3A_823, %swap3A_824], %swap3A_827 {strides = array<i32>} : memref<5x128x128xf32, #tpu.memory_space<vmem>>, vector<1x1x16xf32>,
      }
      %scan3A_196 = arith.constant 128 : i32
      %mul3A_197 = arith.constant 128 : i32
      %mul3A_198 = arith.muli %add3A_165, %mul3A_197 : i32
      %add3A_199 = arith.addi %mul3A_2, %mul3A_198 : i32
      %dma_start3A_200 = arith.constant 2 : i32
      %dma_start3A_201 = arith.constant 0 : i32
      %dma_start3A_202 = arith.constant 0 : i32
      %dma_start3A_203 = tpu.memref_slice %arg6[%dma_start3A_200, %dma_start3A_201, %dma_start3A_202] : memref<5x128x128xf32, #tpu.memory_space<vmem>> -> memref<1x128x128xf32, #tpu.memory_space<vmem>>
      %dma_start3A_204 = tpu.memref_squeeze %dma_start3A_203 : memref<1x128x128xf32, #tpu.memory_space<vmem>> -> memref<128x128xf32, #tpu.memory_space<vmem>>
      %dma_start3A_205 = arith.constant 0 : i32
      %dma_start3A_206 = tpu.memref_slice %arg4[%add3A_199, %dma_start3A_205] : memref<204800x128xf32, #tpu.memory_space<hbm>> -> memref<128x128xf32, #tpu.memory_space<hbm>>
      %dma_start3A_207 = arith.constant 0 : i32
      %dma_start3A_208 = tpu.memref_slice %arg4[%add3A_199, %dma_start3A_207] : memref<204800x128xf32, #tpu.memory_space<hbm>> -> memref<128x128xf32, #tpu.memory_space<hbm>>
      %dma_start3A_209 = arith.constant 0 : i32
      %dma_start3A_210 = arith.constant 0 : i32
      %dma_start3A_211 = tpu.memref_slice %arg6[%dma_start3A_200, %dma_start3A_209, %dma_start3A_210] : memref<5x128x128xf32, #tpu.memory_space<vmem>> -> memref<1x128x128xf32, #tpu.memory_space<vmem>>
      %dma_start3A_212 = tpu.memref_squeeze %dma_start3A_211 : memref<1x128x128xf32, #tpu.memory_space<vmem>> -> memref<128x128xf32, #tpu.memory_space<vmem>>
      tpu.enqueue_dma source(%dma_start3A_212 : memref<128x128xf32, #tpu.memory_space<vmem>>) target(%dma_start3A_208 : memref<128x128xf32, #tpu.memory_space<hbm>>) target_semaphore(%arg14 : memref<!tpu.dma_semaphore, #tpu.memory_space<semaphore_mem>>)
      %add3A_213 = arith.constant 3 : i32
      %add3A_214 = arith.addi %mul3A_70, %add3A_213 : i32
      %dma_wait3A_215 = arith.constant 3 : i32
      %dma_wait3A_216 = arith.constant 0 : i32
      %dma_wait3A_217 = arith.constant 0 : i32
      %dma_wait3A_218 = tpu.memref_slice %arg6[%dma_wait3A_215, %dma_wait3A_216, %dma_wait3A_217] : memref<5x128x128xf32, #tpu.memory_space<vmem>> -> memref<1x128x128xf32, #tpu.memory_space<vmem>>
      %dma_wait3A_219 = tpu.memref_squeeze %dma_wait3A_218 : memref<1x128x128xf32, #tpu.memory_space<vmem>> -> memref<128x128xf32, #tpu.memory_space<vmem>>
      %dma_wait3A_220 = arith.constant 0 : i32
      %dma_wait3A_221 = tpu.memref_slice %arg5[%add3A_214, %dma_wait3A_220] : memref<50x128xi32, #tpu.memory_space<vmem>> -> memref<1x128xi32, #tpu.memory_space<vmem>>
      %dma_wait3A_222 = tpu.memref_squeeze %dma_wait3A_221 : memref<1x128xi32, #tpu.memory_space<vmem>> -> memref<128xi32, #tpu.memory_space<vmem>>
      %dma_wait3A_223 = arith.constant 0 : i32
      %dma_wait3A_224 = arith.constant 0 : i32
      %dma_wait3A_225 = tpu.memref_slice %arg2[%dma_wait3A_223, %dma_wait3A_224] : memref<1000000x128xf32, #tpu.memory_space<hbm>> -> memref<1000000x128xf32, #tpu.memory_space<hbm>>
      tpu.wait_indirect_dma semaphore(%arg10 : memref<!tpu.dma_semaphore, #tpu.memory_space<semaphore_mem>>) src(%dma_wait3A_225 : memref<1000000x128xf32, #tpu.memory_space<hbm>>) dst(%dma_wait3A_219 : memref<128x128xf32, #tpu.memory_space<vmem>>)
      %ge3A_226 = arith.constant 2 : i32
      %ge3A_227 = arith.cmpi sge, %add3A_214, %ge3A_226 : i32
      %convert_element_type3A_228 = arith.extui %ge3A_227 : i1 to i32
      %cond3A_229 = arith.constant 0 : i32
      %cond3A_230 = arith.cmpi ne, %convert_element_type3A_228, %cond3A_229 : i32
      scf.if %cond3A_230 {
        %dma_wait3A_311 = arith.constant 1 : i32
        %dma_wait3A_312 = arith.constant 0 : i32
        %dma_wait3A_313 = arith.constant 0 : i32
        %dma_wait3A_314 = tpu.memref_slice %arg6[%dma_wait3A_311, %dma_wait3A_312, %dma_wait3A_313] : memref<5x128x128xf32, #tpu.memory_space<vmem>> -> memref<1x128x128xf32, #tpu.memory_space<vmem>>
        %dma_wait3A_315 = tpu.memref_squeeze %dma_wait3A_314 : memref<1x128x128xf32, #tpu.memory_space<vmem>> -> memref<128x128xf32, #tpu.memory_space<vmem>>
        %dma_wait3A_316 = arith.constant 0 : i32
        %dma_wait3A_317 = tpu.memref_slice %arg4[%mul3A_2, %dma_wait3A_316] : memref<204800x128xf32, #tpu.memory_space<hbm>> -> memref<128x128xf32, #tpu.memory_space<hbm>>
        %dma_wait3A_318 = arith.constant 0 : i32
        %dma_wait3A_319 = tpu.memref_slice %arg4[%mul3A_2, %dma_wait3A_318] : memref<204800x128xf32, #tpu.memory_space<hbm>> -> memref<128x128xf32, #tpu.memory_space<hbm>>
        %dma_wait3A_320 = arith.constant 0 : i32
        %dma_wait3A_321 = arith.constant 0 : i32
        %dma_wait3A_322 = tpu.memref_slice %arg6[%dma_wait3A_311, %dma_wait3A_320, %dma_wait3A_321] : memref<5x128x128xf32, #tpu.memory_space<vmem>> -> memref<1x128x128xf32, #tpu.memory_space<vmem>>
        %dma_wait3A_323 = tpu.memref_squeeze %dma_wait3A_322 : memref<1x128x128xf32, #tpu.memory_space<vmem>> -> memref<128x128xf32, #tpu.memory_space<vmem>>
        tpu.wait_dma2 semaphore(%arg13 : memref<!tpu.dma_semaphore, #tpu.memory_space<semaphore_mem>>) src(%dma_wait3A_323 : memref<128x128xf32, #tpu.memory_space<vmem>>) dst(%dma_wait3A_319 : memref<128x128xf32, #tpu.memory_space<hbm>>)
      } else {
      }
      %add3A_231 = arith.constant 5 : i32
      %add3A_232 = arith.addi %add3A_214, %add3A_231 : i32
      %sub3A_233 = arith.constant 2 : i32
      %sub3A_234 = arith.subi %add3A_232, %sub3A_233 : i32
      %lt3A_235 = arith.constant 50 : i32
      %lt3A_236 = arith.cmpi slt, %sub3A_234, %lt3A_235 : i32
      %convert_element_type3A_237 = arith.extui %lt3A_236 : i1 to i32
      %cond3A_238 = arith.constant 0 : i32
      %cond3A_239 = arith.cmpi ne, %convert_element_type3A_237, %cond3A_238 : i32
      scf.if %cond3A_239 {
        %add3A_311 = arith.constant 5 : i32
        %add3A_312 = arith.addi %add3A_214, %add3A_311 : i32
        %sub3A_313 = arith.constant 2 : i32
        %sub3A_314 = arith.subi %add3A_312, %sub3A_313 : i32
        %dma_start3A_315 = arith.constant 1 : i32
        %dma_start3A_316 = arith.constant 0 : i32
        %dma_start3A_317 = arith.constant 0 : i32
        %dma_start3A_318 = tpu.memref_slice %arg6[%dma_start3A_315, %dma_start3A_316, %dma_start3A_317] : memref<5x128x128xf32, #tpu.memory_space<vmem>> -> memref<1x128x128xf32, #tpu.memory_space<vmem>>
        %dma_start3A_319 = tpu.memref_squeeze %dma_start3A_318 : memref<1x128x128xf32, #tpu.memory_space<vmem>> -> memref<128x128xf32, #tpu.memory_space<vmem>>
        %dma_start3A_320 = arith.constant 0 : i32
        %dma_start3A_321 = tpu.memref_slice %arg5[%sub3A_314, %dma_start3A_320] : memref<50x128xi32, #tpu.memory_space<vmem>> -> memref<1x128xi32, #tpu.memory_space<vmem>>
        %dma_start3A_322 = tpu.memref_squeeze %dma_start3A_321 : memref<1x128xi32, #tpu.memory_space<vmem>> -> memref<128xi32, #tpu.memory_space<vmem>>
        %dma_start3A_323 = arith.constant 0 : i32
        %dma_start3A_324 = arith.constant 0 : i32
        %dma_start3A_325 = tpu.memref_slice %arg2[%dma_start3A_323, %dma_start3A_324] : memref<1000000x128xf32, #tpu.memory_space<hbm>> -> memref<1000000x128xf32, #tpu.memory_space<hbm>>
        tpu.enqueue_indirect_dma source(%dma_start3A_325 : memref<1000000x128xf32, #tpu.memory_space<hbm>>) target(%dma_start3A_319 : memref<128x128xf32, #tpu.memory_space<vmem>>) offsets(%dma_start3A_322 : memref<128xi32, #tpu.memory_space<vmem>>) semaphore(%arg8 : memref<!tpu.dma_semaphore, #tpu.memory_space<semaphore_mem>>)
      } else {
      }
      %scan3A_240 = arith.constant 0 : i32
      %scan3A_241 = arith.constant 0 : i32
      %scan3A_242 = arith.constant 128 : i32
      %scan3A_243 = arith.addi %scan3A_241, %scan3A_242 : i32
      %scan3A_244 = arith.constant 4 : i32
      scf.for %scan3A_311 = %scan3A_241 to %scan3A_243 step %scan3A_244  : i32 {
        %get3A = arith.constant 3 : i32
        %get3A_312 = arith.index_cast %get3A : i32 to index
        %get3A_313 = arith.index_cast %scan3A_311 : i32 to index
        %get3A_314 = arith.constant 0 : index
        %get3A_315 = tpu.vector_load %arg6[%get3A_312, %get3A_313, %get3A_314] {strides = array<i32>} : memref<5x128x128xf32, #tpu.memory_space<vmem>>, vector<1x1x16xf32>,
        %get3A_316 = vector.shape_cast %get3A_315 : vector<1x1x16xf32> to vector<16xf32>
        %mul3A_317 = arith.constant 11.3137083 : f32
        %mul3A_318 = vector.broadcast %mul3A_317 : f32 to vector<16xf32>
        %mul3A_319 = arith.mulf %get3A_316, %mul3A_318 : vector<16xf32>
        %swap3A = arith.constant 3 : i32
        %swap3A_320 = arith.index_cast %swap3A : i32 to index
        %swap3A_321 = arith.index_cast %scan3A_311 : i32 to index
        %swap3A_322 = arith.constant 0 : index
        %swap3A_323 = tpu.vector_load %arg6[%swap3A_320, %swap3A_321, %swap3A_322] {strides = array<i32>} : memref<5x128x128xf32, #tpu.memory_space<vmem>>, vector<1x1x16xf32>,
        %swap3A_324 = vector.shape_cast %swap3A_323 : vector<1x1x16xf32> to vector<16xf32>
        %swap3A_325 = vector.shape_cast %mul3A_319 : vector<16xf32> to vector<1x1x16xf32>
        tpu.vector_store %arg6[%swap3A_320, %swap3A_321, %swap3A_322], %swap3A_325 {strides = array<i32>} : memref<5x128x128xf32, #tpu.memory_space<vmem>>, vector<1x1x16xf32>,
        %get3A_326 = arith.constant 3 : i32
        %get3A_327 = arith.index_cast %get3A_326 : i32 to index
        %get3A_328 = arith.index_cast %scan3A_311 : i32 to index
        %get3A_329 = arith.constant 16 : index
        %get3A_330 = tpu.vector_load %arg6[%get3A_327, %get3A_328, %get3A_329] {strides = array<i32>} : memref<5x128x128xf32, #tpu.memory_space<vmem>>, vector<1x1x16xf32>,
        %get3A_331 = vector.shape_cast %get3A_330 : vector<1x1x16xf32> to vector<16xf32>
        %mul3A_332 = arith.constant 11.3137083 : f32
        %mul3A_333 = vector.broadcast %mul3A_332 : f32 to vector<16xf32>
        %mul3A_334 = arith.mulf %get3A_331, %mul3A_333 : vector<16xf32>
        %swap3A_335 = arith.constant 3 : i32
        %swap3A_336 = arith.index_cast %swap3A_335 : i32 to index
        %swap3A_337 = arith.index_cast %scan3A_311 : i32 to index
        %swap3A_338 = arith.constant 16 : index
        %swap3A_339 = tpu.vector_load %arg6[%swap3A_336, %swap3A_337, %swap3A_338] {strides = array<i32>} : memref<5x128x128xf32, #tpu.memory_space<vmem>>, vector<1x1x16xf32>,
        %swap3A_340 = vector.shape_cast %swap3A_339 : vector<1x1x16xf32> to vector<16xf32>
        %swap3A_341 = vector.shape_cast %mul3A_334 : vector<16xf32> to vector<1x1x16xf32>
        tpu.vector_store %arg6[%swap3A_336, %swap3A_337, %swap3A_338], %swap3A_341 {strides = array<i32>} : memref<5x128x128xf32, #tpu.memory_space<vmem>>, vector<1x1x16xf32>,
        %get3A_342 = arith.constant 3 : i32
        %get3A_343 = arith.index_cast %get3A_342 : i32 to index
        %get3A_344 = arith.index_cast %scan3A_311 : i32 to index
        %get3A_345 = arith.constant 32 : index
        %get3A_346 = tpu.vector_load %arg6[%get3A_343, %get3A_344, %get3A_345] {strides = array<i32>} : memref<5x128x128xf32, #tpu.memory_space<vmem>>, vector<1x1x16xf32>,
        %get3A_347 = vector.shape_cast %get3A_346 : vector<1x1x16xf32> to vector<16xf32>
        %mul3A_348 = arith.constant 11.3137083 : f32
        %mul3A_349 = vector.broadcast %mul3A_348 : f32 to vector<16xf32>
        %mul3A_350 = arith.mulf %get3A_347, %mul3A_349 : vector<16xf32>
        %swap3A_351 = arith.constant 3 : i32
        %swap3A_352 = arith.index_cast %swap3A_351 : i32 to index
        %swap3A_353 = arith.index_cast %scan3A_311 : i32 to index
        %swap3A_354 = arith.constant 32 : index
        %swap3A_355 = tpu.vector_load %arg6[%swap3A_352, %swap3A_353, %swap3A_354] {strides = array<i32>} : memref<5x128x128xf32, #tpu.memory_space<vmem>>, vector<1x1x16xf32>,
        %swap3A_356 = vector.shape_cast %swap3A_355 : vector<1x1x16xf32> to vector<16xf32>
        %swap3A_357 = vector.shape_cast %mul3A_350 : vector<16xf32> to vector<1x1x16xf32>
        tpu.vector_store %arg6[%swap3A_352, %swap3A_353, %swap3A_354], %swap3A_357 {strides = array<i32>} : memref<5x128x128xf32, #tpu.memory_space<vmem>>, vector<1x1x16xf32>,
        %get3A_358 = arith.constant 3 : i32
        %get3A_359 = arith.index_cast %get3A_358 : i32 to index
        %get3A_360 = arith.index_cast %scan3A_311 : i32 to index
        %get3A_361 = arith.constant 48 : index
        %get3A_362 = tpu.vector_load %arg6[%get3A_359, %get3A_360, %get3A_361] {strides = array<i32>} : memref<5x128x128xf32, #tpu.memory_space<vmem>>, vector<1x1x16xf32>,
        %get3A_363 = vector.shape_cast %get3A_362 : vector<1x1x16xf32> to vector<16xf32>
        %mul3A_364 = arith.constant 11.3137083 : f32
        %mul3A_365 = vector.broadcast %mul3A_364 : f32 to vector<16xf32>
        %mul3A_366 = arith.mulf %get3A_363, %mul3A_365 : vector<16xf32>
        %swap3A_367 = arith.constant 3 : i32
        %swap3A_368 = arith.index_cast %swap3A_367 : i32 to index
        %swap3A_369 = arith.index_cast %scan3A_311 : i32 to index
        %swap3A_370 = arith.constant 48 : index
        %swap3A_371 = tpu.vector_load %arg6[%swap3A_368, %swap3A_369, %swap3A_370] {strides = array<i32>} : memref<5x128x128xf32, #tpu.memory_space<vmem>>, vector<1x1x16xf32>,
        %swap3A_372 = vector.shape_cast %swap3A_371 : vector<1x1x16xf32> to vector<16xf32>
        %swap3A_373 = vector.shape_cast %mul3A_366 : vector<16xf32> to vector<1x1x16xf32>
        tpu.vector_store %arg6[%swap3A_368, %swap3A_369, %swap3A_370], %swap3A_373 {strides = array<i32>} : memref<5x128x128xf32, #tpu.memory_space<vmem>>, vector<1x1x16xf32>,
        %get3A_374 = arith.constant 3 : i32
        %get3A_375 = arith.index_cast %get3A_374 : i32 to index
        %get3A_376 = arith.index_cast %scan3A_311 : i32 to index
        %get3A_377 = arith.constant 64 : index
        %get3A_378 = tpu.vector_load %arg6[%get3A_375, %get3A_376, %get3A_377] {strides = array<i32>} : memref<5x128x128xf32, #tpu.memory_space<vmem>>, vector<1x1x16xf32>,
        %get3A_379 = vector.shape_cast %get3A_378 : vector<1x1x16xf32> to vector<16xf32>
        %mul3A_380 = arith.constant 11.3137083 : f32
        %mul3A_381 = vector.broadcast %mul3A_380 : f32 to vector<16xf32>
        %mul3A_382 = arith.mulf %get3A_379, %mul3A_381 : vector<16xf32>
        %swap3A_383 = arith.constant 3 : i32
        %swap3A_384 = arith.index_cast %swap3A_383 : i32 to index
        %swap3A_385 = arith.index_cast %scan3A_311 : i32 to index
        %swap3A_386 = arith.constant 64 : index
        %swap3A_387 = tpu.vector_load %arg6[%swap3A_384, %swap3A_385, %swap3A_386] {strides = array<i32>} : memref<5x128x128xf32, #tpu.memory_space<vmem>>, vector<1x1x16xf32>,
        %swap3A_388 = vector.shape_cast %swap3A_387 : vector<1x1x16xf32> to vector<16xf32>
        %swap3A_389 = vector.shape_cast %mul3A_382 : vector<16xf32> to vector<1x1x16xf32>
        tpu.vector_store %arg6[%swap3A_384, %swap3A_385, %swap3A_386], %swap3A_389 {strides = array<i32>} : memref<5x128x128xf32, #tpu.memory_space<vmem>>, vector<1x1x16xf32>,
        %get3A_390 = arith.constant 3 : i32
        %get3A_391 = arith.index_cast %get3A_390 : i32 to index
        %get3A_392 = arith.index_cast %scan3A_311 : i32 to index
        %get3A_393 = arith.constant 80 : index
        %get3A_394 = tpu.vector_load %arg6[%get3A_391, %get3A_392, %get3A_393] {strides = array<i32>} : memref<5x128x128xf32, #tpu.memory_space<vmem>>, vector<1x1x16xf32>,
        %get3A_395 = vector.shape_cast %get3A_394 : vector<1x1x16xf32> to vector<16xf32>
        %mul3A_396 = arith.constant 11.3137083 : f32
        %mul3A_397 = vector.broadcast %mul3A_396 : f32 to vector<16xf32>
        %mul3A_398 = arith.mulf %get3A_395, %mul3A_397 : vector<16xf32>
        %swap3A_399 = arith.constant 3 : i32
        %swap3A_400 = arith.index_cast %swap3A_399 : i32 to index
        %swap3A_401 = arith.index_cast %scan3A_311 : i32 to index
        %swap3A_402 = arith.constant 80 : index
        %swap3A_403 = tpu.vector_load %arg6[%swap3A_400, %swap3A_401, %swap3A_402] {strides = array<i32>} : memref<5x128x128xf32, #tpu.memory_space<vmem>>, vector<1x1x16xf32>,
        %swap3A_404 = vector.shape_cast %swap3A_403 : vector<1x1x16xf32> to vector<16xf32>
        %swap3A_405 = vector.shape_cast %mul3A_398 : vector<16xf32> to vector<1x1x16xf32>
        tpu.vector_store %arg6[%swap3A_400, %swap3A_401, %swap3A_402], %swap3A_405 {strides = array<i32>} : memref<5x128x128xf32, #tpu.memory_space<vmem>>, vector<1x1x16xf32>,
        %get3A_406 = arith.constant 3 : i32
        %get3A_407 = arith.index_cast %get3A_406 : i32 to index
        %get3A_408 = arith.index_cast %scan3A_311 : i32 to index
        %get3A_409 = arith.constant 96 : index
        %get3A_410 = tpu.vector_load %arg6[%get3A_407, %get3A_408, %get3A_409] {strides = array<i32>} : memref<5x128x128xf32, #tpu.memory_space<vmem>>, vector<1x1x16xf32>,
        %get3A_411 = vector.shape_cast %get3A_410 : vector<1x1x16xf32> to vector<16xf32>
        %mul3A_412 = arith.constant 11.3137083 : f32
        %mul3A_413 = vector.broadcast %mul3A_412 : f32 to vector<16xf32>
        %mul3A_414 = arith.mulf %get3A_411, %mul3A_413 : vector<16xf32>
        %swap3A_415 = arith.constant 3 : i32
        %swap3A_416 = arith.index_cast %swap3A_415 : i32 to index
        %swap3A_417 = arith.index_cast %scan3A_311 : i32 to index
        %swap3A_418 = arith.constant 96 : index
        %swap3A_419 = tpu.vector_load %arg6[%swap3A_416, %swap3A_417, %swap3A_418] {strides = array<i32>} : memref<5x128x128xf32, #tpu.memory_space<vmem>>, vector<1x1x16xf32>,
        %swap3A_420 = vector.shape_cast %swap3A_419 : vector<1x1x16xf32> to vector<16xf32>
        %swap3A_421 = vector.shape_cast %mul3A_414 : vector<16xf32> to vector<1x1x16xf32>
        tpu.vector_store %arg6[%swap3A_416, %swap3A_417, %swap3A_418], %swap3A_421 {strides = array<i32>} : memref<5x128x128xf32, #tpu.memory_space<vmem>>, vector<1x1x16xf32>,
        %get3A_422 = arith.constant 3 : i32
        %get3A_423 = arith.index_cast %get3A_422 : i32 to index
        %get3A_424 = arith.index_cast %scan3A_311 : i32 to index
        %get3A_425 = arith.constant 112 : index
        %get3A_426 = tpu.vector_load %arg6[%get3A_423, %get3A_424, %get3A_425] {strides = array<i32>} : memref<5x128x128xf32, #tpu.memory_space<vmem>>, vector<1x1x16xf32>,
        %get3A_427 = vector.shape_cast %get3A_426 : vector<1x1x16xf32> to vector<16xf32>
        %mul3A_428 = arith.constant 11.3137083 : f32
        %mul3A_429 = vector.broadcast %mul3A_428 : f32 to vector<16xf32>
        %mul3A_430 = arith.mulf %get3A_427, %mul3A_429 : vector<16xf32>
        %swap3A_431 = arith.constant 3 : i32
        %swap3A_432 = arith.index_cast %swap3A_431 : i32 to index
        %swap3A_433 = arith.index_cast %scan3A_311 : i32 to index
        %swap3A_434 = arith.constant 112 : index
        %swap3A_435 = tpu.vector_load %arg6[%swap3A_432, %swap3A_433, %swap3A_434] {strides = array<i32>} : memref<5x128x128xf32, #tpu.memory_space<vmem>>, vector<1x1x16xf32>,
        %swap3A_436 = vector.shape_cast %swap3A_435 : vector<1x1x16xf32> to vector<16xf32>
        %swap3A_437 = vector.shape_cast %mul3A_430 : vector<16xf32> to vector<1x1x16xf32>
        tpu.vector_store %arg6[%swap3A_432, %swap3A_433, %swap3A_434], %swap3A_437 {strides = array<i32>} : memref<5x128x128xf32, #tpu.memory_space<vmem>>, vector<1x1x16xf32>,
        %scan3A_438 = arith.constant 1 : i32
        %scan3A_439 = arith.addi %scan3A_311, %scan3A_438 : i32
        %get3A_440 = arith.constant 3 : i32
        %get3A_441 = arith.index_cast %get3A_440 : i32 to index
        %get3A_442 = arith.index_cast %scan3A_439 : i32 to index
        %get3A_443 = arith.constant 0 : index
        %get3A_444 = tpu.vector_load %arg6[%get3A_441, %get3A_442, %get3A_443] {strides = array<i32>} : memref<5x128x128xf32, #tpu.memory_space<vmem>>, vector<1x1x16xf32>,
        %get3A_445 = vector.shape_cast %get3A_444 : vector<1x1x16xf32> to vector<16xf32>
        %mul3A_446 = arith.constant 11.3137083 : f32
        %mul3A_447 = vector.broadcast %mul3A_446 : f32 to vector<16xf32>
        %mul3A_448 = arith.mulf %get3A_445, %mul3A_447 : vector<16xf32>
        %swap3A_449 = arith.constant 3 : i32
        %swap3A_450 = arith.index_cast %swap3A_449 : i32 to index
        %swap3A_451 = arith.index_cast %scan3A_439 : i32 to index
        %swap3A_452 = arith.constant 0 : index
        %swap3A_453 = tpu.vector_load %arg6[%swap3A_450, %swap3A_451, %swap3A_452] {strides = array<i32>} : memref<5x128x128xf32, #tpu.memory_space<vmem>>, vector<1x1x16xf32>,
        %swap3A_454 = vector.shape_cast %swap3A_453 : vector<1x1x16xf32> to vector<16xf32>
        %swap3A_455 = vector.shape_cast %mul3A_448 : vector<16xf32> to vector<1x1x16xf32>
        tpu.vector_store %arg6[%swap3A_450, %swap3A_451, %swap3A_452], %swap3A_455 {strides = array<i32>} : memref<5x128x128xf32, #tpu.memory_space<vmem>>, vector<1x1x16xf32>,
        %get3A_456 = arith.constant 3 : i32
        %get3A_457 = arith.index_cast %get3A_456 : i32 to index
        %get3A_458 = arith.index_cast %scan3A_439 : i32 to index
        %get3A_459 = arith.constant 16 : index
        %get3A_460 = tpu.vector_load %arg6[%get3A_457, %get3A_458, %get3A_459] {strides = array<i32>} : memref<5x128x128xf32, #tpu.memory_space<vmem>>, vector<1x1x16xf32>,
        %get3A_461 = vector.shape_cast %get3A_460 : vector<1x1x16xf32> to vector<16xf32>
        %mul3A_462 = arith.constant 11.3137083 : f32
        %mul3A_463 = vector.broadcast %mul3A_462 : f32 to vector<16xf32>
        %mul3A_464 = arith.mulf %get3A_461, %mul3A_463 : vector<16xf32>
        %swap3A_465 = arith.constant 3 : i32
        %swap3A_466 = arith.index_cast %swap3A_465 : i32 to index
        %swap3A_467 = arith.index_cast %scan3A_439 : i32 to index
        %swap3A_468 = arith.constant 16 : index
        %swap3A_469 = tpu.vector_load %arg6[%swap3A_466, %swap3A_467, %swap3A_468] {strides = array<i32>} : memref<5x128x128xf32, #tpu.memory_space<vmem>>, vector<1x1x16xf32>,
        %swap3A_470 = vector.shape_cast %swap3A_469 : vector<1x1x16xf32> to vector<16xf32>
        %swap3A_471 = vector.shape_cast %mul3A_464 : vector<16xf32> to vector<1x1x16xf32>
        tpu.vector_store %arg6[%swap3A_466, %swap3A_467, %swap3A_468], %swap3A_471 {strides = array<i32>} : memref<5x128x128xf32, #tpu.memory_space<vmem>>, vector<1x1x16xf32>,
        %get3A_472 = arith.constant 3 : i32
        %get3A_473 = arith.index_cast %get3A_472 : i32 to index
        %get3A_474 = arith.index_cast %scan3A_439 : i32 to index
        %get3A_475 = arith.constant 32 : index
        %get3A_476 = tpu.vector_load %arg6[%get3A_473, %get3A_474, %get3A_475] {strides = array<i32>} : memref<5x128x128xf32, #tpu.memory_space<vmem>>, vector<1x1x16xf32>,
        %get3A_477 = vector.shape_cast %get3A_476 : vector<1x1x16xf32> to vector<16xf32>
        %mul3A_478 = arith.constant 11.3137083 : f32
        %mul3A_479 = vector.broadcast %mul3A_478 : f32 to vector<16xf32>
        %mul3A_480 = arith.mulf %get3A_477, %mul3A_479 : vector<16xf32>
        %swap3A_481 = arith.constant 3 : i32
        %swap3A_482 = arith.index_cast %swap3A_481 : i32 to index
        %swap3A_483 = arith.index_cast %scan3A_439 : i32 to index
        %swap3A_484 = arith.constant 32 : index
        %swap3A_485 = tpu.vector_load %arg6[%swap3A_482, %swap3A_483, %swap3A_484] {strides = array<i32>} : memref<5x128x128xf32, #tpu.memory_space<vmem>>, vector<1x1x16xf32>,
        %swap3A_486 = vector.shape_cast %swap3A_485 : vector<1x1x16xf32> to vector<16xf32>
        %swap3A_487 = vector.shape_cast %mul3A_480 : vector<16xf32> to vector<1x1x16xf32>
        tpu.vector_store %arg6[%swap3A_482, %swap3A_483, %swap3A_484], %swap3A_487 {strides = array<i32>} : memref<5x128x128xf32, #tpu.memory_space<vmem>>, vector<1x1x16xf32>,
        %get3A_488 = arith.constant 3 : i32
        %get3A_489 = arith.index_cast %get3A_488 : i32 to index
        %get3A_490 = arith.index_cast %scan3A_439 : i32 to index
        %get3A_491 = arith.constant 48 : index
        %get3A_492 = tpu.vector_load %arg6[%get3A_489, %get3A_490, %get3A_491] {strides = array<i32>} : memref<5x128x128xf32, #tpu.memory_space<vmem>>, vector<1x1x16xf32>,
        %get3A_493 = vector.shape_cast %get3A_492 : vector<1x1x16xf32> to vector<16xf32>
        %mul3A_494 = arith.constant 11.3137083 : f32
        %mul3A_495 = vector.broadcast %mul3A_494 : f32 to vector<16xf32>
        %mul3A_496 = arith.mulf %get3A_493, %mul3A_495 : vector<16xf32>
        %swap3A_497 = arith.constant 3 : i32
        %swap3A_498 = arith.index_cast %swap3A_497 : i32 to index
        %swap3A_499 = arith.index_cast %scan3A_439 : i32 to index
        %swap3A_500 = arith.constant 48 : index
        %swap3A_501 = tpu.vector_load %arg6[%swap3A_498, %swap3A_499, %swap3A_500] {strides = array<i32>} : memref<5x128x128xf32, #tpu.memory_space<vmem>>, vector<1x1x16xf32>,
        %swap3A_502 = vector.shape_cast %swap3A_501 : vector<1x1x16xf32> to vector<16xf32>
        %swap3A_503 = vector.shape_cast %mul3A_496 : vector<16xf32> to vector<1x1x16xf32>
        tpu.vector_store %arg6[%swap3A_498, %swap3A_499, %swap3A_500], %swap3A_503 {strides = array<i32>} : memref<5x128x128xf32, #tpu.memory_space<vmem>>, vector<1x1x16xf32>,
        %get3A_504 = arith.constant 3 : i32
        %get3A_505 = arith.index_cast %get3A_504 : i32 to index
        %get3A_506 = arith.index_cast %scan3A_439 : i32 to index
        %get3A_507 = arith.constant 64 : index
        %get3A_508 = tpu.vector_load %arg6[%get3A_505, %get3A_506, %get3A_507] {strides = array<i32>} : memref<5x128x128xf32, #tpu.memory_space<vmem>>, vector<1x1x16xf32>,
        %get3A_509 = vector.shape_cast %get3A_508 : vector<1x1x16xf32> to vector<16xf32>
        %mul3A_510 = arith.constant 11.3137083 : f32
        %mul3A_511 = vector.broadcast %mul3A_510 : f32 to vector<16xf32>
        %mul3A_512 = arith.mulf %get3A_509, %mul3A_511 : vector<16xf32>
        %swap3A_513 = arith.constant 3 : i32
        %swap3A_514 = arith.index_cast %swap3A_513 : i32 to index
        %swap3A_515 = arith.index_cast %scan3A_439 : i32 to index
        %swap3A_516 = arith.constant 64 : index
        %swap3A_517 = tpu.vector_load %arg6[%swap3A_514, %swap3A_515, %swap3A_516] {strides = array<i32>} : memref<5x128x128xf32, #tpu.memory_space<vmem>>, vector<1x1x16xf32>,
        %swap3A_518 = vector.shape_cast %swap3A_517 : vector<1x1x16xf32> to vector<16xf32>
        %swap3A_519 = vector.shape_cast %mul3A_512 : vector<16xf32> to vector<1x1x16xf32>
        tpu.vector_store %arg6[%swap3A_514, %swap3A_515, %swap3A_516], %swap3A_519 {strides = array<i32>} : memref<5x128x128xf32, #tpu.memory_space<vmem>>, vector<1x1x16xf32>,
        %get3A_520 = arith.constant 3 : i32
        %get3A_521 = arith.index_cast %get3A_520 : i32 to index
        %get3A_522 = arith.index_cast %scan3A_439 : i32 to index
        %get3A_523 = arith.constant 80 : index
        %get3A_524 = tpu.vector_load %arg6[%get3A_521, %get3A_522, %get3A_523] {strides = array<i32>} : memref<5x128x128xf32, #tpu.memory_space<vmem>>, vector<1x1x16xf32>,
        %get3A_525 = vector.shape_cast %get3A_524 : vector<1x1x16xf32> to vector<16xf32>
        %mul3A_526 = arith.constant 11.3137083 : f32
        %mul3A_527 = vector.broadcast %mul3A_526 : f32 to vector<16xf32>
        %mul3A_528 = arith.mulf %get3A_525, %mul3A_527 : vector<16xf32>
        %swap3A_529 = arith.constant 3 : i32
        %swap3A_530 = arith.index_cast %swap3A_529 : i32 to index
        %swap3A_531 = arith.index_cast %scan3A_439 : i32 to index
        %swap3A_532 = arith.constant 80 : index
        %swap3A_533 = tpu.vector_load %arg6[%swap3A_530, %swap3A_531, %swap3A_532] {strides = array<i32>} : memref<5x128x128xf32, #tpu.memory_space<vmem>>, vector<1x1x16xf32>,
        %swap3A_534 = vector.shape_cast %swap3A_533 : vector<1x1x16xf32> to vector<16xf32>
        %swap3A_535 = vector.shape_cast %mul3A_528 : vector<16xf32> to vector<1x1x16xf32>
        tpu.vector_store %arg6[%swap3A_530, %swap3A_531, %swap3A_532], %swap3A_535 {strides = array<i32>} : memref<5x128x128xf32, #tpu.memory_space<vmem>>, vector<1x1x16xf32>,
        %get3A_536 = arith.constant 3 : i32
        %get3A_537 = arith.index_cast %get3A_536 : i32 to index
        %get3A_538 = arith.index_cast %scan3A_439 : i32 to index
        %get3A_539 = arith.constant 96 : index
        %get3A_540 = tpu.vector_load %arg6[%get3A_537, %get3A_538, %get3A_539] {strides = array<i32>} : memref<5x128x128xf32, #tpu.memory_space<vmem>>, vector<1x1x16xf32>,
        %get3A_541 = vector.shape_cast %get3A_540 : vector<1x1x16xf32> to vector<16xf32>
        %mul3A_542 = arith.constant 11.3137083 : f32
        %mul3A_543 = vector.broadcast %mul3A_542 : f32 to vector<16xf32>
        %mul3A_544 = arith.mulf %get3A_541, %mul3A_543 : vector<16xf32>
        %swap3A_545 = arith.constant 3 : i32
        %swap3A_546 = arith.index_cast %swap3A_545 : i32 to index
        %swap3A_547 = arith.index_cast %scan3A_439 : i32 to index
        %swap3A_548 = arith.constant 96 : index
        %swap3A_549 = tpu.vector_load %arg6[%swap3A_546, %swap3A_547, %swap3A_548] {strides = array<i32>} : memref<5x128x128xf32, #tpu.memory_space<vmem>>, vector<1x1x16xf32>,
        %swap3A_550 = vector.shape_cast %swap3A_549 : vector<1x1x16xf32> to vector<16xf32>
        %swap3A_551 = vector.shape_cast %mul3A_544 : vector<16xf32> to vector<1x1x16xf32>
        tpu.vector_store %arg6[%swap3A_546, %swap3A_547, %swap3A_548], %swap3A_551 {strides = array<i32>} : memref<5x128x128xf32, #tpu.memory_space<vmem>>, vector<1x1x16xf32>,
        %get3A_552 = arith.constant 3 : i32
        %get3A_553 = arith.index_cast %get3A_552 : i32 to index
        %get3A_554 = arith.index_cast %scan3A_439 : i32 to index
        %get3A_555 = arith.constant 112 : index
        %get3A_556 = tpu.vector_load %arg6[%get3A_553, %get3A_554, %get3A_555] {strides = array<i32>} : memref<5x128x128xf32, #tpu.memory_space<vmem>>, vector<1x1x16xf32>,
        %get3A_557 = vector.shape_cast %get3A_556 : vector<1x1x16xf32> to vector<16xf32>
        %mul3A_558 = arith.constant 11.3137083 : f32
        %mul3A_559 = vector.broadcast %mul3A_558 : f32 to vector<16xf32>
        %mul3A_560 = arith.mulf %get3A_557, %mul3A_559 : vector<16xf32>
        %swap3A_561 = arith.constant 3 : i32
        %swap3A_562 = arith.index_cast %swap3A_561 : i32 to index
        %swap3A_563 = arith.index_cast %scan3A_439 : i32 to index
        %swap3A_564 = arith.constant 112 : index
        %swap3A_565 = tpu.vector_load %arg6[%swap3A_562, %swap3A_563, %swap3A_564] {strides = array<i32>} : memref<5x128x128xf32, #tpu.memory_space<vmem>>, vector<1x1x16xf32>,
        %swap3A_566 = vector.shape_cast %swap3A_565 : vector<1x1x16xf32> to vector<16xf32>
        %swap3A_567 = vector.shape_cast %mul3A_560 : vector<16xf32> to vector<1x1x16xf32>
        tpu.vector_store %arg6[%swap3A_562, %swap3A_563, %swap3A_564], %swap3A_567 {strides = array<i32>} : memref<5x128x128xf32, #tpu.memory_space<vmem>>, vector<1x1x16xf32>,
        %scan3A_568 = arith.constant 2 : i32
        %scan3A_569 = arith.addi %scan3A_311, %scan3A_568 : i32
        %get3A_570 = arith.constant 3 : i32
        %get3A_571 = arith.index_cast %get3A_570 : i32 to index
        %get3A_572 = arith.index_cast %scan3A_569 : i32 to index
        %get3A_573 = arith.constant 0 : index
        %get3A_574 = tpu.vector_load %arg6[%get3A_571, %get3A_572, %get3A_573] {strides = array<i32>} : memref<5x128x128xf32, #tpu.memory_space<vmem>>, vector<1x1x16xf32>,
        %get3A_575 = vector.shape_cast %get3A_574 : vector<1x1x16xf32> to vector<16xf32>
        %mul3A_576 = arith.constant 11.3137083 : f32
        %mul3A_577 = vector.broadcast %mul3A_576 : f32 to vector<16xf32>
        %mul3A_578 = arith.mulf %get3A_575, %mul3A_577 : vector<16xf32>
        %swap3A_579 = arith.constant 3 : i32
        %swap3A_580 = arith.index_cast %swap3A_579 : i32 to index
        %swap3A_581 = arith.index_cast %scan3A_569 : i32 to index
        %swap3A_582 = arith.constant 0 : index
        %swap3A_583 = tpu.vector_load %arg6[%swap3A_580, %swap3A_581, %swap3A_582] {strides = array<i32>} : memref<5x128x128xf32, #tpu.memory_space<vmem>>, vector<1x1x16xf32>,
        %swap3A_584 = vector.shape_cast %swap3A_583 : vector<1x1x16xf32> to vector<16xf32>
        %swap3A_585 = vector.shape_cast %mul3A_578 : vector<16xf32> to vector<1x1x16xf32>
        tpu.vector_store %arg6[%swap3A_580, %swap3A_581, %swap3A_582], %swap3A_585 {strides = array<i32>} : memref<5x128x128xf32, #tpu.memory_space<vmem>>, vector<1x1x16xf32>,
        %get3A_586 = arith.constant 3 : i32
        %get3A_587 = arith.index_cast %get3A_586 : i32 to index
        %get3A_588 = arith.index_cast %scan3A_569 : i32 to index
        %get3A_589 = arith.constant 16 : index
        %get3A_590 = tpu.vector_load %arg6[%get3A_587, %get3A_588, %get3A_589] {strides = array<i32>} : memref<5x128x128xf32, #tpu.memory_space<vmem>>, vector<1x1x16xf32>,
        %get3A_591 = vector.shape_cast %get3A_590 : vector<1x1x16xf32> to vector<16xf32>
        %mul3A_592 = arith.constant 11.3137083 : f32
        %mul3A_593 = vector.broadcast %mul3A_592 : f32 to vector<16xf32>
        %mul3A_594 = arith.mulf %get3A_591, %mul3A_593 : vector<16xf32>
        %swap3A_595 = arith.constant 3 : i32
        %swap3A_596 = arith.index_cast %swap3A_595 : i32 to index
        %swap3A_597 = arith.index_cast %scan3A_569 : i32 to index
        %swap3A_598 = arith.constant 16 : index
        %swap3A_599 = tpu.vector_load %arg6[%swap3A_596, %swap3A_597, %swap3A_598] {strides = array<i32>} : memref<5x128x128xf32, #tpu.memory_space<vmem>>, vector<1x1x16xf32>,
        %swap3A_600 = vector.shape_cast %swap3A_599 : vector<1x1x16xf32> to vector<16xf32>
        %swap3A_601 = vector.shape_cast %mul3A_594 : vector<16xf32> to vector<1x1x16xf32>
        tpu.vector_store %arg6[%swap3A_596, %swap3A_597, %swap3A_598], %swap3A_601 {strides = array<i32>} : memref<5x128x128xf32, #tpu.memory_space<vmem>>, vector<1x1x16xf32>,
        %get3A_602 = arith.constant 3 : i32
        %get3A_603 = arith.index_cast %get3A_602 : i32 to index
        %get3A_604 = arith.index_cast %scan3A_569 : i32 to index
        %get3A_605 = arith.constant 32 : index
        %get3A_606 = tpu.vector_load %arg6[%get3A_603, %get3A_604, %get3A_605] {strides = array<i32>} : memref<5x128x128xf32, #tpu.memory_space<vmem>>, vector<1x1x16xf32>,
        %get3A_607 = vector.shape_cast %get3A_606 : vector<1x1x16xf32> to vector<16xf32>
        %mul3A_608 = arith.constant 11.3137083 : f32
        %mul3A_609 = vector.broadcast %mul3A_608 : f32 to vector<16xf32>
        %mul3A_610 = arith.mulf %get3A_607, %mul3A_609 : vector<16xf32>
        %swap3A_611 = arith.constant 3 : i32
        %swap3A_612 = arith.index_cast %swap3A_611 : i32 to index
        %swap3A_613 = arith.index_cast %scan3A_569 : i32 to index
        %swap3A_614 = arith.constant 32 : index
        %swap3A_615 = tpu.vector_load %arg6[%swap3A_612, %swap3A_613, %swap3A_614] {strides = array<i32>} : memref<5x128x128xf32, #tpu.memory_space<vmem>>, vector<1x1x16xf32>,
        %swap3A_616 = vector.shape_cast %swap3A_615 : vector<1x1x16xf32> to vector<16xf32>
        %swap3A_617 = vector.shape_cast %mul3A_610 : vector<16xf32> to vector<1x1x16xf32>
        tpu.vector_store %arg6[%swap3A_612, %swap3A_613, %swap3A_614], %swap3A_617 {strides = array<i32>} : memref<5x128x128xf32, #tpu.memory_space<vmem>>, vector<1x1x16xf32>,
        %get3A_618 = arith.constant 3 : i32
        %get3A_619 = arith.index_cast %get3A_618 : i32 to index
        %get3A_620 = arith.index_cast %scan3A_569 : i32 to index
        %get3A_621 = arith.constant 48 : index
        %get3A_622 = tpu.vector_load %arg6[%get3A_619, %get3A_620, %get3A_621] {strides = array<i32>} : memref<5x128x128xf32, #tpu.memory_space<vmem>>, vector<1x1x16xf32>,
        %get3A_623 = vector.shape_cast %get3A_622 : vector<1x1x16xf32> to vector<16xf32>
        %mul3A_624 = arith.constant 11.3137083 : f32
        %mul3A_625 = vector.broadcast %mul3A_624 : f32 to vector<16xf32>
        %mul3A_626 = arith.mulf %get3A_623, %mul3A_625 : vector<16xf32>
        %swap3A_627 = arith.constant 3 : i32
        %swap3A_628 = arith.index_cast %swap3A_627 : i32 to index
        %swap3A_629 = arith.index_cast %scan3A_569 : i32 to index
        %swap3A_630 = arith.constant 48 : index
        %swap3A_631 = tpu.vector_load %arg6[%swap3A_628, %swap3A_629, %swap3A_630] {strides = array<i32>} : memref<5x128x128xf32, #tpu.memory_space<vmem>>, vector<1x1x16xf32>,
        %swap3A_632 = vector.shape_cast %swap3A_631 : vector<1x1x16xf32> to vector<16xf32>
        %swap3A_633 = vector.shape_cast %mul3A_626 : vector<16xf32> to vector<1x1x16xf32>
        tpu.vector_store %arg6[%swap3A_628, %swap3A_629, %swap3A_630], %swap3A_633 {strides = array<i32>} : memref<5x128x128xf32, #tpu.memory_space<vmem>>, vector<1x1x16xf32>,
        %get3A_634 = arith.constant 3 : i32
        %get3A_635 = arith.index_cast %get3A_634 : i32 to index
        %get3A_636 = arith.index_cast %scan3A_569 : i32 to index
        %get3A_637 = arith.constant 64 : index
        %get3A_638 = tpu.vector_load %arg6[%get3A_635, %get3A_636, %get3A_637] {strides = array<i32>} : memref<5x128x128xf32, #tpu.memory_space<vmem>>, vector<1x1x16xf32>,
        %get3A_639 = vector.shape_cast %get3A_638 : vector<1x1x16xf32> to vector<16xf32>
        %mul3A_640 = arith.constant 11.3137083 : f32
        %mul3A_641 = vector.broadcast %mul3A_640 : f32 to vector<16xf32>
        %mul3A_642 = arith.mulf %get3A_639, %mul3A_641 : vector<16xf32>
        %swap3A_643 = arith.constant 3 : i32
        %swap3A_644 = arith.index_cast %swap3A_643 : i32 to index
        %swap3A_645 = arith.index_cast %scan3A_569 : i32 to index
        %swap3A_646 = arith.constant 64 : index
        %swap3A_647 = tpu.vector_load %arg6[%swap3A_644, %swap3A_645, %swap3A_646] {strides = array<i32>} : memref<5x128x128xf32, #tpu.memory_space<vmem>>, vector<1x1x16xf32>,
        %swap3A_648 = vector.shape_cast %swap3A_647 : vector<1x1x16xf32> to vector<16xf32>
        %swap3A_649 = vector.shape_cast %mul3A_642 : vector<16xf32> to vector<1x1x16xf32>
        tpu.vector_store %arg6[%swap3A_644, %swap3A_645, %swap3A_646], %swap3A_649 {strides = array<i32>} : memref<5x128x128xf32, #tpu.memory_space<vmem>>, vector<1x1x16xf32>,
        %get3A_650 = arith.constant 3 : i32
        %get3A_651 = arith.index_cast %get3A_650 : i32 to index
        %get3A_652 = arith.index_cast %scan3A_569 : i32 to index
        %get3A_653 = arith.constant 80 : index
        %get3A_654 = tpu.vector_load %arg6[%get3A_651, %get3A_652, %get3A_653] {strides = array<i32>} : memref<5x128x128xf32, #tpu.memory_space<vmem>>, vector<1x1x16xf32>,
        %get3A_655 = vector.shape_cast %get3A_654 : vector<1x1x16xf32> to vector<16xf32>
        %mul3A_656 = arith.constant 11.3137083 : f32
        %mul3A_657 = vector.broadcast %mul3A_656 : f32 to vector<16xf32>
        %mul3A_658 = arith.mulf %get3A_655, %mul3A_657 : vector<16xf32>
        %swap3A_659 = arith.constant 3 : i32
        %swap3A_660 = arith.index_cast %swap3A_659 : i32 to index
        %swap3A_661 = arith.index_cast %scan3A_569 : i32 to index
        %swap3A_662 = arith.constant 80 : index
        %swap3A_663 = tpu.vector_load %arg6[%swap3A_660, %swap3A_661, %swap3A_662] {strides = array<i32>} : memref<5x128x128xf32, #tpu.memory_space<vmem>>, vector<1x1x16xf32>,
        %swap3A_664 = vector.shape_cast %swap3A_663 : vector<1x1x16xf32> to vector<16xf32>
        %swap3A_665 = vector.shape_cast %mul3A_658 : vector<16xf32> to vector<1x1x16xf32>
        tpu.vector_store %arg6[%swap3A_660, %swap3A_661, %swap3A_662], %swap3A_665 {strides = array<i32>} : memref<5x128x128xf32, #tpu.memory_space<vmem>>, vector<1x1x16xf32>,
        %get3A_666 = arith.constant 3 : i32
        %get3A_667 = arith.index_cast %get3A_666 : i32 to index
        %get3A_668 = arith.index_cast %scan3A_569 : i32 to index
        %get3A_669 = arith.constant 96 : index
        %get3A_670 = tpu.vector_load %arg6[%get3A_667, %get3A_668, %get3A_669] {strides = array<i32>} : memref<5x128x128xf32, #tpu.memory_space<vmem>>, vector<1x1x16xf32>,
        %get3A_671 = vector.shape_cast %get3A_670 : vector<1x1x16xf32> to vector<16xf32>
        %mul3A_672 = arith.constant 11.3137083 : f32
        %mul3A_673 = vector.broadcast %mul3A_672 : f32 to vector<16xf32>
        %mul3A_674 = arith.mulf %get3A_671, %mul3A_673 : vector<16xf32>
        %swap3A_675 = arith.constant 3 : i32
        %swap3A_676 = arith.index_cast %swap3A_675 : i32 to index
        %swap3A_677 = arith.index_cast %scan3A_569 : i32 to index
        %swap3A_678 = arith.constant 96 : index
        %swap3A_679 = tpu.vector_load %arg6[%swap3A_676, %swap3A_677, %swap3A_678] {strides = array<i32>} : memref<5x128x128xf32, #tpu.memory_space<vmem>>, vector<1x1x16xf32>,
        %swap3A_680 = vector.shape_cast %swap3A_679 : vector<1x1x16xf32> to vector<16xf32>
        %swap3A_681 = vector.shape_cast %mul3A_674 : vector<16xf32> to vector<1x1x16xf32>
        tpu.vector_store %arg6[%swap3A_676, %swap3A_677, %swap3A_678], %swap3A_681 {strides = array<i32>} : memref<5x128x128xf32, #tpu.memory_space<vmem>>, vector<1x1x16xf32>,
        %get3A_682 = arith.constant 3 : i32
        %get3A_683 = arith.index_cast %get3A_682 : i32 to index
        %get3A_684 = arith.index_cast %scan3A_569 : i32 to index
        %get3A_685 = arith.constant 112 : index
        %get3A_686 = tpu.vector_load %arg6[%get3A_683, %get3A_684, %get3A_685] {strides = array<i32>} : memref<5x128x128xf32, #tpu.memory_space<vmem>>, vector<1x1x16xf32>,
        %get3A_687 = vector.shape_cast %get3A_686 : vector<1x1x16xf32> to vector<16xf32>
        %mul3A_688 = arith.constant 11.3137083 : f32
        %mul3A_689 = vector.broadcast %mul3A_688 : f32 to vector<16xf32>
        %mul3A_690 = arith.mulf %get3A_687, %mul3A_689 : vector<16xf32>
        %swap3A_691 = arith.constant 3 : i32
        %swap3A_692 = arith.index_cast %swap3A_691 : i32 to index
        %swap3A_693 = arith.index_cast %scan3A_569 : i32 to index
        %swap3A_694 = arith.constant 112 : index
        %swap3A_695 = tpu.vector_load %arg6[%swap3A_692, %swap3A_693, %swap3A_694] {strides = array<i32>} : memref<5x128x128xf32, #tpu.memory_space<vmem>>, vector<1x1x16xf32>,
        %swap3A_696 = vector.shape_cast %swap3A_695 : vector<1x1x16xf32> to vector<16xf32>
        %swap3A_697 = vector.shape_cast %mul3A_690 : vector<16xf32> to vector<1x1x16xf32>
        tpu.vector_store %arg6[%swap3A_692, %swap3A_693, %swap3A_694], %swap3A_697 {strides = array<i32>} : memref<5x128x128xf32, #tpu.memory_space<vmem>>, vector<1x1x16xf32>,
        %scan3A_698 = arith.constant 3 : i32
        %scan3A_699 = arith.addi %scan3A_311, %scan3A_698 : i32
        %get3A_700 = arith.constant 3 : i32
        %get3A_701 = arith.index_cast %get3A_700 : i32 to index
        %get3A_702 = arith.index_cast %scan3A_699 : i32 to index
        %get3A_703 = arith.constant 0 : index
        %get3A_704 = tpu.vector_load %arg6[%get3A_701, %get3A_702, %get3A_703] {strides = array<i32>} : memref<5x128x128xf32, #tpu.memory_space<vmem>>, vector<1x1x16xf32>,
        %get3A_705 = vector.shape_cast %get3A_704 : vector<1x1x16xf32> to vector<16xf32>
        %mul3A_706 = arith.constant 11.3137083 : f32
        %mul3A_707 = vector.broadcast %mul3A_706 : f32 to vector<16xf32>
        %mul3A_708 = arith.mulf %get3A_705, %mul3A_707 : vector<16xf32>
        %swap3A_709 = arith.constant 3 : i32
        %swap3A_710 = arith.index_cast %swap3A_709 : i32 to index
        %swap3A_711 = arith.index_cast %scan3A_699 : i32 to index
        %swap3A_712 = arith.constant 0 : index
        %swap3A_713 = tpu.vector_load %arg6[%swap3A_710, %swap3A_711, %swap3A_712] {strides = array<i32>} : memref<5x128x128xf32, #tpu.memory_space<vmem>>, vector<1x1x16xf32>,
        %swap3A_714 = vector.shape_cast %swap3A_713 : vector<1x1x16xf32> to vector<16xf32>
        %swap3A_715 = vector.shape_cast %mul3A_708 : vector<16xf32> to vector<1x1x16xf32>
        tpu.vector_store %arg6[%swap3A_710, %swap3A_711, %swap3A_712], %swap3A_715 {strides = array<i32>} : memref<5x128x128xf32, #tpu.memory_space<vmem>>, vector<1x1x16xf32>,
        %get3A_716 = arith.constant 3 : i32
        %get3A_717 = arith.index_cast %get3A_716 : i32 to index
        %get3A_718 = arith.index_cast %scan3A_699 : i32 to index
        %get3A_719 = arith.constant 16 : index
        %get3A_720 = tpu.vector_load %arg6[%get3A_717, %get3A_718, %get3A_719] {strides = array<i32>} : memref<5x128x128xf32, #tpu.memory_space<vmem>>, vector<1x1x16xf32>,
        %get3A_721 = vector.shape_cast %get3A_720 : vector<1x1x16xf32> to vector<16xf32>
        %mul3A_722 = arith.constant 11.3137083 : f32
        %mul3A_723 = vector.broadcast %mul3A_722 : f32 to vector<16xf32>
        %mul3A_724 = arith.mulf %get3A_721, %mul3A_723 : vector<16xf32>
        %swap3A_725 = arith.constant 3 : i32
        %swap3A_726 = arith.index_cast %swap3A_725 : i32 to index
        %swap3A_727 = arith.index_cast %scan3A_699 : i32 to index
        %swap3A_728 = arith.constant 16 : index
        %swap3A_729 = tpu.vector_load %arg6[%swap3A_726, %swap3A_727, %swap3A_728] {strides = array<i32>} : memref<5x128x128xf32, #tpu.memory_space<vmem>>, vector<1x1x16xf32>,
        %swap3A_730 = vector.shape_cast %swap3A_729 : vector<1x1x16xf32> to vector<16xf32>
        %swap3A_731 = vector.shape_cast %mul3A_724 : vector<16xf32> to vector<1x1x16xf32>
        tpu.vector_store %arg6[%swap3A_726, %swap3A_727, %swap3A_728], %swap3A_731 {strides = array<i32>} : memref<5x128x128xf32, #tpu.memory_space<vmem>>, vector<1x1x16xf32>,
        %get3A_732 = arith.constant 3 : i32
        %get3A_733 = arith.index_cast %get3A_732 : i32 to index
        %get3A_734 = arith.index_cast %scan3A_699 : i32 to index
        %get3A_735 = arith.constant 32 : index
        %get3A_736 = tpu.vector_load %arg6[%get3A_733, %get3A_734, %get3A_735] {strides = array<i32>} : memref<5x128x128xf32, #tpu.memory_space<vmem>>, vector<1x1x16xf32>,
        %get3A_737 = vector.shape_cast %get3A_736 : vector<1x1x16xf32> to vector<16xf32>
        %mul3A_738 = arith.constant 11.3137083 : f32
        %mul3A_739 = vector.broadcast %mul3A_738 : f32 to vector<16xf32>
        %mul3A_740 = arith.mulf %get3A_737, %mul3A_739 : vector<16xf32>
        %swap3A_741 = arith.constant 3 : i32
        %swap3A_742 = arith.index_cast %swap3A_741 : i32 to index
        %swap3A_743 = arith.index_cast %scan3A_699 : i32 to index
        %swap3A_744 = arith.constant 32 : index
        %swap3A_745 = tpu.vector_load %arg6[%swap3A_742, %swap3A_743, %swap3A_744] {strides = array<i32>} : memref<5x128x128xf32, #tpu.memory_space<vmem>>, vector<1x1x16xf32>,
        %swap3A_746 = vector.shape_cast %swap3A_745 : vector<1x1x16xf32> to vector<16xf32>
        %swap3A_747 = vector.shape_cast %mul3A_740 : vector<16xf32> to vector<1x1x16xf32>
        tpu.vector_store %arg6[%swap3A_742, %swap3A_743, %swap3A_744], %swap3A_747 {strides = array<i32>} : memref<5x128x128xf32, #tpu.memory_space<vmem>>, vector<1x1x16xf32>,
        %get3A_748 = arith.constant 3 : i32
        %get3A_749 = arith.index_cast %get3A_748 : i32 to index
        %get3A_750 = arith.index_cast %scan3A_699 : i32 to index
        %get3A_751 = arith.constant 48 : index
        %get3A_752 = tpu.vector_load %arg6[%get3A_749, %get3A_750, %get3A_751] {strides = array<i32>} : memref<5x128x128xf32, #tpu.memory_space<vmem>>, vector<1x1x16xf32>,
        %get3A_753 = vector.shape_cast %get3A_752 : vector<1x1x16xf32> to vector<16xf32>
        %mul3A_754 = arith.constant 11.3137083 : f32
        %mul3A_755 = vector.broadcast %mul3A_754 : f32 to vector<16xf32>
        %mul3A_756 = arith.mulf %get3A_753, %mul3A_755 : vector<16xf32>
        %swap3A_757 = arith.constant 3 : i32
        %swap3A_758 = arith.index_cast %swap3A_757 : i32 to index
        %swap3A_759 = arith.index_cast %scan3A_699 : i32 to index
        %swap3A_760 = arith.constant 48 : index
        %swap3A_761 = tpu.vector_load %arg6[%swap3A_758, %swap3A_759, %swap3A_760] {strides = array<i32>} : memref<5x128x128xf32, #tpu.memory_space<vmem>>, vector<1x1x16xf32>,
        %swap3A_762 = vector.shape_cast %swap3A_761 : vector<1x1x16xf32> to vector<16xf32>
        %swap3A_763 = vector.shape_cast %mul3A_756 : vector<16xf32> to vector<1x1x16xf32>
        tpu.vector_store %arg6[%swap3A_758, %swap3A_759, %swap3A_760], %swap3A_763 {strides = array<i32>} : memref<5x128x128xf32, #tpu.memory_space<vmem>>, vector<1x1x16xf32>,
        %get3A_764 = arith.constant 3 : i32
        %get3A_765 = arith.index_cast %get3A_764 : i32 to index
        %get3A_766 = arith.index_cast %scan3A_699 : i32 to index
        %get3A_767 = arith.constant 64 : index
        %get3A_768 = tpu.vector_load %arg6[%get3A_765, %get3A_766, %get3A_767] {strides = array<i32>} : memref<5x128x128xf32, #tpu.memory_space<vmem>>, vector<1x1x16xf32>,
        %get3A_769 = vector.shape_cast %get3A_768 : vector<1x1x16xf32> to vector<16xf32>
        %mul3A_770 = arith.constant 11.3137083 : f32
        %mul3A_771 = vector.broadcast %mul3A_770 : f32 to vector<16xf32>
        %mul3A_772 = arith.mulf %get3A_769, %mul3A_771 : vector<16xf32>
        %swap3A_773 = arith.constant 3 : i32
        %swap3A_774 = arith.index_cast %swap3A_773 : i32 to index
        %swap3A_775 = arith.index_cast %scan3A_699 : i32 to index
        %swap3A_776 = arith.constant 64 : index
        %swap3A_777 = tpu.vector_load %arg6[%swap3A_774, %swap3A_775, %swap3A_776] {strides = array<i32>} : memref<5x128x128xf32, #tpu.memory_space<vmem>>, vector<1x1x16xf32>,
        %swap3A_778 = vector.shape_cast %swap3A_777 : vector<1x1x16xf32> to vector<16xf32>
        %swap3A_779 = vector.shape_cast %mul3A_772 : vector<16xf32> to vector<1x1x16xf32>
        tpu.vector_store %arg6[%swap3A_774, %swap3A_775, %swap3A_776], %swap3A_779 {strides = array<i32>} : memref<5x128x128xf32, #tpu.memory_space<vmem>>, vector<1x1x16xf32>,
        %get3A_780 = arith.constant 3 : i32
        %get3A_781 = arith.index_cast %get3A_780 : i32 to index
        %get3A_782 = arith.index_cast %scan3A_699 : i32 to index
        %get3A_783 = arith.constant 80 : index
        %get3A_784 = tpu.vector_load %arg6[%get3A_781, %get3A_782, %get3A_783] {strides = array<i32>} : memref<5x128x128xf32, #tpu.memory_space<vmem>>, vector<1x1x16xf32>,
        %get3A_785 = vector.shape_cast %get3A_784 : vector<1x1x16xf32> to vector<16xf32>
        %mul3A_786 = arith.constant 11.3137083 : f32
        %mul3A_787 = vector.broadcast %mul3A_786 : f32 to vector<16xf32>
        %mul3A_788 = arith.mulf %get3A_785, %mul3A_787 : vector<16xf32>
        %swap3A_789 = arith.constant 3 : i32
        %swap3A_790 = arith.index_cast %swap3A_789 : i32 to index
        %swap3A_791 = arith.index_cast %scan3A_699 : i32 to index
        %swap3A_792 = arith.constant 80 : index
        %swap3A_793 = tpu.vector_load %arg6[%swap3A_790, %swap3A_791, %swap3A_792] {strides = array<i32>} : memref<5x128x128xf32, #tpu.memory_space<vmem>>, vector<1x1x16xf32>,
        %swap3A_794 = vector.shape_cast %swap3A_793 : vector<1x1x16xf32> to vector<16xf32>
        %swap3A_795 = vector.shape_cast %mul3A_788 : vector<16xf32> to vector<1x1x16xf32>
        tpu.vector_store %arg6[%swap3A_790, %swap3A_791, %swap3A_792], %swap3A_795 {strides = array<i32>} : memref<5x128x128xf32, #tpu.memory_space<vmem>>, vector<1x1x16xf32>,
        %get3A_796 = arith.constant 3 : i32
        %get3A_797 = arith.index_cast %get3A_796 : i32 to index
        %get3A_798 = arith.index_cast %scan3A_699 : i32 to index
        %get3A_799 = arith.constant 96 : index
        %get3A_800 = tpu.vector_load %arg6[%get3A_797, %get3A_798, %get3A_799] {strides = array<i32>} : memref<5x128x128xf32, #tpu.memory_space<vmem>>, vector<1x1x16xf32>,
        %get3A_801 = vector.shape_cast %get3A_800 : vector<1x1x16xf32> to vector<16xf32>
        %mul3A_802 = arith.constant 11.3137083 : f32
        %mul3A_803 = vector.broadcast %mul3A_802 : f32 to vector<16xf32>
        %mul3A_804 = arith.mulf %get3A_801, %mul3A_803 : vector<16xf32>
        %swap3A_805 = arith.constant 3 : i32
        %swap3A_806 = arith.index_cast %swap3A_805 : i32 to index
        %swap3A_807 = arith.index_cast %scan3A_699 : i32 to index
        %swap3A_808 = arith.constant 96 : index
        %swap3A_809 = tpu.vector_load %arg6[%swap3A_806, %swap3A_807, %swap3A_808] {strides = array<i32>} : memref<5x128x128xf32, #tpu.memory_space<vmem>>, vector<1x1x16xf32>,
        %swap3A_810 = vector.shape_cast %swap3A_809 : vector<1x1x16xf32> to vector<16xf32>
        %swap3A_811 = vector.shape_cast %mul3A_804 : vector<16xf32> to vector<1x1x16xf32>
        tpu.vector_store %arg6[%swap3A_806, %swap3A_807, %swap3A_808], %swap3A_811 {strides = array<i32>} : memref<5x128x128xf32, #tpu.memory_space<vmem>>, vector<1x1x16xf32>,
        %get3A_812 = arith.constant 3 : i32
        %get3A_813 = arith.index_cast %get3A_812 : i32 to index
        %get3A_814 = arith.index_cast %scan3A_699 : i32 to index
        %get3A_815 = arith.constant 112 : index
        %get3A_816 = tpu.vector_load %arg6[%get3A_813, %get3A_814, %get3A_815] {strides = array<i32>} : memref<5x128x128xf32, #tpu.memory_space<vmem>>, vector<1x1x16xf32>,
        %get3A_817 = vector.shape_cast %get3A_816 : vector<1x1x16xf32> to vector<16xf32>
        %mul3A_818 = arith.constant 11.3137083 : f32
        %mul3A_819 = vector.broadcast %mul3A_818 : f32 to vector<16xf32>
        %mul3A_820 = arith.mulf %get3A_817, %mul3A_819 : vector<16xf32>
        %swap3A_821 = arith.constant 3 : i32
        %swap3A_822 = arith.index_cast %swap3A_821 : i32 to index
        %swap3A_823 = arith.index_cast %scan3A_699 : i32 to index
        %swap3A_824 = arith.constant 112 : index
        %swap3A_825 = tpu.vector_load %arg6[%swap3A_822, %swap3A_823, %swap3A_824] {strides = array<i32>} : memref<5x128x128xf32, #tpu.memory_space<vmem>>, vector<1x1x16xf32>,
        %swap3A_826 = vector.shape_cast %swap3A_825 : vector<1x1x16xf32> to vector<16xf32>
        %swap3A_827 = vector.shape_cast %mul3A_820 : vector<16xf32> to vector<1x1x16xf32>
        tpu.vector_store %arg6[%swap3A_822, %swap3A_823, %swap3A_824], %swap3A_827 {strides = array<i32>} : memref<5x128x128xf32, #tpu.memory_space<vmem>>, vector<1x1x16xf32>,
      }
      %scan3A_245 = arith.constant 128 : i32
      %mul3A_246 = arith.constant 128 : i32
      %mul3A_247 = arith.muli %add3A_214, %mul3A_246 : i32
      %add3A_248 = arith.addi %mul3A_2, %mul3A_247 : i32
      %dma_start3A_249 = arith.constant 3 : i32
      %dma_start3A_250 = arith.constant 0 : i32
      %dma_start3A_251 = arith.constant 0 : i32
      %dma_start3A_252 = tpu.memref_slice %arg6[%dma_start3A_249, %dma_start3A_250, %dma_start3A_251] : memref<5x128x128xf32, #tpu.memory_space<vmem>> -> memref<1x128x128xf32, #tpu.memory_space<vmem>>
      %dma_start3A_253 = tpu.memref_squeeze %dma_start3A_252 : memref<1x128x128xf32, #tpu.memory_space<vmem>> -> memref<128x128xf32, #tpu.memory_space<vmem>>
      %dma_start3A_254 = arith.constant 0 : i32
      %dma_start3A_255 = tpu.memref_slice %arg4[%add3A_248, %dma_start3A_254] : memref<204800x128xf32, #tpu.memory_space<hbm>> -> memref<128x128xf32, #tpu.memory_space<hbm>>
      %dma_start3A_256 = arith.constant 0 : i32
      %dma_start3A_257 = tpu.memref_slice %arg4[%add3A_248, %dma_start3A_256] : memref<204800x128xf32, #tpu.memory_space<hbm>> -> memref<128x128xf32, #tpu.memory_space<hbm>>
      %dma_start3A_258 = arith.constant 0 : i32
      %dma_start3A_259 = arith.constant 0 : i32
      %dma_start3A_260 = tpu.memref_slice %arg6[%dma_start3A_249, %dma_start3A_258, %dma_start3A_259] : memref<5x128x128xf32, #tpu.memory_space<vmem>> -> memref<1x128x128xf32, #tpu.memory_space<vmem>>
      %dma_start3A_261 = tpu.memref_squeeze %dma_start3A_260 : memref<1x128x128xf32, #tpu.memory_space<vmem>> -> memref<128x128xf32, #tpu.memory_space<vmem>>
      tpu.enqueue_dma source(%dma_start3A_261 : memref<128x128xf32, #tpu.memory_space<vmem>>) target(%dma_start3A_257 : memref<128x128xf32, #tpu.memory_space<hbm>>) target_semaphore(%arg15 : memref<!tpu.dma_semaphore, #tpu.memory_space<semaphore_mem>>)
      %add3A_262 = arith.constant 4 : i32
      %add3A_263 = arith.addi %mul3A_70, %add3A_262 : i32
      %dma_wait3A_264 = arith.constant 4 : i32
      %dma_wait3A_265 = arith.constant 0 : i32
      %dma_wait3A_266 = arith.constant 0 : i32
      %dma_wait3A_267 = tpu.memref_slice %arg6[%dma_wait3A_264, %dma_wait3A_265, %dma_wait3A_266] : memref<5x128x128xf32, #tpu.memory_space<vmem>> -> memref<1x128x128xf32, #tpu.memory_space<vmem>>
      %dma_wait3A_268 = tpu.memref_squeeze %dma_wait3A_267 : memref<1x128x128xf32, #tpu.memory_space<vmem>> -> memref<128x128xf32, #tpu.memory_space<vmem>>
      %dma_wait3A_269 = arith.constant 0 : i32
      %dma_wait3A_270 = tpu.memref_slice %arg5[%add3A_263, %dma_wait3A_269] : memref<50x128xi32, #tpu.memory_space<vmem>> -> memref<1x128xi32, #tpu.memory_space<vmem>>
      %dma_wait3A_271 = tpu.memref_squeeze %dma_wait3A_270 : memref<1x128xi32, #tpu.memory_space<vmem>> -> memref<128xi32, #tpu.memory_space<vmem>>
      %dma_wait3A_272 = arith.constant 0 : i32
      %dma_wait3A_273 = arith.constant 0 : i32
      %dma_wait3A_274 = tpu.memref_slice %arg2[%dma_wait3A_272, %dma_wait3A_273] : memref<1000000x128xf32, #tpu.memory_space<hbm>> -> memref<1000000x128xf32, #tpu.memory_space<hbm>>
      tpu.wait_indirect_dma semaphore(%arg11 : memref<!tpu.dma_semaphore, #tpu.memory_space<semaphore_mem>>) src(%dma_wait3A_274 : memref<1000000x128xf32, #tpu.memory_space<hbm>>) dst(%dma_wait3A_268 : memref<128x128xf32, #tpu.memory_space<vmem>>)
      %ge3A_275 = arith.constant 2 : i32
      %ge3A_276 = arith.cmpi sge, %add3A_263, %ge3A_275 : i32
      %convert_element_type3A_277 = arith.extui %ge3A_276 : i1 to i32
      %cond3A_278 = arith.constant 0 : i32
      %cond3A_279 = arith.cmpi ne, %convert_element_type3A_277, %cond3A_278 : i32
      scf.if %cond3A_279 {
        %dma_wait3A_311 = arith.constant 2 : i32
        %dma_wait3A_312 = arith.constant 0 : i32
        %dma_wait3A_313 = arith.constant 0 : i32
        %dma_wait3A_314 = tpu.memref_slice %arg6[%dma_wait3A_311, %dma_wait3A_312, %dma_wait3A_313] : memref<5x128x128xf32, #tpu.memory_space<vmem>> -> memref<1x128x128xf32, #tpu.memory_space<vmem>>
        %dma_wait3A_315 = tpu.memref_squeeze %dma_wait3A_314 : memref<1x128x128xf32, #tpu.memory_space<vmem>> -> memref<128x128xf32, #tpu.memory_space<vmem>>
        %dma_wait3A_316 = arith.constant 0 : i32
        %dma_wait3A_317 = tpu.memref_slice %arg4[%mul3A_2, %dma_wait3A_316] : memref<204800x128xf32, #tpu.memory_space<hbm>> -> memref<128x128xf32, #tpu.memory_space<hbm>>
        %dma_wait3A_318 = arith.constant 0 : i32
        %dma_wait3A_319 = tpu.memref_slice %arg4[%mul3A_2, %dma_wait3A_318] : memref<204800x128xf32, #tpu.memory_space<hbm>> -> memref<128x128xf32, #tpu.memory_space<hbm>>
        %dma_wait3A_320 = arith.constant 0 : i32
        %dma_wait3A_321 = arith.constant 0 : i32
        %dma_wait3A_322 = tpu.memref_slice %arg6[%dma_wait3A_311, %dma_wait3A_320, %dma_wait3A_321] : memref<5x128x128xf32, #tpu.memory_space<vmem>> -> memref<1x128x128xf32, #tpu.memory_space<vmem>>
        %dma_wait3A_323 = tpu.memref_squeeze %dma_wait3A_322 : memref<1x128x128xf32, #tpu.memory_space<vmem>> -> memref<128x128xf32, #tpu.memory_space<vmem>>
        tpu.wait_dma2 semaphore(%arg14 : memref<!tpu.dma_semaphore, #tpu.memory_space<semaphore_mem>>) src(%dma_wait3A_323 : memref<128x128xf32, #tpu.memory_space<vmem>>) dst(%dma_wait3A_319 : memref<128x128xf32, #tpu.memory_space<hbm>>)
      } else {
      }
      %add3A_280 = arith.constant 5 : i32
      %add3A_281 = arith.addi %add3A_263, %add3A_280 : i32
      %sub3A_282 = arith.constant 2 : i32
      %sub3A_283 = arith.subi %add3A_281, %sub3A_282 : i32
      %lt3A_284 = arith.constant 50 : i32
      %lt3A_285 = arith.cmpi slt, %sub3A_283, %lt3A_284 : i32
      %convert_element_type3A_286 = arith.extui %lt3A_285 : i1 to i32
      %cond3A_287 = arith.constant 0 : i32
      %cond3A_288 = arith.cmpi ne, %convert_element_type3A_286, %cond3A_287 : i32
      scf.if %cond3A_288 {
        %add3A_311 = arith.constant 5 : i32
        %add3A_312 = arith.addi %add3A_263, %add3A_311 : i32
        %sub3A_313 = arith.constant 2 : i32
        %sub3A_314 = arith.subi %add3A_312, %sub3A_313 : i32
        %dma_start3A_315 = arith.constant 2 : i32
        %dma_start3A_316 = arith.constant 0 : i32
        %dma_start3A_317 = arith.constant 0 : i32
        %dma_start3A_318 = tpu.memref_slice %arg6[%dma_start3A_315, %dma_start3A_316, %dma_start3A_317] : memref<5x128x128xf32, #tpu.memory_space<vmem>> -> memref<1x128x128xf32, #tpu.memory_space<vmem>>
        %dma_start3A_319 = tpu.memref_squeeze %dma_start3A_318 : memref<1x128x128xf32, #tpu.memory_space<vmem>> -> memref<128x128xf32, #tpu.memory_space<vmem>>
        %dma_start3A_320 = arith.constant 0 : i32
        %dma_start3A_321 = tpu.memref_slice %arg5[%sub3A_314, %dma_start3A_320] : memref<50x128xi32, #tpu.memory_space<vmem>> -> memref<1x128xi32, #tpu.memory_space<vmem>>
        %dma_start3A_322 = tpu.memref_squeeze %dma_start3A_321 : memref<1x128xi32, #tpu.memory_space<vmem>> -> memref<128xi32, #tpu.memory_space<vmem>>
        %dma_start3A_323 = arith.constant 0 : i32
        %dma_start3A_324 = arith.constant 0 : i32
        %dma_start3A_325 = tpu.memref_slice %arg2[%dma_start3A_323, %dma_start3A_324] : memref<1000000x128xf32, #tpu.memory_space<hbm>> -> memref<1000000x128xf32, #tpu.memory_space<hbm>>
        tpu.enqueue_indirect_dma source(%dma_start3A_325 : memref<1000000x128xf32, #tpu.memory_space<hbm>>) target(%dma_start3A_319 : memref<128x128xf32, #tpu.memory_space<vmem>>) offsets(%dma_start3A_322 : memref<128xi32, #tpu.memory_space<vmem>>) semaphore(%arg9 : memref<!tpu.dma_semaphore, #tpu.memory_space<semaphore_mem>>)
      } else {
      }
      %scan3A_289 = arith.constant 0 : i32
      %scan3A_290 = arith.constant 0 : i32
      %scan3A_291 = arith.constant 128 : i32
      %scan3A_292 = arith.addi %scan3A_290, %scan3A_291 : i32
      %scan3A_293 = arith.constant 4 : i32
      scf.for %scan3A_311 = %scan3A_290 to %scan3A_292 step %scan3A_293  : i32 {
        %get3A = arith.constant 4 : i32
        %get3A_312 = arith.index_cast %get3A : i32 to index
        %get3A_313 = arith.index_cast %scan3A_311 : i32 to index
        %get3A_314 = arith.constant 0 : index
        %get3A_315 = tpu.vector_load %arg6[%get3A_312, %get3A_313, %get3A_314] {strides = array<i32>} : memref<5x128x128xf32, #tpu.memory_space<vmem>>, vector<1x1x16xf32>,
        %get3A_316 = vector.shape_cast %get3A_315 : vector<1x1x16xf32> to vector<16xf32>
        %mul3A_317 = arith.constant 11.3137083 : f32
        %mul3A_318 = vector.broadcast %mul3A_317 : f32 to vector<16xf32>
        %mul3A_319 = arith.mulf %get3A_316, %mul3A_318 : vector<16xf32>
        %swap3A = arith.constant 4 : i32
        %swap3A_320 = arith.index_cast %swap3A : i32 to index
        %swap3A_321 = arith.index_cast %scan3A_311 : i32 to index
        %swap3A_322 = arith.constant 0 : index
        %swap3A_323 = tpu.vector_load %arg6[%swap3A_320, %swap3A_321, %swap3A_322] {strides = array<i32>} : memref<5x128x128xf32, #tpu.memory_space<vmem>>, vector<1x1x16xf32>,
        %swap3A_324 = vector.shape_cast %swap3A_323 : vector<1x1x16xf32> to vector<16xf32>
        %swap3A_325 = vector.shape_cast %mul3A_319 : vector<16xf32> to vector<1x1x16xf32>
        tpu.vector_store %arg6[%swap3A_320, %swap3A_321, %swap3A_322], %swap3A_325 {strides = array<i32>} : memref<5x128x128xf32, #tpu.memory_space<vmem>>, vector<1x1x16xf32>,
        %get3A_326 = arith.constant 4 : i32
        %get3A_327 = arith.index_cast %get3A_326 : i32 to index
        %get3A_328 = arith.index_cast %scan3A_311 : i32 to index
        %get3A_329 = arith.constant 16 : index
        %get3A_330 = tpu.vector_load %arg6[%get3A_327, %get3A_328, %get3A_329] {strides = array<i32>} : memref<5x128x128xf32, #tpu.memory_space<vmem>>, vector<1x1x16xf32>,
        %get3A_331 = vector.shape_cast %get3A_330 : vector<1x1x16xf32> to vector<16xf32>
        %mul3A_332 = arith.constant 11.3137083 : f32
        %mul3A_333 = vector.broadcast %mul3A_332 : f32 to vector<16xf32>
        %mul3A_334 = arith.mulf %get3A_331, %mul3A_333 : vector<16xf32>
        %swap3A_335 = arith.constant 4 : i32
        %swap3A_336 = arith.index_cast %swap3A_335 : i32 to index
        %swap3A_337 = arith.index_cast %scan3A_311 : i32 to index
        %swap3A_338 = arith.constant 16 : index
        %swap3A_339 = tpu.vector_load %arg6[%swap3A_336, %swap3A_337, %swap3A_338] {strides = array<i32>} : memref<5x128x128xf32, #tpu.memory_space<vmem>>, vector<1x1x16xf32>,
        %swap3A_340 = vector.shape_cast %swap3A_339 : vector<1x1x16xf32> to vector<16xf32>
        %swap3A_341 = vector.shape_cast %mul3A_334 : vector<16xf32> to vector<1x1x16xf32>
        tpu.vector_store %arg6[%swap3A_336, %swap3A_337, %swap3A_338], %swap3A_341 {strides = array<i32>} : memref<5x128x128xf32, #tpu.memory_space<vmem>>, vector<1x1x16xf32>,
        %get3A_342 = arith.constant 4 : i32
        %get3A_343 = arith.index_cast %get3A_342 : i32 to index
        %get3A_344 = arith.index_cast %scan3A_311 : i32 to index
        %get3A_345 = arith.constant 32 : index
        %get3A_346 = tpu.vector_load %arg6[%get3A_343, %get3A_344, %get3A_345] {strides = array<i32>} : memref<5x128x128xf32, #tpu.memory_space<vmem>>, vector<1x1x16xf32>,
        %get3A_347 = vector.shape_cast %get3A_346 : vector<1x1x16xf32> to vector<16xf32>
        %mul3A_348 = arith.constant 11.3137083 : f32
        %mul3A_349 = vector.broadcast %mul3A_348 : f32 to vector<16xf32>
        %mul3A_350 = arith.mulf %get3A_347, %mul3A_349 : vector<16xf32>
        %swap3A_351 = arith.constant 4 : i32
        %swap3A_352 = arith.index_cast %swap3A_351 : i32 to index
        %swap3A_353 = arith.index_cast %scan3A_311 : i32 to index
        %swap3A_354 = arith.constant 32 : index
        %swap3A_355 = tpu.vector_load %arg6[%swap3A_352, %swap3A_353, %swap3A_354] {strides = array<i32>} : memref<5x128x128xf32, #tpu.memory_space<vmem>>, vector<1x1x16xf32>,
        %swap3A_356 = vector.shape_cast %swap3A_355 : vector<1x1x16xf32> to vector<16xf32>
        %swap3A_357 = vector.shape_cast %mul3A_350 : vector<16xf32> to vector<1x1x16xf32>
        tpu.vector_store %arg6[%swap3A_352, %swap3A_353, %swap3A_354], %swap3A_357 {strides = array<i32>} : memref<5x128x128xf32, #tpu.memory_space<vmem>>, vector<1x1x16xf32>,
        %get3A_358 = arith.constant 4 : i32
        %get3A_359 = arith.index_cast %get3A_358 : i32 to index
        %get3A_360 = arith.index_cast %scan3A_311 : i32 to index
        %get3A_361 = arith.constant 48 : index
        %get3A_362 = tpu.vector_load %arg6[%get3A_359, %get3A_360, %get3A_361] {strides = array<i32>} : memref<5x128x128xf32, #tpu.memory_space<vmem>>, vector<1x1x16xf32>,
        %get3A_363 = vector.shape_cast %get3A_362 : vector<1x1x16xf32> to vector<16xf32>
        %mul3A_364 = arith.constant 11.3137083 : f32
        %mul3A_365 = vector.broadcast %mul3A_364 : f32 to vector<16xf32>
        %mul3A_366 = arith.mulf %get3A_363, %mul3A_365 : vector<16xf32>
        %swap3A_367 = arith.constant 4 : i32
        %swap3A_368 = arith.index_cast %swap3A_367 : i32 to index
        %swap3A_369 = arith.index_cast %scan3A_311 : i32 to index
        %swap3A_370 = arith.constant 48 : index
        %swap3A_371 = tpu.vector_load %arg6[%swap3A_368, %swap3A_369, %swap3A_370] {strides = array<i32>} : memref<5x128x128xf32, #tpu.memory_space<vmem>>, vector<1x1x16xf32>,
        %swap3A_372 = vector.shape_cast %swap3A_371 : vector<1x1x16xf32> to vector<16xf32>
        %swap3A_373 = vector.shape_cast %mul3A_366 : vector<16xf32> to vector<1x1x16xf32>
        tpu.vector_store %arg6[%swap3A_368, %swap3A_369, %swap3A_370], %swap3A_373 {strides = array<i32>} : memref<5x128x128xf32, #tpu.memory_space<vmem>>, vector<1x1x16xf32>,
        %get3A_374 = arith.constant 4 : i32
        %get3A_375 = arith.index_cast %get3A_374 : i32 to index
        %get3A_376 = arith.index_cast %scan3A_311 : i32 to index
        %get3A_377 = arith.constant 64 : index
        %get3A_378 = tpu.vector_load %arg6[%get3A_375, %get3A_376, %get3A_377] {strides = array<i32>} : memref<5x128x128xf32, #tpu.memory_space<vmem>>, vector<1x1x16xf32>,
        %get3A_379 = vector.shape_cast %get3A_378 : vector<1x1x16xf32> to vector<16xf32>
        %mul3A_380 = arith.constant 11.3137083 : f32
        %mul3A_381 = vector.broadcast %mul3A_380 : f32 to vector<16xf32>
        %mul3A_382 = arith.mulf %get3A_379, %mul3A_381 : vector<16xf32>
        %swap3A_383 = arith.constant 4 : i32
        %swap3A_384 = arith.index_cast %swap3A_383 : i32 to index
        %swap3A_385 = arith.index_cast %scan3A_311 : i32 to index
        %swap3A_386 = arith.constant 64 : index
        %swap3A_387 = tpu.vector_load %arg6[%swap3A_384, %swap3A_385, %swap3A_386] {strides = array<i32>} : memref<5x128x128xf32, #tpu.memory_space<vmem>>, vector<1x1x16xf32>,
        %swap3A_388 = vector.shape_cast %swap3A_387 : vector<1x1x16xf32> to vector<16xf32>
        %swap3A_389 = vector.shape_cast %mul3A_382 : vector<16xf32> to vector<1x1x16xf32>
        tpu.vector_store %arg6[%swap3A_384, %swap3A_385, %swap3A_386], %swap3A_389 {strides = array<i32>} : memref<5x128x128xf32, #tpu.memory_space<vmem>>, vector<1x1x16xf32>,
        %get3A_390 = arith.constant 4 : i32
        %get3A_391 = arith.index_cast %get3A_390 : i32 to index
        %get3A_392 = arith.index_cast %scan3A_311 : i32 to index
        %get3A_393 = arith.constant 80 : index
        %get3A_394 = tpu.vector_load %arg6[%get3A_391, %get3A_392, %get3A_393] {strides = array<i32>} : memref<5x128x128xf32, #tpu.memory_space<vmem>>, vector<1x1x16xf32>,
        %get3A_395 = vector.shape_cast %get3A_394 : vector<1x1x16xf32> to vector<16xf32>
        %mul3A_396 = arith.constant 11.3137083 : f32
        %mul3A_397 = vector.broadcast %mul3A_396 : f32 to vector<16xf32>
        %mul3A_398 = arith.mulf %get3A_395, %mul3A_397 : vector<16xf32>
        %swap3A_399 = arith.constant 4 : i32
        %swap3A_400 = arith.index_cast %swap3A_399 : i32 to index
        %swap3A_401 = arith.index_cast %scan3A_311 : i32 to index
        %swap3A_402 = arith.constant 80 : index
        %swap3A_403 = tpu.vector_load %arg6[%swap3A_400, %swap3A_401, %swap3A_402] {strides = array<i32>} : memref<5x128x128xf32, #tpu.memory_space<vmem>>, vector<1x1x16xf32>,
        %swap3A_404 = vector.shape_cast %swap3A_403 : vector<1x1x16xf32> to vector<16xf32>
        %swap3A_405 = vector.shape_cast %mul3A_398 : vector<16xf32> to vector<1x1x16xf32>
        tpu.vector_store %arg6[%swap3A_400, %swap3A_401, %swap3A_402], %swap3A_405 {strides = array<i32>} : memref<5x128x128xf32, #tpu.memory_space<vmem>>, vector<1x1x16xf32>,
        %get3A_406 = arith.constant 4 : i32
        %get3A_407 = arith.index_cast %get3A_406 : i32 to index
        %get3A_408 = arith.index_cast %scan3A_311 : i32 to index
        %get3A_409 = arith.constant 96 : index
        %get3A_410 = tpu.vector_load %arg6[%get3A_407, %get3A_408, %get3A_409] {strides = array<i32>} : memref<5x128x128xf32, #tpu.memory_space<vmem>>, vector<1x1x16xf32>,
        %get3A_411 = vector.shape_cast %get3A_410 : vector<1x1x16xf32> to vector<16xf32>
        %mul3A_412 = arith.constant 11.3137083 : f32
        %mul3A_413 = vector.broadcast %mul3A_412 : f32 to vector<16xf32>
        %mul3A_414 = arith.mulf %get3A_411, %mul3A_413 : vector<16xf32>
        %swap3A_415 = arith.constant 4 : i32
        %swap3A_416 = arith.index_cast %swap3A_415 : i32 to index
        %swap3A_417 = arith.index_cast %scan3A_311 : i32 to index
        %swap3A_418 = arith.constant 96 : index
        %swap3A_419 = tpu.vector_load %arg6[%swap3A_416, %swap3A_417, %swap3A_418] {strides = array<i32>} : memref<5x128x128xf32, #tpu.memory_space<vmem>>, vector<1x1x16xf32>,
        %swap3A_420 = vector.shape_cast %swap3A_419 : vector<1x1x16xf32> to vector<16xf32>
        %swap3A_421 = vector.shape_cast %mul3A_414 : vector<16xf32> to vector<1x1x16xf32>
        tpu.vector_store %arg6[%swap3A_416, %swap3A_417, %swap3A_418], %swap3A_421 {strides = array<i32>} : memref<5x128x128xf32, #tpu.memory_space<vmem>>, vector<1x1x16xf32>,
        %get3A_422 = arith.constant 4 : i32
        %get3A_423 = arith.index_cast %get3A_422 : i32 to index
        %get3A_424 = arith.index_cast %scan3A_311 : i32 to index
        %get3A_425 = arith.constant 112 : index
        %get3A_426 = tpu.vector_load %arg6[%get3A_423, %get3A_424, %get3A_425] {strides = array<i32>} : memref<5x128x128xf32, #tpu.memory_space<vmem>>, vector<1x1x16xf32>,
        %get3A_427 = vector.shape_cast %get3A_426 : vector<1x1x16xf32> to vector<16xf32>
        %mul3A_428 = arith.constant 11.3137083 : f32
        %mul3A_429 = vector.broadcast %mul3A_428 : f32 to vector<16xf32>
        %mul3A_430 = arith.mulf %get3A_427, %mul3A_429 : vector<16xf32>
        %swap3A_431 = arith.constant 4 : i32
        %swap3A_432 = arith.index_cast %swap3A_431 : i32 to index
        %swap3A_433 = arith.index_cast %scan3A_311 : i32 to index
        %swap3A_434 = arith.constant 112 : index
        %swap3A_435 = tpu.vector_load %arg6[%swap3A_432, %swap3A_433, %swap3A_434] {strides = array<i32>} : memref<5x128x128xf32, #tpu.memory_space<vmem>>, vector<1x1x16xf32>,
        %swap3A_436 = vector.shape_cast %swap3A_435 : vector<1x1x16xf32> to vector<16xf32>
        %swap3A_437 = vector.shape_cast %mul3A_430 : vector<16xf32> to vector<1x1x16xf32>
        tpu.vector_store %arg6[%swap3A_432, %swap3A_433, %swap3A_434], %swap3A_437 {strides = array<i32>} : memref<5x128x128xf32, #tpu.memory_space<vmem>>, vector<1x1x16xf32>,
        %scan3A_438 = arith.constant 1 : i32
        %scan3A_439 = arith.addi %scan3A_311, %scan3A_438 : i32
        %get3A_440 = arith.constant 4 : i32
        %get3A_441 = arith.index_cast %get3A_440 : i32 to index
        %get3A_442 = arith.index_cast %scan3A_439 : i32 to index
        %get3A_443 = arith.constant 0 : index
        %get3A_444 = tpu.vector_load %arg6[%get3A_441, %get3A_442, %get3A_443] {strides = array<i32>} : memref<5x128x128xf32, #tpu.memory_space<vmem>>, vector<1x1x16xf32>,
        %get3A_445 = vector.shape_cast %get3A_444 : vector<1x1x16xf32> to vector<16xf32>
        %mul3A_446 = arith.constant 11.3137083 : f32
        %mul3A_447 = vector.broadcast %mul3A_446 : f32 to vector<16xf32>
        %mul3A_448 = arith.mulf %get3A_445, %mul3A_447 : vector<16xf32>
        %swap3A_449 = arith.constant 4 : i32
        %swap3A_450 = arith.index_cast %swap3A_449 : i32 to index
        %swap3A_451 = arith.index_cast %scan3A_439 : i32 to index
        %swap3A_452 = arith.constant 0 : index
        %swap3A_453 = tpu.vector_load %arg6[%swap3A_450, %swap3A_451, %swap3A_452] {strides = array<i32>} : memref<5x128x128xf32, #tpu.memory_space<vmem>>, vector<1x1x16xf32>,
        %swap3A_454 = vector.shape_cast %swap3A_453 : vector<1x1x16xf32> to vector<16xf32>
        %swap3A_455 = vector.shape_cast %mul3A_448 : vector<16xf32> to vector<1x1x16xf32>
        tpu.vector_store %arg6[%swap3A_450, %swap3A_451, %swap3A_452], %swap3A_455 {strides = array<i32>} : memref<5x128x128xf32, #tpu.memory_space<vmem>>, vector<1x1x16xf32>,
        %get3A_456 = arith.constant 4 : i32
        %get3A_457 = arith.index_cast %get3A_456 : i32 to index
        %get3A_458 = arith.index_cast %scan3A_439 : i32 to index
        %get3A_459 = arith.constant 16 : index
        %get3A_460 = tpu.vector_load %arg6[%get3A_457, %get3A_458, %get3A_459] {strides = array<i32>} : memref<5x128x128xf32, #tpu.memory_space<vmem>>, vector<1x1x16xf32>,
        %get3A_461 = vector.shape_cast %get3A_460 : vector<1x1x16xf32> to vector<16xf32>
        %mul3A_462 = arith.constant 11.3137083 : f32
        %mul3A_463 = vector.broadcast %mul3A_462 : f32 to vector<16xf32>
        %mul3A_464 = arith.mulf %get3A_461, %mul3A_463 : vector<16xf32>
        %swap3A_465 = arith.constant 4 : i32
        %swap3A_466 = arith.index_cast %swap3A_465 : i32 to index
        %swap3A_467 = arith.index_cast %scan3A_439 : i32 to index
        %swap3A_468 = arith.constant 16 : index
        %swap3A_469 = tpu.vector_load %arg6[%swap3A_466, %swap3A_467, %swap3A_468] {strides = array<i32>} : memref<5x128x128xf32, #tpu.memory_space<vmem>>, vector<1x1x16xf32>,
        %swap3A_470 = vector.shape_cast %swap3A_469 : vector<1x1x16xf32> to vector<16xf32>
        %swap3A_471 = vector.shape_cast %mul3A_464 : vector<16xf32> to vector<1x1x16xf32>
        tpu.vector_store %arg6[%swap3A_466, %swap3A_467, %swap3A_468], %swap3A_471 {strides = array<i32>} : memref<5x128x128xf32, #tpu.memory_space<vmem>>, vector<1x1x16xf32>,
        %get3A_472 = arith.constant 4 : i32
        %get3A_473 = arith.index_cast %get3A_472 : i32 to index
        %get3A_474 = arith.index_cast %scan3A_439 : i32 to index
        %get3A_475 = arith.constant 32 : index
        %get3A_476 = tpu.vector_load %arg6[%get3A_473, %get3A_474, %get3A_475] {strides = array<i32>} : memref<5x128x128xf32, #tpu.memory_space<vmem>>, vector<1x1x16xf32>,
        %get3A_477 = vector.shape_cast %get3A_476 : vector<1x1x16xf32> to vector<16xf32>
        %mul3A_478 = arith.constant 11.3137083 : f32
        %mul3A_479 = vector.broadcast %mul3A_478 : f32 to vector<16xf32>
        %mul3A_480 = arith.mulf %get3A_477, %mul3A_479 : vector<16xf32>
        %swap3A_481 = arith.constant 4 : i32
        %swap3A_482 = arith.index_cast %swap3A_481 : i32 to index
        %swap3A_483 = arith.index_cast %scan3A_439 : i32 to index
        %swap3A_484 = arith.constant 32 : index
        %swap3A_485 = tpu.vector_load %arg6[%swap3A_482, %swap3A_483, %swap3A_484] {strides = array<i32>} : memref<5x128x128xf32, #tpu.memory_space<vmem>>, vector<1x1x16xf32>,
        %swap3A_486 = vector.shape_cast %swap3A_485 : vector<1x1x16xf32> to vector<16xf32>
        %swap3A_487 = vector.shape_cast %mul3A_480 : vector<16xf32> to vector<1x1x16xf32>
        tpu.vector_store %arg6[%swap3A_482, %swap3A_483, %swap3A_484], %swap3A_487 {strides = array<i32>} : memref<5x128x128xf32, #tpu.memory_space<vmem>>, vector<1x1x16xf32>,
        %get3A_488 = arith.constant 4 : i32
        %get3A_489 = arith.index_cast %get3A_488 : i32 to index
        %get3A_490 = arith.index_cast %scan3A_439 : i32 to index
        %get3A_491 = arith.constant 48 : index
        %get3A_492 = tpu.vector_load %arg6[%get3A_489, %get3A_490, %get3A_491] {strides = array<i32>} : memref<5x128x128xf32, #tpu.memory_space<vmem>>, vector<1x1x16xf32>,
        %get3A_493 = vector.shape_cast %get3A_492 : vector<1x1x16xf32> to vector<16xf32>
        %mul3A_494 = arith.constant 11.3137083 : f32
        %mul3A_495 = vector.broadcast %mul3A_494 : f32 to vector<16xf32>
        %mul3A_496 = arith.mulf %get3A_493, %mul3A_495 : vector<16xf32>
        %swap3A_497 = arith.constant 4 : i32
        %swap3A_498 = arith.index_cast %swap3A_497 : i32 to index
        %swap3A_499 = arith.index_cast %scan3A_439 : i32 to index
        %swap3A_500 = arith.constant 48 : index
        %swap3A_501 = tpu.vector_load %arg6[%swap3A_498, %swap3A_499, %swap3A_500] {strides = array<i32>} : memref<5x128x128xf32, #tpu.memory_space<vmem>>, vector<1x1x16xf32>,
        %swap3A_502 = vector.shape_cast %swap3A_501 : vector<1x1x16xf32> to vector<16xf32>
        %swap3A_503 = vector.shape_cast %mul3A_496 : vector<16xf32> to vector<1x1x16xf32>
        tpu.vector_store %arg6[%swap3A_498, %swap3A_499, %swap3A_500], %swap3A_503 {strides = array<i32>} : memref<5x128x128xf32, #tpu.memory_space<vmem>>, vector<1x1x16xf32>,
        %get3A_504 = arith.constant 4 : i32
        %get3A_505 = arith.index_cast %get3A_504 : i32 to index
        %get3A_506 = arith.index_cast %scan3A_439 : i32 to index
        %get3A_507 = arith.constant 64 : index
        %get3A_508 = tpu.vector_load %arg6[%get3A_505, %get3A_506, %get3A_507] {strides = array<i32>} : memref<5x128x128xf32, #tpu.memory_space<vmem>>, vector<1x1x16xf32>,
        %get3A_509 = vector.shape_cast %get3A_508 : vector<1x1x16xf32> to vector<16xf32>
        %mul3A_510 = arith.constant 11.3137083 : f32
        %mul3A_511 = vector.broadcast %mul3A_510 : f32 to vector<16xf32>
        %mul3A_512 = arith.mulf %get3A_509, %mul3A_511 : vector<16xf32>
        %swap3A_513 = arith.constant 4 : i32
        %swap3A_514 = arith.index_cast %swap3A_513 : i32 to index
        %swap3A_515 = arith.index_cast %scan3A_439 : i32 to index
        %swap3A_516 = arith.constant 64 : index
        %swap3A_517 = tpu.vector_load %arg6[%swap3A_514, %swap3A_515, %swap3A_516] {strides = array<i32>} : memref<5x128x128xf32, #tpu.memory_space<vmem>>, vector<1x1x16xf32>,
        %swap3A_518 = vector.shape_cast %swap3A_517 : vector<1x1x16xf32> to vector<16xf32>
        %swap3A_519 = vector.shape_cast %mul3A_512 : vector<16xf32> to vector<1x1x16xf32>
        tpu.vector_store %arg6[%swap3A_514, %swap3A_515, %swap3A_516], %swap3A_519 {strides = array<i32>} : memref<5x128x128xf32, #tpu.memory_space<vmem>>, vector<1x1x16xf32>,
        %get3A_520 = arith.constant 4 : i32
        %get3A_521 = arith.index_cast %get3A_520 : i32 to index
        %get3A_522 = arith.index_cast %scan3A_439 : i32 to index
        %get3A_523 = arith.constant 80 : index
        %get3A_524 = tpu.vector_load %arg6[%get3A_521, %get3A_522, %get3A_523] {strides = array<i32>} : memref<5x128x128xf32, #tpu.memory_space<vmem>>, vector<1x1x16xf32>,
        %get3A_525 = vector.shape_cast %get3A_524 : vector<1x1x16xf32> to vector<16xf32>
        %mul3A_526 = arith.constant 11.3137083 : f32
        %mul3A_527 = vector.broadcast %mul3A_526 : f32 to vector<16xf32>
        %mul3A_528 = arith.mulf %get3A_525, %mul3A_527 : vector<16xf32>
        %swap3A_529 = arith.constant 4 : i32
        %swap3A_530 = arith.index_cast %swap3A_529 : i32 to index
        %swap3A_531 = arith.index_cast %scan3A_439 : i32 to index
        %swap3A_532 = arith.constant 80 : index
        %swap3A_533 = tpu.vector_load %arg6[%swap3A_530, %swap3A_531, %swap3A_532] {strides = array<i32>} : memref<5x128x128xf32, #tpu.memory_space<vmem>>, vector<1x1x16xf32>,
        %swap3A_534 = vector.shape_cast %swap3A_533 : vector<1x1x16xf32> to vector<16xf32>
        %swap3A_535 = vector.shape_cast %mul3A_528 : vector<16xf32> to vector<1x1x16xf32>
        tpu.vector_store %arg6[%swap3A_530, %swap3A_531, %swap3A_532], %swap3A_535 {strides = array<i32>} : memref<5x128x128xf32, #tpu.memory_space<vmem>>, vector<1x1x16xf32>,
        %get3A_536 = arith.constant 4 : i32
        %get3A_537 = arith.index_cast %get3A_536 : i32 to index
        %get3A_538 = arith.index_cast %scan3A_439 : i32 to index
        %get3A_539 = arith.constant 96 : index
        %get3A_540 = tpu.vector_load %arg6[%get3A_537, %get3A_538, %get3A_539] {strides = array<i32>} : memref<5x128x128xf32, #tpu.memory_space<vmem>>, vector<1x1x16xf32>,
        %get3A_541 = vector.shape_cast %get3A_540 : vector<1x1x16xf32> to vector<16xf32>
        %mul3A_542 = arith.constant 11.3137083 : f32
        %mul3A_543 = vector.broadcast %mul3A_542 : f32 to vector<16xf32>
        %mul3A_544 = arith.mulf %get3A_541, %mul3A_543 : vector<16xf32>
        %swap3A_545 = arith.constant 4 : i32
        %swap3A_546 = arith.index_cast %swap3A_545 : i32 to index
        %swap3A_547 = arith.index_cast %scan3A_439 : i32 to index
        %swap3A_548 = arith.constant 96 : index
        %swap3A_549 = tpu.vector_load %arg6[%swap3A_546, %swap3A_547, %swap3A_548] {strides = array<i32>} : memref<5x128x128xf32, #tpu.memory_space<vmem>>, vector<1x1x16xf32>,
        %swap3A_550 = vector.shape_cast %swap3A_549 : vector<1x1x16xf32> to vector<16xf32>
        %swap3A_551 = vector.shape_cast %mul3A_544 : vector<16xf32> to vector<1x1x16xf32>
        tpu.vector_store %arg6[%swap3A_546, %swap3A_547, %swap3A_548], %swap3A_551 {strides = array<i32>} : memref<5x128x128xf32, #tpu.memory_space<vmem>>, vector<1x1x16xf32>,
        %get3A_552 = arith.constant 4 : i32
        %get3A_553 = arith.index_cast %get3A_552 : i32 to index
        %get3A_554 = arith.index_cast %scan3A_439 : i32 to index
        %get3A_555 = arith.constant 112 : index
        %get3A_556 = tpu.vector_load %arg6[%get3A_553, %get3A_554, %get3A_555] {strides = array<i32>} : memref<5x128x128xf32, #tpu.memory_space<vmem>>, vector<1x1x16xf32>,
        %get3A_557 = vector.shape_cast %get3A_556 : vector<1x1x16xf32> to vector<16xf32>
        %mul3A_558 = arith.constant 11.3137083 : f32
        %mul3A_559 = vector.broadcast %mul3A_558 : f32 to vector<16xf32>
        %mul3A_560 = arith.mulf %get3A_557, %mul3A_559 : vector<16xf32>
        %swap3A_561 = arith.constant 4 : i32
        %swap3A_562 = arith.index_cast %swap3A_561 : i32 to index
        %swap3A_563 = arith.index_cast %scan3A_439 : i32 to index
        %swap3A_564 = arith.constant 112 : index
        %swap3A_565 = tpu.vector_load %arg6[%swap3A_562, %swap3A_563, %swap3A_564] {strides = array<i32>} : memref<5x128x128xf32, #tpu.memory_space<vmem>>, vector<1x1x16xf32>,
        %swap3A_566 = vector.shape_cast %swap3A_565 : vector<1x1x16xf32> to vector<16xf32>
        %swap3A_567 = vector.shape_cast %mul3A_560 : vector<16xf32> to vector<1x1x16xf32>
        tpu.vector_store %arg6[%swap3A_562, %swap3A_563, %swap3A_564], %swap3A_567 {strides = array<i32>} : memref<5x128x128xf32, #tpu.memory_space<vmem>>, vector<1x1x16xf32>,
        %scan3A_568 = arith.constant 2 : i32
        %scan3A_569 = arith.addi %scan3A_311, %scan3A_568 : i32
        %get3A_570 = arith.constant 4 : i32
        %get3A_571 = arith.index_cast %get3A_570 : i32 to index
        %get3A_572 = arith.index_cast %scan3A_569 : i32 to index
        %get3A_573 = arith.constant 0 : index
        %get3A_574 = tpu.vector_load %arg6[%get3A_571, %get3A_572, %get3A_573] {strides = array<i32>} : memref<5x128x128xf32, #tpu.memory_space<vmem>>, vector<1x1x16xf32>,
        %get3A_575 = vector.shape_cast %get3A_574 : vector<1x1x16xf32> to vector<16xf32>
        %mul3A_576 = arith.constant 11.3137083 : f32
        %mul3A_577 = vector.broadcast %mul3A_576 : f32 to vector<16xf32>
        %mul3A_578 = arith.mulf %get3A_575, %mul3A_577 : vector<16xf32>
        %swap3A_579 = arith.constant 4 : i32
        %swap3A_580 = arith.index_cast %swap3A_579 : i32 to index
        %swap3A_581 = arith.index_cast %scan3A_569 : i32 to index
        %swap3A_582 = arith.constant 0 : index
        %swap3A_583 = tpu.vector_load %arg6[%swap3A_580, %swap3A_581, %swap3A_582] {strides = array<i32>} : memref<5x128x128xf32, #tpu.memory_space<vmem>>, vector<1x1x16xf32>,
        %swap3A_584 = vector.shape_cast %swap3A_583 : vector<1x1x16xf32> to vector<16xf32>
        %swap3A_585 = vector.shape_cast %mul3A_578 : vector<16xf32> to vector<1x1x16xf32>
        tpu.vector_store %arg6[%swap3A_580, %swap3A_581, %swap3A_582], %swap3A_585 {strides = array<i32>} : memref<5x128x128xf32, #tpu.memory_space<vmem>>, vector<1x1x16xf32>,
        %get3A_586 = arith.constant 4 : i32
        %get3A_587 = arith.index_cast %get3A_586 : i32 to index
        %get3A_588 = arith.index_cast %scan3A_569 : i32 to index
        %get3A_589 = arith.constant 16 : index
        %get3A_590 = tpu.vector_load %arg6[%get3A_587, %get3A_588, %get3A_589] {strides = array<i32>} : memref<5x128x128xf32, #tpu.memory_space<vmem>>, vector<1x1x16xf32>,
        %get3A_591 = vector.shape_cast %get3A_590 : vector<1x1x16xf32> to vector<16xf32>
        %mul3A_592 = arith.constant 11.3137083 : f32
        %mul3A_593 = vector.broadcast %mul3A_592 : f32 to vector<16xf32>
        %mul3A_594 = arith.mulf %get3A_591, %mul3A_593 : vector<16xf32>
        %swap3A_595 = arith.constant 4 : i32
        %swap3A_596 = arith.index_cast %swap3A_595 : i32 to index
        %swap3A_597 = arith.index_cast %scan3A_569 : i32 to index
        %swap3A_598 = arith.constant 16 : index
        %swap3A_599 = tpu.vector_load %arg6[%swap3A_596, %swap3A_597, %swap3A_598] {strides = array<i32>} : memref<5x128x128xf32, #tpu.memory_space<vmem>>, vector<1x1x16xf32>,
        %swap3A_600 = vector.shape_cast %swap3A_599 : vector<1x1x16xf32> to vector<16xf32>
        %swap3A_601 = vector.shape_cast %mul3A_594 : vector<16xf32> to vector<1x1x16xf32>
        tpu.vector_store %arg6[%swap3A_596, %swap3A_597, %swap3A_598], %swap3A_601 {strides = array<i32>} : memref<5x128x128xf32, #tpu.memory_space<vmem>>, vector<1x1x16xf32>,
        %get3A_602 = arith.constant 4 : i32
        %get3A_603 = arith.index_cast %get3A_602 : i32 to index
        %get3A_604 = arith.index_cast %scan3A_569 : i32 to index
        %get3A_605 = arith.constant 32 : index
        %get3A_606 = tpu.vector_load %arg6[%get3A_603, %get3A_604, %get3A_605] {strides = array<i32>} : memref<5x128x128xf32, #tpu.memory_space<vmem>>, vector<1x1x16xf32>,
        %get3A_607 = vector.shape_cast %get3A_606 : vector<1x1x16xf32> to vector<16xf32>
        %mul3A_608 = arith.constant 11.3137083 : f32
        %mul3A_609 = vector.broadcast %mul3A_608 : f32 to vector<16xf32>
        %mul3A_610 = arith.mulf %get3A_607, %mul3A_609 : vector<16xf32>
        %swap3A_611 = arith.constant 4 : i32
        %swap3A_612 = arith.index_cast %swap3A_611 : i32 to index
        %swap3A_613 = arith.index_cast %scan3A_569 : i32 to index
        %swap3A_614 = arith.constant 32 : index
        %swap3A_615 = tpu.vector_load %arg6[%swap3A_612, %swap3A_613, %swap3A_614] {strides = array<i32>} : memref<5x128x128xf32, #tpu.memory_space<vmem>>, vector<1x1x16xf32>,
        %swap3A_616 = vector.shape_cast %swap3A_615 : vector<1x1x16xf32> to vector<16xf32>
        %swap3A_617 = vector.shape_cast %mul3A_610 : vector<16xf32> to vector<1x1x16xf32>
        tpu.vector_store %arg6[%swap3A_612, %swap3A_613, %swap3A_614], %swap3A_617 {strides = array<i32>} : memref<5x128x128xf32, #tpu.memory_space<vmem>>, vector<1x1x16xf32>,
        %get3A_618 = arith.constant 4 : i32
        %get3A_619 = arith.index_cast %get3A_618 : i32 to index
        %get3A_620 = arith.index_cast %scan3A_569 : i32 to index
        %get3A_621 = arith.constant 48 : index
        %get3A_622 = tpu.vector_load %arg6[%get3A_619, %get3A_620, %get3A_621] {strides = array<i32>} : memref<5x128x128xf32, #tpu.memory_space<vmem>>, vector<1x1x16xf32>,
        %get3A_623 = vector.shape_cast %get3A_622 : vector<1x1x16xf32> to vector<16xf32>
        %mul3A_624 = arith.constant 11.3137083 : f32
        %mul3A_625 = vector.broadcast %mul3A_624 : f32 to vector<16xf32>
        %mul3A_626 = arith.mulf %get3A_623, %mul3A_625 : vector<16xf32>
        %swap3A_627 = arith.constant 4 : i32
        %swap3A_628 = arith.index_cast %swap3A_627 : i32 to index
        %swap3A_629 = arith.index_cast %scan3A_569 : i32 to index
        %swap3A_630 = arith.constant 48 : index
        %swap3A_631 = tpu.vector_load %arg6[%swap3A_628, %swap3A_629, %swap3A_630] {strides = array<i32>} : memref<5x128x128xf32, #tpu.memory_space<vmem>>, vector<1x1x16xf32>,
        %swap3A_632 = vector.shape_cast %swap3A_631 : vector<1x1x16xf32> to vector<16xf32>
        %swap3A_633 = vector.shape_cast %mul3A_626 : vector<16xf32> to vector<1x1x16xf32>
        tpu.vector_store %arg6[%swap3A_628, %swap3A_629, %swap3A_630], %swap3A_633 {strides = array<i32>} : memref<5x128x128xf32, #tpu.memory_space<vmem>>, vector<1x1x16xf32>,
        %get3A_634 = arith.constant 4 : i32
        %get3A_635 = arith.index_cast %get3A_634 : i32 to index
        %get3A_636 = arith.index_cast %scan3A_569 : i32 to index
        %get3A_637 = arith.constant 64 : index
        %get3A_638 = tpu.vector_load %arg6[%get3A_635, %get3A_636, %get3A_637] {strides = array<i32>} : memref<5x128x128xf32, #tpu.memory_space<vmem>>, vector<1x1x16xf32>,
        %get3A_639 = vector.shape_cast %get3A_638 : vector<1x1x16xf32> to vector<16xf32>
        %mul3A_640 = arith.constant 11.3137083 : f32
        %mul3A_641 = vector.broadcast %mul3A_640 : f32 to vector<16xf32>
        %mul3A_642 = arith.mulf %get3A_639, %mul3A_641 : vector<16xf32>
        %swap3A_643 = arith.constant 4 : i32
        %swap3A_644 = arith.index_cast %swap3A_643 : i32 to index
        %swap3A_645 = arith.index_cast %scan3A_569 : i32 to index
        %swap3A_646 = arith.constant 64 : index
        %swap3A_647 = tpu.vector_load %arg6[%swap3A_644, %swap3A_645, %swap3A_646] {strides = array<i32>} : memref<5x128x128xf32, #tpu.memory_space<vmem>>, vector<1x1x16xf32>,
        %swap3A_648 = vector.shape_cast %swap3A_647 : vector<1x1x16xf32> to vector<16xf32>
        %swap3A_649 = vector.shape_cast %mul3A_642 : vector<16xf32> to vector<1x1x16xf32>
        tpu.vector_store %arg6[%swap3A_644, %swap3A_645, %swap3A_646], %swap3A_649 {strides = array<i32>} : memref<5x128x128xf32, #tpu.memory_space<vmem>>, vector<1x1x16xf32>,
        %get3A_650 = arith.constant 4 : i32
        %get3A_651 = arith.index_cast %get3A_650 : i32 to index
        %get3A_652 = arith.index_cast %scan3A_569 : i32 to index
        %get3A_653 = arith.constant 80 : index
        %get3A_654 = tpu.vector_load %arg6[%get3A_651, %get3A_652, %get3A_653] {strides = array<i32>} : memref<5x128x128xf32, #tpu.memory_space<vmem>>, vector<1x1x16xf32>,
        %get3A_655 = vector.shape_cast %get3A_654 : vector<1x1x16xf32> to vector<16xf32>
        %mul3A_656 = arith.constant 11.3137083 : f32
        %mul3A_657 = vector.broadcast %mul3A_656 : f32 to vector<16xf32>
        %mul3A_658 = arith.mulf %get3A_655, %mul3A_657 : vector<16xf32>
        %swap3A_659 = arith.constant 4 : i32
        %swap3A_660 = arith.index_cast %swap3A_659 : i32 to index
        %swap3A_661 = arith.index_cast %scan3A_569 : i32 to index
        %swap3A_662 = arith.constant 80 : index
        %swap3A_663 = tpu.vector_load %arg6[%swap3A_660, %swap3A_661, %swap3A_662] {strides = array<i32>} : memref<5x128x128xf32, #tpu.memory_space<vmem>>, vector<1x1x16xf32>,
        %swap3A_664 = vector.shape_cast %swap3A_663 : vector<1x1x16xf32> to vector<16xf32>
        %swap3A_665 = vector.shape_cast %mul3A_658 : vector<16xf32> to vector<1x1x16xf32>
        tpu.vector_store %arg6[%swap3A_660, %swap3A_661, %swap3A_662], %swap3A_665 {strides = array<i32>} : memref<5x128x128xf32, #tpu.memory_space<vmem>>, vector<1x1x16xf32>,
        %get3A_666 = arith.constant 4 : i32
        %get3A_667 = arith.index_cast %get3A_666 : i32 to index
        %get3A_668 = arith.index_cast %scan3A_569 : i32 to index
        %get3A_669 = arith.constant 96 : index
        %get3A_670 = tpu.vector_load %arg6[%get3A_667, %get3A_668, %get3A_669] {strides = array<i32>} : memref<5x128x128xf32, #tpu.memory_space<vmem>>, vector<1x1x16xf32>,
        %get3A_671 = vector.shape_cast %get3A_670 : vector<1x1x16xf32> to vector<16xf32>
        %mul3A_672 = arith.constant 11.3137083 : f32
        %mul3A_673 = vector.broadcast %mul3A_672 : f32 to vector<16xf32>
        %mul3A_674 = arith.mulf %get3A_671, %mul3A_673 : vector<16xf32>
        %swap3A_675 = arith.constant 4 : i32
        %swap3A_676 = arith.index_cast %swap3A_675 : i32 to index
        %swap3A_677 = arith.index_cast %scan3A_569 : i32 to index
        %swap3A_678 = arith.constant 96 : index
        %swap3A_679 = tpu.vector_load %arg6[%swap3A_676, %swap3A_677, %swap3A_678] {strides = array<i32>} : memref<5x128x128xf32, #tpu.memory_space<vmem>>, vector<1x1x16xf32>,
        %swap3A_680 = vector.shape_cast %swap3A_679 : vector<1x1x16xf32> to vector<16xf32>
        %swap3A_681 = vector.shape_cast %mul3A_674 : vector<16xf32> to vector<1x1x16xf32>
        tpu.vector_store %arg6[%swap3A_676, %swap3A_677, %swap3A_678], %swap3A_681 {strides = array<i32>} : memref<5x128x128xf32, #tpu.memory_space<vmem>>, vector<1x1x16xf32>,
        %get3A_682 = arith.constant 4 : i32
        %get3A_683 = arith.index_cast %get3A_682 : i32 to index
        %get3A_684 = arith.index_cast %scan3A_569 : i32 to index
        %get3A_685 = arith.constant 112 : index
        %get3A_686 = tpu.vector_load %arg6[%get3A_683, %get3A_684, %get3A_685] {strides = array<i32>} : memref<5x128x128xf32, #tpu.memory_space<vmem>>, vector<1x1x16xf32>,
        %get3A_687 = vector.shape_cast %get3A_686 : vector<1x1x16xf32> to vector<16xf32>
        %mul3A_688 = arith.constant 11.3137083 : f32
        %mul3A_689 = vector.broadcast %mul3A_688 : f32 to vector<16xf32>
        %mul3A_690 = arith.mulf %get3A_687, %mul3A_689 : vector<16xf32>
        %swap3A_691 = arith.constant 4 : i32
        %swap3A_692 = arith.index_cast %swap3A_691 : i32 to index
        %swap3A_693 = arith.index_cast %scan3A_569 : i32 to index
        %swap3A_694 = arith.constant 112 : index
        %swap3A_695 = tpu.vector_load %arg6[%swap3A_692, %swap3A_693, %swap3A_694] {strides = array<i32>} : memref<5x128x128xf32, #tpu.memory_space<vmem>>, vector<1x1x16xf32>,
        %swap3A_696 = vector.shape_cast %swap3A_695 : vector<1x1x16xf32> to vector<16xf32>
        %swap3A_697 = vector.shape_cast %mul3A_690 : vector<16xf32> to vector<1x1x16xf32>
        tpu.vector_store %arg6[%swap3A_692, %swap3A_693, %swap3A_694], %swap3A_697 {strides = array<i32>} : memref<5x128x128xf32, #tpu.memory_space<vmem>>, vector<1x1x16xf32>,
        %scan3A_698 = arith.constant 3 : i32
        %scan3A_699 = arith.addi %scan3A_311, %scan3A_698 : i32
        %get3A_700 = arith.constant 4 : i32
        %get3A_701 = arith.index_cast %get3A_700 : i32 to index
        %get3A_702 = arith.index_cast %scan3A_699 : i32 to index
        %get3A_703 = arith.constant 0 : index
        %get3A_704 = tpu.vector_load %arg6[%get3A_701, %get3A_702, %get3A_703] {strides = array<i32>} : memref<5x128x128xf32, #tpu.memory_space<vmem>>, vector<1x1x16xf32>,
        %get3A_705 = vector.shape_cast %get3A_704 : vector<1x1x16xf32> to vector<16xf32>
        %mul3A_706 = arith.constant 11.3137083 : f32
        %mul3A_707 = vector.broadcast %mul3A_706 : f32 to vector<16xf32>
        %mul3A_708 = arith.mulf %get3A_705, %mul3A_707 : vector<16xf32>
        %swap3A_709 = arith.constant 4 : i32
        %swap3A_710 = arith.index_cast %swap3A_709 : i32 to index
        %swap3A_711 = arith.index_cast %scan3A_699 : i32 to index
        %swap3A_712 = arith.constant 0 : index
        %swap3A_713 = tpu.vector_load %arg6[%swap3A_710, %swap3A_711, %swap3A_712] {strides = array<i32>} : memref<5x128x128xf32, #tpu.memory_space<vmem>>, vector<1x1x16xf32>,
        %swap3A_714 = vector.shape_cast %swap3A_713 : vector<1x1x16xf32> to vector<16xf32>
        %swap3A_715 = vector.shape_cast %mul3A_708 : vector<16xf32> to vector<1x1x16xf32>
        tpu.vector_store %arg6[%swap3A_710, %swap3A_711, %swap3A_712], %swap3A_715 {strides = array<i32>} : memref<5x128x128xf32, #tpu.memory_space<vmem>>, vector<1x1x16xf32>,
        %get3A_716 = arith.constant 4 : i32
        %get3A_717 = arith.index_cast %get3A_716 : i32 to index
        %get3A_718 = arith.index_cast %scan3A_699 : i32 to index
        %get3A_719 = arith.constant 16 : index
        %get3A_720 = tpu.vector_load %arg6[%get3A_717, %get3A_718, %get3A_719] {strides = array<i32>} : memref<5x128x128xf32, #tpu.memory_space<vmem>>, vector<1x1x16xf32>,
        %get3A_721 = vector.shape_cast %get3A_720 : vector<1x1x16xf32> to vector<16xf32>
        %mul3A_722 = arith.constant 11.3137083 : f32
        %mul3A_723 = vector.broadcast %mul3A_722 : f32 to vector<16xf32>
        %mul3A_724 = arith.mulf %get3A_721, %mul3A_723 : vector<16xf32>
        %swap3A_725 = arith.constant 4 : i32
        %swap3A_726 = arith.index_cast %swap3A_725 : i32 to index
        %swap3A_727 = arith.index_cast %scan3A_699 : i32 to index
        %swap3A_728 = arith.constant 16 : index
        %swap3A_729 = tpu.vector_load %arg6[%swap3A_726, %swap3A_727, %swap3A_728] {strides = array<i32>} : memref<5x128x128xf32, #tpu.memory_space<vmem>>, vector<1x1x16xf32>,
        %swap3A_730 = vector.shape_cast %swap3A_729 : vector<1x1x16xf32> to vector<16xf32>
        %swap3A_731 = vector.shape_cast %mul3A_724 : vector<16xf32> to vector<1x1x16xf32>
        tpu.vector_store %arg6[%swap3A_726, %swap3A_727, %swap3A_728], %swap3A_731 {strides = array<i32>} : memref<5x128x128xf32, #tpu.memory_space<vmem>>, vector<1x1x16xf32>,
        %get3A_732 = arith.constant 4 : i32
        %get3A_733 = arith.index_cast %get3A_732 : i32 to index
        %get3A_734 = arith.index_cast %scan3A_699 : i32 to index
        %get3A_735 = arith.constant 32 : index
        %get3A_736 = tpu.vector_load %arg6[%get3A_733, %get3A_734, %get3A_735] {strides = array<i32>} : memref<5x128x128xf32, #tpu.memory_space<vmem>>, vector<1x1x16xf32>,
        %get3A_737 = vector.shape_cast %get3A_736 : vector<1x1x16xf32> to vector<16xf32>
        %mul3A_738 = arith.constant 11.3137083 : f32
        %mul3A_739 = vector.broadcast %mul3A_738 : f32 to vector<16xf32>
        %mul3A_740 = arith.mulf %get3A_737, %mul3A_739 : vector<16xf32>
        %swap3A_741 = arith.constant 4 : i32
        %swap3A_742 = arith.index_cast %swap3A_741 : i32 to index
        %swap3A_743 = arith.index_cast %scan3A_699 : i32 to index
        %swap3A_744 = arith.constant 32 : index
        %swap3A_745 = tpu.vector_load %arg6[%swap3A_742, %swap3A_743, %swap3A_744] {strides = array<i32>} : memref<5x128x128xf32, #tpu.memory_space<vmem>>, vector<1x1x16xf32>,
        %swap3A_746 = vector.shape_cast %swap3A_745 : vector<1x1x16xf32> to vector<16xf32>
        %swap3A_747 = vector.shape_cast %mul3A_740 : vector<16xf32> to vector<1x1x16xf32>
        tpu.vector_store %arg6[%swap3A_742, %swap3A_743, %swap3A_744], %swap3A_747 {strides = array<i32>} : memref<5x128x128xf32, #tpu.memory_space<vmem>>, vector<1x1x16xf32>,
        %get3A_748 = arith.constant 4 : i32
        %get3A_749 = arith.index_cast %get3A_748 : i32 to index
        %get3A_750 = arith.index_cast %scan3A_699 : i32 to index
        %get3A_751 = arith.constant 48 : index
        %get3A_752 = tpu.vector_load %arg6[%get3A_749, %get3A_750, %get3A_751] {strides = array<i32>} : memref<5x128x128xf32, #tpu.memory_space<vmem>>, vector<1x1x16xf32>,
        %get3A_753 = vector.shape_cast %get3A_752 : vector<1x1x16xf32> to vector<16xf32>
        %mul3A_754 = arith.constant 11.3137083 : f32
        %mul3A_755 = vector.broadcast %mul3A_754 : f32 to vector<16xf32>
        %mul3A_756 = arith.mulf %get3A_753, %mul3A_755 : vector<16xf32>
        %swap3A_757 = arith.constant 4 : i32
        %swap3A_758 = arith.index_cast %swap3A_757 : i32 to index
        %swap3A_759 = arith.index_cast %scan3A_699 : i32 to index
        %swap3A_760 = arith.constant 48 : index
        %swap3A_761 = tpu.vector_load %arg6[%swap3A_758, %swap3A_759, %swap3A_760] {strides = array<i32>} : memref<5x128x128xf32, #tpu.memory_space<vmem>>, vector<1x1x16xf32>,
        %swap3A_762 = vector.shape_cast %swap3A_761 : vector<1x1x16xf32> to vector<16xf32>
        %swap3A_763 = vector.shape_cast %mul3A_756 : vector<16xf32> to vector<1x1x16xf32>
        tpu.vector_store %arg6[%swap3A_758, %swap3A_759, %swap3A_760], %swap3A_763 {strides = array<i32>} : memref<5x128x128xf32, #tpu.memory_space<vmem>>, vector<1x1x16xf32>,
        %get3A_764 = arith.constant 4 : i32
        %get3A_765 = arith.index_cast %get3A_764 : i32 to index
        %get3A_766 = arith.index_cast %scan3A_699 : i32 to index
        %get3A_767 = arith.constant 64 : index
        %get3A_768 = tpu.vector_load %arg6[%get3A_765, %get3A_766, %get3A_767] {strides = array<i32>} : memref<5x128x128xf32, #tpu.memory_space<vmem>>, vector<1x1x16xf32>,
        %get3A_769 = vector.shape_cast %get3A_768 : vector<1x1x16xf32> to vector<16xf32>
        %mul3A_770 = arith.constant 11.3137083 : f32
        %mul3A_771 = vector.broadcast %mul3A_770 : f32 to vector<16xf32>
        %mul3A_772 = arith.mulf %get3A_769, %mul3A_771 : vector<16xf32>
        %swap3A_773 = arith.constant 4 : i32
        %swap3A_774 = arith.index_cast %swap3A_773 : i32 to index
        %swap3A_775 = arith.index_cast %scan3A_699 : i32 to index
        %swap3A_776 = arith.constant 64 : index
        %swap3A_777 = tpu.vector_load %arg6[%swap3A_774, %swap3A_775, %swap3A_776] {strides = array<i32>} : memref<5x128x128xf32, #tpu.memory_space<vmem>>, vector<1x1x16xf32>,
        %swap3A_778 = vector.shape_cast %swap3A_777 : vector<1x1x16xf32> to vector<16xf32>
        %swap3A_779 = vector.shape_cast %mul3A_772 : vector<16xf32> to vector<1x1x16xf32>
        tpu.vector_store %arg6[%swap3A_774, %swap3A_775, %swap3A_776], %swap3A_779 {strides = array<i32>} : memref<5x128x128xf32, #tpu.memory_space<vmem>>, vector<1x1x16xf32>,
        %get3A_780 = arith.constant 4 : i32
        %get3A_781 = arith.index_cast %get3A_780 : i32 to index
        %get3A_782 = arith.index_cast %scan3A_699 : i32 to index
        %get3A_783 = arith.constant 80 : index
        %get3A_784 = tpu.vector_load %arg6[%get3A_781, %get3A_782, %get3A_783] {strides = array<i32>} : memref<5x128x128xf32, #tpu.memory_space<vmem>>, vector<1x1x16xf32>,
        %get3A_785 = vector.shape_cast %get3A_784 : vector<1x1x16xf32> to vector<16xf32>
        %mul3A_786 = arith.constant 11.3137083 : f32
        %mul3A_787 = vector.broadcast %mul3A_786 : f32 to vector<16xf32>
        %mul3A_788 = arith.mulf %get3A_785, %mul3A_787 : vector<16xf32>
        %swap3A_789 = arith.constant 4 : i32
        %swap3A_790 = arith.index_cast %swap3A_789 : i32 to index
        %swap3A_791 = arith.index_cast %scan3A_699 : i32 to index
        %swap3A_792 = arith.constant 80 : index
        %swap3A_793 = tpu.vector_load %arg6[%swap3A_790, %swap3A_791, %swap3A_792] {strides = array<i32>} : memref<5x128x128xf32, #tpu.memory_space<vmem>>, vector<1x1x16xf32>,
        %swap3A_794 = vector.shape_cast %swap3A_793 : vector<1x1x16xf32> to vector<16xf32>
        %swap3A_795 = vector.shape_cast %mul3A_788 : vector<16xf32> to vector<1x1x16xf32>
        tpu.vector_store %arg6[%swap3A_790, %swap3A_791, %swap3A_792], %swap3A_795 {strides = array<i32>} : memref<5x128x128xf32, #tpu.memory_space<vmem>>, vector<1x1x16xf32>,
        %get3A_796 = arith.constant 4 : i32
        %get3A_797 = arith.index_cast %get3A_796 : i32 to index
        %get3A_798 = arith.index_cast %scan3A_699 : i32 to index
        %get3A_799 = arith.constant 96 : index
        %get3A_800 = tpu.vector_load %arg6[%get3A_797, %get3A_798, %get3A_799] {strides = array<i32>} : memref<5x128x128xf32, #tpu.memory_space<vmem>>, vector<1x1x16xf32>,
        %get3A_801 = vector.shape_cast %get3A_800 : vector<1x1x16xf32> to vector<16xf32>
        %mul3A_802 = arith.constant 11.3137083 : f32
        %mul3A_803 = vector.broadcast %mul3A_802 : f32 to vector<16xf32>
        %mul3A_804 = arith.mulf %get3A_801, %mul3A_803 : vector<16xf32>
        %swap3A_805 = arith.constant 4 : i32
        %swap3A_806 = arith.index_cast %swap3A_805 : i32 to index
        %swap3A_807 = arith.index_cast %scan3A_699 : i32 to index
        %swap3A_808 = arith.constant 96 : index
        %swap3A_809 = tpu.vector_load %arg6[%swap3A_806, %swap3A_807, %swap3A_808] {strides = array<i32>} : memref<5x128x128xf32, #tpu.memory_space<vmem>>, vector<1x1x16xf32>,
        %swap3A_810 = vector.shape_cast %swap3A_809 : vector<1x1x16xf32> to vector<16xf32>
        %swap3A_811 = vector.shape_cast %mul3A_804 : vector<16xf32> to vector<1x1x16xf32>
        tpu.vector_store %arg6[%swap3A_806, %swap3A_807, %swap3A_808], %swap3A_811 {strides = array<i32>} : memref<5x128x128xf32, #tpu.memory_space<vmem>>, vector<1x1x16xf32>,
        %get3A_812 = arith.constant 4 : i32
        %get3A_813 = arith.index_cast %get3A_812 : i32 to index
        %get3A_814 = arith.index_cast %scan3A_699 : i32 to index
        %get3A_815 = arith.constant 112 : index
        %get3A_816 = tpu.vector_load %arg6[%get3A_813, %get3A_814, %get3A_815] {strides = array<i32>} : memref<5x128x128xf32, #tpu.memory_space<vmem>>, vector<1x1x16xf32>,
        %get3A_817 = vector.shape_cast %get3A_816 : vector<1x1x16xf32> to vector<16xf32>
        %mul3A_818 = arith.constant 11.3137083 : f32
        %mul3A_819 = vector.broadcast %mul3A_818 : f32 to vector<16xf32>
        %mul3A_820 = arith.mulf %get3A_817, %mul3A_819 : vector<16xf32>
        %swap3A_821 = arith.constant 4 : i32
        %swap3A_822 = arith.index_cast %swap3A_821 : i32 to index
        %swap3A_823 = arith.index_cast %scan3A_699 : i32 to index
        %swap3A_824 = arith.constant 112 : index
        %swap3A_825 = tpu.vector_load %arg6[%swap3A_822, %swap3A_823, %swap3A_824] {strides = array<i32>} : memref<5x128x128xf32, #tpu.memory_space<vmem>>, vector<1x1x16xf32>,
        %swap3A_826 = vector.shape_cast %swap3A_825 : vector<1x1x16xf32> to vector<16xf32>
        %swap3A_827 = vector.shape_cast %mul3A_820 : vector<16xf32> to vector<1x1x16xf32>
        tpu.vector_store %arg6[%swap3A_822, %swap3A_823, %swap3A_824], %swap3A_827 {strides = array<i32>} : memref<5x128x128xf32, #tpu.memory_space<vmem>>, vector<1x1x16xf32>,
      }
      %scan3A_294 = arith.constant 128 : i32
      %mul3A_295 = arith.constant 128 : i32
      %mul3A_296 = arith.muli %add3A_263, %mul3A_295 : i32
      %add3A_297 = arith.addi %mul3A_2, %mul3A_296 : i32
      %dma_start3A_298 = arith.constant 4 : i32
      %dma_start3A_299 = arith.constant 0 : i32
      %dma_start3A_300 = arith.constant 0 : i32
      %dma_start3A_301 = tpu.memref_slice %arg6[%dma_start3A_298, %dma_start3A_299, %dma_start3A_300] : memref<5x128x128xf32, #tpu.memory_space<vmem>> -> memref<1x128x128xf32, #tpu.memory_space<vmem>>
      %dma_start3A_302 = tpu.memref_squeeze %dma_start3A_301 : memref<1x128x128xf32, #tpu.memory_space<vmem>> -> memref<128x128xf32, #tpu.memory_space<vmem>>
      %dma_start3A_303 = arith.constant 0 : i32
      %dma_start3A_304 = tpu.memref_slice %arg4[%add3A_297, %dma_start3A_303] : memref<204800x128xf32, #tpu.memory_space<hbm>> -> memref<128x128xf32, #tpu.memory_space<hbm>>
      %dma_start3A_305 = arith.constant 0 : i32
      %dma_start3A_306 = tpu.memref_slice %arg4[%add3A_297, %dma_start3A_305] : memref<204800x128xf32, #tpu.memory_space<hbm>> -> memref<128x128xf32, #tpu.memory_space<hbm>>
      %dma_start3A_307 = arith.constant 0 : i32
      %dma_start3A_308 = arith.constant 0 : i32
      %dma_start3A_309 = tpu.memref_slice %arg6[%dma_start3A_298, %dma_start3A_307, %dma_start3A_308] : memref<5x128x128xf32, #tpu.memory_space<vmem>> -> memref<1x128x128xf32, #tpu.memory_space<vmem>>
      %dma_start3A_310 = tpu.memref_squeeze %dma_start3A_309 : memref<1x128x128xf32, #tpu.memory_space<vmem>> -> memref<128x128xf32, #tpu.memory_space<vmem>>
      tpu.enqueue_dma source(%dma_start3A_310 : memref<128x128xf32, #tpu.memory_space<vmem>>) target(%dma_start3A_306 : memref<128x128xf32, #tpu.memory_space<hbm>>) target_semaphore(%arg16 : memref<!tpu.dma_semaphore, #tpu.memory_space<semaphore_mem>>)
    }
    %scan3A_42 = arith.constant 10 : i32
    %dma_wait3A = arith.constant 3 : i32
    %dma_wait3A_43 = arith.constant 0 : i32
    %dma_wait3A_44 = arith.constant 0 : i32
    %dma_wait3A_45 = tpu.memref_slice %arg6[%dma_wait3A, %dma_wait3A_43, %dma_wait3A_44] : memref<5x128x128xf32, #tpu.memory_space<vmem>> -> memref<1x128x128xf32, #tpu.memory_space<vmem>>
    %dma_wait3A_46 = tpu.memref_squeeze %dma_wait3A_45 : memref<1x128x128xf32, #tpu.memory_space<vmem>> -> memref<128x128xf32, #tpu.memory_space<vmem>>
    %dma_wait3A_47 = arith.constant 0 : i32
    %dma_wait3A_48 = tpu.memref_slice %arg4[%mul3A_2, %dma_wait3A_47] : memref<204800x128xf32, #tpu.memory_space<hbm>> -> memref<128x128xf32, #tpu.memory_space<hbm>>
    %dma_wait3A_49 = arith.constant 0 : i32
    %dma_wait3A_50 = tpu.memref_slice %arg4[%mul3A_2, %dma_wait3A_49] : memref<204800x128xf32, #tpu.memory_space<hbm>> -> memref<128x128xf32, #tpu.memory_space<hbm>>
    %dma_wait3A_51 = arith.constant 0 : i32
    %dma_wait3A_52 = arith.constant 0 : i32
    %dma_wait3A_53 = tpu.memref_slice %arg6[%dma_wait3A, %dma_wait3A_51, %dma_wait3A_52] : memref<5x128x128xf32, #tpu.memory_space<vmem>> -> memref<1x128x128xf32, #tpu.memory_space<vmem>>
    %dma_wait3A_54 = tpu.memref_squeeze %dma_wait3A_53 : memref<1x128x128xf32, #tpu.memory_space<vmem>> -> memref<128x128xf32, #tpu.memory_space<vmem>>
    tpu.wait_dma2 semaphore(%arg15 : memref<!tpu.dma_semaphore, #tpu.memory_space<semaphore_mem>>) src(%dma_wait3A_54 : memref<128x128xf32, #tpu.memory_space<vmem>>) dst(%dma_wait3A_50 : memref<128x128xf32, #tpu.memory_space<hbm>>)
    %dma_wait3A_55 = arith.constant 4 : i32
    %dma_wait3A_56 = arith.constant 0 : i32
    %dma_wait3A_57 = arith.constant 0 : i32
    %dma_wait3A_58 = tpu.memref_slice %arg6[%dma_wait3A_55, %dma_wait3A_56, %dma_wait3A_57] : memref<5x128x128xf32, #tpu.memory_space<vmem>> -> memref<1x128x128xf32, #tpu.memory_space<vmem>>
    %dma_wait3A_59 = tpu.memref_squeeze %dma_wait3A_58 : memref<1x128x128xf32, #tpu.memory_space<vmem>> -> memref<128x128xf32, #tpu.memory_space<vmem>>
    %dma_wait3A_60 = arith.constant 0 : i32
    %dma_wait3A_61 = tpu.memref_slice %arg4[%mul3A_2, %dma_wait3A_60] : memref<204800x128xf32, #tpu.memory_space<hbm>> -> memref<128x128xf32, #tpu.memory_space<hbm>>
    %dma_wait3A_62 = arith.constant 0 : i32
    %dma_wait3A_63 = tpu.memref_slice %arg4[%mul3A_2, %dma_wait3A_62] : memref<204800x128xf32, #tpu.memory_space<hbm>> -> memref<128x128xf32, #tpu.memory_space<hbm>>
    %dma_wait3A_64 = arith.constant 0 : i32
    %dma_wait3A_65 = arith.constant 0 : i32
    %dma_wait3A_66 = tpu.memref_slice %arg6[%dma_wait3A_55, %dma_wait3A_64, %dma_wait3A_65] : memref<5x128x128xf32, #tpu.memory_space<vmem>> -> memref<1x128x128xf32, #tpu.memory_space<vmem>>
    %dma_wait3A_67 = tpu.memref_squeeze %dma_wait3A_66 : memref<1x128x128xf32, #tpu.memory_space<vmem>> -> memref<128x128xf32, #tpu.memory_space<vmem>>
    tpu.wait_dma2 semaphore(%arg16 : memref<!tpu.dma_semaphore, #tpu.memory_space<semaphore_mem>>) src(%dma_wait3A_67 : memref<128x128xf32, #tpu.memory_space<vmem>>) dst(%dma_wait3A_63 : memref<128x128xf32, #tpu.memory_space<hbm>>)
    return
  }
}

</mosaic_0001>

<sc_bundles>
// kernel: kernel.3.cloned.1.call-start
scs
__scs_entry_jumppad:
0x0: {  	(pc) =	sbr.rel $0x88, $3  }
0x1: {  	(tag) =	ssettag $0x0;
	lr =	simm.s32 $0x1  }
0x2: {  	[smem:$0x3F9F] =	sst lr;
	_ =	strace $0xD0000000  }
0x3: {  	_ = 	snop  }
0x4: {  	_ = 	snop  }
0x5: {  	_ = 	snop  }
0x6: {  	_ = 	snop  }
0x7: {  	_ = 	snop  }
__scs_overlays_trampoline_lowered:
0x8: {  	[smem:$0x3FAE] =	sst s0  }
0x9: {  	[smem:$0x3FAF] =	sst s1  }
0xa: {  	[smem:$0x3FB0] =	sst s2  }
0xb: {  	[smem:$0x3FB1] =	sst s3  }
0xc: {  	[smem:$0x3FB2] =	sst s4  }
0xd: {  	[smem:$0x3FB3] =	sst s5  }
0xe: {  	[smem:$0x3FB4] =	sst s6  }
0xf: {  	[smem:$0x3FB5] =	sst s7  }
0x10: {  	[smem:$0x3FB6] =	sst s8  }
0x11: {  	[smem:$0x3FB7] =	sst s9;
	s0 =	simm.s32 @!p0 $0x0  }
0x12: {  	s1 =	sld [smem:$0x3F9D];
	s0 =	simm.s32 @p0 $0x1  }
0x13: {  	[smem:$0x3FB8] =	sst s0;
	s0 =	simm.s32 @!p1 $0x0  }
0x14: {  	s2 =	sld [smem:$0x3F9C];
	s0 =	simm.s32 @p1 $0x1  }
0x15: {  	[smem:$0x3FB9] =	sst s0;
	s0 =	simm.s32 @!p2 $0x0  }
0x16: {  	s3 =	sld [smem:$0x3FDB];
	s0 =	simm.s32 @p2 $0x1  }
0x17: {  	s4 =	simm.s32 $0x1BF5;
	[smem:$0x3FBB] =	sst s0  }
0x18: {  	s0 =	sld [smem:$0x3F9E];
	_ =	swait.ge [sflag:s4], $0x0  }
0x19: {  	s7 =	sld [smem:$0x3F9F]  }
0x1a: {  	s8 =	sadd.s32 $0xFFFFE003, lr  }
0x1b: {  	s9 =	sadd.s32 $0xFFFFFEF7, lr;
	s5 =	simm.s32 $0xFFFFFFFF;
	p2 =	slt.u32 s8, $0xFFFFF086  }
0x1c: {  	p1 =	slt.u32 s9, $0xF7A;
	s5 =	simm.s32 @!p2 $0x0  }
0x1d: {  	s5 =	simm.s32 @p1 $0x1;
	p0 =	seq.s32 s7, s2  }
0x1e: {  	s7 =	smul.u32 @!p0 $0xF7A, s2;
	p2 =	seq.s32 @!p0 s5, $0x0  }
0x1f: {  	s9 =	smul.u32 $0xF7A, s1;
	s8 =	simm.s32 @!p0 $0x1BF5;
	p2 =	por !p2, p0  }
0x20: {  	[sflag:s8] =	ssyncset.s32 @!p0 $0xFFFFF086;
	s6 =	sadd.s32 @!p0 s3, s7;
	s7 =	simm.s32 @!p0 $0x108  }
0x21: {  	s3 =	sadd.s32 s3, s9;
	s6 =	sadd.s32 @!p0 $0x88, s6;
	s7 =	simm.s32 @p2 $0x1082  }
0x22: {  	[simem:s7], [sflag:s8] =	dma.local @!p0 [hbm:s6], $0xF7A  }
0x23: {  	s9 =	sor.u32 $0xD0000000, s2;
	s6 =	simm.s32 $0x108;
	_ =	swait.ge @!p0 [sflag:s8], $0x0  }
0x24: {  	s3 =	sadd.s32 $0x88, s3;
	s6 =	simm.s32 @!p1 $0x1082;
	[sflag:s4] =	ssyncset.s32 $0xFFFFF086  }
0x25: {  	[simem:s6], [sflag:s4] =	dma.local [hbm:s3], $0xF7A  }
0x26: {  	[smem:$0x3F9F] =	sst s1;
	(tag) =	ssettag s2;
	_ =	strace s9  }
0x27: {  	s1 =	sld [smem:$0x3FAF]  }
0x28: {  	s2 =	sld [smem:$0x3FB0]  }
0x29: {  	s4 =	sld [smem:$0x3FB2]  }
0x2a: {  	p0 =	seq.s32 s5, $0x0;
	s5 =	sld [smem:$0x3FB3]  }
0x2b: {  	s6 =	sld [smem:$0x3FB4]  }
0x2c: {  	s7 =	sld [smem:$0x3FB5]  }
0x2d: {  	s3 =	simm.s32 $0x108;
	s8 =	sld [smem:$0x3FB6]  }
0x2e: {  	s3 =	simm.s32 @!p0 $0x1082;
	s9 =	sld [smem:$0x3FB7]  }
0x2f: {  	lr =	sadd.s32 s0, s3;
	s0 =	sld [smem:$0x3FAE]  }
0x30: {  	s3 =	sld [smem:$0x3FB1]  }
0x31: {  	[smem:$0x3FBA] =	sst s10  }
0x32: {  	s10 =	sld [smem:$0x3FB8];
	_ =	sdelay $0x3  }
0x33: {  	p0 =	seq.s32 s10, $0x1;
	s10 =	sld [smem:$0x3FBA];
	_ =	sdelay $0x3  }
0x34: {  	[smem:$0x3FBA] =	sst s10  }
0x35: {  	s10 =	sld [smem:$0x3FB9];
	_ =	sdelay $0x3  }
0x36: {  	p1 =	seq.s32 s10, $0x1;
	s10 =	sld [smem:$0x3FBA];
	_ =	sdelay $0x3  }
0x37: {  	[smem:$0x3FBA] =	sst s10  }
0x38: {  	s10 =	sld [smem:$0x3FBB]  }
0x39: {  	_ = 	snop;
	(pc) =	sbr.ind lr, $3  }
0x3a: {  	_ = 	snop  }
0x3b: {  	_ = 	snop  }
0x3c: {  	p2 =	seq.s32 s10, $0x1;
	s10 =	sld [smem:$0x3FBA]  }
0x3d: {  	_ =	shalt  }
0x3e: {  	_ =	shalt  }
0x3f: {  	_ =	shalt  }
0x40: {  	_ =	shalt  }
0x41: {  	_ =	shalt  }
0x42: {  	_ =	shalt  }
0x43: {  	_ =	shalt  }
0x44: {  	_ =	shalt  }
0x45: {  	_ =	shalt  }
0x46: {  	_ =	shalt  }
0x47: {  	_ =	shalt  }
0x48: {  	_ =	shalt  }
0x49: {  	_ =	shalt  }
0x4a: {  	_ =	shalt  }
0x4b: {  	_ =	shalt  }
0x4c: {  	_ =	shalt  }
0x4d: {  	_ =	shalt  }
0x4e: {  	_ =	shalt  }
0x4f: {  	_ =	shalt  }
0x50: {  	_ =	shalt  }
0x51: {  	_ =	shalt  }
0x52: {  	_ =	shalt  }
0x53: {  	_ =	shalt  }
0x54: {  	_ =	shalt  }
0x55: {  	_ =	shalt  }
0x56: {  	_ =	shalt  }
0x57: {  	_ =	shalt  }
0x58: {  	_ =	shalt  }
0x59: {  	_ =	shalt  }
0x5a: {  	_ =	shalt  }
0x5b: {  	_ =	shalt  }
0x5c: {  	_ =	shalt  }
0x5d: {  	_ =	shalt  }
0x5e: {  	_ =	shalt  }
0x5f: {  	_ =	shalt  }
0x60: {  	_ =	shalt  }
0x61: {  	_ =	shalt  }
0x62: {  	_ =	shalt  }
0x63: {  	_ =	shalt  }
0x64: {  	_ =	shalt  }
0x65: {  	_ =	shalt  }
0x66: {  	_ =	shalt  }
0x67: {  	_ =	shalt  }
0x68: {  	_ =	shalt  }
0x69: {  	_ =	shalt  }
0x6a: {  	_ =	shalt  }
0x6b: {  	_ =	shalt  }
0x6c: {  	_ =	shalt  }
0x6d: {  	_ =	shalt  }
0x6e: {  	_ =	shalt  }
0x6f: {  	_ =	shalt  }
0x70: {  	_ =	shalt  }
0x71: {  	_ =	shalt  }
0x72: {  	_ =	shalt  }
0x73: {  	_ =	shalt  }
0x74: {  	_ =	shalt  }
0x75: {  	_ =	shalt  }
0x76: {  	_ =	shalt  }
0x77: {  	_ =	shalt  }
0x78: {  	_ =	shalt  }
0x79: {  	_ =	shalt  }
0x7a: {  	_ =	shalt  }
0x7b: {  	_ =	shalt  }
0x7c: {  	_ =	shalt  }
0x7d: {  	_ =	shalt  }
0x7e: {  	_ =	shalt  }
0x7f: {  	_ =	shalt  }
0x80: {  	_ =	shalt  }
0x81: {  	_ =	shalt  }
0x82: {  	_ =	shalt  }
0x83: {  	_ =	shalt  }
0x84: {  	_ =	shalt  }
0x85: {  	_ =	shalt  }
0x86: {  	_ =	shalt  }
0x87: {  	_ =	shalt  }
.Lfunc_end0:
.L_simem_size_0:
called_computation_lowered:
.L_overlay_start_0:
0x88: {  	s2 =	sld [smem:$0x3FD9]  }
0x89: {  	s3 =	sld [smem:$0x3FFE];
	_ =	sdelay $0x1  }
0x8a: {  	s1 =	srdreg.scid  }
0x8b: {  	s0 =	sand.u32 $0x1, s1  }
0x8c: {  	s17 =	sshll.u32 s0, $0xA;
	s2 =	sadd.s32 s3, s2  }
0x8d: {  	s2 =	sadd.s32 s2, s17  }
0x8e: {  	[smem:$0x3FC6] =	sst s2  }
0x8f: {  	_ = 	snop  }
0x90: {  	s2 =	sld [smem:$0x3FC8]  }
0x91: {  	s18 =	sld [smem:$0x3FD0];
	(tm) =	ssettm $0x1  }
0x92: {  	s4 =	sld [smem:$0x3FFB];
	_ =	sdelay $0x3  }
0x93: {  	_ =	strace s4  }
0x94: {  	s4 =	sld [smem:$0x3FFC];
	_ =	sdelay $0x3  }
0x95: {  	_ =	strace s4  }
0x96: {  	s4 =	sld [smem:$0x3FFD];
	_ =	sdelay $0x3  }
0x97: {  	_ =	strace s4  }
0x98: {  	_ =	strace $0x8FFFFFFF  }
0x99: {  	s19 =	sld [smem:$0x3FDB];
	_ =	sdelay $0x1  }
0x9a: {  	s5 =	simm.s32 $_scs_section_size  }
0x9b: {  	s6 =	simm.s32 $_size__tile_overlayer_lowered;
	s7 =	simm.s32 $_tile_overlayer_lowered  }
0x9c: {  	s22 =	simm.s32 $0x1BFF;
	s21 =	sshll.u32 s7, $0x1;
	s4 =	sadd.s32 s5, s19  }
0x9d: {  	s8 =	simm.s32 $0x0;
	s20 =	sshll.u32 s6, $0x1;
	s6 =	sadd.s32 s21, s4  }
0x9e: {  	[timem:s8], [sflag:s22] =	dma.local [hbm:s6], s20  }
0x9f: {  	_ =	swait.ge [sflag:s22], s20  }
0xa0: {  	s5 =	ssub.s32 $0x0, s20;
	[sflag:s22] =	ssyncset.done $0x0  }
0xa1: {  	[sflag:s22] =	ssyncadd.s32 s5;
	_ =	sdelay $0x1  }
0xa2: {  	s23 =	simm.s32 $0x1B8B  }
0xa3: {  	_ =	swait.ge [sflag:s23], $0x1  }
0xa4: {  	[sflag:s23] =	ssyncset.done $0x0  }
0xa5: {  	s25 =	simm.s32 $0x1B8E;
	s24 =	sld [smem:$0x3FFE];
	[sflag:s23] =	ssyncadd.s32 $0xFFFFFFFF  }
0xa6: {  	s26 =	simm.s32 $execute0_lowered;
	[smem:$0x3FD2] =	sst s25  }
0xa7: {  	s6 =	sshll.u32 s26, $0x1;
	_ =	strace $0x80000046;
	[dreg:$0x1] =	wrdreg $0xFFFFFFFF  }
0xa8: {  	s28 =	simm.s32 $_size_execute0_lowered;
	s4 =	sadd.s32 s4, s6;
	[dreg:$0x0] =	wrdreg $0x0  }
0xa9: {  	s6 =	sshll.u32 s28, $0x1;
	[dreg:$0x2] =	wrdreg s4  }
0xaa: {  	[dreg:$0x3] =	wrdreg s6  }
0xab: {  	[dreg:$0x4] =	wrdreg $0xC0  }
0xac: {  	_ =	task [dreg:s8], $0x5FFFF  }
0xad: {  	[dreg:$0x1] =	wrdreg $0xFFFFFFFF  }
0xae: {  	[dreg:$0x0] =	wrdreg $0x60  }
0xaf: {  	[dreg:$0x2] =	wrdreg s2  }
0xb0: {  	[dreg:$0x3] =	wrdreg s24  }
0xb1: {  	[dreg:$0x4] =	wrdreg s18  }
0xb2: {  	[dreg:$0x5] =	wrdreg $0x9  }
0xb3: {  	_ =	task.clear_ibuf [dreg:s8], $0x6FFFF;
	_ =	strace $0x90000046  }
0xb4: {  	s29 =	simm.s32 $0x9;
	_ =	strace $0x80000048  }
0xb5: {  	_ =	swait.ge [sflag:s29], $0x1  }
0xb6: {  	[sflag:s29] =	ssyncadd.s32 $0xFFFFFFFF  }
0xb7: {  	_ =	strace $0x90000048  }
0xb8: {  	_ =	sfence  }
0xb9: {  	s30 =	sld [smem:$0x0];
	_ =	sdelay $0x2  }
0xba: {  	s31 =	sshll.u32 s1, $0xD;
	s1 =	sshrl.u32 s1, $0x2  }
0xbb: {  	s3 =	sand.u32 $0x4000, s31;
	s1 =	sadd.s32 s1, s30  }
0xbc: {  	s0 =	sor.u32 s3, s0;
	s1 =	sshll.u32 s1, $0x11  }
0xbd: {  	s0 =	sor.u32 s1, s0  }
0xbe: {  	s0 =	sadd.s32 $0x8F2B, s0  }
0xbf: {  	[sflag:s0] =	ssyncadd.remote.s32 $0x1  }
0xc0: {  	_ =	sfence.sel $0xFFFF  }
0xc1: {  	[dreg:$0x0] =	wrdreg $0xFFFFFFFF;
	(pc) =	sbr.abs _section_cstart, $3  }
0xc2: {  	[dreg:$0x1] =	wrdreg $0xFFFFFFFF  }
0xc3: {  	_ =	task.clear_ibuf [dreg:s8], $0x2FFFF;
	_ =	strace $0x9FFFFFFF  }
0xc4: {  	(tm) =	ssettm $0x7FFFFFFF  }
0xc5: {  	_ =	shalt  }
tec
execute0_lowered:
.L_overlay_start_1:
0x0: {  	(tag) =	ssettag $0x1  }
0x1: {  	s1 =	rddreg [dreg:$0x0]  }
0x2: {  	s0 =	rddreg [dreg:$0x1]  }
0x3: {  	s2 =	srdreg.scid;
	s4 =	stileid.u32  }
0x4: {  	s3 =	rddreg [dreg:$0x2];
	s12 =	simm.s32 $0x80;
	s13 =	simm.s32 $0x1C00  }
0x5: {  	s14 =	simm.s32 $0x5C00;
	s16 =	simm.s32 $0x9C00;
	s17 =	simm.s32 $0x1  }
0x6: {  	s18 =	simm.s32 $0xDC00;
	s19 =	simm.s32 $0x2;
	s20 =	simm.s32 $0x11C00  }
0x7: {  	s21 =	simm.s32 $0x3;
	s22 =	simm.s32 $0x6;
	s23 =	simm.s32 $0x4  }
0x8: {  	s24 =	simm.s32 $0x7;
	s25 =	simm.s32 $0x5;
	s26 =	simm.s32 $0x8  }
0x9: {  	s29 =	simm.s32 $0xA;
	s2 =	sand.u32 $0x1, s2;
	s5 =	sshll.u32 s4, $0x1  }
0xa: {  	s30 =	simm.s32 $0x0;
	s6 =	sor.u32 s2, s5;
	s2 =	ssub.s32 $0x2, s2  }
0xb: {  	s4 =	simm.s32 $0x0;
	s7 =	smul.u32 $0x380, s6;
	s28 =	sshrl.u32 s2, $0x1  }
0xc: {  	[smem:$0x7FF] =	sst s4;
	s5 =	smul.u32 $0xC8000, s6;
	s2 =	ssub.s32 s2, s28  }
0xd: {  	s6 =	smul.u32 $0x1900, s6;
	s0 =	sadd.s32 s7, s0;
	s31 =	smax.u32 s2, $0x1  }
0xe: {  	_ =	strace $0x80000047;
	s0 =	sadd.s32 $0x400, s0;
	[dreg:$0x5] =	wrdreg s31  }
0xf: {  	s8 =	sor.u32 $0x4000, s5;
	s9 =	sadd.s32 $0x100, s6;
	[dreg:$0x4] =	wrdreg s0  }
.LBB2_1:
0x10: {  	s0 =	rddreg [dreg:$0x4];
	s15 =	simm.s32 $0xB  }
0x11: {  	[tilespmem:s4], [sflag:$0xB] =	stream.linear.gather [hbm4b:s0+s4], $0x1900, $0x38;
	[tilespmem:$0x15C00] =	vst v63  }
0x12: {  	_ =	swait.ge [sflag:s15], $0x1900  }
0x13: {  	[sflag:s15] =	ssyncset.done $0x0  }
0x14: {  	[sflag:s15] =	ssyncadd.s32 $0xFFFFE700  }
0x15: {  	[tilespmem:s13], [sflag:$0x1] =	stream.indirect.gather [hbm4b:s1+s12], $0x80, s4, s12, $0xb8;
	[tilespmem:$0x15C00] =	vst v63  }
0x16: {  	_ = 	snop  }
0x17: {  	[tilespmem:s14], [sflag:$0x2] =	stream.indirect.gather [hbm4b:s1+s12], $0x80, s12, s12, $0xb8;
	[tilespmem:$0x15C00] =	vst v63  }
0x18: {  	s28 =	simm.s32 $0x100;
	s31 =	simm.s32 $0x0  }
0x19: {  	[tilespmem:s16], [sflag:$0x3] =	stream.indirect.gather [hbm4b:s1+s12], $0x80, s28, s12, $0xb8;
	[tilespmem:$0x15C00] =	vst v63  }
.LBB2_2:
0x1a: {  	_ =	swait.ge [sflag:s17], $0x4000  }
0x1b: {  	s0 =	smul.u32 $0x5, s31;
	p0 =	seq.s32 s31, $0x0;
	[sflag:s17] =	ssyncset.done $0x0  }
0x1c: {  	s7 =	simm.s32 @!p0 $0x9;
	[sflag:s17] =	ssyncadd.s32 $0xFFFFC000  }
0x1d: {  	s2 =	sadd.s32 $0x3, s0;
	_ =	swait.ge @!p0 [sflag:s7], $0x4000  }
0x1e: {  	s10 =	sshll.u32 s2, $0x7;
	[sflag:s7] =	ssyncset.done @!p0 $0x0  }
0x1f: {  	s28 =	sand.u32 $0x3FFFFF80, s10;
	[sflag:s7] =	ssyncadd.s32 @!p0 $0xFFFFC000;
	s7 =	simm.s32 $0x1D00  }
0x20: {  	[tilespmem:s18], [sflag:$0x4] =	stream.indirect.gather [hbm4b:s1+s12], $0x80, s28, s12, $0xb8;
	[tilespmem:$0x15C00] =	vst v63  }
0x21: {  	v0 =	vld [tilespmem:s7+$0xFFFFFF00]  }
0x22: {  	v1 =	vld [tilespmem:s7+$0xFFFFFF10]  }
0x23: {  	v2 =	vld [tilespmem:s7+$0xFFFFFF20]  }
0x24: {  	v3 =	vld [tilespmem:s7+$0xFFFFFF30]  }
0x25: {  	v4 =	vld [tilespmem:s7+$0xFFFFFF40]  }
0x26: {  	v5 =	vld [tilespmem:s7+$0xFFFFFF50];
	v0 =	vmul.f32 $1.131370830e+01, v0  }
0x27: {  	v6 =	vld [tilespmem:s7+$0xFFFFFF60];
	v1 =	vmul.f32 $1.131370830e+01, v1  }
0x28: {  	[tilespmem:s7+$0xFFFFFF00] =	vst v0;
	v0 =	vmul.f32 $1.131370830e+01, v2;
	v2 =	vld [tilespmem:s7+$0xFFFFFF70]  }
0x29: {  	[tilespmem:s7+$0xFFFFFF10] =	vst v1;
	v1 =	vmul.f32 $1.131370830e+01, v3;
	v3 =	vld [tilespmem:s7+$0xFFFFFF80]  }
0x2a: {  	[tilespmem:s7+$0xFFFFFF20] =	vst v0;
	v0 =	vmul.f32 $1.131370830e+01, v4;
	v4 =	vld [tilespmem:s7+$0xFFFFFF90]  }
0x2b: {  	[tilespmem:s7+$0xFFFFFF30] =	vst v1;
	v1 =	vmul.f32 $1.131370830e+01, v5;
	v5 =	vld [tilespmem:s7+$0xFFFFFFA0]  }
0x2c: {  	[tilespmem:s7+$0xFFFFFF40] =	vst v0;
	v0 =	vmul.f32 $1.131370830e+01, v6;
	v6 =	vld [tilespmem:s7+$0xFFFFFFB0]  }
0x2d: {  	[tilespmem:s7+$0xFFFFFF50] =	vst v1;
	v1 =	vmul.f32 $1.131370830e+01, v2;
	v2 =	vld [tilespmem:s7+$0xFFFFFFC0]  }
0x2e: {  	[tilespmem:s7+$0xFFFFFF60] =	vst v0;
	v0 =	vmul.f32 $1.131370830e+01, v3;
	v3 =	vld [tilespmem:s7+$0xFFFFFFD0]  }
0x2f: {  	[tilespmem:s7+$0xFFFFFF70] =	vst v1;
	v1 =	vmul.f32 $1.131370830e+01, v4;
	v4 =	vld [tilespmem:s7+$0xFFFFFFE0]  }
0x30: {  	[tilespmem:s7+$0xFFFFFF80] =	vst v0;
	v0 =	vmul.f32 $1.131370830e+01, v5;
	v5 =	vld [tilespmem:s7+$0x0]  }
0x31: {  	[tilespmem:s7+$0xFFFFFF90] =	vst v1;
	v1 =	vmul.f32 $1.131370830e+01, v6;
	v6 =	vld [tilespmem:s7+$0x10]  }
0x32: {  	[tilespmem:s7+$0xFFFFFFA0] =	vst v0;
	v0 =	vmul.f32 $1.131370830e+01, v2;
	v2 =	vld [tilespmem:s7+$0x20]  }
0x33: {  	[tilespmem:s7+$0xFFFFFFB0] =	vst v1;
	v1 =	vmul.f32 $1.131370830e+01, v3;
	v3 =	vld [tilespmem:s7+$0x30]  }
0x34: {  	[tilespmem:s7+$0xFFFFFFC0] =	vst v0;
	v0 =	vmul.f32 $1.131370830e+01, v4;
	v4 =	vld [tilespmem:s7+$0x40]  }
0x35: {  	[tilespmem:s7+$0xFFFFFFD0] =	vst v1;
	v1 =	vmul.f32 $1.131370830e+01, v5;
	v5 =	vld [tilespmem:s7+$0x50]  }
0x36: {  	[tilespmem:s7+$0xFFFFFFE0] =	vst v0;
	v0 =	vmul.f32 $1.131370830e+01, v6;
	v6 =	vld [tilespmem:s7+$0x60]  }
0x37: {  	[tilespmem:s7+$0x0] =	vst v1;
	v1 =	vmul.f32 $1.131370830e+01, v2;
	v2 =	vld [tilespmem:s7+$0x70]  }
0x38: {  	[tilespmem:s7+$0x10] =	vst v0;
	v0 =	vmul.f32 $1.131370830e+01, v3;
	v3 =	vld [tilespmem:s7+$0x80]  }
0x39: {  	[tilespmem:s7+$0x20] =	vst v1;
	v1 =	vmul.f32 $1.131370830e+01, v4;
	v4 =	vld [tilespmem:s7+$0x90]  }
0x3a: {  	[tilespmem:s7+$0x30] =	vst v0;
	v0 =	vmul.f32 $1.131370830e+01, v5;
	v5 =	vld [tilespmem:s7+$0xA0]  }
0x3b: {  	[tilespmem:s7+$0x40] =	vst v1;
	v1 =	vmul.f32 $1.131370830e+01, v6;
	v6 =	vld [tilespmem:s7+$0xB0]  }
0x3c: {  	[tilespmem:s7+$0x50] =	vst v0;
	v2 =	vmul.f32 $1.131370830e+01, v2;
	v0 =	vld [tilespmem:s7+$0xC0]  }
0x3d: {  	[tilespmem:s7+$0x60] =	vst v1;
	v7 =	vmul.f32 $1.131370830e+01, v3;
	v1 =	vld [tilespmem:s7+$0xD0]  }
0x3e: {  	v3 =	vld [tilespmem:s7+$0xE0];
	[tilespmem:s7+$0x70] =	vst v2;
	v8 =	vmul.f32 $1.131370830e+01, v4  }
0x3f: {  	v2 =	vld [tilespmem:s7+$0xF0];
	[tilespmem:s7+$0x80] =	vst v7;
	v5 =	vmul.f32 $1.131370830e+01, v5  }
0x40: {  	s11 =	simm.s32 $0x1F00;
	s10 =	simm.s32 $0x0;
	v4 =	vld [tilespmem:s7+$0xFFFFFFF0];
	[tilespmem:s7+$0x90] =	vst v8;
	v6 =	vmul.f32 $1.131370830e+01, v6  }
.LBB2_3:
0x41: {  	v7 =	vld [tilespmem:s11+$0xFFFFFF00];
	[tilespmem:s7+$0xA0] =	vst v5;
	v0 =	vmul.f32 $1.131370830e+01, v0  }
0x42: {  	v5 =	vld [tilespmem:s11+$0xFFFFFF10];
	[tilespmem:s7+$0xB0] =	vst v6;
	v1 =	vmul.f32 $1.131370830e+01, v1  }
0x43: {  	v6 =	vld [tilespmem:s11+$0xFFFFFF20];
	[tilespmem:s7+$0xC0] =	vst v0;
	v0 =	vmul.f32 $1.131370830e+01, v3  }
0x44: {  	v3 =	vld [tilespmem:s11+$0xFFFFFF30];
	[tilespmem:s7+$0xD0] =	vst v1;
	v1 =	vmul.f32 $1.131370830e+01, v2  }
0x45: {  	v2 =	vld [tilespmem:s11+$0xFFFFFF40];
	v4 =	vmul.f32 $1.131370830e+01, v4;
	[tilespmem:s7+$0xE0] =	vst v0  }
0x46: {  	v0 =	vmul.f32 $1.131370830e+01, v7;
	v7 =	vld [tilespmem:s11+$0xFFFFFF50];
	[tilespmem:s7+$0xF0] =	vst v1  }
0x47: {  	v1 =	vmul.f32 $1.131370830e+01, v5;
	v5 =	vld [tilespmem:s11+$0xFFFFFF60];
	[tilespmem:s7+$0xFFFFFFF0] =	vst v4;
	s7 =	smov.u32 s11  }
0x48: {  	[tilespmem:s11+$0xFFFFFF00] =	vst v0;
	v0 =	vmul.f32 $1.131370830e+01, v6;
	v4 =	vld [tilespmem:s11+$0xFFFFFF70]  }
0x49: {  	[tilespmem:s11+$0xFFFFFF10] =	vst v1;
	v1 =	vmul.f32 $1.131370830e+01, v3;
	v3 =	vld [tilespmem:s11+$0xFFFFFF80]  }
0x4a: {  	[tilespmem:s11+$0xFFFFFF20] =	vst v0;
	v0 =	vmul.f32 $1.131370830e+01, v2;
	v2 =	vld [tilespmem:s11+$0xFFFFFF90]  }
0x4b: {  	[tilespmem:s11+$0xFFFFFF30] =	vst v1;
	v1 =	vmul.f32 $1.131370830e+01, v7;
	v6 =	vld [tilespmem:s11+$0xFFFFFFA0]  }
0x4c: {  	[tilespmem:s11+$0xFFFFFF40] =	vst v0;
	v0 =	vmul.f32 $1.131370830e+01, v5;
	v5 =	vld [tilespmem:s11+$0xFFFFFFB0]  }
0x4d: {  	[tilespmem:s11+$0xFFFFFF50] =	vst v1;
	v1 =	vmul.f32 $1.131370830e+01, v4;
	v4 =	vld [tilespmem:s11+$0xFFFFFFC0]  }
0x4e: {  	[tilespmem:s11+$0xFFFFFF60] =	vst v0;
	v0 =	vmul.f32 $1.131370830e+01, v3;
	v3 =	vld [tilespmem:s11+$0xFFFFFFD0]  }
0x4f: {  	[tilespmem:s11+$0xFFFFFF70] =	vst v1;
	v1 =	vmul.f32 $1.131370830e+01, v2;
	v2 =	vld [tilespmem:s11+$0xFFFFFFE0]  }
0x50: {  	[tilespmem:s11+$0xFFFFFF80] =	vst v0;
	v0 =	vmul.f32 $1.131370830e+01, v6;
	v6 =	vld [tilespmem:s11+$0x0]  }
0x51: {  	[tilespmem:s11+$0xFFFFFF90] =	vst v1;
	v1 =	vmul.f32 $1.131370830e+01, v5;
	v5 =	vld [tilespmem:s11+$0x10]  }
0x52: {  	[tilespmem:s11+$0xFFFFFFA0] =	vst v0;
	v0 =	vmul.f32 $1.131370830e+01, v4;
	v4 =	vld [tilespmem:s11+$0x20]  }
0x53: {  	[tilespmem:s11+$0xFFFFFFB0] =	vst v1;
	v1 =	vmul.f32 $1.131370830e+01, v3;
	v3 =	vld [tilespmem:s11+$0x30]  }
0x54: {  	[tilespmem:s11+$0xFFFFFFC0] =	vst v0;
	v0 =	vmul.f32 $1.131370830e+01, v2;
	v2 =	vld [tilespmem:s11+$0x40]  }
0x55: {  	[tilespmem:s11+$0xFFFFFFD0] =	vst v1;
	v1 =	vmul.f32 $1.131370830e+01, v6;
	v6 =	vld [tilespmem:s11+$0x50]  }
0x56: {  	[tilespmem:s11+$0xFFFFFFE0] =	vst v0;
	v0 =	vmul.f32 $1.131370830e+01, v5;
	v5 =	vld [tilespmem:s11+$0x60]  }
0x57: {  	[tilespmem:s11+$0x0] =	vst v1;
	v1 =	vmul.f32 $1.131370830e+01, v4;
	v4 =	vld [tilespmem:s11+$0x70]  }
0x58: {  	[tilespmem:s11+$0x10] =	vst v0;
	v0 =	vmul.f32 $1.131370830e+01, v3;
	v3 =	vld [tilespmem:s11+$0x80]  }
0x59: {  	[tilespmem:s11+$0x20] =	vst v1;
	v1 =	vmul.f32 $1.131370830e+01, v2;
	v2 =	vld [tilespmem:s11+$0x90]  }
0x5a: {  	s10 =	sadd.s32 $0x4, s10;
	[tilespmem:s11+$0x30] =	vst v0;
	v0 =	vmul.f32 $1.131370830e+01, v6;
	v6 =	vld [tilespmem:s11+$0xA0]  }
0x5b: {  	p1 =	slt.u32 s10, $0x7C;
	[tilespmem:s11+$0x40] =	vst v1;
	v1 =	vmul.f32 $1.131370830e+01, v5;
	v7 =	vld [tilespmem:s11+$0xB0]  }
.Ltmp0:
0x5c: {  	[tilespmem:s11+$0x50] =	vst v0;
	v4 =	vmul.f32 $1.131370830e+01, v4;
	v0 =	vld [tilespmem:s11+$0xC0];
	(pc) =	sbr.rel @p1 .LBB2_3-.Ltmp0, $4  }
0x5d: {  	[tilespmem:s11+$0x60] =	vst v1;
	v5 =	vmul.f32 $1.131370830e+01, v3;
	v1 =	vld [tilespmem:s11+$0xD0]  }
0x5e: {  	[tilespmem:s11+$0x70] =	vst v4;
	v8 =	vmul.f32 $1.131370830e+01, v2;
	v3 =	vld [tilespmem:s11+$0xE0]  }
0x5f: {  	[tilespmem:s11+$0x80] =	vst v5;
	v5 =	vmul.f32 $1.131370830e+01, v6;
	v2 =	vld [tilespmem:s11+$0xF0]  }
0x60: {  	s11 =	sadd.s32 $0x200, s11;
	v4 =	vld [tilespmem:s7+$0xFFFFFFF0];
	[tilespmem:s7+$0x90] =	vst v8;
	v6 =	vmul.f32 $1.131370830e+01, v7  }
0x61: {  	[tilespmem:s7+$0xA0] =	vst v5;
	v0 =	vmul.f32 $1.131370830e+01, v0  }
0x62: {  	[tilespmem:s7+$0xB0] =	vst v6;
	v1 =	vmul.f32 $1.131370830e+01, v1  }
0x63: {  	s15 =	smul.u32 $0x280, s31;
	[tilespmem:s7+$0xC0] =	vst v0;
	v0 =	vmul.f32 $1.131370830e+01, v3  }
0x64: {  	[tilespmem:s7+$0xD0] =	vst v1;
	v1 =	vmul.f32 $1.131370830e+01, v2  }
0x65: {  	s10 =	sadd.s32 s6, s15;
	v2 =	vmul.f32 $1.131370830e+01, v4;
	[tilespmem:s7+$0xE0] =	vst v0  }
0x66: {  	s10 =	sshll.u32 s10, $0x4;
	[tilespmem:s7+$0xF0] =	vst v1  }
0x67: {  	s10 =	sadd.s32 s3, s10;
	[tilespmem:s7+$0xFFFFFFF0] =	vst v2  }
0x68: {  	[hbm4b:s10+s4] =	stream.linear.scatter [tilespmem:s13], [sflag:$0x6], $0x4000, $0x38;
	[tilespmem:$0x15C00] =	vst v63  }
0x69: {  	_ =	swait.ge [sflag:s19], $0x4000  }
0x6a: {  	[sflag:s19] =	ssyncset.done $0x0  }
0x6b: {  	s7 =	simm.s32 @!p0 $0xA;
	[sflag:s19] =	ssyncadd.s32 $0xFFFFC000  }
0x6c: {  	s0 =	sadd.s32 $0x4, s0;
	_ =	swait.ge @!p0 [sflag:s7], $0x4000  }
0x6d: {  	s11 =	sshll.u32 s0, $0x7;
	[sflag:s7] =	ssyncset.done @!p0 $0x0  }
0x6e: {  	s28 =	sand.u32 $0x3FFFFF80, s11;
	[sflag:s7] =	ssyncadd.s32 @!p0 $0xFFFFC000;
	s7 =	simm.s32 $0x5C00  }
0x6f: {  	[tilespmem:s20], [sflag:$0x5] =	stream.indirect.gather [hbm4b:s1+s12], $0x80, s28, s12, $0xb8;
	[tilespmem:$0x15C00] =	vst v63  }
0x70: {  	v0 =	vld [tilespmem:s7+$0x1A0]  }
0x71: {  	v1 =	vld [tilespmem:s7+$0xA0]  }
0x72: {  	v2 =	vld [tilespmem:s7+$0x90]  }
0x73: {  	v3 =	vld [tilespmem:s7+$0x80]  }
0x74: {  	v4 =	vld [tilespmem:s7+$0xB0]  }
0x75: {  	v5 =	vld [tilespmem:s7+$0x70]  }
0x76: {  	v6 =	vld [tilespmem:s7+$0xC0]  }
0x77: {  	v12 =	vld [tilespmem:s7+$0x60]  }
0x78: {  	v7 =	vld [tilespmem:s7+$0xD0]  }
0x79: {  	v8 =	vld [tilespmem:s7+$0xE0]  }
0x7a: {  	v9 =	vld [tilespmem:s7+$0x1D0]  }
0x7b: {  	v10 =	vld [tilespmem:s7+$0x1E0]  }
0x7c: {  	v11 =	vld [tilespmem:s7+$0x0]  }
0x7d: {  	v13 =	vld [tilespmem:s7+$0xF0]  }
0x7e: {  	v14 =	vld [tilespmem:s7+$0x100];
	v0 =	vmul.f32 $1.131370830e+01, v0  }
0x7f: {  	v15 =	vld [tilespmem:s7+$0x110];
	v9 =	vmul.f32 $1.131370830e+01, v9  }
0x80: {  	v16 =	vld [tilespmem:s7+$0x120];
	v17 =	vmul.f32 $1.131370830e+01, v8;
	[tilespmem:s7+$0x1A0] =	vst v0  }
0x81: {  	v18 =	vld [tilespmem:s7+$0x30];
	v20 =	vmul.f32 $1.131370830e+01, v6;
	[tilespmem:s7+$0x1D0] =	vst v9  }
0x82: {  	v21 =	vld [tilespmem:s7+$0x10];
	v0 =	vmul.f32 $1.131370830e+01, v10;
	[tilespmem:s7+$0xE0] =	vst v17  }
0x83: {  	v10 =	vmul.f32 $1.131370830e+01, v11;
	v11 =	vld [tilespmem:s7+$0x130];
	[tilespmem:s7+$0xC0] =	vst v20  }
0x84: {  	v9 =	vmul.f32 $1.131370830e+01, v13;
	v13 =	vld [tilespmem:s7+$0x140];
	[tilespmem:s7+$0x1E0] =	vst v0  }
0x85: {  	[tilespmem:s7+$0x0] =	vst v10;
	v0 =	vmul.f32 $1.131370830e+01, v14;
	v10 =	vld [tilespmem:s7+$0x150]  }
0x86: {  	v19 =	vld [tilespmem:s7+$0x20];
	[tilespmem:s7+$0xF0] =	vst v9;
	v9 =	vmul.f32 $1.131370830e+01, v15  }
0x87: {  	v8 =	vmul.f32 $1.131370830e+01, v1;
	v14 =	vld [tilespmem:s7+$0x1F0];
	[tilespmem:s7+$0x100] =	vst v0;
	v0 =	vmul.f32 $1.131370830e+01, v16  }
0x88: {  	v22 =	vld [tilespmem:s7+$0x1B0];
	v6 =	vmul.f32 $1.131370830e+01, v12;
	[tilespmem:s7+$0x110] =	vst v9;
	v9 =	vmul.f32 $1.131370830e+01, v11  }
0x89: {  	v1 =	vmul.f32 $1.131370830e+01, v21;
	v15 =	vld [tilespmem:s7+$0x50];
	[tilespmem:s7+$0x120] =	vst v0;
	v0 =	vmul.f32 $1.131370830e+01, v13  }
0x8a: {  	v16 =	vld [tilespmem:s7+$0x40];
	v13 =	vmul.f32 $1.131370830e+01, v7;
	[tilespmem:s7+$0x130] =	vst v9;
	v7 =	vmul.f32 $1.131370830e+01, v10  }
0x8b: {  	v11 =	vld [tilespmem:s7+$0x190];
	v9 =	vmul.f32 $1.131370830e+01, v2;
	v10 =	vmul.f32 $1.131370830e+01, v3;
	[tilespmem:s7+$0x140] =	vst v0  }
0x8c: {  	v12 =	vld [tilespmem:s7+$0x1C0];
	v2 =	vmul.f32 $1.131370830e+01, v18;
	v0 =	vmul.f32 $1.131370830e+01, v14;
	[tilespmem:s7+$0xD0] =	vst v13  }
0x8d: {  	v3 =	vmul.f32 $1.131370830e+01, v19;
	v14 =	vmul.f32 $1.131370830e+01, v4;
	v13 =	vld [tilespmem:s7+$0x180];
	[tilespmem:s7+$0x150] =	vst v7  }
0x8e: {  	v4 =	vmul.f32 $1.131370830e+01, v15;
	v15 =	vld [tilespmem:s7+$0x170];
	v7 =	vmul.f32 $1.131370830e+01, v5;
	[tilespmem:s7+$0x1F0] =	vst v0  }
0x8f: {  	s11 =	simm.s32 $0x5E00;
	s10 =	simm.s32 $0x0;
	v5 =	vmul.f32 $1.131370830e+01, v22;
	v0 =	vmul.f32 $1.131370830e+01, v16;
	[tilespmem:s7+$0xB0] =	vst v14;
	v14 =	vld [tilespmem:s7+$0x160]  }
.LBB2_5:
0x90: {  	v16 =	vld [tilespmem:s11+$0x1A0];
	s10 =	sadd.s32 $0x4, s10;
	[tilespmem:s7+$0xA0] =	vst v8;
	v8 =	vmul.f32 $1.131370830e+01, v11  }
0x91: {  	v11 =	vld [tilespmem:s11+$0xA0];
	p0 =	slt.u32 s10, $0x7C;
	[tilespmem:s7+$0x90] =	vst v9;
	v9 =	vmul.f32 $1.131370830e+01, v12  }
0x92: {  	v12 =	vld [tilespmem:s11+$0x90];
	[tilespmem:s7+$0x80] =	vst v10;
	v10 =	vmul.f32 $1.131370830e+01, v13  }
0x93: {  	v13 =	vld [tilespmem:s11+$0x80];
	v15 =	vmul.f32 $1.131370830e+01, v15;
	[tilespmem:s7+$0x1C0] =	vst v9  }
0x94: {  	v9 =	vld [tilespmem:s11+$0xB0];
	[tilespmem:s7+$0x70] =	vst v7;
	v7 =	vmul.f32 $1.131370830e+01, v14  }
0x95: {  	v14 =	vld [tilespmem:s11+$0x70];
	v16 =	vmul.f32 $1.131370830e+01, v16;
	[tilespmem:s7+$0x180] =	vst v10  }
0x96: {  	v10 =	vld [tilespmem:s11+$0xC0];
	[tilespmem:s7+$0x60] =	vst v6  }
0x97: {  	v6 =	vld [tilespmem:s11+$0x60];
	[tilespmem:s7+$0x170] =	vst v15  }
0x98: {  	v15 =	vld [tilespmem:s11+$0xD0];
	[tilespmem:s7+$0x50] =	vst v4  }
0x99: {  	v4 =	vld [tilespmem:s11+$0xE0];
	[tilespmem:s7+$0x160] =	vst v7  }
0x9a: {  	v7 =	vld [tilespmem:s11+$0x1D0];
	[tilespmem:s7+$0x40] =	vst v0  }
0x9b: {  	v0 =	vld [tilespmem:s11+$0x1E0];
	[tilespmem:s7+$0x30] =	vst v2  }
0x9c: {  	v2 =	vld [tilespmem:s11+$0x0];
	[tilespmem:s7+$0x20] =	vst v3  }
0x9d: {  	v3 =	vld [tilespmem:s11+$0xF0];
	[tilespmem:s7+$0x190] =	vst v8  }
0x9e: {  	v8 =	vld [tilespmem:s11+$0x100];
	[tilespmem:s7+$0x10] =	vst v1  }
0x9f: {  	v1 =	vld [tilespmem:s11+$0x110];
	v7 =	vmul.f32 $1.131370830e+01, v7;
	[tilespmem:s7+$0x1B0] =	vst v5;
	s7 =	smov.u32 s11  }
0xa0: {  	v5 =	vld [tilespmem:s11+$0x120];
	[tilespmem:s11+$0x1A0] =	vst v16;
	v0 =	vmul.f32 $1.131370830e+01, v0  }
0xa1: {  	v16 =	vmul.f32 $1.131370830e+01, v4;
	v2 =	vmul.f32 $1.131370830e+01, v2;
	v4 =	vld [tilespmem:s11+$0x130];
	[tilespmem:s11+$0x1D0] =	vst v7  }
0xa2: {  	v15 =	vmul.f32 $1.131370830e+01, v15;
	v3 =	vmul.f32 $1.131370830e+01, v3;
	v7 =	vld [tilespmem:s11+$0x140];
	[tilespmem:s11+$0x1E0] =	vst v0  }
0xa3: {  	v17 =	vmul.f32 $1.131370830e+01, v10;
	[tilespmem:s11+$0x0] =	vst v2;
	v0 =	vmul.f32 $1.131370830e+01, v8;
	v2 =	vld [tilespmem:s11+$0x150]  }
0xa4: {  	v18 =	vmul.f32 $1.131370830e+01, v9;
	[tilespmem:s11+$0xF0] =	vst v3;
	v1 =	vmul.f32 $1.131370830e+01, v1;
	v3 =	vld [tilespmem:s11+$0x1F0]  }
0xa5: {  	v8 =	vmul.f32 $1.131370830e+01, v11;
	v19 =	vld [tilespmem:s11+$0x50];
	[tilespmem:s11+$0x100] =	vst v0;
	v0 =	vmul.f32 $1.131370830e+01, v5  }
0xa6: {  	v9 =	vmul.f32 $1.131370830e+01, v12;
	v5 =	vld [tilespmem:s11+$0x40];
	[tilespmem:s11+$0x110] =	vst v1;
	v1 =	vmul.f32 $1.131370830e+01, v4  }
0xa7: {  	v10 =	vmul.f32 $1.131370830e+01, v13;
	v12 =	vld [tilespmem:s11+$0x30];
	[tilespmem:s11+$0x120] =	vst v0;
	v0 =	vmul.f32 $1.131370830e+01, v7  }
0xa8: {  	v7 =	vmul.f32 $1.131370830e+01, v14;
	v13 =	vld [tilespmem:s11+$0x20];
	[tilespmem:s11+$0x130] =	vst v1;
	v1 =	vmul.f32 $1.131370830e+01, v2  }
0xa9: {  	v6 =	vmul.f32 $1.131370830e+01, v6;
	v14 =	vld [tilespmem:s11+$0x10];
	[tilespmem:s11+$0x140] =	vst v0;
	v2 =	vmul.f32 $1.131370830e+01, v3  }
0xaa: {  	v4 =	vmul.f32 $1.131370830e+01, v19;
	[tilespmem:s11+$0x150] =	vst v1;
	v19 =	vld [tilespmem:s11+$0x1B0]  }
.Ltmp1:
0xab: {  	v0 =	vmul.f32 $1.131370830e+01, v5;
	v11 =	vld [tilespmem:s11+$0x190];
	[tilespmem:s11+$0x1F0] =	vst v2;
	(pc) =	sbr.rel @p0 .LBB2_5-.Ltmp1, $4  }
0xac: {  	v2 =	vmul.f32 $1.131370830e+01, v12;
	[tilespmem:s11+$0xE0] =	vst v16;
	v12 =	vld [tilespmem:s11+$0x1C0]  }
0xad: {  	v3 =	vmul.f32 $1.131370830e+01, v13;
	[tilespmem:s11+$0xD0] =	vst v15;
	v13 =	vld [tilespmem:s11+$0x180]  }
0xae: {  	v1 =	vmul.f32 $1.131370830e+01, v14;
	[tilespmem:s11+$0xC0] =	vst v17;
	v15 =	vld [tilespmem:s11+$0x170]  }
0xaf: {  	s11 =	sadd.s32 $0x200, s11;
	[tilespmem:s7+$0xB0] =	vst v18;
	v14 =	vld [tilespmem:s7+$0x160];
	v5 =	vmul.f32 $1.131370830e+01, v19  }
0xb0: {  	[tilespmem:s7+$0xA0] =	vst v8  }
0xb1: {  	[tilespmem:s7+$0x90] =	vst v9  }
0xb2: {  	[tilespmem:s7+$0x80] =	vst v10  }
0xb3: {  	[tilespmem:s7+$0x70] =	vst v7  }
0xb4: {  	[tilespmem:s7+$0x60] =	vst v6  }
0xb5: {  	[tilespmem:s7+$0x50] =	vst v4  }
0xb6: {  	[tilespmem:s7+$0x40] =	vst v0  }
0xb7: {  	[tilespmem:s7+$0x30] =	vst v2  }
0xb8: {  	[tilespmem:s7+$0x20] =	vst v3  }
0xb9: {  	v0 =	vmul.f32 $1.131370830e+01, v11;
	[tilespmem:s7+$0x10] =	vst v1  }
0xba: {  	v8 =	vmul.f32 $1.131370830e+01, v12;
	[tilespmem:s7+$0x1B0] =	vst v5  }
0xbb: {  	s10 =	smul.u32 $0x14000, s31;
	v9 =	vmul.f32 $1.131370830e+01, v13;
	[tilespmem:s7+$0x190] =	vst v0  }
0xbc: {  	[tilespmem:s7+$0x1C0] =	vst v8;
	v7 =	vmul.f32 $1.131370830e+01, v15  }
0xbd: {  	s10 =	sadd.s32 s10, s8;
	[tilespmem:s7+$0x180] =	vst v9;
	v6 =	vmul.f32 $1.131370830e+01, v14  }
0xbe: {  	s10 =	sshrl.u32 s10, $0x3;
	[tilespmem:s7+$0x170] =	vst v7  }
0xbf: {  	s11 =	sadd.s32 s3, s10;
	[tilespmem:s7+$0x160] =	vst v6  }
0xc0: {  	[hbm4b:s11+s4] =	stream.linear.scatter [tilespmem:s14], [sflag:$0x7], $0x4000, $0x38;
	[tilespmem:$0x15C00] =	vst v63  }
0xc1: {  	_ =	swait.ge [sflag:s21], $0x4000  }
0xc2: {  	p0 =	seq.s32 s31, $0x9;
	[sflag:s21] =	ssyncset.done $0x0  }
0xc3: {  	s7 =	smul.u32 @!p0 $0xA00, s31;
	[sflag:s21] =	ssyncadd.s32 $0xFFFFC000  }
0xc4: {  	_ =	swait.ge [sflag:s22], $0x4000  }
0xc5: {  	s28 =	simm.s32 @!p0 $0x1C00;
	s7 =	sshra.s32 @!p0 s7, $0x2;
	[sflag:s22] =	ssyncset.done $0x0  }
0xc6: {  	s11 =	simm.s32 @!p0 $0x80;
	s10 =	sadd.s32 @!p0 $0x280, s7;
	[sflag:s22] =	ssyncadd.s32 $0xFFFFC000  }
0xc7: {  	[tilespmem:s28], [sflag:$0x1] =	stream.indirect.gather @!p0 [hbm4b:s1+s11], $0x80, s10, s11, $0xb8;
	[tilespmem:$0x15C00] =	vst v63  }
0xc8: {  	s10 =	simm.s32 $0x9C00  }
0xc9: {  	v0 =	vld [tilespmem:s10+$0x1A0]  }
0xca: {  	v1 =	vld [tilespmem:s10+$0xA0]  }
0xcb: {  	v2 =	vld [tilespmem:s10+$0x90]  }
0xcc: {  	v3 =	vld [tilespmem:s10+$0x80]  }
0xcd: {  	v4 =	vld [tilespmem:s10+$0xB0]  }
0xce: {  	v5 =	vld [tilespmem:s10+$0x70]  }
0xcf: {  	v6 =	vld [tilespmem:s10+$0xC0]  }
0xd0: {  	v12 =	vld [tilespmem:s10+$0x60]  }
0xd1: {  	v7 =	vld [tilespmem:s10+$0xD0]  }
0xd2: {  	v8 =	vld [tilespmem:s10+$0xE0]  }
0xd3: {  	v9 =	vld [tilespmem:s10+$0x1D0]  }
0xd4: {  	v10 =	vld [tilespmem:s10+$0x1E0]  }
0xd5: {  	v11 =	vld [tilespmem:s10+$0x0]  }
0xd6: {  	v13 =	vld [tilespmem:s10+$0xF0]  }
0xd7: {  	v14 =	vld [tilespmem:s10+$0x100];
	v0 =	vmul.f32 $1.131370830e+01, v0  }
0xd8: {  	v15 =	vld [tilespmem:s10+$0x110];
	v9 =	vmul.f32 $1.131370830e+01, v9  }
0xd9: {  	v16 =	vld [tilespmem:s10+$0x120];
	v17 =	vmul.f32 $1.131370830e+01, v8;
	[tilespmem:s10+$0x1A0] =	vst v0  }
0xda: {  	v18 =	vld [tilespmem:s10+$0x30];
	v6 =	vmul.f32 $1.131370830e+01, v6;
	[tilespmem:s10+$0x1D0] =	vst v9  }
0xdb: {  	v21 =	vld [tilespmem:s10+$0x1B0];
	v0 =	vmul.f32 $1.131370830e+01, v10;
	[tilespmem:s10+$0xE0] =	vst v17  }
0xdc: {  	v10 =	vmul.f32 $1.131370830e+01, v11;
	v11 =	vld [tilespmem:s10+$0x130];
	[tilespmem:s10+$0xC0] =	vst v6  }
0xdd: {  	v9 =	vmul.f32 $1.131370830e+01, v13;
	v13 =	vld [tilespmem:s10+$0x140];
	[tilespmem:s10+$0x1E0] =	vst v0  }
0xde: {  	[tilespmem:s10+$0x0] =	vst v10;
	v0 =	vmul.f32 $1.131370830e+01, v14;
	v10 =	vld [tilespmem:s10+$0x150]  }
0xdf: {  	[tilespmem:s10+$0xF0] =	vst v9;
	v9 =	vmul.f32 $1.131370830e+01, v15;
	v14 =	vld [tilespmem:s10+$0x1F0]  }
0xe0: {  	v19 =	vld [tilespmem:s10+$0x20];
	v8 =	vmul.f32 $1.131370830e+01, v1;
	[tilespmem:s10+$0x100] =	vst v0;
	v0 =	vmul.f32 $1.131370830e+01, v16  }
0xe1: {  	v20 =	vld [tilespmem:s10+$0x10];
	v1 =	vmul.f32 $1.131370830e+01, v18;
	[tilespmem:s10+$0x110] =	vst v9;
	v9 =	vmul.f32 $1.131370830e+01, v11  }
0xe2: {  	v6 =	vmul.f32 $1.131370830e+01, v21;
	v15 =	vld [tilespmem:s10+$0x50];
	[tilespmem:s10+$0x120] =	vst v0;
	v0 =	vmul.f32 $1.131370830e+01, v13  }
0xe3: {  	v16 =	vld [tilespmem:s10+$0x40];
	v13 =	vmul.f32 $1.131370830e+01, v7;
	[tilespmem:s10+$0x130] =	vst v9;
	v7 =	vmul.f32 $1.131370830e+01, v10  }
0xe4: {  	v11 =	vld [tilespmem:s10+$0x190];
	v9 =	vmul.f32 $1.131370830e+01, v2;
	[tilespmem:s10+$0x140] =	vst v0;
	v0 =	vmul.f32 $1.131370830e+01, v14  }
0xe5: {  	[tilespmem:s10+$0x150] =	vst v7;
	v7 =	vmul.f32 $1.131370830e+01, v5;
	v5 =	vmul.f32 $1.131370830e+01, v12;
	v12 =	vld [tilespmem:s10+$0x1C0]  }
0xe6: {  	v10 =	vmul.f32 $1.131370830e+01, v3;
	v14 =	vmul.f32 $1.131370830e+01, v4;
	[tilespmem:s10+$0xD0] =	vst v13;
	v13 =	vld [tilespmem:s10+$0x180]  }
0xe7: {  	v3 =	vmul.f32 $1.131370830e+01, v15;
	v15 =	vld [tilespmem:s10+$0x170];
	v2 =	vmul.f32 $1.131370830e+01, v20;
	[tilespmem:s10+$0x1F0] =	vst v0  }
0xe8: {  	s11 =	simm.s32 $0x0;
	s28 =	simm.s32 $0x9E00;
	v4 =	vmul.f32 $1.131370830e+01, v19;
	v0 =	vmul.f32 $1.131370830e+01, v16;
	[tilespmem:s10+$0xB0] =	vst v14;
	v14 =	vld [tilespmem:s10+$0x160]  }
.LBB2_7:
0xe9: {  	v16 =	vld [tilespmem:s28+$0x1A0];
	s11 =	sadd.s32 $0x4, s11;
	[tilespmem:s10+$0xA0] =	vst v8;
	v8 =	vmul.f32 $1.131370830e+01, v11  }
0xea: {  	v11 =	vld [tilespmem:s28+$0xA0];
	p1 =	slt.u32 s11, $0x7C;
	[tilespmem:s10+$0x90] =	vst v9;
	v9 =	vmul.f32 $1.131370830e+01, v12  }
0xeb: {  	v12 =	vld [tilespmem:s28+$0x90];
	[tilespmem:s10+$0x80] =	vst v10;
	v10 =	vmul.f32 $1.131370830e+01, v13  }
0xec: {  	v13 =	vld [tilespmem:s28+$0x80];
	v15 =	vmul.f32 $1.131370830e+01, v15;
	[tilespmem:s10+$0x1C0] =	vst v9  }
0xed: {  	v9 =	vld [tilespmem:s28+$0xB0];
	[tilespmem:s10+$0x70] =	vst v7;
	v7 =	vmul.f32 $1.131370830e+01, v14  }
0xee: {  	v14 =	vld [tilespmem:s28+$0x70];
	v16 =	vmul.f32 $1.131370830e+01, v16;
	[tilespmem:s10+$0x180] =	vst v10  }
0xef: {  	v10 =	vld [tilespmem:s28+$0xC0];
	[tilespmem:s10+$0x60] =	vst v5  }
0xf0: {  	v5 =	vld [tilespmem:s28+$0x60];
	[tilespmem:s10+$0x170] =	vst v15  }
0xf1: {  	v15 =	vld [tilespmem:s28+$0xD0];
	[tilespmem:s10+$0x50] =	vst v3  }
0xf2: {  	v3 =	vld [tilespmem:s28+$0xE0];
	[tilespmem:s10+$0x160] =	vst v7  }
0xf3: {  	v7 =	vld [tilespmem:s28+$0x1D0];
	[tilespmem:s10+$0x40] =	vst v0  }
0xf4: {  	v0 =	vld [tilespmem:s28+$0x1E0];
	[tilespmem:s10+$0x30] =	vst v1  }
0xf5: {  	v1 =	vld [tilespmem:s28+$0x0];
	[tilespmem:s10+$0x20] =	vst v4  }
0xf6: {  	v4 =	vld [tilespmem:s28+$0xF0];
	[tilespmem:s10+$0x190] =	vst v8  }
0xf7: {  	v8 =	vld [tilespmem:s28+$0x100];
	[tilespmem:s10+$0x10] =	vst v2  }
0xf8: {  	v2 =	vld [tilespmem:s28+$0x110];
	v7 =	vmul.f32 $1.131370830e+01, v7;
	[tilespmem:s10+$0x1B0] =	vst v6;
	s10 =	smov.u32 s28  }
0xf9: {  	v6 =	vld [tilespmem:s28+$0x120];
	[tilespmem:s28+$0x1A0] =	vst v16;
	v0 =	vmul.f32 $1.131370830e+01, v0  }
0xfa: {  	v16 =	vmul.f32 $1.131370830e+01, v3;
	v1 =	vmul.f32 $1.131370830e+01, v1;
	v3 =	vld [tilespmem:s28+$0x130];
	[tilespmem:s28+$0x1D0] =	vst v7  }
0xfb: {  	v15 =	vmul.f32 $1.131370830e+01, v15;
	v4 =	vmul.f32 $1.131370830e+01, v4;
	v7 =	vld [tilespmem:s28+$0x140];
	[tilespmem:s28+$0x1E0] =	vst v0  }
0xfc: {  	v17 =	vmul.f32 $1.131370830e+01, v10;
	[tilespmem:s28+$0x0] =	vst v1;
	v0 =	vmul.f32 $1.131370830e+01, v8;
	v1 =	vld [tilespmem:s28+$0x150]  }
0xfd: {  	v18 =	vmul.f32 $1.131370830e+01, v9;
	[tilespmem:s28+$0xF0] =	vst v4;
	v2 =	vmul.f32 $1.131370830e+01, v2;
	v4 =	vld [tilespmem:s28+$0x1F0]  }
0xfe: {  	v8 =	vmul.f32 $1.131370830e+01, v11;
	v19 =	vld [tilespmem:s28+$0x50];
	[tilespmem:s28+$0x100] =	vst v0;
	v0 =	vmul.f32 $1.131370830e+01, v6  }
0xff: {  	v9 =	vmul.f32 $1.131370830e+01, v12;
	v6 =	vld [tilespmem:s28+$0x40];
	[tilespmem:s28+$0x110] =	vst v2;
	v2 =	vmul.f32 $1.131370830e+01, v3  }
0x100: {  	v10 =	vmul.f32 $1.131370830e+01, v13;
	v12 =	vld [tilespmem:s28+$0x30];
	[tilespmem:s28+$0x120] =	vst v0;
	v0 =	vmul.f32 $1.131370830e+01, v7  }
0x101: {  	v7 =	vmul.f32 $1.131370830e+01, v14;
	v13 =	vld [tilespmem:s28+$0x20];
	[tilespmem:s28+$0x130] =	vst v2;
	v1 =	vmul.f32 $1.131370830e+01, v1  }
0x102: {  	v5 =	vmul.f32 $1.131370830e+01, v5;
	v2 =	vld [tilespmem:s28+$0x10];
	[tilespmem:s28+$0x140] =	vst v0;
	v4 =	vmul.f32 $1.131370830e+01, v4  }
0x103: {  	v3 =	vmul.f32 $1.131370830e+01, v19;
	[tilespmem:s28+$0x150] =	vst v1;
	v19 =	vld [tilespmem:s28+$0x1B0]  }
.Ltmp2:
0x104: {  	v0 =	vmul.f32 $1.131370830e+01, v6;
	v11 =	vld [tilespmem:s28+$0x190];
	[tilespmem:s28+$0x1F0] =	vst v4;
	(pc) =	sbr.rel @p1 .LBB2_7-.Ltmp2, $4  }
0x105: {  	v1 =	vmul.f32 $1.131370830e+01, v12;
	[tilespmem:s28+$0xE0] =	vst v16;
	v12 =	vld [tilespmem:s28+$0x1C0]  }
0x106: {  	v4 =	vmul.f32 $1.131370830e+01, v13;
	[tilespmem:s28+$0xD0] =	vst v15;
	v13 =	vld [tilespmem:s28+$0x180]  }
0x107: {  	v2 =	vmul.f32 $1.131370830e+01, v2;
	[tilespmem:s28+$0xC0] =	vst v17;
	v15 =	vld [tilespmem:s28+$0x170]  }
0x108: {  	s28 =	sadd.s32 $0x200, s28;
	[tilespmem:s10+$0xB0] =	vst v18;
	v14 =	vld [tilespmem:s10+$0x160];
	v6 =	vmul.f32 $1.131370830e+01, v19  }
0x109: {  	[tilespmem:s10+$0xA0] =	vst v8  }
0x10a: {  	[tilespmem:s10+$0x90] =	vst v9  }
0x10b: {  	[tilespmem:s10+$0x80] =	vst v10  }
0x10c: {  	[tilespmem:s10+$0x70] =	vst v7  }
0x10d: {  	[tilespmem:s10+$0x60] =	vst v5  }
0x10e: {  	[tilespmem:s10+$0x50] =	vst v3  }
0x10f: {  	[tilespmem:s10+$0x40] =	vst v0  }
0x110: {  	[tilespmem:s10+$0x30] =	vst v1  }
0x111: {  	[tilespmem:s10+$0x20] =	vst v4  }
0x112: {  	v0 =	vmul.f32 $1.131370830e+01, v11;
	[tilespmem:s10+$0x10] =	vst v2  }
0x113: {  	v8 =	vmul.f32 $1.131370830e+01, v12;
	[tilespmem:s10+$0x1B0] =	vst v6  }
0x114: {  	v9 =	vmul.f32 $1.131370830e+01, v13;
	[tilespmem:s10+$0x190] =	vst v0  }
0x115: {  	[tilespmem:s10+$0x1C0] =	vst v8;
	v7 =	vmul.f32 $1.131370830e+01, v15  }
0x116: {  	s11 =	sadd.s32 s15, s9;
	[tilespmem:s10+$0x180] =	vst v9;
	v5 =	vmul.f32 $1.131370830e+01, v14  }
0x117: {  	s11 =	sshll.u32 s11, $0x4;
	[tilespmem:s10+$0x170] =	vst v7  }
0x118: {  	s28 =	sadd.s32 s3, s11;
	[tilespmem:s10+$0x160] =	vst v5  }
0x119: {  	[hbm4b:s28+s4] =	stream.linear.scatter [tilespmem:s16], [sflag:$0x8], $0x4000, $0x38;
	[tilespmem:$0x15C00] =	vst v63  }
0x11a: {  	_ =	swait.ge [sflag:s23], $0x4000  }
0x11b: {  	[sflag:s23] =	ssyncset.done $0x0  }
0x11c: {  	[sflag:s23] =	ssyncadd.s32 $0xFFFFC000  }
0x11d: {  	_ =	swait.ge [sflag:s24], $0x4000  }
0x11e: {  	s15 =	simm.s32 @!p0 $0x5C00;
	[sflag:s24] =	ssyncset.done $0x0  }
0x11f: {  	s11 =	simm.s32 @!p0 $0x80;
	s10 =	sadd.s32 @!p0 $0x300, s7;
	[sflag:s24] =	ssyncadd.s32 $0xFFFFC000  }
0x120: {  	[tilespmem:s15], [sflag:$0x2] =	stream.indirect.gather @!p0 [hbm4b:s1+s11], $0x80, s10, s11, $0xb8;
	[tilespmem:$0x15C00] =	vst v63  }
0x121: {  	s15 =	simm.s32 $0xDC00  }
0x122: {  	v0 =	vld [tilespmem:s15+$0x1A0]  }
0x123: {  	v1 =	vld [tilespmem:s15+$0xA0]  }
0x124: {  	v2 =	vld [tilespmem:s15+$0x90]  }
0x125: {  	v3 =	vld [tilespmem:s15+$0x80]  }
0x126: {  	v4 =	vld [tilespmem:s15+$0xB0]  }
0x127: {  	v5 =	vld [tilespmem:s15+$0x70]  }
0x128: {  	v6 =	vld [tilespmem:s15+$0xC0]  }
0x129: {  	v12 =	vld [tilespmem:s15+$0x60]  }
0x12a: {  	v7 =	vld [tilespmem:s15+$0xD0]  }
0x12b: {  	v8 =	vld [tilespmem:s15+$0xE0]  }
0x12c: {  	v9 =	vld [tilespmem:s15+$0x1D0]  }
0x12d: {  	v10 =	vld [tilespmem:s15+$0x1E0]  }
0x12e: {  	v11 =	vld [tilespmem:s15+$0x0]  }
0x12f: {  	v13 =	vld [tilespmem:s15+$0xF0]  }
0x130: {  	v14 =	vld [tilespmem:s15+$0x100];
	v0 =	vmul.f32 $1.131370830e+01, v0  }
0x131: {  	v15 =	vld [tilespmem:s15+$0x110];
	v9 =	vmul.f32 $1.131370830e+01, v9  }
0x132: {  	v16 =	vld [tilespmem:s15+$0x120];
	v17 =	vmul.f32 $1.131370830e+01, v8;
	[tilespmem:s15+$0x1A0] =	vst v0  }
0x133: {  	v18 =	vld [tilespmem:s15+$0x30];
	v20 =	vmul.f32 $1.131370830e+01, v6;
	[tilespmem:s15+$0x1D0] =	vst v9  }
0x134: {  	v21 =	vld [tilespmem:s15+$0x10];
	v0 =	vmul.f32 $1.131370830e+01, v10;
	[tilespmem:s15+$0xE0] =	vst v17  }
0x135: {  	v10 =	vmul.f32 $1.131370830e+01, v11;
	v11 =	vld [tilespmem:s15+$0x130];
	[tilespmem:s15+$0xC0] =	vst v20  }
0x136: {  	v9 =	vmul.f32 $1.131370830e+01, v13;
	v13 =	vld [tilespmem:s15+$0x140];
	[tilespmem:s15+$0x1E0] =	vst v0  }
0x137: {  	[tilespmem:s15+$0x0] =	vst v10;
	v0 =	vmul.f32 $1.131370830e+01, v14;
	v10 =	vld [tilespmem:s15+$0x150]  }
0x138: {  	[tilespmem:s15+$0xF0] =	vst v9;
	v9 =	vmul.f32 $1.131370830e+01, v15;
	v14 =	vld [tilespmem:s15+$0x1F0]  }
0x139: {  	v8 =	vmul.f32 $1.131370830e+01, v1;
	v15 =	vld [tilespmem:s15+$0x50];
	[tilespmem:s15+$0x100] =	vst v0;
	v0 =	vmul.f32 $1.131370830e+01, v16  }
0x13a: {  	v19 =	vld [tilespmem:s15+$0x20];
	v6 =	vmul.f32 $1.131370830e+01, v12;
	[tilespmem:s15+$0x110] =	vst v9;
	v9 =	vmul.f32 $1.131370830e+01, v11  }
0x13b: {  	v22 =	vld [tilespmem:s15+$0x1B0];
	v1 =	vmul.f32 $1.131370830e+01, v21;
	[tilespmem:s15+$0x120] =	vst v0;
	v0 =	vmul.f32 $1.131370830e+01, v13  }
0x13c: {  	v16 =	vld [tilespmem:s15+$0x40];
	v13 =	vmul.f32 $1.131370830e+01, v7;
	[tilespmem:s15+$0x130] =	vst v9;
	v7 =	vmul.f32 $1.131370830e+01, v10  }
0x13d: {  	v11 =	vld [tilespmem:s15+$0x190];
	v9 =	vmul.f32 $1.131370830e+01, v2;
	v10 =	vmul.f32 $1.131370830e+01, v3;
	[tilespmem:s15+$0x140] =	vst v0  }
0x13e: {  	v12 =	vld [tilespmem:s15+$0x1C0];
	v3 =	vmul.f32 $1.131370830e+01, v15;
	v0 =	vmul.f32 $1.131370830e+01, v14;
	[tilespmem:s15+$0xD0] =	vst v13  }
0x13f: {  	v2 =	vmul.f32 $1.131370830e+01, v18;
	v14 =	vmul.f32 $1.131370830e+01, v4;
	v13 =	vld [tilespmem:s15+$0x180];
	[tilespmem:s15+$0x150] =	vst v7  }
0x140: {  	v15 =	vld [tilespmem:s15+$0x170];
	v4 =	vmul.f32 $1.131370830e+01, v19;
	v7 =	vmul.f32 $1.131370830e+01, v5;
	[tilespmem:s15+$0x1F0] =	vst v0  }
0x141: {  	s10 =	simm.s32 $0x0;
	s11 =	simm.s32 $0xDE00;
	v5 =	vmul.f32 $1.131370830e+01, v22;
	v0 =	vmul.f32 $1.131370830e+01, v16;
	[tilespmem:s15+$0xB0] =	vst v14;
	v14 =	vld [tilespmem:s15+$0x160]  }
.LBB2_9:
0x142: {  	v16 =	vld [tilespmem:s11+$0x1A0];
	s10 =	sadd.s32 $0x4, s10;
	[tilespmem:s15+$0xA0] =	vst v8;
	v8 =	vmul.f32 $1.131370830e+01, v11  }
0x143: {  	v11 =	vld [tilespmem:s11+$0xA0];
	p1 =	slt.u32 s10, $0x7C;
	[tilespmem:s15+$0x90] =	vst v9;
	v9 =	vmul.f32 $1.131370830e+01, v12  }
0x144: {  	v12 =	vld [tilespmem:s11+$0x90];
	[tilespmem:s15+$0x80] =	vst v10;
	v10 =	vmul.f32 $1.131370830e+01, v13  }
0x145: {  	v13 =	vld [tilespmem:s11+$0x80];
	v15 =	vmul.f32 $1.131370830e+01, v15;
	[tilespmem:s15+$0x1C0] =	vst v9  }
0x146: {  	v9 =	vld [tilespmem:s11+$0xB0];
	[tilespmem:s15+$0x70] =	vst v7;
	v7 =	vmul.f32 $1.131370830e+01, v14  }
0x147: {  	v14 =	vld [tilespmem:s11+$0x70];
	v16 =	vmul.f32 $1.131370830e+01, v16;
	[tilespmem:s15+$0x180] =	vst v10  }
0x148: {  	v10 =	vld [tilespmem:s11+$0xC0];
	[tilespmem:s15+$0x60] =	vst v6  }
0x149: {  	v6 =	vld [tilespmem:s11+$0x60];
	[tilespmem:s15+$0x170] =	vst v15  }
0x14a: {  	v15 =	vld [tilespmem:s11+$0xD0];
	[tilespmem:s15+$0x50] =	vst v3  }
0x14b: {  	v3 =	vld [tilespmem:s11+$0xE0];
	[tilespmem:s15+$0x160] =	vst v7  }
0x14c: {  	v7 =	vld [tilespmem:s11+$0x1D0];
	[tilespmem:s15+$0x40] =	vst v0  }
0x14d: {  	v0 =	vld [tilespmem:s11+$0x1E0];
	[tilespmem:s15+$0x30] =	vst v2  }
0x14e: {  	v2 =	vld [tilespmem:s11+$0x0];
	[tilespmem:s15+$0x20] =	vst v4  }
0x14f: {  	v4 =	vld [tilespmem:s11+$0xF0];
	[tilespmem:s15+$0x190] =	vst v8  }
0x150: {  	v8 =	vld [tilespmem:s11+$0x100];
	[tilespmem:s15+$0x10] =	vst v1  }
0x151: {  	v1 =	vld [tilespmem:s11+$0x110];
	v7 =	vmul.f32 $1.131370830e+01, v7;
	[tilespmem:s15+$0x1B0] =	vst v5;
	s15 =	smov.u32 s11  }
0x152: {  	v5 =	vld [tilespmem:s11+$0x120];
	[tilespmem:s11+$0x1A0] =	vst v16;
	v0 =	vmul.f32 $1.131370830e+01, v0  }
0x153: {  	v16 =	vmul.f32 $1.131370830e+01, v3;
	v2 =	vmul.f32 $1.131370830e+01, v2;
	v3 =	vld [tilespmem:s11+$0x130];
	[tilespmem:s11+$0x1D0] =	vst v7  }
0x154: {  	v15 =	vmul.f32 $1.131370830e+01, v15;
	v4 =	vmul.f32 $1.131370830e+01, v4;
	v7 =	vld [tilespmem:s11+$0x140];
	[tilespmem:s11+$0x1E0] =	vst v0  }
0x155: {  	v17 =	vmul.f32 $1.131370830e+01, v10;
	[tilespmem:s11+$0x0] =	vst v2;
	v0 =	vmul.f32 $1.131370830e+01, v8;
	v2 =	vld [tilespmem:s11+$0x150]  }
0x156: {  	v18 =	vmul.f32 $1.131370830e+01, v9;
	[tilespmem:s11+$0xF0] =	vst v4;
	v1 =	vmul.f32 $1.131370830e+01, v1;
	v4 =	vld [tilespmem:s11+$0x1F0]  }
0x157: {  	v8 =	vmul.f32 $1.131370830e+01, v11;
	v19 =	vld [tilespmem:s11+$0x50];
	[tilespmem:s11+$0x100] =	vst v0;
	v0 =	vmul.f32 $1.131370830e+01, v5  }
0x158: {  	v9 =	vmul.f32 $1.131370830e+01, v12;
	v5 =	vld [tilespmem:s11+$0x40];
	[tilespmem:s11+$0x110] =	vst v1;
	v1 =	vmul.f32 $1.131370830e+01, v3  }
0x159: {  	v10 =	vmul.f32 $1.131370830e+01, v13;
	v12 =	vld [tilespmem:s11+$0x30];
	[tilespmem:s11+$0x120] =	vst v0;
	v0 =	vmul.f32 $1.131370830e+01, v7  }
0x15a: {  	v7 =	vmul.f32 $1.131370830e+01, v14;
	v13 =	vld [tilespmem:s11+$0x20];
	[tilespmem:s11+$0x130] =	vst v1;
	v1 =	vmul.f32 $1.131370830e+01, v2  }
0x15b: {  	v6 =	vmul.f32 $1.131370830e+01, v6;
	v14 =	vld [tilespmem:s11+$0x10];
	[tilespmem:s11+$0x140] =	vst v0;
	v2 =	vmul.f32 $1.131370830e+01, v4  }
0x15c: {  	v3 =	vmul.f32 $1.131370830e+01, v19;
	[tilespmem:s11+$0x150] =	vst v1;
	v19 =	vld [tilespmem:s11+$0x1B0]  }
.Ltmp3:
0x15d: {  	v0 =	vmul.f32 $1.131370830e+01, v5;
	v11 =	vld [tilespmem:s11+$0x190];
	[tilespmem:s11+$0x1F0] =	vst v2;
	(pc) =	sbr.rel @p1 .LBB2_9-.Ltmp3, $4  }
0x15e: {  	v2 =	vmul.f32 $1.131370830e+01, v12;
	[tilespmem:s11+$0xE0] =	vst v16;
	v12 =	vld [tilespmem:s11+$0x1C0]  }
0x15f: {  	v4 =	vmul.f32 $1.131370830e+01, v13;
	[tilespmem:s11+$0xD0] =	vst v15;
	v13 =	vld [tilespmem:s11+$0x180]  }
0x160: {  	v1 =	vmul.f32 $1.131370830e+01, v14;
	[tilespmem:s11+$0xC0] =	vst v17;
	v15 =	vld [tilespmem:s11+$0x170]  }
0x161: {  	s11 =	sadd.s32 $0x200, s11;
	[tilespmem:s15+$0xB0] =	vst v18;
	v14 =	vld [tilespmem:s15+$0x160];
	v5 =	vmul.f32 $1.131370830e+01, v19  }
0x162: {  	[tilespmem:s15+$0xA0] =	vst v8  }
0x163: {  	[tilespmem:s15+$0x90] =	vst v9  }
0x164: {  	[tilespmem:s15+$0x80] =	vst v10  }
0x165: {  	[tilespmem:s15+$0x70] =	vst v7  }
0x166: {  	[tilespmem:s15+$0x60] =	vst v6  }
0x167: {  	[tilespmem:s15+$0x50] =	vst v3  }
0x168: {  	[tilespmem:s15+$0x40] =	vst v0  }
0x169: {  	[tilespmem:s15+$0x30] =	vst v2  }
0x16a: {  	[tilespmem:s15+$0x20] =	vst v4  }
0x16b: {  	v0 =	vmul.f32 $1.131370830e+01, v11;
	[tilespmem:s15+$0x10] =	vst v1  }
0x16c: {  	v8 =	vmul.f32 $1.131370830e+01, v12;
	[tilespmem:s15+$0x1B0] =	vst v5  }
0x16d: {  	v9 =	vmul.f32 $1.131370830e+01, v13;
	[tilespmem:s15+$0x190] =	vst v0  }
0x16e: {  	s2 =	sshll.u32 s2, $0xE;
	[tilespmem:s15+$0x1C0] =	vst v8;
	v7 =	vmul.f32 $1.131370830e+01, v15  }
0x16f: {  	s2 =	sadd.s32 s5, s2;
	[tilespmem:s15+$0x180] =	vst v9;
	v6 =	vmul.f32 $1.131370830e+01, v14  }
0x170: {  	s2 =	sshrl.u32 s2, $0x3;
	[tilespmem:s15+$0x170] =	vst v7  }
0x171: {  	s2 =	sadd.s32 s3, s2;
	[tilespmem:s15+$0x160] =	vst v6  }
0x172: {  	[hbm4b:s2+s4] =	stream.linear.scatter [tilespmem:s18], [sflag:$0x9], $0x4000, $0x38;
	[tilespmem:$0x15C00] =	vst v63  }
0x173: {  	_ =	swait.ge [sflag:s25], $0x4000  }
0x174: {  	[sflag:s25] =	ssyncset.done $0x0  }
0x175: {  	[sflag:s25] =	ssyncadd.s32 $0xFFFFC000  }
0x176: {  	_ =	swait.ge [sflag:s26], $0x4000  }
0x177: {  	s10 =	simm.s32 @!p0 $0x9C00;
	[sflag:s26] =	ssyncset.done $0x0  }
0x178: {  	s2 =	sadd.s32 @!p0 $0x380, s7;
	s7 =	simm.s32 @!p0 $0x80;
	[sflag:s26] =	ssyncadd.s32 $0xFFFFC000  }
0x179: {  	[tilespmem:s10], [sflag:$0x3] =	stream.indirect.gather @!p0 [hbm4b:s1+s7], $0x80, s2, s7, $0xb8;
	[tilespmem:$0x15C00] =	vst v63  }
0x17a: {  	s2 =	simm.s32 $0x11C00  }
0x17b: {  	v0 =	vld [tilespmem:s2+$0x1A0]  }
0x17c: {  	v1 =	vld [tilespmem:s2+$0xA0]  }
0x17d: {  	v2 =	vld [tilespmem:s2+$0x90]  }
0x17e: {  	v3 =	vld [tilespmem:s2+$0x80]  }
0x17f: {  	v4 =	vld [tilespmem:s2+$0xB0]  }
0x180: {  	v5 =	vld [tilespmem:s2+$0x70]  }
0x181: {  	v6 =	vld [tilespmem:s2+$0xC0]  }
0x182: {  	v12 =	vld [tilespmem:s2+$0x60]  }
0x183: {  	v7 =	vld [tilespmem:s2+$0xD0]  }
0x184: {  	v8 =	vld [tilespmem:s2+$0xE0]  }
0x185: {  	v9 =	vld [tilespmem:s2+$0x1D0]  }
0x186: {  	v10 =	vld [tilespmem:s2+$0x1E0]  }
0x187: {  	v11 =	vld [tilespmem:s2+$0x0]  }
0x188: {  	v13 =	vld [tilespmem:s2+$0xF0]  }
0x189: {  	v14 =	vld [tilespmem:s2+$0x100];
	v0 =	vmul.f32 $1.131370830e+01, v0  }
0x18a: {  	v15 =	vld [tilespmem:s2+$0x110];
	v9 =	vmul.f32 $1.131370830e+01, v9  }
0x18b: {  	v16 =	vld [tilespmem:s2+$0x120];
	v17 =	vmul.f32 $1.131370830e+01, v8;
	[tilespmem:s2+$0x1A0] =	vst v0  }
0x18c: {  	v18 =	vld [tilespmem:s2+$0x30];
	v20 =	vmul.f32 $1.131370830e+01, v6;
	[tilespmem:s2+$0x1D0] =	vst v9  }
0x18d: {  	v21 =	vld [tilespmem:s2+$0x10];
	v0 =	vmul.f32 $1.131370830e+01, v10;
	[tilespmem:s2+$0xE0] =	vst v17  }
0x18e: {  	v10 =	vmul.f32 $1.131370830e+01, v11;
	v11 =	vld [tilespmem:s2+$0x130];
	[tilespmem:s2+$0xC0] =	vst v20  }
0x18f: {  	v9 =	vmul.f32 $1.131370830e+01, v13;
	v13 =	vld [tilespmem:s2+$0x140];
	[tilespmem:s2+$0x1E0] =	vst v0  }
0x190: {  	[tilespmem:s2+$0x0] =	vst v10;
	v0 =	vmul.f32 $1.131370830e+01, v14;
	v10 =	vld [tilespmem:s2+$0x150]  }
0x191: {  	[tilespmem:s2+$0xF0] =	vst v9;
	v9 =	vmul.f32 $1.131370830e+01, v15;
	v14 =	vld [tilespmem:s2+$0x1F0]  }
0x192: {  	v8 =	vmul.f32 $1.131370830e+01, v1;
	v15 =	vld [tilespmem:s2+$0x50];
	[tilespmem:s2+$0x100] =	vst v0;
	v0 =	vmul.f32 $1.131370830e+01, v16  }
0x193: {  	v19 =	vld [tilespmem:s2+$0x20];
	v6 =	vmul.f32 $1.131370830e+01, v12;
	[tilespmem:s2+$0x110] =	vst v9;
	v9 =	vmul.f32 $1.131370830e+01, v11  }
0x194: {  	v22 =	vld [tilespmem:s2+$0x1B0];
	v1 =	vmul.f32 $1.131370830e+01, v21;
	[tilespmem:s2+$0x120] =	vst v0;
	v0 =	vmul.f32 $1.131370830e+01, v13  }
0x195: {  	v16 =	vld [tilespmem:s2+$0x40];
	v13 =	vmul.f32 $1.131370830e+01, v7;
	[tilespmem:s2+$0x130] =	vst v9;
	v7 =	vmul.f32 $1.131370830e+01, v10  }
0x196: {  	v11 =	vld [tilespmem:s2+$0x190];
	v9 =	vmul.f32 $1.131370830e+01, v2;
	v10 =	vmul.f32 $1.131370830e+01, v3;
	[tilespmem:s2+$0x140] =	vst v0  }
0x197: {  	v12 =	vld [tilespmem:s2+$0x1C0];
	v3 =	vmul.f32 $1.131370830e+01, v15;
	v0 =	vmul.f32 $1.131370830e+01, v14;
	[tilespmem:s2+$0xD0] =	vst v13  }
0x198: {  	v2 =	vmul.f32 $1.131370830e+01, v18;
	v14 =	vmul.f32 $1.131370830e+01, v4;
	v13 =	vld [tilespmem:s2+$0x180];
	[tilespmem:s2+$0x150] =	vst v7  }
0x199: {  	v15 =	vld [tilespmem:s2+$0x170];
	v4 =	vmul.f32 $1.131370830e+01, v19;
	v7 =	vmul.f32 $1.131370830e+01, v5;
	[tilespmem:s2+$0x1F0] =	vst v0  }
0x19a: {  	s7 =	simm.s32 $0x0;
	s10 =	simm.s32 $0x11E00;
	v5 =	vmul.f32 $1.131370830e+01, v22;
	v0 =	vmul.f32 $1.131370830e+01, v16;
	[tilespmem:s2+$0xB0] =	vst v14;
	v14 =	vld [tilespmem:s2+$0x160]  }
.LBB2_11:
0x19b: {  	v16 =	vld [tilespmem:s10+$0x1A0];
	s7 =	sadd.s32 $0x4, s7;
	[tilespmem:s2+$0xA0] =	vst v8;
	v8 =	vmul.f32 $1.131370830e+01, v11  }
0x19c: {  	v11 =	vld [tilespmem:s10+$0xA0];
	p0 =	slt.u32 s7, $0x7C;
	[tilespmem:s2+$0x90] =	vst v9;
	v9 =	vmul.f32 $1.131370830e+01, v12  }
0x19d: {  	v12 =	vld [tilespmem:s10+$0x90];
	[tilespmem:s2+$0x80] =	vst v10;
	v10 =	vmul.f32 $1.131370830e+01, v13  }
0x19e: {  	v13 =	vld [tilespmem:s10+$0x80];
	v15 =	vmul.f32 $1.131370830e+01, v15;
	[tilespmem:s2+$0x1C0] =	vst v9  }
0x19f: {  	v9 =	vld [tilespmem:s10+$0xB0];
	[tilespmem:s2+$0x70] =	vst v7;
	v7 =	vmul.f32 $1.131370830e+01, v14  }
0x1a0: {  	v14 =	vld [tilespmem:s10+$0x70];
	v16 =	vmul.f32 $1.131370830e+01, v16;
	[tilespmem:s2+$0x180] =	vst v10  }
0x1a1: {  	v10 =	vld [tilespmem:s10+$0xC0];
	[tilespmem:s2+$0x60] =	vst v6  }
0x1a2: {  	v6 =	vld [tilespmem:s10+$0x60];
	[tilespmem:s2+$0x170] =	vst v15  }
0x1a3: {  	v15 =	vld [tilespmem:s10+$0xD0];
	[tilespmem:s2+$0x50] =	vst v3  }
0x1a4: {  	v3 =	vld [tilespmem:s10+$0xE0];
	[tilespmem:s2+$0x160] =	vst v7  }
0x1a5: {  	v7 =	vld [tilespmem:s10+$0x1D0];
	[tilespmem:s2+$0x40] =	vst v0  }
0x1a6: {  	v0 =	vld [tilespmem:s10+$0x1E0];
	[tilespmem:s2+$0x30] =	vst v2  }
0x1a7: {  	v2 =	vld [tilespmem:s10+$0x0];
	[tilespmem:s2+$0x20] =	vst v4  }
0x1a8: {  	v4 =	vld [tilespmem:s10+$0xF0];
	[tilespmem:s2+$0x190] =	vst v8  }
0x1a9: {  	v8 =	vld [tilespmem:s10+$0x100];
	[tilespmem:s2+$0x10] =	vst v1  }
0x1aa: {  	v1 =	vld [tilespmem:s10+$0x110];
	v7 =	vmul.f32 $1.131370830e+01, v7;
	[tilespmem:s2+$0x1B0] =	vst v5;
	s2 =	smov.u32 s10  }
0x1ab: {  	v5 =	vld [tilespmem:s10+$0x120];
	[tilespmem:s10+$0x1A0] =	vst v16;
	v0 =	vmul.f32 $1.131370830e+01, v0  }
0x1ac: {  	v16 =	vmul.f32 $1.131370830e+01, v3;
	v2 =	vmul.f32 $1.131370830e+01, v2;
	v3 =	vld [tilespmem:s10+$0x130];
	[tilespmem:s10+$0x1D0] =	vst v7  }
0x1ad: {  	v15 =	vmul.f32 $1.131370830e+01, v15;
	v4 =	vmul.f32 $1.131370830e+01, v4;
	v7 =	vld [tilespmem:s10+$0x140];
	[tilespmem:s10+$0x1E0] =	vst v0  }
0x1ae: {  	v17 =	vmul.f32 $1.131370830e+01, v10;
	[tilespmem:s10+$0x0] =	vst v2;
	v0 =	vmul.f32 $1.131370830e+01, v8;
	v2 =	vld [tilespmem:s10+$0x150]  }
0x1af: {  	v18 =	vmul.f32 $1.131370830e+01, v9;
	[tilespmem:s10+$0xF0] =	vst v4;
	v1 =	vmul.f32 $1.131370830e+01, v1;
	v4 =	vld [tilespmem:s10+$0x1F0]  }
0x1b0: {  	v8 =	vmul.f32 $1.131370830e+01, v11;
	v19 =	vld [tilespmem:s10+$0x50];
	[tilespmem:s10+$0x100] =	vst v0;
	v0 =	vmul.f32 $1.131370830e+01, v5  }
0x1b1: {  	v9 =	vmul.f32 $1.131370830e+01, v12;
	v5 =	vld [tilespmem:s10+$0x40];
	[tilespmem:s10+$0x110] =	vst v1;
	v1 =	vmul.f32 $1.131370830e+01, v3  }
0x1b2: {  	v10 =	vmul.f32 $1.131370830e+01, v13;
	v12 =	vld [tilespmem:s10+$0x30];
	[tilespmem:s10+$0x120] =	vst v0;
	v0 =	vmul.f32 $1.131370830e+01, v7  }
0x1b3: {  	v7 =	vmul.f32 $1.131370830e+01, v14;
	v13 =	vld [tilespmem:s10+$0x20];
	[tilespmem:s10+$0x130] =	vst v1;
	v1 =	vmul.f32 $1.131370830e+01, v2  }
0x1b4: {  	v6 =	vmul.f32 $1.131370830e+01, v6;
	v14 =	vld [tilespmem:s10+$0x10];
	[tilespmem:s10+$0x140] =	vst v0;
	v2 =	vmul.f32 $1.131370830e+01, v4  }
0x1b5: {  	v3 =	vmul.f32 $1.131370830e+01, v19;
	[tilespmem:s10+$0x150] =	vst v1;
	v19 =	vld [tilespmem:s10+$0x1B0]  }
.Ltmp4:
0x1b6: {  	v0 =	vmul.f32 $1.131370830e+01, v5;
	v11 =	vld [tilespmem:s10+$0x190];
	[tilespmem:s10+$0x1F0] =	vst v2;
	(pc) =	sbr.rel @p0 .LBB2_11-.Ltmp4, $4  }
0x1b7: {  	v2 =	vmul.f32 $1.131370830e+01, v12;
	[tilespmem:s10+$0xE0] =	vst v16;
	v12 =	vld [tilespmem:s10+$0x1C0]  }
0x1b8: {  	v4 =	vmul.f32 $1.131370830e+01, v13;
	[tilespmem:s10+$0xD0] =	vst v15;
	v13 =	vld [tilespmem:s10+$0x180]  }
0x1b9: {  	v1 =	vmul.f32 $1.131370830e+01, v14;
	[tilespmem:s10+$0xC0] =	vst v17;
	v15 =	vld [tilespmem:s10+$0x170]  }
0x1ba: {  	s10 =	sadd.s32 $0x200, s10;
	[tilespmem:s2+$0xB0] =	vst v18;
	v14 =	vld [tilespmem:s2+$0x160];
	v5 =	vmul.f32 $1.131370830e+01, v19  }
0x1bb: {  	[tilespmem:s2+$0xA0] =	vst v8  }
0x1bc: {  	[tilespmem:s2+$0x90] =	vst v9  }
0x1bd: {  	[tilespmem:s2+$0x80] =	vst v10  }
0x1be: {  	[tilespmem:s2+$0x70] =	vst v7  }
0x1bf: {  	[tilespmem:s2+$0x60] =	vst v6  }
0x1c0: {  	[tilespmem:s2+$0x50] =	vst v3  }
0x1c1: {  	[tilespmem:s2+$0x40] =	vst v0  }
0x1c2: {  	[tilespmem:s2+$0x30] =	vst v2  }
0x1c3: {  	[tilespmem:s2+$0x20] =	vst v4  }
0x1c4: {  	v63 =	vmul.f32 $1.131370830e+01, v11;
	[tilespmem:s2+$0x10] =	vst v1  }
0x1c5: {  	s31 =	sadd.s32 $0x1, s31;
	v59 =	vmul.f32 $1.131370830e+01, v12;
	[tilespmem:s2+$0x1B0] =	vst v5  }
0x1c6: {  	p0 =	sne.s32 s31, $0xA;
	v60 =	vmul.f32 $1.131370830e+01, v13;
	[tilespmem:s2+$0x190] =	vst v63  }
.Ltmp5:
0x1c7: {  	s0 =	sshll.u32 s0, $0xE;
	[tilespmem:s2+$0x1C0] =	vst v59;
	v61 =	vmul.f32 $1.131370830e+01, v15;
	(pc) =	sbr.rel @p0 .LBB2_2-.Ltmp5, $4  }
0x1c8: {  	s0 =	sadd.s32 s5, s0;
	[tilespmem:s2+$0x180] =	vst v60;
	v62 =	vmul.f32 $1.131370830e+01, v14  }
0x1c9: {  	s0 =	sshrl.u32 s0, $0x3;
	[tilespmem:s2+$0x170] =	vst v61  }
0x1ca: {  	s0 =	sadd.s32 s3, s0;
	[tilespmem:s2+$0x160] =	vst v62  }
0x1cb: {  	[hbm4b:s0+s4] =	stream.linear.scatter [tilespmem:s20], [sflag:$0xA], $0x4000, $0x38;
	[tilespmem:$0x15C00] =	vst v63  }
0x1cc: {  	s0 =	simm.s32 $0x9  }
0x1cd: {  	_ =	swait.ge [sflag:s0], $0x4000  }
0x1ce: {  	[sflag:s0] =	ssyncset.done $0x0  }
0x1cf: {  	[sflag:s0] =	ssyncadd.s32 $0xFFFFC000  }
0x1d0: {  	_ =	swait.ge [sflag:s29], $0x4000  }
0x1d1: {  	s30 =	sadd.s32 $0x1, s30;
	s31 =	rddreg [dreg:$0x5]  }
0x1d2: {  	p0 =	sne.s32 s30, s31  }
.Ltmp6:
0x1d3: {  	_ = 	snop;
	(pc) =	sbr.rel @p0 .LBB2_1-.Ltmp6, $3  }
0x1d4: {  	_ =	sdelay $0x1  }
0x1d5: {  	[sflag:s29] =	ssyncset.done $0x0  }
0x1d6: {  	[sflag:s29] =	ssyncadd.s32 $0xFFFFC000  }
0x1d7: {  	_ =	sfence.sel $0x180000  }
0x1d8: {  	[bflag:$0x0] =	sbarrier.arrive $0xFFFF  }
0x1d9: {  	_ =	strace $0x90000047  }
0x1da: {  	s0 =	stileid.u32;
	[bflag:$0x2] =	sbarrier.arrive $0xFFFF  }
0x1db: {  	p0 =	sne.s32 s0, $0x0;
	s0 =	rddreg [dreg:$0x3]  }
0x1dc: {  	s0 =	sadd.s32 @!p0 $0x100000, s0  }
0x1dd: {  	[sflag:s0] =	ssyncadd.tile.s32 @!p0 $0x1;
	_ =	shalt  }
.Lfunc_end2:
_tile_overlayer_lowered:
.L_overlay_start_2:
0x1de: {  	(tag) =	ssettag $0x2  }
0x1df: {  	s0 =	rddreg [dreg:$0x0];
	s2 =	stileid.u32  }
0x1e0: {  	s1 =	rddreg [dreg:$0x1];
	p0 =	sne.s32 s2, $0x0  }
0x1e1: {  	s3 =	rddreg [dreg:$0x2];
	[bflag:$0x3] =	sbarrier.arrive $0xFFFF;
	s2 =	simm.s32 @!p0 $0x1C0B  }
0x1e2: {  	[timem:s3], [sflag:s2] =	dma.local @!p0 [hbm:s0], s1  }
0x1e3: {  	s0 =	simm.s32 @!p0 $0xB  }
0x1e4: {  	_ =	swait.ge @!p0 [sflag:s0], s1  }
0x1e5: {  	s1 =	ssub.s32 @!p0 $0x0, s1;
	[sflag:s0] =	ssyncset.done @!p0 $0x0  }
0x1e6: {  	[sflag:s0] =	ssyncadd.s32 @!p0 s1  }
0x1e7: {  	[bflag:$0x3] =	sbarrier.arrive $0xFFFF  }
0x1e8: {  	_ =	shalt  }

</sc_bundles>
